<compile_context>
chip_gen: v7x
topology: tpu7x:2x2x1
jax: 0.10.2.dev20260603
libtpu: 0.0.44.dev20260713+nightly
codegen_flags: <defaults>
</compile_context>

<pallas_src>
import jax
import jax.numpy as jnp
from jax import lax
from jax.experimental import pallas as pl
from jax.experimental.pallas import tpu as pltpu
from jax.experimental.pallas import tpu_sc as plsc

N = 1048576
B = 4096
L = 512
CLS = 101
NW = 32
C = N // NW
E = 4608
SL = E // NW
RPW = B // NW
P = 2048

_MESH = plsc.VectorSubcoreMesh(
    core_axis_name="c", subcore_axis_name="s", num_cores=2, num_subcores=16
)
_PARAMS = pltpu.CompilerParams(needs_layout_passes=False)


def _wid():
    return lax.axis_index("s") * 2 + lax.axis_index("c")


def _k1_run_ends(seg_hbm, ends_hbm, blk_hbm, segbuf, e1, blkbuf, sem):
    w = _wid()
    base = w * C
    pltpu.async_copy(seg_hbm.at[pl.ds(base, C)], segbuf.at[pl.ds(0, C)], sem)

    def _zero(i, carry):
        e1[pl.ds(i * 16, 16)] = jnp.zeros((16,), jnp.int32)
        return carry

    lax.fori_loop(0, E // 16, _zero, 0)
    pltpu.make_async_copy(seg_hbm.at[pl.ds(0, C)], segbuf.at[pl.ds(0, C)], sem).wait()

    @pl.when(w < NW - 1)
    def _load_lookahead():
        pltpu.sync_copy(seg_hbm.at[pl.ds(base + C, 16)], segbuf.at[pl.ds(C, 16)])

    @pl.when(w == NW - 1)
    def _sentinel():
        segbuf[pl.ds(C, 16)] = jnp.full((16,), B, jnp.int32)

    iota = lax.iota(jnp.int32, 16)

    def _scan(v):
        cur = segbuf[pl.ds(v * 16, 16)]
        nxt = segbuf[pl.ds(v * 16 + 1, 16)]
        gi = base + v * 16 + iota
        plsc.store_scatter(e1, [cur + 1], gi + 1, mask=cur != nxt)

    plsc.parallel_loop(0, C // 16, unroll=4)(_scan)
    pltpu.sync_copy(e1, ends_hbm.at[pl.ds(w * E, E)])

    blkbuf[pl.ds(0, 16)] = jnp.zeros((16,), jnp.int32)
    blkbuf[pl.ds(16, 16)] = jnp.zeros((16,), jnp.int32)
    run = jnp.zeros((16,), jnp.int32)
    for b in range(1, NW):
        for j in range(RPW // 16):
            run = jnp.maximum(run, e1[pl.ds((b - 1) * RPW + j * 16, 16)])
        plsc.store_scatter(
            blkbuf, [jnp.full((16,), b, jnp.int32)], jnp.broadcast_to(jnp.max(run), (16,)),
            mask=iota == 0,
        )
    pltpu.sync_copy(blkbuf, blk_hbm.at[pl.ds(w * NW, NW)])


def _k2_emit_rows(
    tok_hbm, seg_hbm, ends_hbm, blk_hbm, out_hbm,
    wnd, sumv, starts, segp0, tokp0, segp1, tokp1, rowbuf, semc, sem0, sem1
):
    w = _wid()
    r0 = pl.multiple_of(w * RPW, 8)
    pltpu.async_copy(blk_hbm, sumv, semc)

    def _wload(u, carry):
        pltpu.async_copy(
            ends_hbm.at[pl.ds(u * E + r0, SL)], wnd.at[pl.ds(u * SL, SL)], semc
        )
        return carry

    lax.fori_loop(0, NW, _wload, 0)

    iota = lax.iota(jnp.int32, 16)
    zv = jnp.zeros((16,), jnp.int32)

    def _zero(i):
        rowbuf[pl.ds(i * 16, 16)] = zv

    plsc.parallel_loop(0, RPW * L // 16, unroll=8)(_zero)
    for jj in range(RPW // 16):
        plsc.store_scatter(rowbuf, [(jj * 16 + iota) * L], jnp.full((16,), CLS, jnp.int32))

    pltpu.make_async_copy(blk_hbm, sumv, semc).wait()
    pltpu.make_async_copy(ends_hbm.at[pl.ds(0, NW * SL)], wnd, semc).wait()

    m0 = plsc.load_gather(sumv, [iota * NW + w])
    m1 = plsc.load_gather(sumv, [(iota + 16) * NW + w])
    run = jnp.max(jnp.maximum(m0, m1))

    lo = None
    hi = None
    for j in range(SL // 16):
        cv = wnd[pl.ds(j * 16, 16)]
        def _mx(u, vv):
            return jnp.maximum(vv, wnd[pl.ds(u * SL + j * 16, 16)])
        cv = lax.fori_loop(1, NW, _mx, cv)
        sv = jnp.maximum(jnp.broadcast_to(run, (16,)), plsc.cummax(cv))
        starts[pl.ds(j * 16, 16)] = sv
        lane0 = jnp.max(jnp.where(iota == 0, sv, 0))
        if j == 0:
            lo = lane0
        if j == RPW // 16:
            hi = lane0
        run = jnp.max(sv)

    lo8 = lo & ~7
    npieces = (hi - lo8 + P - 1) // P

    def _pstart(pp):
        return pl.multiple_of(jnp.minimum(lo8 + pp * P, N - P), 8)

    def _fetch(pp, sp, tp, sem):
        st = _pstart(pp)
        pltpu.async_copy(seg_hbm.at[pl.ds(st, P)], sp, sem)
        pltpu.async_copy(tok_hbm.at[pl.ds(st, P)], tp, sem)

    def _compute(p, sp, tp, sem, edge):
        pltpu.make_async_copy(seg_hbm.at[pl.ds(0, P)], sp, sem).wait()
        pltpu.make_async_copy(tok_hbm.at[pl.ds(0, P)], tp, sem).wait()
        st = _pstart(p)

        def _vec(v):
            sg = sp[pl.ds(v * 16, 16)]
            tk = tp[pl.ds(v * 16, 16)]
            gi = st + v * 16 + iota
            if edge:
                inrange = (gi >= lo) & (gi < hi)
                ss = plsc.load_gather(starts, [sg - r0], mask=inrange)
                pos = gi - ss + 1
                valid = inrange & (pos < L)
                off = jnp.clip((sg - r0) * L + pos, 0, RPW * L - 1)
            else:
                ss = plsc.load_gather(starts, [sg - r0])
                pos = gi - ss + 1
                valid = pos < L
                off = jnp.clip((sg - r0) * L + pos, 0, RPW * L - 1)
            plsc.store_scatter(rowbuf, [off], tk, mask=valid)

        plsc.parallel_loop(0, P // 16, unroll=4)(_vec)

    @pl.when(npieces > 0)
    def _prime():
        _fetch(0, segp0, tokp0, sem0)

    def _piece(p, carry):
        even = p % 2 == 0
        more = p + 1 < npieces
        is_edge = (p == 0) | (p == npieces - 1)

        @pl.when(more & even)
        def _next_odd():
            _fetch(p + 1, segp1, tokp1, sem1)

        @pl.when(more & (~even))
        def _next_even():
            _fetch(p + 1, segp0, tokp0, sem0)

        @pl.when(even & is_edge)
        def _do_even_edge():
            _compute(p, segp0, tokp0, sem0, True)

        @pl.when(even & (~is_edge))
        def _do_even_mid():
            _compute(p, segp0, tokp0, sem0, False)

        @pl.when((~even) & is_edge)
        def _do_odd_edge():
            _compute(p, segp1, tokp1, sem1, True)

        @pl.when((~even) & (~is_edge))
        def _do_odd_mid():
            _compute(p, segp1, tokp1, sem1, False)

        return carry

    lax.fori_loop(0, npieces, _piece, 0)
    pltpu.sync_copy(rowbuf, out_hbm.at[pl.ds(r0 * L, RPW * L)])


@jax.jit
def kernel(flat_wp_tokens, segment_ids):
    i32 = jnp.int32
    ends, blk = pl.kernel(
        _k1_run_ends,
        out_type=(
            jax.ShapeDtypeStruct((NW * E,), i32),
            jax.ShapeDtypeStruct((NW * NW,), i32),
        ),
        mesh=_MESH,
        compiler_params=_PARAMS,
        scratch_types=[
            pltpu.VMEM((C + 16,), i32),
            pltpu.VMEM((E,), i32),
            pltpu.VMEM((NW,), i32),
            pltpu.SemaphoreType.DMA,
        ],
    )(segment_ids)
    out_flat = pl.kernel(
        _k2_emit_rows,
        out_type=jax.ShapeDtypeStruct((B * L,), i32),
        mesh=_MESH,
        compiler_params=_PARAMS,
        scratch_types=[
            pltpu.VMEM((NW * SL,), i32),
            pltpu.VMEM((NW * NW,), i32),
            pltpu.VMEM((SL,), i32),
            pltpu.VMEM((P,), i32),
            pltpu.VMEM((P,), i32),
            pltpu.VMEM((P,), i32),
            pltpu.VMEM((P,), i32),
            pltpu.VMEM((RPW * L,), i32),
            pltpu.SemaphoreType.DMA,
            pltpu.SemaphoreType.DMA,
            pltpu.SemaphoreType.DMA,
        ],
    )(flat_wp_tokens, segment_ids, ends, blk)
    return out_flat.reshape(B, L)

# --- scband reference (transcript-rebuilt; emitter-appended) ---
"""Pipeline reference for scband-bert-tokenizer-40355512714139 (READ-ONLY COPY).

The authoritative reference and input builder live on the scoring server;
editing this copy changes nothing except your own understanding.
"""

import jax, jax.numpy as jnp
import numpy as np

B = 4096          # number of strings in batch
L = 512           # max_seq_length
N = 1048576       # total ragged wordpiece tokens across batch
VOCAB = 30522     # BERT-base uncased vocab size
CLS_ID = 101      # [CLS] token id prepended per string (begin_token='[CLS] ')


def setup_inputs(seed: int = 0) -> dict:
    key = jax.random.key(seed)
    k1, k2 = jax.random.split(key)
    # flat wordpiece token ids (flat_values of the ragged wp_tokens tensor)
    flat_wp_tokens = jax.random.randint(k1, (N,), 0, VOCAB, dtype=jnp.int32)
    # sorted segment ids: which string each wordpiece token belongs to
    segment_ids = jnp.sort(jax.random.randint(k2, (N,), 0, B, dtype=jnp.int32))
    return {"flat_wp_tokens": flat_wp_tokens, "segment_ids": segment_ids}


def reference(flat_wp_tokens, segment_ids):
    # Faithful id-level translation of BertTokenizer.call:
    #   tokens_and_spans -> ragged wordpiece ids (represented here as
    #   flat_wp_tokens + segment_ids after _merge_dims collapses the
    #   per-whitespace-token nesting), then normalize_shape ->
    #   to_tensor(default=0), truncate to max_seq_length, pad with 0.
    n = flat_wp_tokens.shape[0]
    idx = jnp.arange(n, dtype=jnp.int32)
    # start offset of each string's token run (ragged row starts)
    seg_start = jax.ops.segment_min(idx, segment_ids, num_segments=B)
    # position of each token within its string; +1 because '[CLS]' is
    # prepended to every string before tokenization
    pos = idx - seg_start[segment_ids] + 1
    out = jnp.zeros((B, L), dtype=flat_wp_tokens.dtype)
    # every string starts with [CLS]
    out = out.at[:, 0].set(jnp.asarray(CLS_ID, dtype=flat_wp_tokens.dtype))
    # ragged -> dense scatter; positions >= L are truncated (mode='drop'),
    # untouched slots stay 0 (padding default_value)
    out = out.at[segment_ids, pos].set(flat_wp_tokens, mode='drop')
    return out

if __name__ == "__main__":
    import jax
    _d = setup_inputs()
    print(jax.jit(kernel)(*tuple(_d.values())))

</pallas_src>

<mosaic_0001>
#map = affine_map<(d0, d1) -> (0)>
module attributes {stable_mosaic.version = 14 : i64} {
  func.func @_k1_run_ends(%arg0: i32, %arg1: i32, %arg2: memref<1048576xi32, #tpu.memory_space<hbm>>, %arg3: memref<147456xi32, #tpu.memory_space<hbm>>, %arg4: memref<1024xi32, #tpu.memory_space<hbm>>, %arg5: memref<32784xi32, #tpu.memory_space<vmem>>, %arg6: memref<4608xi32, #tpu.memory_space<vmem>>, %arg7: memref<32xi32, #tpu.memory_space<vmem>>, %arg8: memref<!tpu.dma_semaphore, #tpu.memory_space<semaphore_mem>>) attributes {dimension_semantics = [#tpu.dimension_semantics<core_parallel>, #tpu.dimension_semantics<subcore_parallel>], iteration_bounds = array<i64: 2, 16>, scalar_prefetch = 0 : i64, scratch_operands = 4 : i64, tpu.core_type = #tpu.core_type<sc_vector_subcore>, window_params = [{transform_indices = #map}, {transform_indices = #map}, {transform_indices = #map}]} {
    %mul3A = arith.constant 2 : i32
    %mul3A_0 = arith.muli %arg1, %mul3A : i32
    %add3A = arith.addi %mul3A_0, %arg0 : i32
    %mul3A_1 = arith.constant 32768 : i32
    %mul3A_2 = arith.muli %add3A, %mul3A_1 : i32
    %dma_start3A = arith.constant 0 : i32
    %dma_start3A_3 = tpu.memref_slice %arg5[%dma_start3A] : memref<32784xi32, #tpu.memory_space<vmem>> -> memref<32768xi32, #tpu.memory_space<vmem>>
    %dma_start3A_4 = tpu.memref_slice %arg2[%mul3A_2] : memref<1048576xi32, #tpu.memory_space<hbm>> -> memref<32768xi32, #tpu.memory_space<hbm>>
    %dma_start3A_5 = arith.constant 0 : i32
    %dma_start3A_6 = tpu.memref_slice %arg5[%dma_start3A_5] : memref<32784xi32, #tpu.memory_space<vmem>> -> memref<32768xi32, #tpu.memory_space<vmem>>
    %dma_start3A_7 = tpu.memref_slice %arg2[%mul3A_2] : memref<1048576xi32, #tpu.memory_space<hbm>> -> memref<32768xi32, #tpu.memory_space<hbm>>
    tpu.enqueue_dma source(%dma_start3A_7 : memref<32768xi32, #tpu.memory_space<hbm>>) target(%dma_start3A_6 : memref<32768xi32, #tpu.memory_space<vmem>>) target_semaphore(%arg8 : memref<!tpu.dma_semaphore, #tpu.memory_space<semaphore_mem>>)
    %scan3A = arith.constant 0 : i32
    %scan3A_8 = arith.constant 0 : i32
    %scan3A_9 = arith.constant 288 : i32
    %scan3A_10 = arith.addi %scan3A_8, %scan3A_9 : i32
    %scan3A_11 = arith.constant 1 : i32
    scf.for %scan3A_1215 = %scan3A_8 to %scan3A_10 step %scan3A_11  : i32 {
      %broadcast_in_dim3A_1216 = arith.constant 0 : i32
      %broadcast_in_dim3A_1217 = vector.broadcast %broadcast_in_dim3A_1216 : i32 to vector<16xi32>
      %mul3A_1218 = arith.constant 16 : i32
      %mul3A_1219 = arith.muli %scan3A_1215, %mul3A_1218 : i32
      %swap3A_1220 = arith.index_cast %mul3A_1219 : i32 to index
      %swap3A_1221 = tpu.vector_load %arg6[%swap3A_1220] {strides = array<i32>} : memref<4608xi32, #tpu.memory_space<vmem>>, vector<16xi32>,
      tpu.vector_store %arg6[%swap3A_1220], %broadcast_in_dim3A_1217 {strides = array<i32>} : memref<4608xi32, #tpu.memory_space<vmem>>, vector<16xi32>,
    }
    %scan3A_12 = arith.constant 288 : i32
    %dma_wait3A = arith.constant 0 : i32
    %dma_wait3A_13 = tpu.memref_slice %arg5[%dma_wait3A] : memref<32784xi32, #tpu.memory_space<vmem>> -> memref<32768xi32, #tpu.memory_space<vmem>>
    %dma_wait3A_14 = arith.constant 0 : i32
    %dma_wait3A_15 = tpu.memref_slice %arg2[%dma_wait3A_14] : memref<1048576xi32, #tpu.memory_space<hbm>> -> memref<32768xi32, #tpu.memory_space<hbm>>
    %dma_wait3A_16 = arith.constant 0 : i32
    %dma_wait3A_17 = tpu.memref_slice %arg5[%dma_wait3A_16] : memref<32784xi32, #tpu.memory_space<vmem>> -> memref<32768xi32, #tpu.memory_space<vmem>>
    %dma_wait3A_18 = arith.constant 0 : i32
    %dma_wait3A_19 = tpu.memref_slice %arg2[%dma_wait3A_18] : memref<1048576xi32, #tpu.memory_space<hbm>> -> memref<32768xi32, #tpu.memory_space<hbm>>
    tpu.wait_dma2 semaphore(%arg8 : memref<!tpu.dma_semaphore, #tpu.memory_space<semaphore_mem>>) src(%dma_wait3A_19 : memref<32768xi32, #tpu.memory_space<hbm>>) dst(%dma_wait3A_17 : memref<32768xi32, #tpu.memory_space<vmem>>)
    %lt3A = arith.constant 31 : i32
    %lt3A_20 = arith.cmpi slt, %add3A, %lt3A : i32
    %convert_element_type3A = arith.extui %lt3A_20 : i1 to i32
    %cond3A = arith.constant 0 : i32
    %cond3A_21 = arith.cmpi ne, %convert_element_type3A, %cond3A : i32
    scf.if %cond3A_21 {
      %add3A_1215 = arith.constant 32768 : i32
      %add3A_1216 = arith.addi %mul3A_2, %add3A_1215 : i32
      "tpu.region"() ({
        %run_scoped3A = tpu.sem_alloc : memref<!tpu.dma_semaphore, #tpu.memory_space<semaphore_mem>>
        %dma_start3A_1217 = arith.constant 32768 : i32
        %dma_start3A_1218 = tpu.memref_slice %arg5[%dma_start3A_1217] : memref<32784xi32, #tpu.memory_space<vmem>> -> memref<16xi32, #tpu.memory_space<vmem>>
        %dma_start3A_1219 = tpu.memref_slice %arg2[%add3A_1216] : memref<1048576xi32, #tpu.memory_space<hbm>> -> memref<16xi32, #tpu.memory_space<hbm>>
        %dma_start3A_1220 = arith.constant 32768 : i32
        %dma_start3A_1221 = tpu.memref_slice %arg5[%dma_start3A_1220] : memref<32784xi32, #tpu.memory_space<vmem>> -> memref<16xi32, #tpu.memory_space<vmem>>
        %dma_start3A_1222 = tpu.memref_slice %arg2[%add3A_1216] : memref<1048576xi32, #tpu.memory_space<hbm>> -> memref<16xi32, #tpu.memory_space<hbm>>
        tpu.enqueue_dma source(%dma_start3A_1222 : memref<16xi32, #tpu.memory_space<hbm>>) target(%dma_start3A_1221 : memref<16xi32, #tpu.memory_space<vmem>>) target_semaphore(%run_scoped3A : memref<!tpu.dma_semaphore, #tpu.memory_space<semaphore_mem>>)
        %dma_wait3A_1223 = arith.constant 32768 : i32
        %dma_wait3A_1224 = tpu.memref_slice %arg5[%dma_wait3A_1223] : memref<32784xi32, #tpu.memory_space<vmem>> -> memref<16xi32, #tpu.memory_space<vmem>>
        %dma_wait3A_1225 = tpu.memref_slice %arg2[%add3A_1216] : memref<1048576xi32, #tpu.memory_space<hbm>> -> memref<16xi32, #tpu.memory_space<hbm>>
        %dma_wait3A_1226 = arith.constant 32768 : i32
        %dma_wait3A_1227 = tpu.memref_slice %arg5[%dma_wait3A_1226] : memref<32784xi32, #tpu.memory_space<vmem>> -> memref<16xi32, #tpu.memory_space<vmem>>
        %dma_wait3A_1228 = tpu.memref_slice %arg2[%add3A_1216] : memref<1048576xi32, #tpu.memory_space<hbm>> -> memref<16xi32, #tpu.memory_space<hbm>>
        tpu.wait_dma2 semaphore(%run_scoped3A : memref<!tpu.dma_semaphore, #tpu.memory_space<semaphore_mem>>) src(%dma_wait3A_1228 : memref<16xi32, #tpu.memory_space<hbm>>) dst(%dma_wait3A_1227 : memref<16xi32, #tpu.memory_space<vmem>>)
        tpu.yield
      }) : () -> ()
    } else {
    }
    %eq3A = arith.constant 31 : i32
    %eq3A_22 = arith.cmpi eq, %add3A, %eq3A : i32
    %convert_element_type3A_23 = arith.extui %eq3A_22 : i1 to i32
    %cond3A_24 = arith.constant 0 : i32
    %cond3A_25 = arith.cmpi ne, %convert_element_type3A_23, %cond3A_24 : i32
    scf.if %cond3A_25 {
      %broadcast_in_dim3A_1215 = arith.constant 4096 : i32
      %broadcast_in_dim3A_1216 = vector.broadcast %broadcast_in_dim3A_1215 : i32 to vector<16xi32>
      %swap3A_1217 = arith.constant 32768 : index
      %swap3A_1218 = tpu.vector_load %arg5[%swap3A_1217] {strides = array<i32>} : memref<32784xi32, #tpu.memory_space<vmem>>, vector<16xi32>,
      tpu.vector_store %arg5[%swap3A_1217], %broadcast_in_dim3A_1216 {strides = array<i32>} : memref<32784xi32, #tpu.memory_space<vmem>>, vector<16xi32>,
    } else {
    }
    %iota3A = tpu.iota {dimensions = array<i32: 0>} : vector<16xi32>
    %parallel_loop3A = arith.constant 0 : i32
    %parallel_loop3A_26 = arith.constant 2048 : i32
    %parallel_loop3A_27 = arith.constant 1 : i32
    scf.for %parallel_loop3A_1215 = %parallel_loop3A to %parallel_loop3A_26 step %parallel_loop3A_27  : i32 {
      %parallel_loop3A_1216 = arith.constant 16 : i32
      %parallel_loop3A_1217 = arith.muli %parallel_loop3A_1215, %parallel_loop3A_1216 : i32
      %parallel_loop3A_1218 = arith.index_cast %parallel_loop3A_1217 : i32 to index
      %parallel_loop3A_1219 = tpu.vector_load %arg5[%parallel_loop3A_1218] {strides = array<i32>} : memref<32784xi32, #tpu.memory_space<vmem>>, vector<16xi32>,
      %parallel_loop3A_1220 = arith.constant 16 : i32
      %parallel_loop3A_1221 = arith.muli %parallel_loop3A_1215, %parallel_loop3A_1220 : i32
      %parallel_loop3A_1222 = arith.constant 1 : i32
      %parallel_loop3A_1223 = arith.addi %parallel_loop3A_1221, %parallel_loop3A_1222 : i32
      %parallel_loop3A_1224 = arith.index_cast %parallel_loop3A_1223 : i32 to index
      %parallel_loop3A_1225 = tpu.vector_load %arg5[%parallel_loop3A_1224] {strides = array<i32>} : memref<32784xi32, #tpu.memory_space<vmem>>, vector<16xi32>,
      %parallel_loop3A_1226 = arith.constant 16 : i32
      %parallel_loop3A_1227 = arith.muli %parallel_loop3A_1215, %parallel_loop3A_1226 : i32
      %parallel_loop3A_1228 = arith.addi %mul3A_2, %parallel_loop3A_1227 : i32
      %parallel_loop3A_1229 = vector.broadcast %parallel_loop3A_1228 : i32 to vector<16xi32>
      %parallel_loop3A_1230 = arith.addi %parallel_loop3A_1229, %iota3A : vector<16xi32>
      %parallel_loop3A_1231 = arith.constant 1 : i32
      %parallel_loop3A_1232 = vector.broadcast %parallel_loop3A_1231 : i32 to vector<16xi32>
      %parallel_loop3A_1233 = arith.addi %parallel_loop3A_1219, %parallel_loop3A_1232 : vector<16xi32>
      %parallel_loop3A_1234 = arith.constant 1 : i32
      %parallel_loop3A_1235 = vector.broadcast %parallel_loop3A_1234 : i32 to vector<16xi32>
      %parallel_loop3A_1236 = arith.addi %parallel_loop3A_1230, %parallel_loop3A_1235 : vector<16xi32>
      %parallel_loop3A_1237 = arith.cmpi ne, %parallel_loop3A_1219, %parallel_loop3A_1225 : vector<16xi32>
      tpu.vector_store_idx %arg6[%parallel_loop3A_1233], %parallel_loop3A_1236 masked %parallel_loop3A_1237 : memref<4608xi32, #tpu.memory_space<vmem>>[vector<16xi32>], vector<16xi32>, vector<16xi1>
    } {sc.loop_unroll_factor = 4 : i64, sc.parallel_access}
    %mul3A_28 = arith.constant 4608 : i32
    %mul3A_29 = arith.muli %add3A, %mul3A_28 : i32
    "tpu.region"() ({
      %run_scoped3A = tpu.sem_alloc : memref<!tpu.dma_semaphore, #tpu.memory_space<semaphore_mem>>
      %dma_start3A_1215 = tpu.memref_slice %arg3[%mul3A_29] : memref<147456xi32, #tpu.memory_space<hbm>> -> memref<4608xi32, #tpu.memory_space<hbm>>
      %dma_start3A_1216 = tpu.memref_slice %arg3[%mul3A_29] : memref<147456xi32, #tpu.memory_space<hbm>> -> memref<4608xi32, #tpu.memory_space<hbm>>
      tpu.enqueue_dma source(%arg6 : memref<4608xi32, #tpu.memory_space<vmem>>) target(%dma_start3A_1216 : memref<4608xi32, #tpu.memory_space<hbm>>) target_semaphore(%run_scoped3A : memref<!tpu.dma_semaphore, #tpu.memory_space<semaphore_mem>>)
      %dma_wait3A_1217 = tpu.memref_slice %arg3[%mul3A_29] : memref<147456xi32, #tpu.memory_space<hbm>> -> memref<4608xi32, #tpu.memory_space<hbm>>
      %dma_wait3A_1218 = tpu.memref_slice %arg3[%mul3A_29] : memref<147456xi32, #tpu.memory_space<hbm>> -> memref<4608xi32, #tpu.memory_space<hbm>>
      tpu.wait_dma2 semaphore(%run_scoped3A : memref<!tpu.dma_semaphore, #tpu.memory_space<semaphore_mem>>) src(%arg6 : memref<4608xi32, #tpu.memory_space<vmem>>) dst(%dma_wait3A_1218 : memref<4608xi32, #tpu.memory_space<hbm>>)
      tpu.yield
    }) : () -> ()
    %broadcast_in_dim3A = arith.constant 0 : i32
    %broadcast_in_dim3A_30 = vector.broadcast %broadcast_in_dim3A : i32 to vector<16xi32>
    %swap3A = arith.constant 0 : index
    %swap3A_31 = tpu.vector_load %arg7[%swap3A] {strides = array<i32>} : memref<32xi32, #tpu.memory_space<vmem>>, vector<16xi32>,
    tpu.vector_store %arg7[%swap3A], %broadcast_in_dim3A_30 {strides = array<i32>} : memref<32xi32, #tpu.memory_space<vmem>>, vector<16xi32>,
    %broadcast_in_dim3A_32 = arith.constant 0 : i32
    %broadcast_in_dim3A_33 = vector.broadcast %broadcast_in_dim3A_32 : i32 to vector<16xi32>
    %swap3A_34 = arith.constant 16 : index
    %swap3A_35 = tpu.vector_load %arg7[%swap3A_34] {strides = array<i32>} : memref<32xi32, #tpu.memory_space<vmem>>, vector<16xi32>,
    tpu.vector_store %arg7[%swap3A_34], %broadcast_in_dim3A_33 {strides = array<i32>} : memref<32xi32, #tpu.memory_space<vmem>>, vector<16xi32>,
    %broadcast_in_dim3A_36 = arith.constant 0 : i32
    %broadcast_in_dim3A_37 = vector.broadcast %broadcast_in_dim3A_36 : i32 to vector<16xi32>
    %get3A = arith.constant 0 : index
    %get3A_38 = tpu.vector_load %arg6[%get3A] {strides = array<i32>} : memref<4608xi32, #tpu.memory_space<vmem>>, vector<16xi32>,
    %max3A = arith.maxsi %broadcast_in_dim3A_37, %get3A_38 : vector<16xi32>
    %get3A_39 = arith.constant 16 : index
    %get3A_40 = tpu.vector_load %arg6[%get3A_39] {strides = array<i32>} : memref<4608xi32, #tpu.memory_space<vmem>>, vector<16xi32>,
    %max3A_41 = arith.maxsi %max3A, %get3A_40 : vector<16xi32>
    %get3A_42 = arith.constant 32 : index
    %get3A_43 = tpu.vector_load %arg6[%get3A_42] {strides = array<i32>} : memref<4608xi32, #tpu.memory_space<vmem>>, vector<16xi32>,
    %max3A_44 = arith.maxsi %max3A_41, %get3A_43 : vector<16xi32>
    %get3A_45 = arith.constant 48 : index
    %get3A_46 = tpu.vector_load %arg6[%get3A_45] {strides = array<i32>} : memref<4608xi32, #tpu.memory_space<vmem>>, vector<16xi32>,
    %max3A_47 = arith.maxsi %max3A_44, %get3A_46 : vector<16xi32>
    %get3A_48 = arith.constant 64 : index
    %get3A_49 = tpu.vector_load %arg6[%get3A_48] {strides = array<i32>} : memref<4608xi32, #tpu.memory_space<vmem>>, vector<16xi32>,
    %max3A_50 = arith.maxsi %max3A_47, %get3A_49 : vector<16xi32>
    %get3A_51 = arith.constant 80 : index
    %get3A_52 = tpu.vector_load %arg6[%get3A_51] {strides = array<i32>} : memref<4608xi32, #tpu.memory_space<vmem>>, vector<16xi32>,
    %max3A_53 = arith.maxsi %max3A_50, %get3A_52 : vector<16xi32>
    %get3A_54 = arith.constant 96 : index
    %get3A_55 = tpu.vector_load %arg6[%get3A_54] {strides = array<i32>} : memref<4608xi32, #tpu.memory_space<vmem>>, vector<16xi32>,
    %max3A_56 = arith.maxsi %max3A_53, %get3A_55 : vector<16xi32>
    %get3A_57 = arith.constant 112 : index
    %get3A_58 = tpu.vector_load %arg6[%get3A_57] {strides = array<i32>} : memref<4608xi32, #tpu.memory_space<vmem>>, vector<16xi32>,
    %max3A_59 = arith.maxsi %max3A_56, %get3A_58 : vector<16xi32>
    %broadcast_in_dim3A_60 = arith.constant 1 : i32
    %broadcast_in_dim3A_61 = vector.broadcast %broadcast_in_dim3A_60 : i32 to vector<16xi32>
    %reduce_max3A = arith.constant true
    %reduce_max3A_62 = vector.broadcast %reduce_max3A : i1 to vector<16xi1>
    %reduce_max3A_63 = arith.constant -2147483648 : i32
    %reduce_max3A_64 = vector.broadcast %reduce_max3A_63 : i32 to vector<16xi32>
    %reduce_max3A_65 = arith.xori %max3A_59, %reduce_max3A_64 : vector<16xi32>
    %reduce_max3A_66 = tpu.scan <max>, %reduce_max3A_65 masked %reduce_max3A_62 : vector<16xi32>, vector<16xi1> -> vector<16xi32>
    %reduce_max3A_67 = arith.xori %reduce_max3A_66, %reduce_max3A_64 : vector<16xi32>
    %reduce_max3A_68 = vector.extract %reduce_max3A_67[15] : i32 from vector<16xi32>
    %broadcast_in_dim3A_69 = vector.broadcast %reduce_max3A_68 : i32 to vector<16xi32>
    %eq3A_70 = arith.constant 0 : i32
    %eq3A_71 = vector.broadcast %eq3A_70 : i32 to vector<16xi32>
    %eq3A_72 = arith.cmpi eq, %iota3A, %eq3A_71 : vector<16xi32>
    tpu.vector_store_idx %arg7[%broadcast_in_dim3A_61], %broadcast_in_dim3A_69 masked %eq3A_72 : memref<32xi32, #tpu.memory_space<vmem>>[vector<16xi32>], vector<16xi32>, vector<16xi1>
    %get3A_73 = arith.constant 128 : index
    %get3A_74 = tpu.vector_load %arg6[%get3A_73] {strides = array<i32>} : memref<4608xi32, #tpu.memory_space<vmem>>, vector<16xi32>,
    %max3A_75 = arith.maxsi %max3A_59, %get3A_74 : vector<16xi32>
    %get3A_76 = arith.constant 144 : index
    %get3A_77 = tpu.vector_load %arg6[%get3A_76] {strides = array<i32>} : memref<4608xi32, #tpu.memory_space<vmem>>, vector<16xi32>,
    %max3A_78 = arith.maxsi %max3A_75, %get3A_77 : vector<16xi32>
    %get3A_79 = arith.constant 160 : index
    %get3A_80 = tpu.vector_load %arg6[%get3A_79] {strides = array<i32>} : memref<4608xi32, #tpu.memory_space<vmem>>, vector<16xi32>,
    %max3A_81 = arith.maxsi %max3A_78, %get3A_80 : vector<16xi32>
    %get3A_82 = arith.constant 176 : index
    %get3A_83 = tpu.vector_load %arg6[%get3A_82] {strides = array<i32>} : memref<4608xi32, #tpu.memory_space<vmem>>, vector<16xi32>,
    %max3A_84 = arith.maxsi %max3A_81, %get3A_83 : vector<16xi32>
    %get3A_85 = arith.constant 192 : index
    %get3A_86 = tpu.vector_load %arg6[%get3A_85] {strides = array<i32>} : memref<4608xi32, #tpu.memory_space<vmem>>, vector<16xi32>,
    %max3A_87 = arith.maxsi %max3A_84, %get3A_86 : vector<16xi32>
    %get3A_88 = arith.constant 208 : index
    %get3A_89 = tpu.vector_load %arg6[%get3A_88] {strides = array<i32>} : memref<4608xi32, #tpu.memory_space<vmem>>, vector<16xi32>,
    %max3A_90 = arith.maxsi %max3A_87, %get3A_89 : vector<16xi32>
    %get3A_91 = arith.constant 224 : index
    %get3A_92 = tpu.vector_load %arg6[%get3A_91] {strides = array<i32>} : memref<4608xi32, #tpu.memory_space<vmem>>, vector<16xi32>,
    %max3A_93 = arith.maxsi %max3A_90, %get3A_92 : vector<16xi32>
    %get3A_94 = arith.constant 240 : index
    %get3A_95 = tpu.vector_load %arg6[%get3A_94] {strides = array<i32>} : memref<4608xi32, #tpu.memory_space<vmem>>, vector<16xi32>,
    %max3A_96 = arith.maxsi %max3A_93, %get3A_95 : vector<16xi32>
    %broadcast_in_dim3A_97 = arith.constant 2 : i32
    %broadcast_in_dim3A_98 = vector.broadcast %broadcast_in_dim3A_97 : i32 to vector<16xi32>
    %reduce_max3A_99 = arith.constant true
    %reduce_max3A_100 = vector.broadcast %reduce_max3A_99 : i1 to vector<16xi1>
    %reduce_max3A_101 = arith.constant -2147483648 : i32
    %reduce_max3A_102 = vector.broadcast %reduce_max3A_101 : i32 to vector<16xi32>
    %reduce_max3A_103 = arith.xori %max3A_96, %reduce_max3A_102 : vector<16xi32>
    %reduce_max3A_104 = tpu.scan <max>, %reduce_max3A_103 masked %reduce_max3A_100 : vector<16xi32>, vector<16xi1> -> vector<16xi32>
    %reduce_max3A_105 = arith.xori %reduce_max3A_104, %reduce_max3A_102 : vector<16xi32>
    %reduce_max3A_106 = vector.extract %reduce_max3A_105[15] : i32 from vector<16xi32>
    %broadcast_in_dim3A_107 = vector.broadcast %reduce_max3A_106 : i32 to vector<16xi32>
    %eq3A_108 = arith.constant 0 : i32
    %eq3A_109 = vector.broadcast %eq3A_108 : i32 to vector<16xi32>
    %eq3A_110 = arith.cmpi eq, %iota3A, %eq3A_109 : vector<16xi32>
    tpu.vector_store_idx %arg7[%broadcast_in_dim3A_98], %broadcast_in_dim3A_107 masked %eq3A_110 : memref<32xi32, #tpu.memory_space<vmem>>[vector<16xi32>], vector<16xi32>, vector<16xi1>
    %get3A_111 = arith.constant 256 : index
    %get3A_112 = tpu.vector_load %arg6[%get3A_111] {strides = array<i32>} : memref<4608xi32, #tpu.memory_space<vmem>>, vector<16xi32>,
    %max3A_113 = arith.maxsi %max3A_96, %get3A_112 : vector<16xi32>
    %get3A_114 = arith.constant 272 : index
    %get3A_115 = tpu.vector_load %arg6[%get3A_114] {strides = array<i32>} : memref<4608xi32, #tpu.memory_space<vmem>>, vector<16xi32>,
    %max3A_116 = arith.maxsi %max3A_113, %get3A_115 : vector<16xi32>
    %get3A_117 = arith.constant 288 : index
    %get3A_118 = tpu.vector_load %arg6[%get3A_117] {strides = array<i32>} : memref<4608xi32, #tpu.memory_space<vmem>>, vector<16xi32>,
    %max3A_119 = arith.maxsi %max3A_116, %get3A_118 : vector<16xi32>
    %get3A_120 = arith.constant 304 : index
    %get3A_121 = tpu.vector_load %arg6[%get3A_120] {strides = array<i32>} : memref<4608xi32, #tpu.memory_space<vmem>>, vector<16xi32>,
    %max3A_122 = arith.maxsi %max3A_119, %get3A_121 : vector<16xi32>
    %get3A_123 = arith.constant 320 : index
    %get3A_124 = tpu.vector_load %arg6[%get3A_123] {strides = array<i32>} : memref<4608xi32, #tpu.memory_space<vmem>>, vector<16xi32>,
    %max3A_125 = arith.maxsi %max3A_122, %get3A_124 : vector<16xi32>
    %get3A_126 = arith.constant 336 : index
    %get3A_127 = tpu.vector_load %arg6[%get3A_126] {strides = array<i32>} : memref<4608xi32, #tpu.memory_space<vmem>>, vector<16xi32>,
    %max3A_128 = arith.maxsi %max3A_125, %get3A_127 : vector<16xi32>
    %get3A_129 = arith.constant 352 : index
    %get3A_130 = tpu.vector_load %arg6[%get3A_129] {strides = array<i32>} : memref<4608xi32, #tpu.memory_space<vmem>>, vector<16xi32>,
    %max3A_131 = arith.maxsi %max3A_128, %get3A_130 : vector<16xi32>
    %get3A_132 = arith.constant 368 : index
    %get3A_133 = tpu.vector_load %arg6[%get3A_132] {strides = array<i32>} : memref<4608xi32, #tpu.memory_space<vmem>>, vector<16xi32>,
    %max3A_134 = arith.maxsi %max3A_131, %get3A_133 : vector<16xi32>
    %broadcast_in_dim3A_135 = arith.constant 3 : i32
    %broadcast_in_dim3A_136 = vector.broadcast %broadcast_in_dim3A_135 : i32 to vector<16xi32>
    %reduce_max3A_137 = arith.constant true
    %reduce_max3A_138 = vector.broadcast %reduce_max3A_137 : i1 to vector<16xi1>
    %reduce_max3A_139 = arith.constant -2147483648 : i32
    %reduce_max3A_140 = vector.broadcast %reduce_max3A_139 : i32 to vector<16xi32>
    %reduce_max3A_141 = arith.xori %max3A_134, %reduce_max3A_140 : vector<16xi32>
    %reduce_max3A_142 = tpu.scan <max>, %reduce_max3A_141 masked %reduce_max3A_138 : vector<16xi32>, vector<16xi1> -> vector<16xi32>
    %reduce_max3A_143 = arith.xori %reduce_max3A_142, %reduce_max3A_140 : vector<16xi32>
    %reduce_max3A_144 = vector.extract %reduce_max3A_143[15] : i32 from vector<16xi32>
    %broadcast_in_dim3A_145 = vector.broadcast %reduce_max3A_144 : i32 to vector<16xi32>
    %eq3A_146 = arith.constant 0 : i32
    %eq3A_147 = vector.broadcast %eq3A_146 : i32 to vector<16xi32>
    %eq3A_148 = arith.cmpi eq, %iota3A, %eq3A_147 : vector<16xi32>
    tpu.vector_store_idx %arg7[%broadcast_in_dim3A_136], %broadcast_in_dim3A_145 masked %eq3A_148 : memref<32xi32, #tpu.memory_space<vmem>>[vector<16xi32>], vector<16xi32>, vector<16xi1>
    %get3A_149 = arith.constant 384 : index
    %get3A_150 = tpu.vector_load %arg6[%get3A_149] {strides = array<i32>} : memref<4608xi32, #tpu.memory_space<vmem>>, vector<16xi32>,
    %max3A_151 = arith.maxsi %max3A_134, %get3A_150 : vector<16xi32>
    %get3A_152 = arith.constant 400 : index
    %get3A_153 = tpu.vector_load %arg6[%get3A_152] {strides = array<i32>} : memref<4608xi32, #tpu.memory_space<vmem>>, vector<16xi32>,
    %max3A_154 = arith.maxsi %max3A_151, %get3A_153 : vector<16xi32>
    %get3A_155 = arith.constant 416 : index
    %get3A_156 = tpu.vector_load %arg6[%get3A_155] {strides = array<i32>} : memref<4608xi32, #tpu.memory_space<vmem>>, vector<16xi32>,
    %max3A_157 = arith.maxsi %max3A_154, %get3A_156 : vector<16xi32>
    %get3A_158 = arith.constant 432 : index
    %get3A_159 = tpu.vector_load %arg6[%get3A_158] {strides = array<i32>} : memref<4608xi32, #tpu.memory_space<vmem>>, vector<16xi32>,
    %max3A_160 = arith.maxsi %max3A_157, %get3A_159 : vector<16xi32>
    %get3A_161 = arith.constant 448 : index
    %get3A_162 = tpu.vector_load %arg6[%get3A_161] {strides = array<i32>} : memref<4608xi32, #tpu.memory_space<vmem>>, vector<16xi32>,
    %max3A_163 = arith.maxsi %max3A_160, %get3A_162 : vector<16xi32>
    %get3A_164 = arith.constant 464 : index
    %get3A_165 = tpu.vector_load %arg6[%get3A_164] {strides = array<i32>} : memref<4608xi32, #tpu.memory_space<vmem>>, vector<16xi32>,
    %max3A_166 = arith.maxsi %max3A_163, %get3A_165 : vector<16xi32>
    %get3A_167 = arith.constant 480 : index
    %get3A_168 = tpu.vector_load %arg6[%get3A_167] {strides = array<i32>} : memref<4608xi32, #tpu.memory_space<vmem>>, vector<16xi32>,
    %max3A_169 = arith.maxsi %max3A_166, %get3A_168 : vector<16xi32>
    %get3A_170 = arith.constant 496 : index
    %get3A_171 = tpu.vector_load %arg6[%get3A_170] {strides = array<i32>} : memref<4608xi32, #tpu.memory_space<vmem>>, vector<16xi32>,
    %max3A_172 = arith.maxsi %max3A_169, %get3A_171 : vector<16xi32>
    %broadcast_in_dim3A_173 = arith.constant 4 : i32
    %broadcast_in_dim3A_174 = vector.broadcast %broadcast_in_dim3A_173 : i32 to vector<16xi32>
    %reduce_max3A_175 = arith.constant true
    %reduce_max3A_176 = vector.broadcast %reduce_max3A_175 : i1 to vector<16xi1>
    %reduce_max3A_177 = arith.constant -2147483648 : i32
    %reduce_max3A_178 = vector.broadcast %reduce_max3A_177 : i32 to vector<16xi32>
    %reduce_max3A_179 = arith.xori %max3A_172, %reduce_max3A_178 : vector<16xi32>
    %reduce_max3A_180 = tpu.scan <max>, %reduce_max3A_179 masked %reduce_max3A_176 : vector<16xi32>, vector<16xi1> -> vector<16xi32>
    %reduce_max3A_181 = arith.xori %reduce_max3A_180, %reduce_max3A_178 : vector<16xi32>
    %reduce_max3A_182 = vector.extract %reduce_max3A_181[15] : i32 from vector<16xi32>
    %broadcast_in_dim3A_183 = vector.broadcast %reduce_max3A_182 : i32 to vector<16xi32>
    %eq3A_184 = arith.constant 0 : i32
    %eq3A_185 = vector.broadcast %eq3A_184 : i32 to vector<16xi32>
    %eq3A_186 = arith.cmpi eq, %iota3A, %eq3A_185 : vector<16xi32>
    tpu.vector_store_idx %arg7[%broadcast_in_dim3A_174], %broadcast_in_dim3A_183 masked %eq3A_186 : memref<32xi32, #tpu.memory_space<vmem>>[vector<16xi32>], vector<16xi32>, vector<16xi1>
    %get3A_187 = arith.constant 512 : index
    %get3A_188 = tpu.vector_load %arg6[%get3A_187] {strides = array<i32>} : memref<4608xi32, #tpu.memory_space<vmem>>, vector<16xi32>,
    %max3A_189 = arith.maxsi %max3A_172, %get3A_188 : vector<16xi32>
    %get3A_190 = arith.constant 528 : index
    %get3A_191 = tpu.vector_load %arg6[%get3A_190] {strides = array<i32>} : memref<4608xi32, #tpu.memory_space<vmem>>, vector<16xi32>,
    %max3A_192 = arith.maxsi %max3A_189, %get3A_191 : vector<16xi32>
    %get3A_193 = arith.constant 544 : index
    %get3A_194 = tpu.vector_load %arg6[%get3A_193] {strides = array<i32>} : memref<4608xi32, #tpu.memory_space<vmem>>, vector<16xi32>,
    %max3A_195 = arith.maxsi %max3A_192, %get3A_194 : vector<16xi32>
    %get3A_196 = arith.constant 560 : index
    %get3A_197 = tpu.vector_load %arg6[%get3A_196] {strides = array<i32>} : memref<4608xi32, #tpu.memory_space<vmem>>, vector<16xi32>,
    %max3A_198 = arith.maxsi %max3A_195, %get3A_197 : vector<16xi32>
    %get3A_199 = arith.constant 576 : index
    %get3A_200 = tpu.vector_load %arg6[%get3A_199] {strides = array<i32>} : memref<4608xi32, #tpu.memory_space<vmem>>, vector<16xi32>,
    %max3A_201 = arith.maxsi %max3A_198, %get3A_200 : vector<16xi32>
    %get3A_202 = arith.constant 592 : index
    %get3A_203 = tpu.vector_load %arg6[%get3A_202] {strides = array<i32>} : memref<4608xi32, #tpu.memory_space<vmem>>, vector<16xi32>,
    %max3A_204 = arith.maxsi %max3A_201, %get3A_203 : vector<16xi32>
    %get3A_205 = arith.constant 608 : index
    %get3A_206 = tpu.vector_load %arg6[%get3A_205] {strides = array<i32>} : memref<4608xi32, #tpu.memory_space<vmem>>, vector<16xi32>,
    %max3A_207 = arith.maxsi %max3A_204, %get3A_206 : vector<16xi32>
    %get3A_208 = arith.constant 624 : index
    %get3A_209 = tpu.vector_load %arg6[%get3A_208] {strides = array<i32>} : memref<4608xi32, #tpu.memory_space<vmem>>, vector<16xi32>,
    %max3A_210 = arith.maxsi %max3A_207, %get3A_209 : vector<16xi32>
    %broadcast_in_dim3A_211 = arith.constant 5 : i32
    %broadcast_in_dim3A_212 = vector.broadcast %broadcast_in_dim3A_211 : i32 to vector<16xi32>
    %reduce_max3A_213 = arith.constant true
    %reduce_max3A_214 = vector.broadcast %reduce_max3A_213 : i1 to vector<16xi1>
    %reduce_max3A_215 = arith.constant -2147483648 : i32
    %reduce_max3A_216 = vector.broadcast %reduce_max3A_215 : i32 to vector<16xi32>
    %reduce_max3A_217 = arith.xori %max3A_210, %reduce_max3A_216 : vector<16xi32>
    %reduce_max3A_218 = tpu.scan <max>, %reduce_max3A_217 masked %reduce_max3A_214 : vector<16xi32>, vector<16xi1> -> vector<16xi32>
    %reduce_max3A_219 = arith.xori %reduce_max3A_218, %reduce_max3A_216 : vector<16xi32>
    %reduce_max3A_220 = vector.extract %reduce_max3A_219[15] : i32 from vector<16xi32>
    %broadcast_in_dim3A_221 = vector.broadcast %reduce_max3A_220 : i32 to vector<16xi32>
    %eq3A_222 = arith.constant 0 : i32
    %eq3A_223 = vector.broadcast %eq3A_222 : i32 to vector<16xi32>
    %eq3A_224 = arith.cmpi eq, %iota3A, %eq3A_223 : vector<16xi32>
    tpu.vector_store_idx %arg7[%broadcast_in_dim3A_212], %broadcast_in_dim3A_221 masked %eq3A_224 : memref<32xi32, #tpu.memory_space<vmem>>[vector<16xi32>], vector<16xi32>, vector<16xi1>
    %get3A_225 = arith.constant 640 : index
    %get3A_226 = tpu.vector_load %arg6[%get3A_225] {strides = array<i32>} : memref<4608xi32, #tpu.memory_space<vmem>>, vector<16xi32>,
    %max3A_227 = arith.maxsi %max3A_210, %get3A_226 : vector<16xi32>
    %get3A_228 = arith.constant 656 : index
    %get3A_229 = tpu.vector_load %arg6[%get3A_228] {strides = array<i32>} : memref<4608xi32, #tpu.memory_space<vmem>>, vector<16xi32>,
    %max3A_230 = arith.maxsi %max3A_227, %get3A_229 : vector<16xi32>
    %get3A_231 = arith.constant 672 : index
    %get3A_232 = tpu.vector_load %arg6[%get3A_231] {strides = array<i32>} : memref<4608xi32, #tpu.memory_space<vmem>>, vector<16xi32>,
    %max3A_233 = arith.maxsi %max3A_230, %get3A_232 : vector<16xi32>
    %get3A_234 = arith.constant 688 : index
    %get3A_235 = tpu.vector_load %arg6[%get3A_234] {strides = array<i32>} : memref<4608xi32, #tpu.memory_space<vmem>>, vector<16xi32>,
    %max3A_236 = arith.maxsi %max3A_233, %get3A_235 : vector<16xi32>
    %get3A_237 = arith.constant 704 : index
    %get3A_238 = tpu.vector_load %arg6[%get3A_237] {strides = array<i32>} : memref<4608xi32, #tpu.memory_space<vmem>>, vector<16xi32>,
    %max3A_239 = arith.maxsi %max3A_236, %get3A_238 : vector<16xi32>
    %get3A_240 = arith.constant 720 : index
    %get3A_241 = tpu.vector_load %arg6[%get3A_240] {strides = array<i32>} : memref<4608xi32, #tpu.memory_space<vmem>>, vector<16xi32>,
    %max3A_242 = arith.maxsi %max3A_239, %get3A_241 : vector<16xi32>
    %get3A_243 = arith.constant 736 : index
    %get3A_244 = tpu.vector_load %arg6[%get3A_243] {strides = array<i32>} : memref<4608xi32, #tpu.memory_space<vmem>>, vector<16xi32>,
    %max3A_245 = arith.maxsi %max3A_242, %get3A_244 : vector<16xi32>
    %get3A_246 = arith.constant 752 : index
    %get3A_247 = tpu.vector_load %arg6[%get3A_246] {strides = array<i32>} : memref<4608xi32, #tpu.memory_space<vmem>>, vector<16xi32>,
    %max3A_248 = arith.maxsi %max3A_245, %get3A_247 : vector<16xi32>
    %broadcast_in_dim3A_249 = arith.constant 6 : i32
    %broadcast_in_dim3A_250 = vector.broadcast %broadcast_in_dim3A_249 : i32 to vector<16xi32>
    %reduce_max3A_251 = arith.constant true
    %reduce_max3A_252 = vector.broadcast %reduce_max3A_251 : i1 to vector<16xi1>
    %reduce_max3A_253 = arith.constant -2147483648 : i32
    %reduce_max3A_254 = vector.broadcast %reduce_max3A_253 : i32 to vector<16xi32>
    %reduce_max3A_255 = arith.xori %max3A_248, %reduce_max3A_254 : vector<16xi32>
    %reduce_max3A_256 = tpu.scan <max>, %reduce_max3A_255 masked %reduce_max3A_252 : vector<16xi32>, vector<16xi1> -> vector<16xi32>
    %reduce_max3A_257 = arith.xori %reduce_max3A_256, %reduce_max3A_254 : vector<16xi32>
    %reduce_max3A_258 = vector.extract %reduce_max3A_257[15] : i32 from vector<16xi32>
    %broadcast_in_dim3A_259 = vector.broadcast %reduce_max3A_258 : i32 to vector<16xi32>
    %eq3A_260 = arith.constant 0 : i32
    %eq3A_261 = vector.broadcast %eq3A_260 : i32 to vector<16xi32>
    %eq3A_262 = arith.cmpi eq, %iota3A, %eq3A_261 : vector<16xi32>
    tpu.vector_store_idx %arg7[%broadcast_in_dim3A_250], %broadcast_in_dim3A_259 masked %eq3A_262 : memref<32xi32, #tpu.memory_space<vmem>>[vector<16xi32>], vector<16xi32>, vector<16xi1>
    %get3A_263 = arith.constant 768 : index
    %get3A_264 = tpu.vector_load %arg6[%get3A_263] {strides = array<i32>} : memref<4608xi32, #tpu.memory_space<vmem>>, vector<16xi32>,
    %max3A_265 = arith.maxsi %max3A_248, %get3A_264 : vector<16xi32>
    %get3A_266 = arith.constant 784 : index
    %get3A_267 = tpu.vector_load %arg6[%get3A_266] {strides = array<i32>} : memref<4608xi32, #tpu.memory_space<vmem>>, vector<16xi32>,
    %max3A_268 = arith.maxsi %max3A_265, %get3A_267 : vector<16xi32>
    %get3A_269 = arith.constant 800 : index
    %get3A_270 = tpu.vector_load %arg6[%get3A_269] {strides = array<i32>} : memref<4608xi32, #tpu.memory_space<vmem>>, vector<16xi32>,
    %max3A_271 = arith.maxsi %max3A_268, %get3A_270 : vector<16xi32>
    %get3A_272 = arith.constant 816 : index
    %get3A_273 = tpu.vector_load %arg6[%get3A_272] {strides = array<i32>} : memref<4608xi32, #tpu.memory_space<vmem>>, vector<16xi32>,
    %max3A_274 = arith.maxsi %max3A_271, %get3A_273 : vector<16xi32>
    %get3A_275 = arith.constant 832 : index
    %get3A_276 = tpu.vector_load %arg6[%get3A_275] {strides = array<i32>} : memref<4608xi32, #tpu.memory_space<vmem>>, vector<16xi32>,
    %max3A_277 = arith.maxsi %max3A_274, %get3A_276 : vector<16xi32>
    %get3A_278 = arith.constant 848 : index
    %get3A_279 = tpu.vector_load %arg6[%get3A_278] {strides = array<i32>} : memref<4608xi32, #tpu.memory_space<vmem>>, vector<16xi32>,
    %max3A_280 = arith.maxsi %max3A_277, %get3A_279 : vector<16xi32>
    %get3A_281 = arith.constant 864 : index
    %get3A_282 = tpu.vector_load %arg6[%get3A_281] {strides = array<i32>} : memref<4608xi32, #tpu.memory_space<vmem>>, vector<16xi32>,
    %max3A_283 = arith.maxsi %max3A_280, %get3A_282 : vector<16xi32>
    %get3A_284 = arith.constant 880 : index
    %get3A_285 = tpu.vector_load %arg6[%get3A_284] {strides = array<i32>} : memref<4608xi32, #tpu.memory_space<vmem>>, vector<16xi32>,
    %max3A_286 = arith.maxsi %max3A_283, %get3A_285 : vector<16xi32>
    %broadcast_in_dim3A_287 = arith.constant 7 : i32
    %broadcast_in_dim3A_288 = vector.broadcast %broadcast_in_dim3A_287 : i32 to vector<16xi32>
    %reduce_max3A_289 = arith.constant true
    %reduce_max3A_290 = vector.broadcast %reduce_max3A_289 : i1 to vector<16xi1>
    %reduce_max3A_291 = arith.constant -2147483648 : i32
    %reduce_max3A_292 = vector.broadcast %reduce_max3A_291 : i32 to vector<16xi32>
    %reduce_max3A_293 = arith.xori %max3A_286, %reduce_max3A_292 : vector<16xi32>
    %reduce_max3A_294 = tpu.scan <max>, %reduce_max3A_293 masked %reduce_max3A_290 : vector<16xi32>, vector<16xi1> -> vector<16xi32>
    %reduce_max3A_295 = arith.xori %reduce_max3A_294, %reduce_max3A_292 : vector<16xi32>
    %reduce_max3A_296 = vector.extract %reduce_max3A_295[15] : i32 from vector<16xi32>
    %broadcast_in_dim3A_297 = vector.broadcast %reduce_max3A_296 : i32 to vector<16xi32>
    %eq3A_298 = arith.constant 0 : i32
    %eq3A_299 = vector.broadcast %eq3A_298 : i32 to vector<16xi32>
    %eq3A_300 = arith.cmpi eq, %iota3A, %eq3A_299 : vector<16xi32>
    tpu.vector_store_idx %arg7[%broadcast_in_dim3A_288], %broadcast_in_dim3A_297 masked %eq3A_300 : memref<32xi32, #tpu.memory_space<vmem>>[vector<16xi32>], vector<16xi32>, vector<16xi1>
    %get3A_301 = arith.constant 896 : index
    %get3A_302 = tpu.vector_load %arg6[%get3A_301] {strides = array<i32>} : memref<4608xi32, #tpu.memory_space<vmem>>, vector<16xi32>,
    %max3A_303 = arith.maxsi %max3A_286, %get3A_302 : vector<16xi32>
    %get3A_304 = arith.constant 912 : index
    %get3A_305 = tpu.vector_load %arg6[%get3A_304] {strides = array<i32>} : memref<4608xi32, #tpu.memory_space<vmem>>, vector<16xi32>,
    %max3A_306 = arith.maxsi %max3A_303, %get3A_305 : vector<16xi32>
    %get3A_307 = arith.constant 928 : index
    %get3A_308 = tpu.vector_load %arg6[%get3A_307] {strides = array<i32>} : memref<4608xi32, #tpu.memory_space<vmem>>, vector<16xi32>,
    %max3A_309 = arith.maxsi %max3A_306, %get3A_308 : vector<16xi32>
    %get3A_310 = arith.constant 944 : index
    %get3A_311 = tpu.vector_load %arg6[%get3A_310] {strides = array<i32>} : memref<4608xi32, #tpu.memory_space<vmem>>, vector<16xi32>,
    %max3A_312 = arith.maxsi %max3A_309, %get3A_311 : vector<16xi32>
    %get3A_313 = arith.constant 960 : index
    %get3A_314 = tpu.vector_load %arg6[%get3A_313] {strides = array<i32>} : memref<4608xi32, #tpu.memory_space<vmem>>, vector<16xi32>,
    %max3A_315 = arith.maxsi %max3A_312, %get3A_314 : vector<16xi32>
    %get3A_316 = arith.constant 976 : index
    %get3A_317 = tpu.vector_load %arg6[%get3A_316] {strides = array<i32>} : memref<4608xi32, #tpu.memory_space<vmem>>, vector<16xi32>,
    %max3A_318 = arith.maxsi %max3A_315, %get3A_317 : vector<16xi32>
    %get3A_319 = arith.constant 992 : index
    %get3A_320 = tpu.vector_load %arg6[%get3A_319] {strides = array<i32>} : memref<4608xi32, #tpu.memory_space<vmem>>, vector<16xi32>,
    %max3A_321 = arith.maxsi %max3A_318, %get3A_320 : vector<16xi32>
    %get3A_322 = arith.constant 1008 : index
    %get3A_323 = tpu.vector_load %arg6[%get3A_322] {strides = array<i32>} : memref<4608xi32, #tpu.memory_space<vmem>>, vector<16xi32>,
    %max3A_324 = arith.maxsi %max3A_321, %get3A_323 : vector<16xi32>
    %broadcast_in_dim3A_325 = arith.constant 8 : i32
    %broadcast_in_dim3A_326 = vector.broadcast %broadcast_in_dim3A_325 : i32 to vector<16xi32>
    %reduce_max3A_327 = arith.constant true
    %reduce_max3A_328 = vector.broadcast %reduce_max3A_327 : i1 to vector<16xi1>
    %reduce_max3A_329 = arith.constant -2147483648 : i32
    %reduce_max3A_330 = vector.broadcast %reduce_max3A_329 : i32 to vector<16xi32>
    %reduce_max3A_331 = arith.xori %max3A_324, %reduce_max3A_330 : vector<16xi32>
    %reduce_max3A_332 = tpu.scan <max>, %reduce_max3A_331 masked %reduce_max3A_328 : vector<16xi32>, vector<16xi1> -> vector<16xi32>
    %reduce_max3A_333 = arith.xori %reduce_max3A_332, %reduce_max3A_330 : vector<16xi32>
    %reduce_max3A_334 = vector.extract %reduce_max3A_333[15] : i32 from vector<16xi32>
    %broadcast_in_dim3A_335 = vector.broadcast %reduce_max3A_334 : i32 to vector<16xi32>
    %eq3A_336 = arith.constant 0 : i32
    %eq3A_337 = vector.broadcast %eq3A_336 : i32 to vector<16xi32>
    %eq3A_338 = arith.cmpi eq, %iota3A, %eq3A_337 : vector<16xi32>
    tpu.vector_store_idx %arg7[%broadcast_in_dim3A_326], %broadcast_in_dim3A_335 masked %eq3A_338 : memref<32xi32, #tpu.memory_space<vmem>>[vector<16xi32>], vector<16xi32>, vector<16xi1>
    %get3A_339 = arith.constant 1024 : index
    %get3A_340 = tpu.vector_load %arg6[%get3A_339] {strides = array<i32>} : memref<4608xi32, #tpu.memory_space<vmem>>, vector<16xi32>,
    %max3A_341 = arith.maxsi %max3A_324, %get3A_340 : vector<16xi32>
    %get3A_342 = arith.constant 1040 : index
    %get3A_343 = tpu.vector_load %arg6[%get3A_342] {strides = array<i32>} : memref<4608xi32, #tpu.memory_space<vmem>>, vector<16xi32>,
    %max3A_344 = arith.maxsi %max3A_341, %get3A_343 : vector<16xi32>
    %get3A_345 = arith.constant 1056 : index
    %get3A_346 = tpu.vector_load %arg6[%get3A_345] {strides = array<i32>} : memref<4608xi32, #tpu.memory_space<vmem>>, vector<16xi32>,
    %max3A_347 = arith.maxsi %max3A_344, %get3A_346 : vector<16xi32>
    %get3A_348 = arith.constant 1072 : index
    %get3A_349 = tpu.vector_load %arg6[%get3A_348] {strides = array<i32>} : memref<4608xi32, #tpu.memory_space<vmem>>, vector<16xi32>,
    %max3A_350 = arith.maxsi %max3A_347, %get3A_349 : vector<16xi32>
    %get3A_351 = arith.constant 1088 : index
    %get3A_352 = tpu.vector_load %arg6[%get3A_351] {strides = array<i32>} : memref<4608xi32, #tpu.memory_space<vmem>>, vector<16xi32>,
    %max3A_353 = arith.maxsi %max3A_350, %get3A_352 : vector<16xi32>
    %get3A_354 = arith.constant 1104 : index
    %get3A_355 = tpu.vector_load %arg6[%get3A_354] {strides = array<i32>} : memref<4608xi32, #tpu.memory_space<vmem>>, vector<16xi32>,
    %max3A_356 = arith.maxsi %max3A_353, %get3A_355 : vector<16xi32>
    %get3A_357 = arith.constant 1120 : index
    %get3A_358 = tpu.vector_load %arg6[%get3A_357] {strides = array<i32>} : memref<4608xi32, #tpu.memory_space<vmem>>, vector<16xi32>,
    %max3A_359 = arith.maxsi %max3A_356, %get3A_358 : vector<16xi32>
    %get3A_360 = arith.constant 1136 : index
    %get3A_361 = tpu.vector_load %arg6[%get3A_360] {strides = array<i32>} : memref<4608xi32, #tpu.memory_space<vmem>>, vector<16xi32>,
    %max3A_362 = arith.maxsi %max3A_359, %get3A_361 : vector<16xi32>
    %broadcast_in_dim3A_363 = arith.constant 9 : i32
    %broadcast_in_dim3A_364 = vector.broadcast %broadcast_in_dim3A_363 : i32 to vector<16xi32>
    %reduce_max3A_365 = arith.constant true
    %reduce_max3A_366 = vector.broadcast %reduce_max3A_365 : i1 to vector<16xi1>
    %reduce_max3A_367 = arith.constant -2147483648 : i32
    %reduce_max3A_368 = vector.broadcast %reduce_max3A_367 : i32 to vector<16xi32>
    %reduce_max3A_369 = arith.xori %max3A_362, %reduce_max3A_368 : vector<16xi32>
    %reduce_max3A_370 = tpu.scan <max>, %reduce_max3A_369 masked %reduce_max3A_366 : vector<16xi32>, vector<16xi1> -> vector<16xi32>
    %reduce_max3A_371 = arith.xori %reduce_max3A_370, %reduce_max3A_368 : vector<16xi32>
    %reduce_max3A_372 = vector.extract %reduce_max3A_371[15] : i32 from vector<16xi32>
    %broadcast_in_dim3A_373 = vector.broadcast %reduce_max3A_372 : i32 to vector<16xi32>
    %eq3A_374 = arith.constant 0 : i32
    %eq3A_375 = vector.broadcast %eq3A_374 : i32 to vector<16xi32>
    %eq3A_376 = arith.cmpi eq, %iota3A, %eq3A_375 : vector<16xi32>
    tpu.vector_store_idx %arg7[%broadcast_in_dim3A_364], %broadcast_in_dim3A_373 masked %eq3A_376 : memref<32xi32, #tpu.memory_space<vmem>>[vector<16xi32>], vector<16xi32>, vector<16xi1>
    %get3A_377 = arith.constant 1152 : index
    %get3A_378 = tpu.vector_load %arg6[%get3A_377] {strides = array<i32>} : memref<4608xi32, #tpu.memory_space<vmem>>, vector<16xi32>,
    %max3A_379 = arith.maxsi %max3A_362, %get3A_378 : vector<16xi32>
    %get3A_380 = arith.constant 1168 : index
    %get3A_381 = tpu.vector_load %arg6[%get3A_380] {strides = array<i32>} : memref<4608xi32, #tpu.memory_space<vmem>>, vector<16xi32>,
    %max3A_382 = arith.maxsi %max3A_379, %get3A_381 : vector<16xi32>
    %get3A_383 = arith.constant 1184 : index
    %get3A_384 = tpu.vector_load %arg6[%get3A_383] {strides = array<i32>} : memref<4608xi32, #tpu.memory_space<vmem>>, vector<16xi32>,
    %max3A_385 = arith.maxsi %max3A_382, %get3A_384 : vector<16xi32>
    %get3A_386 = arith.constant 1200 : index
    %get3A_387 = tpu.vector_load %arg6[%get3A_386] {strides = array<i32>} : memref<4608xi32, #tpu.memory_space<vmem>>, vector<16xi32>,
    %max3A_388 = arith.maxsi %max3A_385, %get3A_387 : vector<16xi32>
    %get3A_389 = arith.constant 1216 : index
    %get3A_390 = tpu.vector_load %arg6[%get3A_389] {strides = array<i32>} : memref<4608xi32, #tpu.memory_space<vmem>>, vector<16xi32>,
    %max3A_391 = arith.maxsi %max3A_388, %get3A_390 : vector<16xi32>
    %get3A_392 = arith.constant 1232 : index
    %get3A_393 = tpu.vector_load %arg6[%get3A_392] {strides = array<i32>} : memref<4608xi32, #tpu.memory_space<vmem>>, vector<16xi32>,
    %max3A_394 = arith.maxsi %max3A_391, %get3A_393 : vector<16xi32>
    %get3A_395 = arith.constant 1248 : index
    %get3A_396 = tpu.vector_load %arg6[%get3A_395] {strides = array<i32>} : memref<4608xi32, #tpu.memory_space<vmem>>, vector<16xi32>,
    %max3A_397 = arith.maxsi %max3A_394, %get3A_396 : vector<16xi32>
    %get3A_398 = arith.constant 1264 : index
    %get3A_399 = tpu.vector_load %arg6[%get3A_398] {strides = array<i32>} : memref<4608xi32, #tpu.memory_space<vmem>>, vector<16xi32>,
    %max3A_400 = arith.maxsi %max3A_397, %get3A_399 : vector<16xi32>
    %broadcast_in_dim3A_401 = arith.constant 10 : i32
    %broadcast_in_dim3A_402 = vector.broadcast %broadcast_in_dim3A_401 : i32 to vector<16xi32>
    %reduce_max3A_403 = arith.constant true
    %reduce_max3A_404 = vector.broadcast %reduce_max3A_403 : i1 to vector<16xi1>
    %reduce_max3A_405 = arith.constant -2147483648 : i32
    %reduce_max3A_406 = vector.broadcast %reduce_max3A_405 : i32 to vector<16xi32>
    %reduce_max3A_407 = arith.xori %max3A_400, %reduce_max3A_406 : vector<16xi32>
    %reduce_max3A_408 = tpu.scan <max>, %reduce_max3A_407 masked %reduce_max3A_404 : vector<16xi32>, vector<16xi1> -> vector<16xi32>
    %reduce_max3A_409 = arith.xori %reduce_max3A_408, %reduce_max3A_406 : vector<16xi32>
    %reduce_max3A_410 = vector.extract %reduce_max3A_409[15] : i32 from vector<16xi32>
    %broadcast_in_dim3A_411 = vector.broadcast %reduce_max3A_410 : i32 to vector<16xi32>
    %eq3A_412 = arith.constant 0 : i32
    %eq3A_413 = vector.broadcast %eq3A_412 : i32 to vector<16xi32>
    %eq3A_414 = arith.cmpi eq, %iota3A, %eq3A_413 : vector<16xi32>
    tpu.vector_store_idx %arg7[%broadcast_in_dim3A_402], %broadcast_in_dim3A_411 masked %eq3A_414 : memref<32xi32, #tpu.memory_space<vmem>>[vector<16xi32>], vector<16xi32>, vector<16xi1>
    %get3A_415 = arith.constant 1280 : index
    %get3A_416 = tpu.vector_load %arg6[%get3A_415] {strides = array<i32>} : memref<4608xi32, #tpu.memory_space<vmem>>, vector<16xi32>,
    %max3A_417 = arith.maxsi %max3A_400, %get3A_416 : vector<16xi32>
    %get3A_418 = arith.constant 1296 : index
    %get3A_419 = tpu.vector_load %arg6[%get3A_418] {strides = array<i32>} : memref<4608xi32, #tpu.memory_space<vmem>>, vector<16xi32>,
    %max3A_420 = arith.maxsi %max3A_417, %get3A_419 : vector<16xi32>
    %get3A_421 = arith.constant 1312 : index
    %get3A_422 = tpu.vector_load %arg6[%get3A_421] {strides = array<i32>} : memref<4608xi32, #tpu.memory_space<vmem>>, vector<16xi32>,
    %max3A_423 = arith.maxsi %max3A_420, %get3A_422 : vector<16xi32>
    %get3A_424 = arith.constant 1328 : index
    %get3A_425 = tpu.vector_load %arg6[%get3A_424] {strides = array<i32>} : memref<4608xi32, #tpu.memory_space<vmem>>, vector<16xi32>,
    %max3A_426 = arith.maxsi %max3A_423, %get3A_425 : vector<16xi32>
    %get3A_427 = arith.constant 1344 : index
    %get3A_428 = tpu.vector_load %arg6[%get3A_427] {strides = array<i32>} : memref<4608xi32, #tpu.memory_space<vmem>>, vector<16xi32>,
    %max3A_429 = arith.maxsi %max3A_426, %get3A_428 : vector<16xi32>
    %get3A_430 = arith.constant 1360 : index
    %get3A_431 = tpu.vector_load %arg6[%get3A_430] {strides = array<i32>} : memref<4608xi32, #tpu.memory_space<vmem>>, vector<16xi32>,
    %max3A_432 = arith.maxsi %max3A_429, %get3A_431 : vector<16xi32>
    %get3A_433 = arith.constant 1376 : index
    %get3A_434 = tpu.vector_load %arg6[%get3A_433] {strides = array<i32>} : memref<4608xi32, #tpu.memory_space<vmem>>, vector<16xi32>,
    %max3A_435 = arith.maxsi %max3A_432, %get3A_434 : vector<16xi32>
    %get3A_436 = arith.constant 1392 : index
    %get3A_437 = tpu.vector_load %arg6[%get3A_436] {strides = array<i32>} : memref<4608xi32, #tpu.memory_space<vmem>>, vector<16xi32>,
    %max3A_438 = arith.maxsi %max3A_435, %get3A_437 : vector<16xi32>
    %broadcast_in_dim3A_439 = arith.constant 11 : i32
    %broadcast_in_dim3A_440 = vector.broadcast %broadcast_in_dim3A_439 : i32 to vector<16xi32>
    %reduce_max3A_441 = arith.constant true
    %reduce_max3A_442 = vector.broadcast %reduce_max3A_441 : i1 to vector<16xi1>
    %reduce_max3A_443 = arith.constant -2147483648 : i32
    %reduce_max3A_444 = vector.broadcast %reduce_max3A_443 : i32 to vector<16xi32>
    %reduce_max3A_445 = arith.xori %max3A_438, %reduce_max3A_444 : vector<16xi32>
    %reduce_max3A_446 = tpu.scan <max>, %reduce_max3A_445 masked %reduce_max3A_442 : vector<16xi32>, vector<16xi1> -> vector<16xi32>
    %reduce_max3A_447 = arith.xori %reduce_max3A_446, %reduce_max3A_444 : vector<16xi32>
    %reduce_max3A_448 = vector.extract %reduce_max3A_447[15] : i32 from vector<16xi32>
    %broadcast_in_dim3A_449 = vector.broadcast %reduce_max3A_448 : i32 to vector<16xi32>
    %eq3A_450 = arith.constant 0 : i32
    %eq3A_451 = vector.broadcast %eq3A_450 : i32 to vector<16xi32>
    %eq3A_452 = arith.cmpi eq, %iota3A, %eq3A_451 : vector<16xi32>
    tpu.vector_store_idx %arg7[%broadcast_in_dim3A_440], %broadcast_in_dim3A_449 masked %eq3A_452 : memref<32xi32, #tpu.memory_space<vmem>>[vector<16xi32>], vector<16xi32>, vector<16xi1>
    %get3A_453 = arith.constant 1408 : index
    %get3A_454 = tpu.vector_load %arg6[%get3A_453] {strides = array<i32>} : memref<4608xi32, #tpu.memory_space<vmem>>, vector<16xi32>,
    %max3A_455 = arith.maxsi %max3A_438, %get3A_454 : vector<16xi32>
    %get3A_456 = arith.constant 1424 : index
    %get3A_457 = tpu.vector_load %arg6[%get3A_456] {strides = array<i32>} : memref<4608xi32, #tpu.memory_space<vmem>>, vector<16xi32>,
    %max3A_458 = arith.maxsi %max3A_455, %get3A_457 : vector<16xi32>
    %get3A_459 = arith.constant 1440 : index
    %get3A_460 = tpu.vector_load %arg6[%get3A_459] {strides = array<i32>} : memref<4608xi32, #tpu.memory_space<vmem>>, vector<16xi32>,
    %max3A_461 = arith.maxsi %max3A_458, %get3A_460 : vector<16xi32>
    %get3A_462 = arith.constant 1456 : index
    %get3A_463 = tpu.vector_load %arg6[%get3A_462] {strides = array<i32>} : memref<4608xi32, #tpu.memory_space<vmem>>, vector<16xi32>,
    %max3A_464 = arith.maxsi %max3A_461, %get3A_463 : vector<16xi32>
    %get3A_465 = arith.constant 1472 : index
    %get3A_466 = tpu.vector_load %arg6[%get3A_465] {strides = array<i32>} : memref<4608xi32, #tpu.memory_space<vmem>>, vector<16xi32>,
    %max3A_467 = arith.maxsi %max3A_464, %get3A_466 : vector<16xi32>
    %get3A_468 = arith.constant 1488 : index
    %get3A_469 = tpu.vector_load %arg6[%get3A_468] {strides = array<i32>} : memref<4608xi32, #tpu.memory_space<vmem>>, vector<16xi32>,
    %max3A_470 = arith.maxsi %max3A_467, %get3A_469 : vector<16xi32>
    %get3A_471 = arith.constant 1504 : index
    %get3A_472 = tpu.vector_load %arg6[%get3A_471] {strides = array<i32>} : memref<4608xi32, #tpu.memory_space<vmem>>, vector<16xi32>,
    %max3A_473 = arith.maxsi %max3A_470, %get3A_472 : vector<16xi32>
    %get3A_474 = arith.constant 1520 : index
    %get3A_475 = tpu.vector_load %arg6[%get3A_474] {strides = array<i32>} : memref<4608xi32, #tpu.memory_space<vmem>>, vector<16xi32>,
    %max3A_476 = arith.maxsi %max3A_473, %get3A_475 : vector<16xi32>
    %broadcast_in_dim3A_477 = arith.constant 12 : i32
    %broadcast_in_dim3A_478 = vector.broadcast %broadcast_in_dim3A_477 : i32 to vector<16xi32>
    %reduce_max3A_479 = arith.constant true
    %reduce_max3A_480 = vector.broadcast %reduce_max3A_479 : i1 to vector<16xi1>
    %reduce_max3A_481 = arith.constant -2147483648 : i32
    %reduce_max3A_482 = vector.broadcast %reduce_max3A_481 : i32 to vector<16xi32>
    %reduce_max3A_483 = arith.xori %max3A_476, %reduce_max3A_482 : vector<16xi32>
    %reduce_max3A_484 = tpu.scan <max>, %reduce_max3A_483 masked %reduce_max3A_480 : vector<16xi32>, vector<16xi1> -> vector<16xi32>
    %reduce_max3A_485 = arith.xori %reduce_max3A_484, %reduce_max3A_482 : vector<16xi32>
    %reduce_max3A_486 = vector.extract %reduce_max3A_485[15] : i32 from vector<16xi32>
    %broadcast_in_dim3A_487 = vector.broadcast %reduce_max3A_486 : i32 to vector<16xi32>
    %eq3A_488 = arith.constant 0 : i32
    %eq3A_489 = vector.broadcast %eq3A_488 : i32 to vector<16xi32>
    %eq3A_490 = arith.cmpi eq, %iota3A, %eq3A_489 : vector<16xi32>
    tpu.vector_store_idx %arg7[%broadcast_in_dim3A_478], %broadcast_in_dim3A_487 masked %eq3A_490 : memref<32xi32, #tpu.memory_space<vmem>>[vector<16xi32>], vector<16xi32>, vector<16xi1>
    %get3A_491 = arith.constant 1536 : index
    %get3A_492 = tpu.vector_load %arg6[%get3A_491] {strides = array<i32>} : memref<4608xi32, #tpu.memory_space<vmem>>, vector<16xi32>,
    %max3A_493 = arith.maxsi %max3A_476, %get3A_492 : vector<16xi32>
    %get3A_494 = arith.constant 1552 : index
    %get3A_495 = tpu.vector_load %arg6[%get3A_494] {strides = array<i32>} : memref<4608xi32, #tpu.memory_space<vmem>>, vector<16xi32>,
    %max3A_496 = arith.maxsi %max3A_493, %get3A_495 : vector<16xi32>
    %get3A_497 = arith.constant 1568 : index
    %get3A_498 = tpu.vector_load %arg6[%get3A_497] {strides = array<i32>} : memref<4608xi32, #tpu.memory_space<vmem>>, vector<16xi32>,
    %max3A_499 = arith.maxsi %max3A_496, %get3A_498 : vector<16xi32>
    %get3A_500 = arith.constant 1584 : index
    %get3A_501 = tpu.vector_load %arg6[%get3A_500] {strides = array<i32>} : memref<4608xi32, #tpu.memory_space<vmem>>, vector<16xi32>,
    %max3A_502 = arith.maxsi %max3A_499, %get3A_501 : vector<16xi32>
    %get3A_503 = arith.constant 1600 : index
    %get3A_504 = tpu.vector_load %arg6[%get3A_503] {strides = array<i32>} : memref<4608xi32, #tpu.memory_space<vmem>>, vector<16xi32>,
    %max3A_505 = arith.maxsi %max3A_502, %get3A_504 : vector<16xi32>
    %get3A_506 = arith.constant 1616 : index
    %get3A_507 = tpu.vector_load %arg6[%get3A_506] {strides = array<i32>} : memref<4608xi32, #tpu.memory_space<vmem>>, vector<16xi32>,
    %max3A_508 = arith.maxsi %max3A_505, %get3A_507 : vector<16xi32>
    %get3A_509 = arith.constant 1632 : index
    %get3A_510 = tpu.vector_load %arg6[%get3A_509] {strides = array<i32>} : memref<4608xi32, #tpu.memory_space<vmem>>, vector<16xi32>,
    %max3A_511 = arith.maxsi %max3A_508, %get3A_510 : vector<16xi32>
    %get3A_512 = arith.constant 1648 : index
    %get3A_513 = tpu.vector_load %arg6[%get3A_512] {strides = array<i32>} : memref<4608xi32, #tpu.memory_space<vmem>>, vector<16xi32>,
    %max3A_514 = arith.maxsi %max3A_511, %get3A_513 : vector<16xi32>
    %broadcast_in_dim3A_515 = arith.constant 13 : i32
    %broadcast_in_dim3A_516 = vector.broadcast %broadcast_in_dim3A_515 : i32 to vector<16xi32>
    %reduce_max3A_517 = arith.constant true
    %reduce_max3A_518 = vector.broadcast %reduce_max3A_517 : i1 to vector<16xi1>
    %reduce_max3A_519 = arith.constant -2147483648 : i32
    %reduce_max3A_520 = vector.broadcast %reduce_max3A_519 : i32 to vector<16xi32>
    %reduce_max3A_521 = arith.xori %max3A_514, %reduce_max3A_520 : vector<16xi32>
    %reduce_max3A_522 = tpu.scan <max>, %reduce_max3A_521 masked %reduce_max3A_518 : vector<16xi32>, vector<16xi1> -> vector<16xi32>
    %reduce_max3A_523 = arith.xori %reduce_max3A_522, %reduce_max3A_520 : vector<16xi32>
    %reduce_max3A_524 = vector.extract %reduce_max3A_523[15] : i32 from vector<16xi32>
    %broadcast_in_dim3A_525 = vector.broadcast %reduce_max3A_524 : i32 to vector<16xi32>
    %eq3A_526 = arith.constant 0 : i32
    %eq3A_527 = vector.broadcast %eq3A_526 : i32 to vector<16xi32>
    %eq3A_528 = arith.cmpi eq, %iota3A, %eq3A_527 : vector<16xi32>
    tpu.vector_store_idx %arg7[%broadcast_in_dim3A_516], %broadcast_in_dim3A_525 masked %eq3A_528 : memref<32xi32, #tpu.memory_space<vmem>>[vector<16xi32>], vector<16xi32>, vector<16xi1>
    %get3A_529 = arith.constant 1664 : index
    %get3A_530 = tpu.vector_load %arg6[%get3A_529] {strides = array<i32>} : memref<4608xi32, #tpu.memory_space<vmem>>, vector<16xi32>,
    %max3A_531 = arith.maxsi %max3A_514, %get3A_530 : vector<16xi32>
    %get3A_532 = arith.constant 1680 : index
    %get3A_533 = tpu.vector_load %arg6[%get3A_532] {strides = array<i32>} : memref<4608xi32, #tpu.memory_space<vmem>>, vector<16xi32>,
    %max3A_534 = arith.maxsi %max3A_531, %get3A_533 : vector<16xi32>
    %get3A_535 = arith.constant 1696 : index
    %get3A_536 = tpu.vector_load %arg6[%get3A_535] {strides = array<i32>} : memref<4608xi32, #tpu.memory_space<vmem>>, vector<16xi32>,
    %max3A_537 = arith.maxsi %max3A_534, %get3A_536 : vector<16xi32>
    %get3A_538 = arith.constant 1712 : index
    %get3A_539 = tpu.vector_load %arg6[%get3A_538] {strides = array<i32>} : memref<4608xi32, #tpu.memory_space<vmem>>, vector<16xi32>,
    %max3A_540 = arith.maxsi %max3A_537, %get3A_539 : vector<16xi32>
    %get3A_541 = arith.constant 1728 : index
    %get3A_542 = tpu.vector_load %arg6[%get3A_541] {strides = array<i32>} : memref<4608xi32, #tpu.memory_space<vmem>>, vector<16xi32>,
    %max3A_543 = arith.maxsi %max3A_540, %get3A_542 : vector<16xi32>
    %get3A_544 = arith.constant 1744 : index
    %get3A_545 = tpu.vector_load %arg6[%get3A_544] {strides = array<i32>} : memref<4608xi32, #tpu.memory_space<vmem>>, vector<16xi32>,
    %max3A_546 = arith.maxsi %max3A_543, %get3A_545 : vector<16xi32>
    %get3A_547 = arith.constant 1760 : index
    %get3A_548 = tpu.vector_load %arg6[%get3A_547] {strides = array<i32>} : memref<4608xi32, #tpu.memory_space<vmem>>, vector<16xi32>,
    %max3A_549 = arith.maxsi %max3A_546, %get3A_548 : vector<16xi32>
    %get3A_550 = arith.constant 1776 : index
    %get3A_551 = tpu.vector_load %arg6[%get3A_550] {strides = array<i32>} : memref<4608xi32, #tpu.memory_space<vmem>>, vector<16xi32>,
    %max3A_552 = arith.maxsi %max3A_549, %get3A_551 : vector<16xi32>
    %broadcast_in_dim3A_553 = arith.constant 14 : i32
    %broadcast_in_dim3A_554 = vector.broadcast %broadcast_in_dim3A_553 : i32 to vector<16xi32>
    %reduce_max3A_555 = arith.constant true
    %reduce_max3A_556 = vector.broadcast %reduce_max3A_555 : i1 to vector<16xi1>
    %reduce_max3A_557 = arith.constant -2147483648 : i32
    %reduce_max3A_558 = vector.broadcast %reduce_max3A_557 : i32 to vector<16xi32>
    %reduce_max3A_559 = arith.xori %max3A_552, %reduce_max3A_558 : vector<16xi32>
    %reduce_max3A_560 = tpu.scan <max>, %reduce_max3A_559 masked %reduce_max3A_556 : vector<16xi32>, vector<16xi1> -> vector<16xi32>
    %reduce_max3A_561 = arith.xori %reduce_max3A_560, %reduce_max3A_558 : vector<16xi32>
    %reduce_max3A_562 = vector.extract %reduce_max3A_561[15] : i32 from vector<16xi32>
    %broadcast_in_dim3A_563 = vector.broadcast %reduce_max3A_562 : i32 to vector<16xi32>
    %eq3A_564 = arith.constant 0 : i32
    %eq3A_565 = vector.broadcast %eq3A_564 : i32 to vector<16xi32>
    %eq3A_566 = arith.cmpi eq, %iota3A, %eq3A_565 : vector<16xi32>
    tpu.vector_store_idx %arg7[%broadcast_in_dim3A_554], %broadcast_in_dim3A_563 masked %eq3A_566 : memref<32xi32, #tpu.memory_space<vmem>>[vector<16xi32>], vector<16xi32>, vector<16xi1>
    %get3A_567 = arith.constant 1792 : index
    %get3A_568 = tpu.vector_load %arg6[%get3A_567] {strides = array<i32>} : memref<4608xi32, #tpu.memory_space<vmem>>, vector<16xi32>,
    %max3A_569 = arith.maxsi %max3A_552, %get3A_568 : vector<16xi32>
    %get3A_570 = arith.constant 1808 : index
    %get3A_571 = tpu.vector_load %arg6[%get3A_570] {strides = array<i32>} : memref<4608xi32, #tpu.memory_space<vmem>>, vector<16xi32>,
    %max3A_572 = arith.maxsi %max3A_569, %get3A_571 : vector<16xi32>
    %get3A_573 = arith.constant 1824 : index
    %get3A_574 = tpu.vector_load %arg6[%get3A_573] {strides = array<i32>} : memref<4608xi32, #tpu.memory_space<vmem>>, vector<16xi32>,
    %max3A_575 = arith.maxsi %max3A_572, %get3A_574 : vector<16xi32>
    %get3A_576 = arith.constant 1840 : index
    %get3A_577 = tpu.vector_load %arg6[%get3A_576] {strides = array<i32>} : memref<4608xi32, #tpu.memory_space<vmem>>, vector<16xi32>,
    %max3A_578 = arith.maxsi %max3A_575, %get3A_577 : vector<16xi32>
    %get3A_579 = arith.constant 1856 : index
    %get3A_580 = tpu.vector_load %arg6[%get3A_579] {strides = array<i32>} : memref<4608xi32, #tpu.memory_space<vmem>>, vector<16xi32>,
    %max3A_581 = arith.maxsi %max3A_578, %get3A_580 : vector<16xi32>
    %get3A_582 = arith.constant 1872 : index
    %get3A_583 = tpu.vector_load %arg6[%get3A_582] {strides = array<i32>} : memref<4608xi32, #tpu.memory_space<vmem>>, vector<16xi32>,
    %max3A_584 = arith.maxsi %max3A_581, %get3A_583 : vector<16xi32>
    %get3A_585 = arith.constant 1888 : index
    %get3A_586 = tpu.vector_load %arg6[%get3A_585] {strides = array<i32>} : memref<4608xi32, #tpu.memory_space<vmem>>, vector<16xi32>,
    %max3A_587 = arith.maxsi %max3A_584, %get3A_586 : vector<16xi32>
    %get3A_588 = arith.constant 1904 : index
    %get3A_589 = tpu.vector_load %arg6[%get3A_588] {strides = array<i32>} : memref<4608xi32, #tpu.memory_space<vmem>>, vector<16xi32>,
    %max3A_590 = arith.maxsi %max3A_587, %get3A_589 : vector<16xi32>
    %broadcast_in_dim3A_591 = arith.constant 15 : i32
    %broadcast_in_dim3A_592 = vector.broadcast %broadcast_in_dim3A_591 : i32 to vector<16xi32>
    %reduce_max3A_593 = arith.constant true
    %reduce_max3A_594 = vector.broadcast %reduce_max3A_593 : i1 to vector<16xi1>
    %reduce_max3A_595 = arith.constant -2147483648 : i32
    %reduce_max3A_596 = vector.broadcast %reduce_max3A_595 : i32 to vector<16xi32>
    %reduce_max3A_597 = arith.xori %max3A_590, %reduce_max3A_596 : vector<16xi32>
    %reduce_max3A_598 = tpu.scan <max>, %reduce_max3A_597 masked %reduce_max3A_594 : vector<16xi32>, vector<16xi1> -> vector<16xi32>
    %reduce_max3A_599 = arith.xori %reduce_max3A_598, %reduce_max3A_596 : vector<16xi32>
    %reduce_max3A_600 = vector.extract %reduce_max3A_599[15] : i32 from vector<16xi32>
    %broadcast_in_dim3A_601 = vector.broadcast %reduce_max3A_600 : i32 to vector<16xi32>
    %eq3A_602 = arith.constant 0 : i32
    %eq3A_603 = vector.broadcast %eq3A_602 : i32 to vector<16xi32>
    %eq3A_604 = arith.cmpi eq, %iota3A, %eq3A_603 : vector<16xi32>
    tpu.vector_store_idx %arg7[%broadcast_in_dim3A_592], %broadcast_in_dim3A_601 masked %eq3A_604 : memref<32xi32, #tpu.memory_space<vmem>>[vector<16xi32>], vector<16xi32>, vector<16xi1>
    %get3A_605 = arith.constant 1920 : index
    %get3A_606 = tpu.vector_load %arg6[%get3A_605] {strides = array<i32>} : memref<4608xi32, #tpu.memory_space<vmem>>, vector<16xi32>,
    %max3A_607 = arith.maxsi %max3A_590, %get3A_606 : vector<16xi32>
    %get3A_608 = arith.constant 1936 : index
    %get3A_609 = tpu.vector_load %arg6[%get3A_608] {strides = array<i32>} : memref<4608xi32, #tpu.memory_space<vmem>>, vector<16xi32>,
    %max3A_610 = arith.maxsi %max3A_607, %get3A_609 : vector<16xi32>
    %get3A_611 = arith.constant 1952 : index
    %get3A_612 = tpu.vector_load %arg6[%get3A_611] {strides = array<i32>} : memref<4608xi32, #tpu.memory_space<vmem>>, vector<16xi32>,
    %max3A_613 = arith.maxsi %max3A_610, %get3A_612 : vector<16xi32>
    %get3A_614 = arith.constant 1968 : index
    %get3A_615 = tpu.vector_load %arg6[%get3A_614] {strides = array<i32>} : memref<4608xi32, #tpu.memory_space<vmem>>, vector<16xi32>,
    %max3A_616 = arith.maxsi %max3A_613, %get3A_615 : vector<16xi32>
    %get3A_617 = arith.constant 1984 : index
    %get3A_618 = tpu.vector_load %arg6[%get3A_617] {strides = array<i32>} : memref<4608xi32, #tpu.memory_space<vmem>>, vector<16xi32>,
    %max3A_619 = arith.maxsi %max3A_616, %get3A_618 : vector<16xi32>
    %get3A_620 = arith.constant 2000 : index
    %get3A_621 = tpu.vector_load %arg6[%get3A_620] {strides = array<i32>} : memref<4608xi32, #tpu.memory_space<vmem>>, vector<16xi32>,
    %max3A_622 = arith.maxsi %max3A_619, %get3A_621 : vector<16xi32>
    %get3A_623 = arith.constant 2016 : index
    %get3A_624 = tpu.vector_load %arg6[%get3A_623] {strides = array<i32>} : memref<4608xi32, #tpu.memory_space<vmem>>, vector<16xi32>,
    %max3A_625 = arith.maxsi %max3A_622, %get3A_624 : vector<16xi32>
    %get3A_626 = arith.constant 2032 : index
    %get3A_627 = tpu.vector_load %arg6[%get3A_626] {strides = array<i32>} : memref<4608xi32, #tpu.memory_space<vmem>>, vector<16xi32>,
    %max3A_628 = arith.maxsi %max3A_625, %get3A_627 : vector<16xi32>
    %broadcast_in_dim3A_629 = arith.constant 16 : i32
    %broadcast_in_dim3A_630 = vector.broadcast %broadcast_in_dim3A_629 : i32 to vector<16xi32>
    %reduce_max3A_631 = arith.constant true
    %reduce_max3A_632 = vector.broadcast %reduce_max3A_631 : i1 to vector<16xi1>
    %reduce_max3A_633 = arith.constant -2147483648 : i32
    %reduce_max3A_634 = vector.broadcast %reduce_max3A_633 : i32 to vector<16xi32>
    %reduce_max3A_635 = arith.xori %max3A_628, %reduce_max3A_634 : vector<16xi32>
    %reduce_max3A_636 = tpu.scan <max>, %reduce_max3A_635 masked %reduce_max3A_632 : vector<16xi32>, vector<16xi1> -> vector<16xi32>
    %reduce_max3A_637 = arith.xori %reduce_max3A_636, %reduce_max3A_634 : vector<16xi32>
    %reduce_max3A_638 = vector.extract %reduce_max3A_637[15] : i32 from vector<16xi32>
    %broadcast_in_dim3A_639 = vector.broadcast %reduce_max3A_638 : i32 to vector<16xi32>
    %eq3A_640 = arith.constant 0 : i32
    %eq3A_641 = vector.broadcast %eq3A_640 : i32 to vector<16xi32>
    %eq3A_642 = arith.cmpi eq, %iota3A, %eq3A_641 : vector<16xi32>
    tpu.vector_store_idx %arg7[%broadcast_in_dim3A_630], %broadcast_in_dim3A_639 masked %eq3A_642 : memref<32xi32, #tpu.memory_space<vmem>>[vector<16xi32>], vector<16xi32>, vector<16xi1>
    %get3A_643 = arith.constant 2048 : index
    %get3A_644 = tpu.vector_load %arg6[%get3A_643] {strides = array<i32>} : memref<4608xi32, #tpu.memory_space<vmem>>, vector<16xi32>,
    %max3A_645 = arith.maxsi %max3A_628, %get3A_644 : vector<16xi32>
    %get3A_646 = arith.constant 2064 : index
    %get3A_647 = tpu.vector_load %arg6[%get3A_646] {strides = array<i32>} : memref<4608xi32, #tpu.memory_space<vmem>>, vector<16xi32>,
    %max3A_648 = arith.maxsi %max3A_645, %get3A_647 : vector<16xi32>
    %get3A_649 = arith.constant 2080 : index
    %get3A_650 = tpu.vector_load %arg6[%get3A_649] {strides = array<i32>} : memref<4608xi32, #tpu.memory_space<vmem>>, vector<16xi32>,
    %max3A_651 = arith.maxsi %max3A_648, %get3A_650 : vector<16xi32>
    %get3A_652 = arith.constant 2096 : index
    %get3A_653 = tpu.vector_load %arg6[%get3A_652] {strides = array<i32>} : memref<4608xi32, #tpu.memory_space<vmem>>, vector<16xi32>,
    %max3A_654 = arith.maxsi %max3A_651, %get3A_653 : vector<16xi32>
    %get3A_655 = arith.constant 2112 : index
    %get3A_656 = tpu.vector_load %arg6[%get3A_655] {strides = array<i32>} : memref<4608xi32, #tpu.memory_space<vmem>>, vector<16xi32>,
    %max3A_657 = arith.maxsi %max3A_654, %get3A_656 : vector<16xi32>
    %get3A_658 = arith.constant 2128 : index
    %get3A_659 = tpu.vector_load %arg6[%get3A_658] {strides = array<i32>} : memref<4608xi32, #tpu.memory_space<vmem>>, vector<16xi32>,
    %max3A_660 = arith.maxsi %max3A_657, %get3A_659 : vector<16xi32>
    %get3A_661 = arith.constant 2144 : index
    %get3A_662 = tpu.vector_load %arg6[%get3A_661] {strides = array<i32>} : memref<4608xi32, #tpu.memory_space<vmem>>, vector<16xi32>,
    %max3A_663 = arith.maxsi %max3A_660, %get3A_662 : vector<16xi32>
    %get3A_664 = arith.constant 2160 : index
    %get3A_665 = tpu.vector_load %arg6[%get3A_664] {strides = array<i32>} : memref<4608xi32, #tpu.memory_space<vmem>>, vector<16xi32>,
    %max3A_666 = arith.maxsi %max3A_663, %get3A_665 : vector<16xi32>
    %broadcast_in_dim3A_667 = arith.constant 17 : i32
    %broadcast_in_dim3A_668 = vector.broadcast %broadcast_in_dim3A_667 : i32 to vector<16xi32>
    %reduce_max3A_669 = arith.constant true
    %reduce_max3A_670 = vector.broadcast %reduce_max3A_669 : i1 to vector<16xi1>
    %reduce_max3A_671 = arith.constant -2147483648 : i32
    %reduce_max3A_672 = vector.broadcast %reduce_max3A_671 : i32 to vector<16xi32>
    %reduce_max3A_673 = arith.xori %max3A_666, %reduce_max3A_672 : vector<16xi32>
    %reduce_max3A_674 = tpu.scan <max>, %reduce_max3A_673 masked %reduce_max3A_670 : vector<16xi32>, vector<16xi1> -> vector<16xi32>
    %reduce_max3A_675 = arith.xori %reduce_max3A_674, %reduce_max3A_672 : vector<16xi32>
    %reduce_max3A_676 = vector.extract %reduce_max3A_675[15] : i32 from vector<16xi32>
    %broadcast_in_dim3A_677 = vector.broadcast %reduce_max3A_676 : i32 to vector<16xi32>
    %eq3A_678 = arith.constant 0 : i32
    %eq3A_679 = vector.broadcast %eq3A_678 : i32 to vector<16xi32>
    %eq3A_680 = arith.cmpi eq, %iota3A, %eq3A_679 : vector<16xi32>
    tpu.vector_store_idx %arg7[%broadcast_in_dim3A_668], %broadcast_in_dim3A_677 masked %eq3A_680 : memref<32xi32, #tpu.memory_space<vmem>>[vector<16xi32>], vector<16xi32>, vector<16xi1>
    %get3A_681 = arith.constant 2176 : index
    %get3A_682 = tpu.vector_load %arg6[%get3A_681] {strides = array<i32>} : memref<4608xi32, #tpu.memory_space<vmem>>, vector<16xi32>,
    %max3A_683 = arith.maxsi %max3A_666, %get3A_682 : vector<16xi32>
    %get3A_684 = arith.constant 2192 : index
    %get3A_685 = tpu.vector_load %arg6[%get3A_684] {strides = array<i32>} : memref<4608xi32, #tpu.memory_space<vmem>>, vector<16xi32>,
    %max3A_686 = arith.maxsi %max3A_683, %get3A_685 : vector<16xi32>
    %get3A_687 = arith.constant 2208 : index
    %get3A_688 = tpu.vector_load %arg6[%get3A_687] {strides = array<i32>} : memref<4608xi32, #tpu.memory_space<vmem>>, vector<16xi32>,
    %max3A_689 = arith.maxsi %max3A_686, %get3A_688 : vector<16xi32>
    %get3A_690 = arith.constant 2224 : index
    %get3A_691 = tpu.vector_load %arg6[%get3A_690] {strides = array<i32>} : memref<4608xi32, #tpu.memory_space<vmem>>, vector<16xi32>,
    %max3A_692 = arith.maxsi %max3A_689, %get3A_691 : vector<16xi32>
    %get3A_693 = arith.constant 2240 : index
    %get3A_694 = tpu.vector_load %arg6[%get3A_693] {strides = array<i32>} : memref<4608xi32, #tpu.memory_space<vmem>>, vector<16xi32>,
    %max3A_695 = arith.maxsi %max3A_692, %get3A_694 : vector<16xi32>
    %get3A_696 = arith.constant 2256 : index
    %get3A_697 = tpu.vector_load %arg6[%get3A_696] {strides = array<i32>} : memref<4608xi32, #tpu.memory_space<vmem>>, vector<16xi32>,
    %max3A_698 = arith.maxsi %max3A_695, %get3A_697 : vector<16xi32>
    %get3A_699 = arith.constant 2272 : index
    %get3A_700 = tpu.vector_load %arg6[%get3A_699] {strides = array<i32>} : memref<4608xi32, #tpu.memory_space<vmem>>, vector<16xi32>,
    %max3A_701 = arith.maxsi %max3A_698, %get3A_700 : vector<16xi32>
    %get3A_702 = arith.constant 2288 : index
    %get3A_703 = tpu.vector_load %arg6[%get3A_702] {strides = array<i32>} : memref<4608xi32, #tpu.memory_space<vmem>>, vector<16xi32>,
    %max3A_704 = arith.maxsi %max3A_701, %get3A_703 : vector<16xi32>
    %broadcast_in_dim3A_705 = arith.constant 18 : i32
    %broadcast_in_dim3A_706 = vector.broadcast %broadcast_in_dim3A_705 : i32 to vector<16xi32>
    %reduce_max3A_707 = arith.constant true
    %reduce_max3A_708 = vector.broadcast %reduce_max3A_707 : i1 to vector<16xi1>
    %reduce_max3A_709 = arith.constant -2147483648 : i32
    %reduce_max3A_710 = vector.broadcast %reduce_max3A_709 : i32 to vector<16xi32>
    %reduce_max3A_711 = arith.xori %max3A_704, %reduce_max3A_710 : vector<16xi32>
    %reduce_max3A_712 = tpu.scan <max>, %reduce_max3A_711 masked %reduce_max3A_708 : vector<16xi32>, vector<16xi1> -> vector<16xi32>
    %reduce_max3A_713 = arith.xori %reduce_max3A_712, %reduce_max3A_710 : vector<16xi32>
    %reduce_max3A_714 = vector.extract %reduce_max3A_713[15] : i32 from vector<16xi32>
    %broadcast_in_dim3A_715 = vector.broadcast %reduce_max3A_714 : i32 to vector<16xi32>
    %eq3A_716 = arith.constant 0 : i32
    %eq3A_717 = vector.broadcast %eq3A_716 : i32 to vector<16xi32>
    %eq3A_718 = arith.cmpi eq, %iota3A, %eq3A_717 : vector<16xi32>
    tpu.vector_store_idx %arg7[%broadcast_in_dim3A_706], %broadcast_in_dim3A_715 masked %eq3A_718 : memref<32xi32, #tpu.memory_space<vmem>>[vector<16xi32>], vector<16xi32>, vector<16xi1>
    %get3A_719 = arith.constant 2304 : index
    %get3A_720 = tpu.vector_load %arg6[%get3A_719] {strides = array<i32>} : memref<4608xi32, #tpu.memory_space<vmem>>, vector<16xi32>,
    %max3A_721 = arith.maxsi %max3A_704, %get3A_720 : vector<16xi32>
    %get3A_722 = arith.constant 2320 : index
    %get3A_723 = tpu.vector_load %arg6[%get3A_722] {strides = array<i32>} : memref<4608xi32, #tpu.memory_space<vmem>>, vector<16xi32>,
    %max3A_724 = arith.maxsi %max3A_721, %get3A_723 : vector<16xi32>
    %get3A_725 = arith.constant 2336 : index
    %get3A_726 = tpu.vector_load %arg6[%get3A_725] {strides = array<i32>} : memref<4608xi32, #tpu.memory_space<vmem>>, vector<16xi32>,
    %max3A_727 = arith.maxsi %max3A_724, %get3A_726 : vector<16xi32>
    %get3A_728 = arith.constant 2352 : index
    %get3A_729 = tpu.vector_load %arg6[%get3A_728] {strides = array<i32>} : memref<4608xi32, #tpu.memory_space<vmem>>, vector<16xi32>,
    %max3A_730 = arith.maxsi %max3A_727, %get3A_729 : vector<16xi32>
    %get3A_731 = arith.constant 2368 : index
    %get3A_732 = tpu.vector_load %arg6[%get3A_731] {strides = array<i32>} : memref<4608xi32, #tpu.memory_space<vmem>>, vector<16xi32>,
    %max3A_733 = arith.maxsi %max3A_730, %get3A_732 : vector<16xi32>
    %get3A_734 = arith.constant 2384 : index
    %get3A_735 = tpu.vector_load %arg6[%get3A_734] {strides = array<i32>} : memref<4608xi32, #tpu.memory_space<vmem>>, vector<16xi32>,
    %max3A_736 = arith.maxsi %max3A_733, %get3A_735 : vector<16xi32>
    %get3A_737 = arith.constant 2400 : index
    %get3A_738 = tpu.vector_load %arg6[%get3A_737] {strides = array<i32>} : memref<4608xi32, #tpu.memory_space<vmem>>, vector<16xi32>,
    %max3A_739 = arith.maxsi %max3A_736, %get3A_738 : vector<16xi32>
    %get3A_740 = arith.constant 2416 : index
    %get3A_741 = tpu.vector_load %arg6[%get3A_740] {strides = array<i32>} : memref<4608xi32, #tpu.memory_space<vmem>>, vector<16xi32>,
    %max3A_742 = arith.maxsi %max3A_739, %get3A_741 : vector<16xi32>
    %broadcast_in_dim3A_743 = arith.constant 19 : i32
    %broadcast_in_dim3A_744 = vector.broadcast %broadcast_in_dim3A_743 : i32 to vector<16xi32>
    %reduce_max3A_745 = arith.constant true
    %reduce_max3A_746 = vector.broadcast %reduce_max3A_745 : i1 to vector<16xi1>
    %reduce_max3A_747 = arith.constant -2147483648 : i32
    %reduce_max3A_748 = vector.broadcast %reduce_max3A_747 : i32 to vector<16xi32>
    %reduce_max3A_749 = arith.xori %max3A_742, %reduce_max3A_748 : vector<16xi32>
    %reduce_max3A_750 = tpu.scan <max>, %reduce_max3A_749 masked %reduce_max3A_746 : vector<16xi32>, vector<16xi1> -> vector<16xi32>
    %reduce_max3A_751 = arith.xori %reduce_max3A_750, %reduce_max3A_748 : vector<16xi32>
    %reduce_max3A_752 = vector.extract %reduce_max3A_751[15] : i32 from vector<16xi32>
    %broadcast_in_dim3A_753 = vector.broadcast %reduce_max3A_752 : i32 to vector<16xi32>
    %eq3A_754 = arith.constant 0 : i32
    %eq3A_755 = vector.broadcast %eq3A_754 : i32 to vector<16xi32>
    %eq3A_756 = arith.cmpi eq, %iota3A, %eq3A_755 : vector<16xi32>
    tpu.vector_store_idx %arg7[%broadcast_in_dim3A_744], %broadcast_in_dim3A_753 masked %eq3A_756 : memref<32xi32, #tpu.memory_space<vmem>>[vector<16xi32>], vector<16xi32>, vector<16xi1>
    %get3A_757 = arith.constant 2432 : index
    %get3A_758 = tpu.vector_load %arg6[%get3A_757] {strides = array<i32>} : memref<4608xi32, #tpu.memory_space<vmem>>, vector<16xi32>,
    %max3A_759 = arith.maxsi %max3A_742, %get3A_758 : vector<16xi32>
    %get3A_760 = arith.constant 2448 : index
    %get3A_761 = tpu.vector_load %arg6[%get3A_760] {strides = array<i32>} : memref<4608xi32, #tpu.memory_space<vmem>>, vector<16xi32>,
    %max3A_762 = arith.maxsi %max3A_759, %get3A_761 : vector<16xi32>
    %get3A_763 = arith.constant 2464 : index
    %get3A_764 = tpu.vector_load %arg6[%get3A_763] {strides = array<i32>} : memref<4608xi32, #tpu.memory_space<vmem>>, vector<16xi32>,
    %max3A_765 = arith.maxsi %max3A_762, %get3A_764 : vector<16xi32>
    %get3A_766 = arith.constant 2480 : index
    %get3A_767 = tpu.vector_load %arg6[%get3A_766] {strides = array<i32>} : memref<4608xi32, #tpu.memory_space<vmem>>, vector<16xi32>,
    %max3A_768 = arith.maxsi %max3A_765, %get3A_767 : vector<16xi32>
    %get3A_769 = arith.constant 2496 : index
    %get3A_770 = tpu.vector_load %arg6[%get3A_769] {strides = array<i32>} : memref<4608xi32, #tpu.memory_space<vmem>>, vector<16xi32>,
    %max3A_771 = arith.maxsi %max3A_768, %get3A_770 : vector<16xi32>
    %get3A_772 = arith.constant 2512 : index
    %get3A_773 = tpu.vector_load %arg6[%get3A_772] {strides = array<i32>} : memref<4608xi32, #tpu.memory_space<vmem>>, vector<16xi32>,
    %max3A_774 = arith.maxsi %max3A_771, %get3A_773 : vector<16xi32>
    %get3A_775 = arith.constant 2528 : index
    %get3A_776 = tpu.vector_load %arg6[%get3A_775] {strides = array<i32>} : memref<4608xi32, #tpu.memory_space<vmem>>, vector<16xi32>,
    %max3A_777 = arith.maxsi %max3A_774, %get3A_776 : vector<16xi32>
    %get3A_778 = arith.constant 2544 : index
    %get3A_779 = tpu.vector_load %arg6[%get3A_778] {strides = array<i32>} : memref<4608xi32, #tpu.memory_space<vmem>>, vector<16xi32>,
    %max3A_780 = arith.maxsi %max3A_777, %get3A_779 : vector<16xi32>
    %broadcast_in_dim3A_781 = arith.constant 20 : i32
    %broadcast_in_dim3A_782 = vector.broadcast %broadcast_in_dim3A_781 : i32 to vector<16xi32>
    %reduce_max3A_783 = arith.constant true
    %reduce_max3A_784 = vector.broadcast %reduce_max3A_783 : i1 to vector<16xi1>
    %reduce_max3A_785 = arith.constant -2147483648 : i32
    %reduce_max3A_786 = vector.broadcast %reduce_max3A_785 : i32 to vector<16xi32>
    %reduce_max3A_787 = arith.xori %max3A_780, %reduce_max3A_786 : vector<16xi32>
    %reduce_max3A_788 = tpu.scan <max>, %reduce_max3A_787 masked %reduce_max3A_784 : vector<16xi32>, vector<16xi1> -> vector<16xi32>
    %reduce_max3A_789 = arith.xori %reduce_max3A_788, %reduce_max3A_786 : vector<16xi32>
    %reduce_max3A_790 = vector.extract %reduce_max3A_789[15] : i32 from vector<16xi32>
    %broadcast_in_dim3A_791 = vector.broadcast %reduce_max3A_790 : i32 to vector<16xi32>
    %eq3A_792 = arith.constant 0 : i32
    %eq3A_793 = vector.broadcast %eq3A_792 : i32 to vector<16xi32>
    %eq3A_794 = arith.cmpi eq, %iota3A, %eq3A_793 : vector<16xi32>
    tpu.vector_store_idx %arg7[%broadcast_in_dim3A_782], %broadcast_in_dim3A_791 masked %eq3A_794 : memref<32xi32, #tpu.memory_space<vmem>>[vector<16xi32>], vector<16xi32>, vector<16xi1>
    %get3A_795 = arith.constant 2560 : index
    %get3A_796 = tpu.vector_load %arg6[%get3A_795] {strides = array<i32>} : memref<4608xi32, #tpu.memory_space<vmem>>, vector<16xi32>,
    %max3A_797 = arith.maxsi %max3A_780, %get3A_796 : vector<16xi32>
    %get3A_798 = arith.constant 2576 : index
    %get3A_799 = tpu.vector_load %arg6[%get3A_798] {strides = array<i32>} : memref<4608xi32, #tpu.memory_space<vmem>>, vector<16xi32>,
    %max3A_800 = arith.maxsi %max3A_797, %get3A_799 : vector<16xi32>
    %get3A_801 = arith.constant 2592 : index
    %get3A_802 = tpu.vector_load %arg6[%get3A_801] {strides = array<i32>} : memref<4608xi32, #tpu.memory_space<vmem>>, vector<16xi32>,
    %max3A_803 = arith.maxsi %max3A_800, %get3A_802 : vector<16xi32>
    %get3A_804 = arith.constant 2608 : index
    %get3A_805 = tpu.vector_load %arg6[%get3A_804] {strides = array<i32>} : memref<4608xi32, #tpu.memory_space<vmem>>, vector<16xi32>,
    %max3A_806 = arith.maxsi %max3A_803, %get3A_805 : vector<16xi32>
    %get3A_807 = arith.constant 2624 : index
    %get3A_808 = tpu.vector_load %arg6[%get3A_807] {strides = array<i32>} : memref<4608xi32, #tpu.memory_space<vmem>>, vector<16xi32>,
    %max3A_809 = arith.maxsi %max3A_806, %get3A_808 : vector<16xi32>
    %get3A_810 = arith.constant 2640 : index
    %get3A_811 = tpu.vector_load %arg6[%get3A_810] {strides = array<i32>} : memref<4608xi32, #tpu.memory_space<vmem>>, vector<16xi32>,
    %max3A_812 = arith.maxsi %max3A_809, %get3A_811 : vector<16xi32>
    %get3A_813 = arith.constant 2656 : index
    %get3A_814 = tpu.vector_load %arg6[%get3A_813] {strides = array<i32>} : memref<4608xi32, #tpu.memory_space<vmem>>, vector<16xi32>,
    %max3A_815 = arith.maxsi %max3A_812, %get3A_814 : vector<16xi32>
    %get3A_816 = arith.constant 2672 : index
    %get3A_817 = tpu.vector_load %arg6[%get3A_816] {strides = array<i32>} : memref<4608xi32, #tpu.memory_space<vmem>>, vector<16xi32>,
    %max3A_818 = arith.maxsi %max3A_815, %get3A_817 : vector<16xi32>
    %broadcast_in_dim3A_819 = arith.constant 21 : i32
    %broadcast_in_dim3A_820 = vector.broadcast %broadcast_in_dim3A_819 : i32 to vector<16xi32>
    %reduce_max3A_821 = arith.constant true
    %reduce_max3A_822 = vector.broadcast %reduce_max3A_821 : i1 to vector<16xi1>
    %reduce_max3A_823 = arith.constant -2147483648 : i32
    %reduce_max3A_824 = vector.broadcast %reduce_max3A_823 : i32 to vector<16xi32>
    %reduce_max3A_825 = arith.xori %max3A_818, %reduce_max3A_824 : vector<16xi32>
    %reduce_max3A_826 = tpu.scan <max>, %reduce_max3A_825 masked %reduce_max3A_822 : vector<16xi32>, vector<16xi1> -> vector<16xi32>
    %reduce_max3A_827 = arith.xori %reduce_max3A_826, %reduce_max3A_824 : vector<16xi32>
    %reduce_max3A_828 = vector.extract %reduce_max3A_827[15] : i32 from vector<16xi32>
    %broadcast_in_dim3A_829 = vector.broadcast %reduce_max3A_828 : i32 to vector<16xi32>
    %eq3A_830 = arith.constant 0 : i32
    %eq3A_831 = vector.broadcast %eq3A_830 : i32 to vector<16xi32>
    %eq3A_832 = arith.cmpi eq, %iota3A, %eq3A_831 : vector<16xi32>
    tpu.vector_store_idx %arg7[%broadcast_in_dim3A_820], %broadcast_in_dim3A_829 masked %eq3A_832 : memref<32xi32, #tpu.memory_space<vmem>>[vector<16xi32>], vector<16xi32>, vector<16xi1>
    %get3A_833 = arith.constant 2688 : index
    %get3A_834 = tpu.vector_load %arg6[%get3A_833] {strides = array<i32>} : memref<4608xi32, #tpu.memory_space<vmem>>, vector<16xi32>,
    %max3A_835 = arith.maxsi %max3A_818, %get3A_834 : vector<16xi32>
    %get3A_836 = arith.constant 2704 : index
    %get3A_837 = tpu.vector_load %arg6[%get3A_836] {strides = array<i32>} : memref<4608xi32, #tpu.memory_space<vmem>>, vector<16xi32>,
    %max3A_838 = arith.maxsi %max3A_835, %get3A_837 : vector<16xi32>
    %get3A_839 = arith.constant 2720 : index
    %get3A_840 = tpu.vector_load %arg6[%get3A_839] {strides = array<i32>} : memref<4608xi32, #tpu.memory_space<vmem>>, vector<16xi32>,
    %max3A_841 = arith.maxsi %max3A_838, %get3A_840 : vector<16xi32>
    %get3A_842 = arith.constant 2736 : index
    %get3A_843 = tpu.vector_load %arg6[%get3A_842] {strides = array<i32>} : memref<4608xi32, #tpu.memory_space<vmem>>, vector<16xi32>,
    %max3A_844 = arith.maxsi %max3A_841, %get3A_843 : vector<16xi32>
    %get3A_845 = arith.constant 2752 : index
    %get3A_846 = tpu.vector_load %arg6[%get3A_845] {strides = array<i32>} : memref<4608xi32, #tpu.memory_space<vmem>>, vector<16xi32>,
    %max3A_847 = arith.maxsi %max3A_844, %get3A_846 : vector<16xi32>
    %get3A_848 = arith.constant 2768 : index
    %get3A_849 = tpu.vector_load %arg6[%get3A_848] {strides = array<i32>} : memref<4608xi32, #tpu.memory_space<vmem>>, vector<16xi32>,
    %max3A_850 = arith.maxsi %max3A_847, %get3A_849 : vector<16xi32>
    %get3A_851 = arith.constant 2784 : index
    %get3A_852 = tpu.vector_load %arg6[%get3A_851] {strides = array<i32>} : memref<4608xi32, #tpu.memory_space<vmem>>, vector<16xi32>,
    %max3A_853 = arith.maxsi %max3A_850, %get3A_852 : vector<16xi32>
    %get3A_854 = arith.constant 2800 : index
    %get3A_855 = tpu.vector_load %arg6[%get3A_854] {strides = array<i32>} : memref<4608xi32, #tpu.memory_space<vmem>>, vector<16xi32>,
    %max3A_856 = arith.maxsi %max3A_853, %get3A_855 : vector<16xi32>
    %broadcast_in_dim3A_857 = arith.constant 22 : i32
    %broadcast_in_dim3A_858 = vector.broadcast %broadcast_in_dim3A_857 : i32 to vector<16xi32>
    %reduce_max3A_859 = arith.constant true
    %reduce_max3A_860 = vector.broadcast %reduce_max3A_859 : i1 to vector<16xi1>
    %reduce_max3A_861 = arith.constant -2147483648 : i32
    %reduce_max3A_862 = vector.broadcast %reduce_max3A_861 : i32 to vector<16xi32>
    %reduce_max3A_863 = arith.xori %max3A_856, %reduce_max3A_862 : vector<16xi32>
    %reduce_max3A_864 = tpu.scan <max>, %reduce_max3A_863 masked %reduce_max3A_860 : vector<16xi32>, vector<16xi1> -> vector<16xi32>
    %reduce_max3A_865 = arith.xori %reduce_max3A_864, %reduce_max3A_862 : vector<16xi32>
    %reduce_max3A_866 = vector.extract %reduce_max3A_865[15] : i32 from vector<16xi32>
    %broadcast_in_dim3A_867 = vector.broadcast %reduce_max3A_866 : i32 to vector<16xi32>
    %eq3A_868 = arith.constant 0 : i32
    %eq3A_869 = vector.broadcast %eq3A_868 : i32 to vector<16xi32>
    %eq3A_870 = arith.cmpi eq, %iota3A, %eq3A_869 : vector<16xi32>
    tpu.vector_store_idx %arg7[%broadcast_in_dim3A_858], %broadcast_in_dim3A_867 masked %eq3A_870 : memref<32xi32, #tpu.memory_space<vmem>>[vector<16xi32>], vector<16xi32>, vector<16xi1>
    %get3A_871 = arith.constant 2816 : index
    %get3A_872 = tpu.vector_load %arg6[%get3A_871] {strides = array<i32>} : memref<4608xi32, #tpu.memory_space<vmem>>, vector<16xi32>,
    %max3A_873 = arith.maxsi %max3A_856, %get3A_872 : vector<16xi32>
    %get3A_874 = arith.constant 2832 : index
    %get3A_875 = tpu.vector_load %arg6[%get3A_874] {strides = array<i32>} : memref<4608xi32, #tpu.memory_space<vmem>>, vector<16xi32>,
    %max3A_876 = arith.maxsi %max3A_873, %get3A_875 : vector<16xi32>
    %get3A_877 = arith.constant 2848 : index
    %get3A_878 = tpu.vector_load %arg6[%get3A_877] {strides = array<i32>} : memref<4608xi32, #tpu.memory_space<vmem>>, vector<16xi32>,
    %max3A_879 = arith.maxsi %max3A_876, %get3A_878 : vector<16xi32>
    %get3A_880 = arith.constant 2864 : index
    %get3A_881 = tpu.vector_load %arg6[%get3A_880] {strides = array<i32>} : memref<4608xi32, #tpu.memory_space<vmem>>, vector<16xi32>,
    %max3A_882 = arith.maxsi %max3A_879, %get3A_881 : vector<16xi32>
    %get3A_883 = arith.constant 2880 : index
    %get3A_884 = tpu.vector_load %arg6[%get3A_883] {strides = array<i32>} : memref<4608xi32, #tpu.memory_space<vmem>>, vector<16xi32>,
    %max3A_885 = arith.maxsi %max3A_882, %get3A_884 : vector<16xi32>
    %get3A_886 = arith.constant 2896 : index
    %get3A_887 = tpu.vector_load %arg6[%get3A_886] {strides = array<i32>} : memref<4608xi32, #tpu.memory_space<vmem>>, vector<16xi32>,
    %max3A_888 = arith.maxsi %max3A_885, %get3A_887 : vector<16xi32>
    %get3A_889 = arith.constant 2912 : index
    %get3A_890 = tpu.vector_load %arg6[%get3A_889] {strides = array<i32>} : memref<4608xi32, #tpu.memory_space<vmem>>, vector<16xi32>,
    %max3A_891 = arith.maxsi %max3A_888, %get3A_890 : vector<16xi32>
    %get3A_892 = arith.constant 2928 : index
    %get3A_893 = tpu.vector_load %arg6[%get3A_892] {strides = array<i32>} : memref<4608xi32, #tpu.memory_space<vmem>>, vector<16xi32>,
    %max3A_894 = arith.maxsi %max3A_891, %get3A_893 : vector<16xi32>
    %broadcast_in_dim3A_895 = arith.constant 23 : i32
    %broadcast_in_dim3A_896 = vector.broadcast %broadcast_in_dim3A_895 : i32 to vector<16xi32>
    %reduce_max3A_897 = arith.constant true
    %reduce_max3A_898 = vector.broadcast %reduce_max3A_897 : i1 to vector<16xi1>
    %reduce_max3A_899 = arith.constant -2147483648 : i32
    %reduce_max3A_900 = vector.broadcast %reduce_max3A_899 : i32 to vector<16xi32>
    %reduce_max3A_901 = arith.xori %max3A_894, %reduce_max3A_900 : vector<16xi32>
    %reduce_max3A_902 = tpu.scan <max>, %reduce_max3A_901 masked %reduce_max3A_898 : vector<16xi32>, vector<16xi1> -> vector<16xi32>
    %reduce_max3A_903 = arith.xori %reduce_max3A_902, %reduce_max3A_900 : vector<16xi32>
    %reduce_max3A_904 = vector.extract %reduce_max3A_903[15] : i32 from vector<16xi32>
    %broadcast_in_dim3A_905 = vector.broadcast %reduce_max3A_904 : i32 to vector<16xi32>
    %eq3A_906 = arith.constant 0 : i32
    %eq3A_907 = vector.broadcast %eq3A_906 : i32 to vector<16xi32>
    %eq3A_908 = arith.cmpi eq, %iota3A, %eq3A_907 : vector<16xi32>
    tpu.vector_store_idx %arg7[%broadcast_in_dim3A_896], %broadcast_in_dim3A_905 masked %eq3A_908 : memref<32xi32, #tpu.memory_space<vmem>>[vector<16xi32>], vector<16xi32>, vector<16xi1>
    %get3A_909 = arith.constant 2944 : index
    %get3A_910 = tpu.vector_load %arg6[%get3A_909] {strides = array<i32>} : memref<4608xi32, #tpu.memory_space<vmem>>, vector<16xi32>,
    %max3A_911 = arith.maxsi %max3A_894, %get3A_910 : vector<16xi32>
    %get3A_912 = arith.constant 2960 : index
    %get3A_913 = tpu.vector_load %arg6[%get3A_912] {strides = array<i32>} : memref<4608xi32, #tpu.memory_space<vmem>>, vector<16xi32>,
    %max3A_914 = arith.maxsi %max3A_911, %get3A_913 : vector<16xi32>
    %get3A_915 = arith.constant 2976 : index
    %get3A_916 = tpu.vector_load %arg6[%get3A_915] {strides = array<i32>} : memref<4608xi32, #tpu.memory_space<vmem>>, vector<16xi32>,
    %max3A_917 = arith.maxsi %max3A_914, %get3A_916 : vector<16xi32>
    %get3A_918 = arith.constant 2992 : index
    %get3A_919 = tpu.vector_load %arg6[%get3A_918] {strides = array<i32>} : memref<4608xi32, #tpu.memory_space<vmem>>, vector<16xi32>,
    %max3A_920 = arith.maxsi %max3A_917, %get3A_919 : vector<16xi32>
    %get3A_921 = arith.constant 3008 : index
    %get3A_922 = tpu.vector_load %arg6[%get3A_921] {strides = array<i32>} : memref<4608xi32, #tpu.memory_space<vmem>>, vector<16xi32>,
    %max3A_923 = arith.maxsi %max3A_920, %get3A_922 : vector<16xi32>
    %get3A_924 = arith.constant 3024 : index
    %get3A_925 = tpu.vector_load %arg6[%get3A_924] {strides = array<i32>} : memref<4608xi32, #tpu.memory_space<vmem>>, vector<16xi32>,
    %max3A_926 = arith.maxsi %max3A_923, %get3A_925 : vector<16xi32>
    %get3A_927 = arith.constant 3040 : index
    %get3A_928 = tpu.vector_load %arg6[%get3A_927] {strides = array<i32>} : memref<4608xi32, #tpu.memory_space<vmem>>, vector<16xi32>,
    %max3A_929 = arith.maxsi %max3A_926, %get3A_928 : vector<16xi32>
    %get3A_930 = arith.constant 3056 : index
    %get3A_931 = tpu.vector_load %arg6[%get3A_930] {strides = array<i32>} : memref<4608xi32, #tpu.memory_space<vmem>>, vector<16xi32>,
    %max3A_932 = arith.maxsi %max3A_929, %get3A_931 : vector<16xi32>
    %broadcast_in_dim3A_933 = arith.constant 24 : i32
    %broadcast_in_dim3A_934 = vector.broadcast %broadcast_in_dim3A_933 : i32 to vector<16xi32>
    %reduce_max3A_935 = arith.constant true
    %reduce_max3A_936 = vector.broadcast %reduce_max3A_935 : i1 to vector<16xi1>
    %reduce_max3A_937 = arith.constant -2147483648 : i32
    %reduce_max3A_938 = vector.broadcast %reduce_max3A_937 : i32 to vector<16xi32>
    %reduce_max3A_939 = arith.xori %max3A_932, %reduce_max3A_938 : vector<16xi32>
    %reduce_max3A_940 = tpu.scan <max>, %reduce_max3A_939 masked %reduce_max3A_936 : vector<16xi32>, vector<16xi1> -> vector<16xi32>
    %reduce_max3A_941 = arith.xori %reduce_max3A_940, %reduce_max3A_938 : vector<16xi32>
    %reduce_max3A_942 = vector.extract %reduce_max3A_941[15] : i32 from vector<16xi32>
    %broadcast_in_dim3A_943 = vector.broadcast %reduce_max3A_942 : i32 to vector<16xi32>
    %eq3A_944 = arith.constant 0 : i32
    %eq3A_945 = vector.broadcast %eq3A_944 : i32 to vector<16xi32>
    %eq3A_946 = arith.cmpi eq, %iota3A, %eq3A_945 : vector<16xi32>
    tpu.vector_store_idx %arg7[%broadcast_in_dim3A_934], %broadcast_in_dim3A_943 masked %eq3A_946 : memref<32xi32, #tpu.memory_space<vmem>>[vector<16xi32>], vector<16xi32>, vector<16xi1>
    %get3A_947 = arith.constant 3072 : index
    %get3A_948 = tpu.vector_load %arg6[%get3A_947] {strides = array<i32>} : memref<4608xi32, #tpu.memory_space<vmem>>, vector<16xi32>,
    %max3A_949 = arith.maxsi %max3A_932, %get3A_948 : vector<16xi32>
    %get3A_950 = arith.constant 3088 : index
    %get3A_951 = tpu.vector_load %arg6[%get3A_950] {strides = array<i32>} : memref<4608xi32, #tpu.memory_space<vmem>>, vector<16xi32>,
    %max3A_952 = arith.maxsi %max3A_949, %get3A_951 : vector<16xi32>
    %get3A_953 = arith.constant 3104 : index
    %get3A_954 = tpu.vector_load %arg6[%get3A_953] {strides = array<i32>} : memref<4608xi32, #tpu.memory_space<vmem>>, vector<16xi32>,
    %max3A_955 = arith.maxsi %max3A_952, %get3A_954 : vector<16xi32>
    %get3A_956 = arith.constant 3120 : index
    %get3A_957 = tpu.vector_load %arg6[%get3A_956] {strides = array<i32>} : memref<4608xi32, #tpu.memory_space<vmem>>, vector<16xi32>,
    %max3A_958 = arith.maxsi %max3A_955, %get3A_957 : vector<16xi32>
    %get3A_959 = arith.constant 3136 : index
    %get3A_960 = tpu.vector_load %arg6[%get3A_959] {strides = array<i32>} : memref<4608xi32, #tpu.memory_space<vmem>>, vector<16xi32>,
    %max3A_961 = arith.maxsi %max3A_958, %get3A_960 : vector<16xi32>
    %get3A_962 = arith.constant 3152 : index
    %get3A_963 = tpu.vector_load %arg6[%get3A_962] {strides = array<i32>} : memref<4608xi32, #tpu.memory_space<vmem>>, vector<16xi32>,
    %max3A_964 = arith.maxsi %max3A_961, %get3A_963 : vector<16xi32>
    %get3A_965 = arith.constant 3168 : index
    %get3A_966 = tpu.vector_load %arg6[%get3A_965] {strides = array<i32>} : memref<4608xi32, #tpu.memory_space<vmem>>, vector<16xi32>,
    %max3A_967 = arith.maxsi %max3A_964, %get3A_966 : vector<16xi32>
    %get3A_968 = arith.constant 3184 : index
    %get3A_969 = tpu.vector_load %arg6[%get3A_968] {strides = array<i32>} : memref<4608xi32, #tpu.memory_space<vmem>>, vector<16xi32>,
    %max3A_970 = arith.maxsi %max3A_967, %get3A_969 : vector<16xi32>
    %broadcast_in_dim3A_971 = arith.constant 25 : i32
    %broadcast_in_dim3A_972 = vector.broadcast %broadcast_in_dim3A_971 : i32 to vector<16xi32>
    %reduce_max3A_973 = arith.constant true
    %reduce_max3A_974 = vector.broadcast %reduce_max3A_973 : i1 to vector<16xi1>
    %reduce_max3A_975 = arith.constant -2147483648 : i32
    %reduce_max3A_976 = vector.broadcast %reduce_max3A_975 : i32 to vector<16xi32>
    %reduce_max3A_977 = arith.xori %max3A_970, %reduce_max3A_976 : vector<16xi32>
    %reduce_max3A_978 = tpu.scan <max>, %reduce_max3A_977 masked %reduce_max3A_974 : vector<16xi32>, vector<16xi1> -> vector<16xi32>
    %reduce_max3A_979 = arith.xori %reduce_max3A_978, %reduce_max3A_976 : vector<16xi32>
    %reduce_max3A_980 = vector.extract %reduce_max3A_979[15] : i32 from vector<16xi32>
    %broadcast_in_dim3A_981 = vector.broadcast %reduce_max3A_980 : i32 to vector<16xi32>
    %eq3A_982 = arith.constant 0 : i32
    %eq3A_983 = vector.broadcast %eq3A_982 : i32 to vector<16xi32>
    %eq3A_984 = arith.cmpi eq, %iota3A, %eq3A_983 : vector<16xi32>
    tpu.vector_store_idx %arg7[%broadcast_in_dim3A_972], %broadcast_in_dim3A_981 masked %eq3A_984 : memref<32xi32, #tpu.memory_space<vmem>>[vector<16xi32>], vector<16xi32>, vector<16xi1>
    %get3A_985 = arith.constant 3200 : index
    %get3A_986 = tpu.vector_load %arg6[%get3A_985] {strides = array<i32>} : memref<4608xi32, #tpu.memory_space<vmem>>, vector<16xi32>,
    %max3A_987 = arith.maxsi %max3A_970, %get3A_986 : vector<16xi32>
    %get3A_988 = arith.constant 3216 : index
    %get3A_989 = tpu.vector_load %arg6[%get3A_988] {strides = array<i32>} : memref<4608xi32, #tpu.memory_space<vmem>>, vector<16xi32>,
    %max3A_990 = arith.maxsi %max3A_987, %get3A_989 : vector<16xi32>
    %get3A_991 = arith.constant 3232 : index
    %get3A_992 = tpu.vector_load %arg6[%get3A_991] {strides = array<i32>} : memref<4608xi32, #tpu.memory_space<vmem>>, vector<16xi32>,
    %max3A_993 = arith.maxsi %max3A_990, %get3A_992 : vector<16xi32>
    %get3A_994 = arith.constant 3248 : index
    %get3A_995 = tpu.vector_load %arg6[%get3A_994] {strides = array<i32>} : memref<4608xi32, #tpu.memory_space<vmem>>, vector<16xi32>,
    %max3A_996 = arith.maxsi %max3A_993, %get3A_995 : vector<16xi32>
    %get3A_997 = arith.constant 3264 : index
    %get3A_998 = tpu.vector_load %arg6[%get3A_997] {strides = array<i32>} : memref<4608xi32, #tpu.memory_space<vmem>>, vector<16xi32>,
    %max3A_999 = arith.maxsi %max3A_996, %get3A_998 : vector<16xi32>
    %get3A_1000 = arith.constant 3280 : index
    %get3A_1001 = tpu.vector_load %arg6[%get3A_1000] {strides = array<i32>} : memref<4608xi32, #tpu.memory_space<vmem>>, vector<16xi32>,
    %max3A_1002 = arith.maxsi %max3A_999, %get3A_1001 : vector<16xi32>
    %get3A_1003 = arith.constant 3296 : index
    %get3A_1004 = tpu.vector_load %arg6[%get3A_1003] {strides = array<i32>} : memref<4608xi32, #tpu.memory_space<vmem>>, vector<16xi32>,
    %max3A_1005 = arith.maxsi %max3A_1002, %get3A_1004 : vector<16xi32>
    %get3A_1006 = arith.constant 3312 : index
    %get3A_1007 = tpu.vector_load %arg6[%get3A_1006] {strides = array<i32>} : memref<4608xi32, #tpu.memory_space<vmem>>, vector<16xi32>,
    %max3A_1008 = arith.maxsi %max3A_1005, %get3A_1007 : vector<16xi32>
    %broadcast_in_dim3A_1009 = arith.constant 26 : i32
    %broadcast_in_dim3A_1010 = vector.broadcast %broadcast_in_dim3A_1009 : i32 to vector<16xi32>
    %reduce_max3A_1011 = arith.constant true
    %reduce_max3A_1012 = vector.broadcast %reduce_max3A_1011 : i1 to vector<16xi1>
    %reduce_max3A_1013 = arith.constant -2147483648 : i32
    %reduce_max3A_1014 = vector.broadcast %reduce_max3A_1013 : i32 to vector<16xi32>
    %reduce_max3A_1015 = arith.xori %max3A_1008, %reduce_max3A_1014 : vector<16xi32>
    %reduce_max3A_1016 = tpu.scan <max>, %reduce_max3A_1015 masked %reduce_max3A_1012 : vector<16xi32>, vector<16xi1> -> vector<16xi32>
    %reduce_max3A_1017 = arith.xori %reduce_max3A_1016, %reduce_max3A_1014 : vector<16xi32>
    %reduce_max3A_1018 = vector.extract %reduce_max3A_1017[15] : i32 from vector<16xi32>
    %broadcast_in_dim3A_1019 = vector.broadcast %reduce_max3A_1018 : i32 to vector<16xi32>
    %eq3A_1020 = arith.constant 0 : i32
    %eq3A_1021 = vector.broadcast %eq3A_1020 : i32 to vector<16xi32>
    %eq3A_1022 = arith.cmpi eq, %iota3A, %eq3A_1021 : vector<16xi32>
    tpu.vector_store_idx %arg7[%broadcast_in_dim3A_1010], %broadcast_in_dim3A_1019 masked %eq3A_1022 : memref<32xi32, #tpu.memory_space<vmem>>[vector<16xi32>], vector<16xi32>, vector<16xi1>
    %get3A_1023 = arith.constant 3328 : index
    %get3A_1024 = tpu.vector_load %arg6[%get3A_1023] {strides = array<i32>} : memref<4608xi32, #tpu.memory_space<vmem>>, vector<16xi32>,
    %max3A_1025 = arith.maxsi %max3A_1008, %get3A_1024 : vector<16xi32>
    %get3A_1026 = arith.constant 3344 : index
    %get3A_1027 = tpu.vector_load %arg6[%get3A_1026] {strides = array<i32>} : memref<4608xi32, #tpu.memory_space<vmem>>, vector<16xi32>,
    %max3A_1028 = arith.maxsi %max3A_1025, %get3A_1027 : vector<16xi32>
    %get3A_1029 = arith.constant 3360 : index
    %get3A_1030 = tpu.vector_load %arg6[%get3A_1029] {strides = array<i32>} : memref<4608xi32, #tpu.memory_space<vmem>>, vector<16xi32>,
    %max3A_1031 = arith.maxsi %max3A_1028, %get3A_1030 : vector<16xi32>
    %get3A_1032 = arith.constant 3376 : index
    %get3A_1033 = tpu.vector_load %arg6[%get3A_1032] {strides = array<i32>} : memref<4608xi32, #tpu.memory_space<vmem>>, vector<16xi32>,
    %max3A_1034 = arith.maxsi %max3A_1031, %get3A_1033 : vector<16xi32>
    %get3A_1035 = arith.constant 3392 : index
    %get3A_1036 = tpu.vector_load %arg6[%get3A_1035] {strides = array<i32>} : memref<4608xi32, #tpu.memory_space<vmem>>, vector<16xi32>,
    %max3A_1037 = arith.maxsi %max3A_1034, %get3A_1036 : vector<16xi32>
    %get3A_1038 = arith.constant 3408 : index
    %get3A_1039 = tpu.vector_load %arg6[%get3A_1038] {strides = array<i32>} : memref<4608xi32, #tpu.memory_space<vmem>>, vector<16xi32>,
    %max3A_1040 = arith.maxsi %max3A_1037, %get3A_1039 : vector<16xi32>
    %get3A_1041 = arith.constant 3424 : index
    %get3A_1042 = tpu.vector_load %arg6[%get3A_1041] {strides = array<i32>} : memref<4608xi32, #tpu.memory_space<vmem>>, vector<16xi32>,
    %max3A_1043 = arith.maxsi %max3A_1040, %get3A_1042 : vector<16xi32>
    %get3A_1044 = arith.constant 3440 : index
    %get3A_1045 = tpu.vector_load %arg6[%get3A_1044] {strides = array<i32>} : memref<4608xi32, #tpu.memory_space<vmem>>, vector<16xi32>,
    %max3A_1046 = arith.maxsi %max3A_1043, %get3A_1045 : vector<16xi32>
    %broadcast_in_dim3A_1047 = arith.constant 27 : i32
    %broadcast_in_dim3A_1048 = vector.broadcast %broadcast_in_dim3A_1047 : i32 to vector<16xi32>
    %reduce_max3A_1049 = arith.constant true
    %reduce_max3A_1050 = vector.broadcast %reduce_max3A_1049 : i1 to vector<16xi1>
    %reduce_max3A_1051 = arith.constant -2147483648 : i32
    %reduce_max3A_1052 = vector.broadcast %reduce_max3A_1051 : i32 to vector<16xi32>
    %reduce_max3A_1053 = arith.xori %max3A_1046, %reduce_max3A_1052 : vector<16xi32>
    %reduce_max3A_1054 = tpu.scan <max>, %reduce_max3A_1053 masked %reduce_max3A_1050 : vector<16xi32>, vector<16xi1> -> vector<16xi32>
    %reduce_max3A_1055 = arith.xori %reduce_max3A_1054, %reduce_max3A_1052 : vector<16xi32>
    %reduce_max3A_1056 = vector.extract %reduce_max3A_1055[15] : i32 from vector<16xi32>
    %broadcast_in_dim3A_1057 = vector.broadcast %reduce_max3A_1056 : i32 to vector<16xi32>
    %eq3A_1058 = arith.constant 0 : i32
    %eq3A_1059 = vector.broadcast %eq3A_1058 : i32 to vector<16xi32>
    %eq3A_1060 = arith.cmpi eq, %iota3A, %eq3A_1059 : vector<16xi32>
    tpu.vector_store_idx %arg7[%broadcast_in_dim3A_1048], %broadcast_in_dim3A_1057 masked %eq3A_1060 : memref<32xi32, #tpu.memory_space<vmem>>[vector<16xi32>], vector<16xi32>, vector<16xi1>
    %get3A_1061 = arith.constant 3456 : index
    %get3A_1062 = tpu.vector_load %arg6[%get3A_1061] {strides = array<i32>} : memref<4608xi32, #tpu.memory_space<vmem>>, vector<16xi32>,
    %max3A_1063 = arith.maxsi %max3A_1046, %get3A_1062 : vector<16xi32>
    %get3A_1064 = arith.constant 3472 : index
    %get3A_1065 = tpu.vector_load %arg6[%get3A_1064] {strides = array<i32>} : memref<4608xi32, #tpu.memory_space<vmem>>, vector<16xi32>,
    %max3A_1066 = arith.maxsi %max3A_1063, %get3A_1065 : vector<16xi32>
    %get3A_1067 = arith.constant 3488 : index
    %get3A_1068 = tpu.vector_load %arg6[%get3A_1067] {strides = array<i32>} : memref<4608xi32, #tpu.memory_space<vmem>>, vector<16xi32>,
    %max3A_1069 = arith.maxsi %max3A_1066, %get3A_1068 : vector<16xi32>
    %get3A_1070 = arith.constant 3504 : index
    %get3A_1071 = tpu.vector_load %arg6[%get3A_1070] {strides = array<i32>} : memref<4608xi32, #tpu.memory_space<vmem>>, vector<16xi32>,
    %max3A_1072 = arith.maxsi %max3A_1069, %get3A_1071 : vector<16xi32>
    %get3A_1073 = arith.constant 3520 : index
    %get3A_1074 = tpu.vector_load %arg6[%get3A_1073] {strides = array<i32>} : memref<4608xi32, #tpu.memory_space<vmem>>, vector<16xi32>,
    %max3A_1075 = arith.maxsi %max3A_1072, %get3A_1074 : vector<16xi32>
    %get3A_1076 = arith.constant 3536 : index
    %get3A_1077 = tpu.vector_load %arg6[%get3A_1076] {strides = array<i32>} : memref<4608xi32, #tpu.memory_space<vmem>>, vector<16xi32>,
    %max3A_1078 = arith.maxsi %max3A_1075, %get3A_1077 : vector<16xi32>
    %get3A_1079 = arith.constant 3552 : index
    %get3A_1080 = tpu.vector_load %arg6[%get3A_1079] {strides = array<i32>} : memref<4608xi32, #tpu.memory_space<vmem>>, vector<16xi32>,
    %max3A_1081 = arith.maxsi %max3A_1078, %get3A_1080 : vector<16xi32>
    %get3A_1082 = arith.constant 3568 : index
    %get3A_1083 = tpu.vector_load %arg6[%get3A_1082] {strides = array<i32>} : memref<4608xi32, #tpu.memory_space<vmem>>, vector<16xi32>,
    %max3A_1084 = arith.maxsi %max3A_1081, %get3A_1083 : vector<16xi32>
    %broadcast_in_dim3A_1085 = arith.constant 28 : i32
    %broadcast_in_dim3A_1086 = vector.broadcast %broadcast_in_dim3A_1085 : i32 to vector<16xi32>
    %reduce_max3A_1087 = arith.constant true
    %reduce_max3A_1088 = vector.broadcast %reduce_max3A_1087 : i1 to vector<16xi1>
    %reduce_max3A_1089 = arith.constant -2147483648 : i32
    %reduce_max3A_1090 = vector.broadcast %reduce_max3A_1089 : i32 to vector<16xi32>
    %reduce_max3A_1091 = arith.xori %max3A_1084, %reduce_max3A_1090 : vector<16xi32>
    %reduce_max3A_1092 = tpu.scan <max>, %reduce_max3A_1091 masked %reduce_max3A_1088 : vector<16xi32>, vector<16xi1> -> vector<16xi32>
    %reduce_max3A_1093 = arith.xori %reduce_max3A_1092, %reduce_max3A_1090 : vector<16xi32>
    %reduce_max3A_1094 = vector.extract %reduce_max3A_1093[15] : i32 from vector<16xi32>
    %broadcast_in_dim3A_1095 = vector.broadcast %reduce_max3A_1094 : i32 to vector<16xi32>
    %eq3A_1096 = arith.constant 0 : i32
    %eq3A_1097 = vector.broadcast %eq3A_1096 : i32 to vector<16xi32>
    %eq3A_1098 = arith.cmpi eq, %iota3A, %eq3A_1097 : vector<16xi32>
    tpu.vector_store_idx %arg7[%broadcast_in_dim3A_1086], %broadcast_in_dim3A_1095 masked %eq3A_1098 : memref<32xi32, #tpu.memory_space<vmem>>[vector<16xi32>], vector<16xi32>, vector<16xi1>
    %get3A_1099 = arith.constant 3584 : index
    %get3A_1100 = tpu.vector_load %arg6[%get3A_1099] {strides = array<i32>} : memref<4608xi32, #tpu.memory_space<vmem>>, vector<16xi32>,
    %max3A_1101 = arith.maxsi %max3A_1084, %get3A_1100 : vector<16xi32>
    %get3A_1102 = arith.constant 3600 : index
    %get3A_1103 = tpu.vector_load %arg6[%get3A_1102] {strides = array<i32>} : memref<4608xi32, #tpu.memory_space<vmem>>, vector<16xi32>,
    %max3A_1104 = arith.maxsi %max3A_1101, %get3A_1103 : vector<16xi32>
    %get3A_1105 = arith.constant 3616 : index
    %get3A_1106 = tpu.vector_load %arg6[%get3A_1105] {strides = array<i32>} : memref<4608xi32, #tpu.memory_space<vmem>>, vector<16xi32>,
    %max3A_1107 = arith.maxsi %max3A_1104, %get3A_1106 : vector<16xi32>
    %get3A_1108 = arith.constant 3632 : index
    %get3A_1109 = tpu.vector_load %arg6[%get3A_1108] {strides = array<i32>} : memref<4608xi32, #tpu.memory_space<vmem>>, vector<16xi32>,
    %max3A_1110 = arith.maxsi %max3A_1107, %get3A_1109 : vector<16xi32>
    %get3A_1111 = arith.constant 3648 : index
    %get3A_1112 = tpu.vector_load %arg6[%get3A_1111] {strides = array<i32>} : memref<4608xi32, #tpu.memory_space<vmem>>, vector<16xi32>,
    %max3A_1113 = arith.maxsi %max3A_1110, %get3A_1112 : vector<16xi32>
    %get3A_1114 = arith.constant 3664 : index
    %get3A_1115 = tpu.vector_load %arg6[%get3A_1114] {strides = array<i32>} : memref<4608xi32, #tpu.memory_space<vmem>>, vector<16xi32>,
    %max3A_1116 = arith.maxsi %max3A_1113, %get3A_1115 : vector<16xi32>
    %get3A_1117 = arith.constant 3680 : index
    %get3A_1118 = tpu.vector_load %arg6[%get3A_1117] {strides = array<i32>} : memref<4608xi32, #tpu.memory_space<vmem>>, vector<16xi32>,
    %max3A_1119 = arith.maxsi %max3A_1116, %get3A_1118 : vector<16xi32>
    %get3A_1120 = arith.constant 3696 : index
    %get3A_1121 = tpu.vector_load %arg6[%get3A_1120] {strides = array<i32>} : memref<4608xi32, #tpu.memory_space<vmem>>, vector<16xi32>,
    %max3A_1122 = arith.maxsi %max3A_1119, %get3A_1121 : vector<16xi32>
    %broadcast_in_dim3A_1123 = arith.constant 29 : i32
    %broadcast_in_dim3A_1124 = vector.broadcast %broadcast_in_dim3A_1123 : i32 to vector<16xi32>
    %reduce_max3A_1125 = arith.constant true
    %reduce_max3A_1126 = vector.broadcast %reduce_max3A_1125 : i1 to vector<16xi1>
    %reduce_max3A_1127 = arith.constant -2147483648 : i32
    %reduce_max3A_1128 = vector.broadcast %reduce_max3A_1127 : i32 to vector<16xi32>
    %reduce_max3A_1129 = arith.xori %max3A_1122, %reduce_max3A_1128 : vector<16xi32>
    %reduce_max3A_1130 = tpu.scan <max>, %reduce_max3A_1129 masked %reduce_max3A_1126 : vector<16xi32>, vector<16xi1> -> vector<16xi32>
    %reduce_max3A_1131 = arith.xori %reduce_max3A_1130, %reduce_max3A_1128 : vector<16xi32>
    %reduce_max3A_1132 = vector.extract %reduce_max3A_1131[15] : i32 from vector<16xi32>
    %broadcast_in_dim3A_1133 = vector.broadcast %reduce_max3A_1132 : i32 to vector<16xi32>
    %eq3A_1134 = arith.constant 0 : i32
    %eq3A_1135 = vector.broadcast %eq3A_1134 : i32 to vector<16xi32>
    %eq3A_1136 = arith.cmpi eq, %iota3A, %eq3A_1135 : vector<16xi32>
    tpu.vector_store_idx %arg7[%broadcast_in_dim3A_1124], %broadcast_in_dim3A_1133 masked %eq3A_1136 : memref<32xi32, #tpu.memory_space<vmem>>[vector<16xi32>], vector<16xi32>, vector<16xi1>
    %get3A_1137 = arith.constant 3712 : index
    %get3A_1138 = tpu.vector_load %arg6[%get3A_1137] {strides = array<i32>} : memref<4608xi32, #tpu.memory_space<vmem>>, vector<16xi32>,
    %max3A_1139 = arith.maxsi %max3A_1122, %get3A_1138 : vector<16xi32>
    %get3A_1140 = arith.constant 3728 : index
    %get3A_1141 = tpu.vector_load %arg6[%get3A_1140] {strides = array<i32>} : memref<4608xi32, #tpu.memory_space<vmem>>, vector<16xi32>,
    %max3A_1142 = arith.maxsi %max3A_1139, %get3A_1141 : vector<16xi32>
    %get3A_1143 = arith.constant 3744 : index
    %get3A_1144 = tpu.vector_load %arg6[%get3A_1143] {strides = array<i32>} : memref<4608xi32, #tpu.memory_space<vmem>>, vector<16xi32>,
    %max3A_1145 = arith.maxsi %max3A_1142, %get3A_1144 : vector<16xi32>
    %get3A_1146 = arith.constant 3760 : index
    %get3A_1147 = tpu.vector_load %arg6[%get3A_1146] {strides = array<i32>} : memref<4608xi32, #tpu.memory_space<vmem>>, vector<16xi32>,
    %max3A_1148 = arith.maxsi %max3A_1145, %get3A_1147 : vector<16xi32>
    %get3A_1149 = arith.constant 3776 : index
    %get3A_1150 = tpu.vector_load %arg6[%get3A_1149] {strides = array<i32>} : memref<4608xi32, #tpu.memory_space<vmem>>, vector<16xi32>,
    %max3A_1151 = arith.maxsi %max3A_1148, %get3A_1150 : vector<16xi32>
    %get3A_1152 = arith.constant 3792 : index
    %get3A_1153 = tpu.vector_load %arg6[%get3A_1152] {strides = array<i32>} : memref<4608xi32, #tpu.memory_space<vmem>>, vector<16xi32>,
    %max3A_1154 = arith.maxsi %max3A_1151, %get3A_1153 : vector<16xi32>
    %get3A_1155 = arith.constant 3808 : index
    %get3A_1156 = tpu.vector_load %arg6[%get3A_1155] {strides = array<i32>} : memref<4608xi32, #tpu.memory_space<vmem>>, vector<16xi32>,
    %max3A_1157 = arith.maxsi %max3A_1154, %get3A_1156 : vector<16xi32>
    %get3A_1158 = arith.constant 3824 : index
    %get3A_1159 = tpu.vector_load %arg6[%get3A_1158] {strides = array<i32>} : memref<4608xi32, #tpu.memory_space<vmem>>, vector<16xi32>,
    %max3A_1160 = arith.maxsi %max3A_1157, %get3A_1159 : vector<16xi32>
    %broadcast_in_dim3A_1161 = arith.constant 30 : i32
    %broadcast_in_dim3A_1162 = vector.broadcast %broadcast_in_dim3A_1161 : i32 to vector<16xi32>
    %reduce_max3A_1163 = arith.constant true
    %reduce_max3A_1164 = vector.broadcast %reduce_max3A_1163 : i1 to vector<16xi1>
    %reduce_max3A_1165 = arith.constant -2147483648 : i32
    %reduce_max3A_1166 = vector.broadcast %reduce_max3A_1165 : i32 to vector<16xi32>
    %reduce_max3A_1167 = arith.xori %max3A_1160, %reduce_max3A_1166 : vector<16xi32>
    %reduce_max3A_1168 = tpu.scan <max>, %reduce_max3A_1167 masked %reduce_max3A_1164 : vector<16xi32>, vector<16xi1> -> vector<16xi32>
    %reduce_max3A_1169 = arith.xori %reduce_max3A_1168, %reduce_max3A_1166 : vector<16xi32>
    %reduce_max3A_1170 = vector.extract %reduce_max3A_1169[15] : i32 from vector<16xi32>
    %broadcast_in_dim3A_1171 = vector.broadcast %reduce_max3A_1170 : i32 to vector<16xi32>
    %eq3A_1172 = arith.constant 0 : i32
    %eq3A_1173 = vector.broadcast %eq3A_1172 : i32 to vector<16xi32>
    %eq3A_1174 = arith.cmpi eq, %iota3A, %eq3A_1173 : vector<16xi32>
    tpu.vector_store_idx %arg7[%broadcast_in_dim3A_1162], %broadcast_in_dim3A_1171 masked %eq3A_1174 : memref<32xi32, #tpu.memory_space<vmem>>[vector<16xi32>], vector<16xi32>, vector<16xi1>
    %get3A_1175 = arith.constant 3840 : index
    %get3A_1176 = tpu.vector_load %arg6[%get3A_1175] {strides = array<i32>} : memref<4608xi32, #tpu.memory_space<vmem>>, vector<16xi32>,
    %max3A_1177 = arith.maxsi %max3A_1160, %get3A_1176 : vector<16xi32>
    %get3A_1178 = arith.constant 3856 : index
    %get3A_1179 = tpu.vector_load %arg6[%get3A_1178] {strides = array<i32>} : memref<4608xi32, #tpu.memory_space<vmem>>, vector<16xi32>,
    %max3A_1180 = arith.maxsi %max3A_1177, %get3A_1179 : vector<16xi32>
    %get3A_1181 = arith.constant 3872 : index
    %get3A_1182 = tpu.vector_load %arg6[%get3A_1181] {strides = array<i32>} : memref<4608xi32, #tpu.memory_space<vmem>>, vector<16xi32>,
    %max3A_1183 = arith.maxsi %max3A_1180, %get3A_1182 : vector<16xi32>
    %get3A_1184 = arith.constant 3888 : index
    %get3A_1185 = tpu.vector_load %arg6[%get3A_1184] {strides = array<i32>} : memref<4608xi32, #tpu.memory_space<vmem>>, vector<16xi32>,
    %max3A_1186 = arith.maxsi %max3A_1183, %get3A_1185 : vector<16xi32>
    %get3A_1187 = arith.constant 3904 : index
    %get3A_1188 = tpu.vector_load %arg6[%get3A_1187] {strides = array<i32>} : memref<4608xi32, #tpu.memory_space<vmem>>, vector<16xi32>,
    %max3A_1189 = arith.maxsi %max3A_1186, %get3A_1188 : vector<16xi32>
    %get3A_1190 = arith.constant 3920 : index
    %get3A_1191 = tpu.vector_load %arg6[%get3A_1190] {strides = array<i32>} : memref<4608xi32, #tpu.memory_space<vmem>>, vector<16xi32>,
    %max3A_1192 = arith.maxsi %max3A_1189, %get3A_1191 : vector<16xi32>
    %get3A_1193 = arith.constant 3936 : index
    %get3A_1194 = tpu.vector_load %arg6[%get3A_1193] {strides = array<i32>} : memref<4608xi32, #tpu.memory_space<vmem>>, vector<16xi32>,
    %max3A_1195 = arith.maxsi %max3A_1192, %get3A_1194 : vector<16xi32>
    %get3A_1196 = arith.constant 3952 : index
    %get3A_1197 = tpu.vector_load %arg6[%get3A_1196] {strides = array<i32>} : memref<4608xi32, #tpu.memory_space<vmem>>, vector<16xi32>,
    %max3A_1198 = arith.maxsi %max3A_1195, %get3A_1197 : vector<16xi32>
    %broadcast_in_dim3A_1199 = arith.constant 31 : i32
    %broadcast_in_dim3A_1200 = vector.broadcast %broadcast_in_dim3A_1199 : i32 to vector<16xi32>
    %reduce_max3A_1201 = arith.constant true
    %reduce_max3A_1202 = vector.broadcast %reduce_max3A_1201 : i1 to vector<16xi1>
    %reduce_max3A_1203 = arith.constant -2147483648 : i32
    %reduce_max3A_1204 = vector.broadcast %reduce_max3A_1203 : i32 to vector<16xi32>
    %reduce_max3A_1205 = arith.xori %max3A_1198, %reduce_max3A_1204 : vector<16xi32>
    %reduce_max3A_1206 = tpu.scan <max>, %reduce_max3A_1205 masked %reduce_max3A_1202 : vector<16xi32>, vector<16xi1> -> vector<16xi32>
    %reduce_max3A_1207 = arith.xori %reduce_max3A_1206, %reduce_max3A_1204 : vector<16xi32>
    %reduce_max3A_1208 = vector.extract %reduce_max3A_1207[15] : i32 from vector<16xi32>
    %broadcast_in_dim3A_1209 = vector.broadcast %reduce_max3A_1208 : i32 to vector<16xi32>
    %eq3A_1210 = arith.constant 0 : i32
    %eq3A_1211 = vector.broadcast %eq3A_1210 : i32 to vector<16xi32>
    %eq3A_1212 = arith.cmpi eq, %iota3A, %eq3A_1211 : vector<16xi32>
    tpu.vector_store_idx %arg7[%broadcast_in_dim3A_1200], %broadcast_in_dim3A_1209 masked %eq3A_1212 : memref<32xi32, #tpu.memory_space<vmem>>[vector<16xi32>], vector<16xi32>, vector<16xi1>
    %mul3A_1213 = arith.constant 32 : i32
    %mul3A_1214 = arith.muli %add3A, %mul3A_1213 : i32
    "tpu.region"() ({
      %run_scoped3A = tpu.sem_alloc : memref<!tpu.dma_semaphore, #tpu.memory_space<semaphore_mem>>
      %dma_start3A_1215 = tpu.memref_slice %arg4[%mul3A_1214] : memref<1024xi32, #tpu.memory_space<hbm>> -> memref<32xi32, #tpu.memory_space<hbm>>
      %dma_start3A_1216 = tpu.memref_slice %arg4[%mul3A_1214] : memref<1024xi32, #tpu.memory_space<hbm>> -> memref<32xi32, #tpu.memory_space<hbm>>
      tpu.enqueue_dma source(%arg7 : memref<32xi32, #tpu.memory_space<vmem>>) target(%dma_start3A_1216 : memref<32xi32, #tpu.memory_space<hbm>>) target_semaphore(%run_scoped3A : memref<!tpu.dma_semaphore, #tpu.memory_space<semaphore_mem>>)
      %dma_wait3A_1217 = tpu.memref_slice %arg4[%mul3A_1214] : memref<1024xi32, #tpu.memory_space<hbm>> -> memref<32xi32, #tpu.memory_space<hbm>>
      %dma_wait3A_1218 = tpu.memref_slice %arg4[%mul3A_1214] : memref<1024xi32, #tpu.memory_space<hbm>> -> memref<32xi32, #tpu.memory_space<hbm>>
      tpu.wait_dma2 semaphore(%run_scoped3A : memref<!tpu.dma_semaphore, #tpu.memory_space<semaphore_mem>>) src(%arg7 : memref<32xi32, #tpu.memory_space<vmem>>) dst(%dma_wait3A_1218 : memref<32xi32, #tpu.memory_space<hbm>>)
      tpu.yield
    }) : () -> ()
    return
  }
}

#map = affine_map<(d0, d1) -> (0)>
module attributes {stable_mosaic.version = 14 : i64} {
  func.func @_k2_emit_rows(%arg0: i32, %arg1: i32, %arg2: memref<1048576xi32, #tpu.memory_space<hbm>>, %arg3: memref<1048576xi32, #tpu.memory_space<hbm>>, %arg4: memref<147456xi32, #tpu.memory_space<hbm>>, %arg5: memref<1024xi32, #tpu.memory_space<hbm>>, %arg6: memref<2097152xi32, #tpu.memory_space<hbm>>, %arg7: memref<4608xi32, #tpu.memory_space<vmem>>, %arg8: memref<1024xi32, #tpu.memory_space<vmem>>, %arg9: memref<144xi32, #tpu.memory_space<vmem>>, %arg10: memref<2048xi32, #tpu.memory_space<vmem>>, %arg11: memref<2048xi32, #tpu.memory_space<vmem>>, %arg12: memref<2048xi32, #tpu.memory_space<vmem>>, %arg13: memref<2048xi32, #tpu.memory_space<vmem>>, %arg14: memref<65536xi32, #tpu.memory_space<vmem>>, %arg15: memref<!tpu.dma_semaphore, #tpu.memory_space<semaphore_mem>>, %arg16: memref<!tpu.dma_semaphore, #tpu.memory_space<semaphore_mem>>, %arg17: memref<!tpu.dma_semaphore, #tpu.memory_space<semaphore_mem>>) attributes {dimension_semantics = [#tpu.dimension_semantics<core_parallel>, #tpu.dimension_semantics<subcore_parallel>], iteration_bounds = array<i64: 2, 16>, scalar_prefetch = 0 : i64, scratch_operands = 11 : i64, tpu.core_type = #tpu.core_type<sc_vector_subcore>, window_params = [{transform_indices = #map}, {transform_indices = #map}, {transform_indices = #map}, {transform_indices = #map}, {transform_indices = #map}]} {
    %mul3A = arith.constant 2 : i32
    %mul3A_0 = arith.muli %arg1, %mul3A : i32
    %add3A = arith.addi %mul3A_0, %arg0 : i32
    %mul3A_1 = arith.constant 128 : i32
    %mul3A_2 = arith.muli %add3A, %mul3A_1 : i32
    %multiple_of3A = tpu.assume_multiple %mul3A_2, 8 : i32
    tpu.enqueue_dma source(%arg5 : memref<1024xi32, #tpu.memory_space<hbm>>) target(%arg8 : memref<1024xi32, #tpu.memory_space<vmem>>) target_semaphore(%arg15 : memref<!tpu.dma_semaphore, #tpu.memory_space<semaphore_mem>>)
    %scan3A = arith.constant 0 : i32
    %scan3A_3 = arith.constant 0 : i32
    %scan3A_4 = arith.constant 32 : i32
    %scan3A_5 = arith.addi %scan3A_3, %scan3A_4 : i32
    %scan3A_6 = arith.constant 1 : i32
    scf.for %scan3A_500 = %scan3A_3 to %scan3A_5 step %scan3A_6  : i32 {
      %mul3A_501 = arith.constant 4608 : i32
      %mul3A_502 = arith.muli %scan3A_500, %mul3A_501 : i32
      %add3A_503 = arith.addi %mul3A_502, %multiple_of3A : i32
      %mul3A_504 = arith.constant 144 : i32
      %mul3A_505 = arith.muli %scan3A_500, %mul3A_504 : i32
      %dma_start3A = tpu.memref_slice %arg7[%mul3A_505] : memref<4608xi32, #tpu.memory_space<vmem>> -> memref<144xi32, #tpu.memory_space<vmem>>
      %dma_start3A_506 = tpu.memref_slice %arg4[%add3A_503] : memref<147456xi32, #tpu.memory_space<hbm>> -> memref<144xi32, #tpu.memory_space<hbm>>
      %dma_start3A_507 = tpu.memref_slice %arg7[%mul3A_505] : memref<4608xi32, #tpu.memory_space<vmem>> -> memref<144xi32, #tpu.memory_space<vmem>>
      %dma_start3A_508 = tpu.memref_slice %arg4[%add3A_503] : memref<147456xi32, #tpu.memory_space<hbm>> -> memref<144xi32, #tpu.memory_space<hbm>>
      tpu.enqueue_dma source(%dma_start3A_508 : memref<144xi32, #tpu.memory_space<hbm>>) target(%dma_start3A_507 : memref<144xi32, #tpu.memory_space<vmem>>) target_semaphore(%arg15 : memref<!tpu.dma_semaphore, #tpu.memory_space<semaphore_mem>>)
    }
    %scan3A_7 = arith.constant 32 : i32
    %iota3A = tpu.iota {dimensions = array<i32: 0>} : vector<16xi32>
    %broadcast_in_dim3A = arith.constant 0 : i32
    %broadcast_in_dim3A_8 = vector.broadcast %broadcast_in_dim3A : i32 to vector<16xi32>
    %parallel_loop3A = arith.constant 0 : i32
    %parallel_loop3A_9 = arith.constant 4096 : i32
    %parallel_loop3A_10 = arith.constant 1 : i32
    scf.for %parallel_loop3A_500 = %parallel_loop3A to %parallel_loop3A_9 step %parallel_loop3A_10  : i32 {
      %parallel_loop3A_501 = arith.constant 16 : i32
      %parallel_loop3A_502 = arith.muli %parallel_loop3A_500, %parallel_loop3A_501 : i32
      %parallel_loop3A_503 = arith.index_cast %parallel_loop3A_502 : i32 to index
      %parallel_loop3A_504 = tpu.vector_load %arg14[%parallel_loop3A_503] {strides = array<i32>} : memref<65536xi32, #tpu.memory_space<vmem>>, vector<16xi32>,
      tpu.vector_store %arg14[%parallel_loop3A_503], %broadcast_in_dim3A_8 {strides = array<i32>} : memref<65536xi32, #tpu.memory_space<vmem>>, vector<16xi32>,
    } {sc.loop_unroll_factor = 8 : i64, sc.parallel_access}
    %add3A_11 = arith.constant 0 : i32
    %add3A_12 = vector.broadcast %add3A_11 : i32 to vector<16xi32>
    %add3A_13 = arith.addi %add3A_12, %iota3A : vector<16xi32>
    %mul3A_14 = arith.constant 512 : i32
    %mul3A_15 = vector.broadcast %mul3A_14 : i32 to vector<16xi32>
    %mul3A_16 = arith.muli %add3A_13, %mul3A_15 : vector<16xi32>
    %broadcast_in_dim3A_17 = arith.constant 101 : i32
    %broadcast_in_dim3A_18 = vector.broadcast %broadcast_in_dim3A_17 : i32 to vector<16xi32>
    tpu.vector_store_idx %arg14[%mul3A_16], %broadcast_in_dim3A_18 : memref<65536xi32, #tpu.memory_space<vmem>>[vector<16xi32>], vector<16xi32>,
    %add3A_19 = arith.constant 16 : i32
    %add3A_20 = vector.broadcast %add3A_19 : i32 to vector<16xi32>
    %add3A_21 = arith.addi %add3A_20, %iota3A : vector<16xi32>
    %mul3A_22 = arith.constant 512 : i32
    %mul3A_23 = vector.broadcast %mul3A_22 : i32 to vector<16xi32>
    %mul3A_24 = arith.muli %add3A_21, %mul3A_23 : vector<16xi32>
    %broadcast_in_dim3A_25 = arith.constant 101 : i32
    %broadcast_in_dim3A_26 = vector.broadcast %broadcast_in_dim3A_25 : i32 to vector<16xi32>
    tpu.vector_store_idx %arg14[%mul3A_24], %broadcast_in_dim3A_26 : memref<65536xi32, #tpu.memory_space<vmem>>[vector<16xi32>], vector<16xi32>,
    %add3A_27 = arith.constant 32 : i32
    %add3A_28 = vector.broadcast %add3A_27 : i32 to vector<16xi32>
    %add3A_29 = arith.addi %add3A_28, %iota3A : vector<16xi32>
    %mul3A_30 = arith.constant 512 : i32
    %mul3A_31 = vector.broadcast %mul3A_30 : i32 to vector<16xi32>
    %mul3A_32 = arith.muli %add3A_29, %mul3A_31 : vector<16xi32>
    %broadcast_in_dim3A_33 = arith.constant 101 : i32
    %broadcast_in_dim3A_34 = vector.broadcast %broadcast_in_dim3A_33 : i32 to vector<16xi32>
    tpu.vector_store_idx %arg14[%mul3A_32], %broadcast_in_dim3A_34 : memref<65536xi32, #tpu.memory_space<vmem>>[vector<16xi32>], vector<16xi32>,
    %add3A_35 = arith.constant 48 : i32
    %add3A_36 = vector.broadcast %add3A_35 : i32 to vector<16xi32>
    %add3A_37 = arith.addi %add3A_36, %iota3A : vector<16xi32>
    %mul3A_38 = arith.constant 512 : i32
    %mul3A_39 = vector.broadcast %mul3A_38 : i32 to vector<16xi32>
    %mul3A_40 = arith.muli %add3A_37, %mul3A_39 : vector<16xi32>
    %broadcast_in_dim3A_41 = arith.constant 101 : i32
    %broadcast_in_dim3A_42 = vector.broadcast %broadcast_in_dim3A_41 : i32 to vector<16xi32>
    tpu.vector_store_idx %arg14[%mul3A_40], %broadcast_in_dim3A_42 : memref<65536xi32, #tpu.memory_space<vmem>>[vector<16xi32>], vector<16xi32>,
    %add3A_43 = arith.constant 64 : i32
    %add3A_44 = vector.broadcast %add3A_43 : i32 to vector<16xi32>
    %add3A_45 = arith.addi %add3A_44, %iota3A : vector<16xi32>
    %mul3A_46 = arith.constant 512 : i32
    %mul3A_47 = vector.broadcast %mul3A_46 : i32 to vector<16xi32>
    %mul3A_48 = arith.muli %add3A_45, %mul3A_47 : vector<16xi32>
    %broadcast_in_dim3A_49 = arith.constant 101 : i32
    %broadcast_in_dim3A_50 = vector.broadcast %broadcast_in_dim3A_49 : i32 to vector<16xi32>
    tpu.vector_store_idx %arg14[%mul3A_48], %broadcast_in_dim3A_50 : memref<65536xi32, #tpu.memory_space<vmem>>[vector<16xi32>], vector<16xi32>,
    %add3A_51 = arith.constant 80 : i32
    %add3A_52 = vector.broadcast %add3A_51 : i32 to vector<16xi32>
    %add3A_53 = arith.addi %add3A_52, %iota3A : vector<16xi32>
    %mul3A_54 = arith.constant 512 : i32
    %mul3A_55 = vector.broadcast %mul3A_54 : i32 to vector<16xi32>
    %mul3A_56 = arith.muli %add3A_53, %mul3A_55 : vector<16xi32>
    %broadcast_in_dim3A_57 = arith.constant 101 : i32
    %broadcast_in_dim3A_58 = vector.broadcast %broadcast_in_dim3A_57 : i32 to vector<16xi32>
    tpu.vector_store_idx %arg14[%mul3A_56], %broadcast_in_dim3A_58 : memref<65536xi32, #tpu.memory_space<vmem>>[vector<16xi32>], vector<16xi32>,
    %add3A_59 = arith.constant 96 : i32
    %add3A_60 = vector.broadcast %add3A_59 : i32 to vector<16xi32>
    %add3A_61 = arith.addi %add3A_60, %iota3A : vector<16xi32>
    %mul3A_62 = arith.constant 512 : i32
    %mul3A_63 = vector.broadcast %mul3A_62 : i32 to vector<16xi32>
    %mul3A_64 = arith.muli %add3A_61, %mul3A_63 : vector<16xi32>
    %broadcast_in_dim3A_65 = arith.constant 101 : i32
    %broadcast_in_dim3A_66 = vector.broadcast %broadcast_in_dim3A_65 : i32 to vector<16xi32>
    tpu.vector_store_idx %arg14[%mul3A_64], %broadcast_in_dim3A_66 : memref<65536xi32, #tpu.memory_space<vmem>>[vector<16xi32>], vector<16xi32>,
    %add3A_67 = arith.constant 112 : i32
    %add3A_68 = vector.broadcast %add3A_67 : i32 to vector<16xi32>
    %add3A_69 = arith.addi %add3A_68, %iota3A : vector<16xi32>
    %mul3A_70 = arith.constant 512 : i32
    %mul3A_71 = vector.broadcast %mul3A_70 : i32 to vector<16xi32>
    %mul3A_72 = arith.muli %add3A_69, %mul3A_71 : vector<16xi32>
    %broadcast_in_dim3A_73 = arith.constant 101 : i32
    %broadcast_in_dim3A_74 = vector.broadcast %broadcast_in_dim3A_73 : i32 to vector<16xi32>
    tpu.vector_store_idx %arg14[%mul3A_72], %broadcast_in_dim3A_74 : memref<65536xi32, #tpu.memory_space<vmem>>[vector<16xi32>], vector<16xi32>,
    tpu.wait_dma2 semaphore(%arg15 : memref<!tpu.dma_semaphore, #tpu.memory_space<semaphore_mem>>) src(%arg5 : memref<1024xi32, #tpu.memory_space<hbm>>) dst(%arg8 : memref<1024xi32, #tpu.memory_space<vmem>>)
    %dma_wait3A = arith.constant 0 : i32
    %dma_wait3A_75 = tpu.memref_slice %arg4[%dma_wait3A] : memref<147456xi32, #tpu.memory_space<hbm>> -> memref<4608xi32, #tpu.memory_space<hbm>>
    %dma_wait3A_76 = arith.constant 0 : i32
    %dma_wait3A_77 = tpu.memref_slice %arg4[%dma_wait3A_76] : memref<147456xi32, #tpu.memory_space<hbm>> -> memref<4608xi32, #tpu.memory_space<hbm>>
    tpu.wait_dma2 semaphore(%arg15 : memref<!tpu.dma_semaphore, #tpu.memory_space<semaphore_mem>>) src(%dma_wait3A_77 : memref<4608xi32, #tpu.memory_space<hbm>>) dst(%arg7 : memref<4608xi32, #tpu.memory_space<vmem>>)
    %mul3A_78 = arith.constant 32 : i32
    %mul3A_79 = vector.broadcast %mul3A_78 : i32 to vector<16xi32>
    %mul3A_80 = arith.muli %iota3A, %mul3A_79 : vector<16xi32>
    %add3A_81 = vector.broadcast %add3A : i32 to vector<16xi32>
    %add3A_82 = arith.addi %mul3A_80, %add3A_81 : vector<16xi32>
    %gather3A = tpu.vector_load_idx %arg8[%add3A_82] : memref<1024xi32, #tpu.memory_space<vmem>>[vector<16xi32>], vector<16xi32>,
    %add3A_83 = arith.constant 16 : i32
    %add3A_84 = vector.broadcast %add3A_83 : i32 to vector<16xi32>
    %add3A_85 = arith.addi %iota3A, %add3A_84 : vector<16xi32>
    %mul3A_86 = arith.constant 32 : i32
    %mul3A_87 = vector.broadcast %mul3A_86 : i32 to vector<16xi32>
    %mul3A_88 = arith.muli %add3A_85, %mul3A_87 : vector<16xi32>
    %add3A_89 = vector.broadcast %add3A : i32 to vector<16xi32>
    %add3A_90 = arith.addi %mul3A_88, %add3A_89 : vector<16xi32>
    %gather3A_91 = tpu.vector_load_idx %arg8[%add3A_90] : memref<1024xi32, #tpu.memory_space<vmem>>[vector<16xi32>], vector<16xi32>,
    %max3A = arith.maxsi %gather3A, %gather3A_91 : vector<16xi32>
    %reduce_max3A = arith.constant true
    %reduce_max3A_92 = vector.broadcast %reduce_max3A : i1 to vector<16xi1>
    %reduce_max3A_93 = arith.constant -2147483648 : i32
    %reduce_max3A_94 = vector.broadcast %reduce_max3A_93 : i32 to vector<16xi32>
    %reduce_max3A_95 = arith.xori %max3A, %reduce_max3A_94 : vector<16xi32>
    %reduce_max3A_96 = tpu.scan <max>, %reduce_max3A_95 masked %reduce_max3A_92 : vector<16xi32>, vector<16xi1> -> vector<16xi32>
    %reduce_max3A_97 = arith.xori %reduce_max3A_96, %reduce_max3A_94 : vector<16xi32>
    %reduce_max3A_98 = vector.extract %reduce_max3A_97[15] : i32 from vector<16xi32>
    %get3A = arith.constant 0 : index
    %get3A_99 = tpu.vector_load %arg7[%get3A] {strides = array<i32>} : memref<4608xi32, #tpu.memory_space<vmem>>, vector<16xi32>,
    %scan3A_100 = arith.constant 1 : i32
    %scan3A_101 = arith.constant 31 : i32
    %scan3A_102 = arith.addi %scan3A_100, %scan3A_101 : i32
    %scan3A_103 = arith.constant 1 : i32
    %scan3A_104 = scf.for %scan3A_500 = %scan3A_100 to %scan3A_102 step %scan3A_103 iter_args(%scan3A_501 = %get3A_99) -> (vector<16xi32>)  : i32 {
      %mul3A_502 = arith.constant 144 : i32
      %mul3A_503 = arith.muli %scan3A_500, %mul3A_502 : i32
      %add3A_504 = arith.constant 0 : i32
      %add3A_505 = arith.addi %mul3A_503, %add3A_504 : i32
      %get3A_506 = arith.index_cast %add3A_505 : i32 to index
      %get3A_507 = tpu.vector_load %arg7[%get3A_506] {strides = array<i32>} : memref<4608xi32, #tpu.memory_space<vmem>>, vector<16xi32>,
      %max3A_508 = arith.maxsi %scan3A_501, %get3A_507 : vector<16xi32>
      scf.yield %max3A_508 : vector<16xi32>
    }
    %scan3A_105 = arith.constant 31 : i32
    %broadcast_in_dim3A_106 = vector.broadcast %reduce_max3A_98 : i32 to vector<16xi32>
    %broadcast_in_dim3A_107 = arith.constant true
    %broadcast_in_dim3A_108 = vector.broadcast %broadcast_in_dim3A_107 : i1 to vector<16xi1>
    %masked_cummax3A = arith.constant -2147483648 : i32
    %masked_cummax3A_109 = vector.broadcast %masked_cummax3A : i32 to vector<16xi32>
    %masked_cummax3A_110 = arith.xori %scan3A_104, %masked_cummax3A_109 : vector<16xi32>
    %masked_cummax3A_111 = tpu.scan <max>, %masked_cummax3A_110 masked %broadcast_in_dim3A_108 : vector<16xi32>, vector<16xi1> -> vector<16xi32>
    %masked_cummax3A_112 = arith.xori %masked_cummax3A_111, %masked_cummax3A_109 : vector<16xi32>
    %max3A_113 = arith.maxsi %broadcast_in_dim3A_106, %masked_cummax3A_112 : vector<16xi32>
    %swap3A = arith.constant 0 : index
    %swap3A_114 = tpu.vector_load %arg9[%swap3A] {strides = array<i32>} : memref<144xi32, #tpu.memory_space<vmem>>, vector<16xi32>,
    tpu.vector_store %arg9[%swap3A], %max3A_113 {strides = array<i32>} : memref<144xi32, #tpu.memory_space<vmem>>, vector<16xi32>,
    %eq3A = arith.constant 0 : i32
    %eq3A_115 = vector.broadcast %eq3A : i32 to vector<16xi32>
    %eq3A_116 = arith.cmpi eq, %iota3A, %eq3A_115 : vector<16xi32>
    %jit3A = arith.constant 0 : i32
    %broadcast_in_dim3A_117 = vector.broadcast %jit3A : i32 to vector<16xi32>
    %select_n3A = arith.select %eq3A_116, %max3A_113, %broadcast_in_dim3A_117 : vector<16xi1>, vector<16xi32>
    %reduce_max3A_118 = arith.constant true
    %reduce_max3A_119 = vector.broadcast %reduce_max3A_118 : i1 to vector<16xi1>
    %reduce_max3A_120 = arith.constant -2147483648 : i32
    %reduce_max3A_121 = vector.broadcast %reduce_max3A_120 : i32 to vector<16xi32>
    %reduce_max3A_122 = arith.xori %select_n3A, %reduce_max3A_121 : vector<16xi32>
    %reduce_max3A_123 = tpu.scan <max>, %reduce_max3A_122 masked %reduce_max3A_119 : vector<16xi32>, vector<16xi1> -> vector<16xi32>
    %reduce_max3A_124 = arith.xori %reduce_max3A_123, %reduce_max3A_121 : vector<16xi32>
    %reduce_max3A_125 = vector.extract %reduce_max3A_124[15] : i32 from vector<16xi32>
    %reduce_max3A_126 = arith.constant true
    %reduce_max3A_127 = vector.broadcast %reduce_max3A_126 : i1 to vector<16xi1>
    %reduce_max3A_128 = arith.constant -2147483648 : i32
    %reduce_max3A_129 = vector.broadcast %reduce_max3A_128 : i32 to vector<16xi32>
    %reduce_max3A_130 = arith.xori %max3A_113, %reduce_max3A_129 : vector<16xi32>
    %reduce_max3A_131 = tpu.scan <max>, %reduce_max3A_130 masked %reduce_max3A_127 : vector<16xi32>, vector<16xi1> -> vector<16xi32>
    %reduce_max3A_132 = arith.xori %reduce_max3A_131, %reduce_max3A_129 : vector<16xi32>
    %reduce_max3A_133 = vector.extract %reduce_max3A_132[15] : i32 from vector<16xi32>
    %get3A_134 = arith.constant 16 : index
    %get3A_135 = tpu.vector_load %arg7[%get3A_134] {strides = array<i32>} : memref<4608xi32, #tpu.memory_space<vmem>>, vector<16xi32>,
    %scan3A_136 = arith.constant 1 : i32
    %scan3A_137 = arith.constant 31 : i32
    %scan3A_138 = arith.addi %scan3A_136, %scan3A_137 : i32
    %scan3A_139 = arith.constant 1 : i32
    %scan3A_140 = scf.for %scan3A_500 = %scan3A_136 to %scan3A_138 step %scan3A_139 iter_args(%scan3A_501 = %get3A_135) -> (vector<16xi32>)  : i32 {
      %mul3A_502 = arith.constant 144 : i32
      %mul3A_503 = arith.muli %scan3A_500, %mul3A_502 : i32
      %add3A_504 = arith.constant 16 : i32
      %add3A_505 = arith.addi %mul3A_503, %add3A_504 : i32
      %get3A_506 = arith.index_cast %add3A_505 : i32 to index
      %get3A_507 = tpu.vector_load %arg7[%get3A_506] {strides = array<i32>} : memref<4608xi32, #tpu.memory_space<vmem>>, vector<16xi32>,
      %max3A_508 = arith.maxsi %scan3A_501, %get3A_507 : vector<16xi32>
      scf.yield %max3A_508 : vector<16xi32>
    }
    %scan3A_141 = arith.constant 31 : i32
    %broadcast_in_dim3A_142 = vector.broadcast %reduce_max3A_133 : i32 to vector<16xi32>
    %broadcast_in_dim3A_143 = arith.constant true
    %broadcast_in_dim3A_144 = vector.broadcast %broadcast_in_dim3A_143 : i1 to vector<16xi1>
    %masked_cummax3A_145 = arith.constant -2147483648 : i32
    %masked_cummax3A_146 = vector.broadcast %masked_cummax3A_145 : i32 to vector<16xi32>
    %masked_cummax3A_147 = arith.xori %scan3A_140, %masked_cummax3A_146 : vector<16xi32>
    %masked_cummax3A_148 = tpu.scan <max>, %masked_cummax3A_147 masked %broadcast_in_dim3A_144 : vector<16xi32>, vector<16xi1> -> vector<16xi32>
    %masked_cummax3A_149 = arith.xori %masked_cummax3A_148, %masked_cummax3A_146 : vector<16xi32>
    %max3A_150 = arith.maxsi %broadcast_in_dim3A_142, %masked_cummax3A_149 : vector<16xi32>
    %swap3A_151 = arith.constant 16 : index
    %swap3A_152 = tpu.vector_load %arg9[%swap3A_151] {strides = array<i32>} : memref<144xi32, #tpu.memory_space<vmem>>, vector<16xi32>,
    tpu.vector_store %arg9[%swap3A_151], %max3A_150 {strides = array<i32>} : memref<144xi32, #tpu.memory_space<vmem>>, vector<16xi32>,
    %eq3A_153 = arith.constant 0 : i32
    %eq3A_154 = vector.broadcast %eq3A_153 : i32 to vector<16xi32>
    %eq3A_155 = arith.cmpi eq, %iota3A, %eq3A_154 : vector<16xi32>
    %jit3A_156 = arith.constant 0 : i32
    %broadcast_in_dim3A_157 = vector.broadcast %jit3A_156 : i32 to vector<16xi32>
    %select_n3A_158 = arith.select %eq3A_155, %max3A_150, %broadcast_in_dim3A_157 : vector<16xi1>, vector<16xi32>
    %reduce_max3A_159 = arith.constant true
    %reduce_max3A_160 = vector.broadcast %reduce_max3A_159 : i1 to vector<16xi1>
    %reduce_max3A_161 = arith.constant -2147483648 : i32
    %reduce_max3A_162 = vector.broadcast %reduce_max3A_161 : i32 to vector<16xi32>
    %reduce_max3A_163 = arith.xori %select_n3A_158, %reduce_max3A_162 : vector<16xi32>
    %reduce_max3A_164 = tpu.scan <max>, %reduce_max3A_163 masked %reduce_max3A_160 : vector<16xi32>, vector<16xi1> -> vector<16xi32>
    %reduce_max3A_165 = arith.xori %reduce_max3A_164, %reduce_max3A_162 : vector<16xi32>
    %reduce_max3A_166 = vector.extract %reduce_max3A_165[15] : i32 from vector<16xi32>
    %reduce_max3A_167 = arith.constant true
    %reduce_max3A_168 = vector.broadcast %reduce_max3A_167 : i1 to vector<16xi1>
    %reduce_max3A_169 = arith.constant -2147483648 : i32
    %reduce_max3A_170 = vector.broadcast %reduce_max3A_169 : i32 to vector<16xi32>
    %reduce_max3A_171 = arith.xori %max3A_150, %reduce_max3A_170 : vector<16xi32>
    %reduce_max3A_172 = tpu.scan <max>, %reduce_max3A_171 masked %reduce_max3A_168 : vector<16xi32>, vector<16xi1> -> vector<16xi32>
    %reduce_max3A_173 = arith.xori %reduce_max3A_172, %reduce_max3A_170 : vector<16xi32>
    %reduce_max3A_174 = vector.extract %reduce_max3A_173[15] : i32 from vector<16xi32>
    %get3A_175 = arith.constant 32 : index
    %get3A_176 = tpu.vector_load %arg7[%get3A_175] {strides = array<i32>} : memref<4608xi32, #tpu.memory_space<vmem>>, vector<16xi32>,
    %scan3A_177 = arith.constant 1 : i32
    %scan3A_178 = arith.constant 31 : i32
    %scan3A_179 = arith.addi %scan3A_177, %scan3A_178 : i32
    %scan3A_180 = arith.constant 1 : i32
    %scan3A_181 = scf.for %scan3A_500 = %scan3A_177 to %scan3A_179 step %scan3A_180 iter_args(%scan3A_501 = %get3A_176) -> (vector<16xi32>)  : i32 {
      %mul3A_502 = arith.constant 144 : i32
      %mul3A_503 = arith.muli %scan3A_500, %mul3A_502 : i32
      %add3A_504 = arith.constant 32 : i32
      %add3A_505 = arith.addi %mul3A_503, %add3A_504 : i32
      %get3A_506 = arith.index_cast %add3A_505 : i32 to index
      %get3A_507 = tpu.vector_load %arg7[%get3A_506] {strides = array<i32>} : memref<4608xi32, #tpu.memory_space<vmem>>, vector<16xi32>,
      %max3A_508 = arith.maxsi %scan3A_501, %get3A_507 : vector<16xi32>
      scf.yield %max3A_508 : vector<16xi32>
    }
    %scan3A_182 = arith.constant 31 : i32
    %broadcast_in_dim3A_183 = vector.broadcast %reduce_max3A_174 : i32 to vector<16xi32>
    %broadcast_in_dim3A_184 = arith.constant true
    %broadcast_in_dim3A_185 = vector.broadcast %broadcast_in_dim3A_184 : i1 to vector<16xi1>
    %masked_cummax3A_186 = arith.constant -2147483648 : i32
    %masked_cummax3A_187 = vector.broadcast %masked_cummax3A_186 : i32 to vector<16xi32>
    %masked_cummax3A_188 = arith.xori %scan3A_181, %masked_cummax3A_187 : vector<16xi32>
    %masked_cummax3A_189 = tpu.scan <max>, %masked_cummax3A_188 masked %broadcast_in_dim3A_185 : vector<16xi32>, vector<16xi1> -> vector<16xi32>
    %masked_cummax3A_190 = arith.xori %masked_cummax3A_189, %masked_cummax3A_187 : vector<16xi32>
    %max3A_191 = arith.maxsi %broadcast_in_dim3A_183, %masked_cummax3A_190 : vector<16xi32>
    %swap3A_192 = arith.constant 32 : index
    %swap3A_193 = tpu.vector_load %arg9[%swap3A_192] {strides = array<i32>} : memref<144xi32, #tpu.memory_space<vmem>>, vector<16xi32>,
    tpu.vector_store %arg9[%swap3A_192], %max3A_191 {strides = array<i32>} : memref<144xi32, #tpu.memory_space<vmem>>, vector<16xi32>,
    %eq3A_194 = arith.constant 0 : i32
    %eq3A_195 = vector.broadcast %eq3A_194 : i32 to vector<16xi32>
    %eq3A_196 = arith.cmpi eq, %iota3A, %eq3A_195 : vector<16xi32>
    %jit3A_197 = arith.constant 0 : i32
    %broadcast_in_dim3A_198 = vector.broadcast %jit3A_197 : i32 to vector<16xi32>
    %select_n3A_199 = arith.select %eq3A_196, %max3A_191, %broadcast_in_dim3A_198 : vector<16xi1>, vector<16xi32>
    %reduce_max3A_200 = arith.constant true
    %reduce_max3A_201 = vector.broadcast %reduce_max3A_200 : i1 to vector<16xi1>
    %reduce_max3A_202 = arith.constant -2147483648 : i32
    %reduce_max3A_203 = vector.broadcast %reduce_max3A_202 : i32 to vector<16xi32>
    %reduce_max3A_204 = arith.xori %select_n3A_199, %reduce_max3A_203 : vector<16xi32>
    %reduce_max3A_205 = tpu.scan <max>, %reduce_max3A_204 masked %reduce_max3A_201 : vector<16xi32>, vector<16xi1> -> vector<16xi32>
    %reduce_max3A_206 = arith.xori %reduce_max3A_205, %reduce_max3A_203 : vector<16xi32>
    %reduce_max3A_207 = vector.extract %reduce_max3A_206[15] : i32 from vector<16xi32>
    %reduce_max3A_208 = arith.constant true
    %reduce_max3A_209 = vector.broadcast %reduce_max3A_208 : i1 to vector<16xi1>
    %reduce_max3A_210 = arith.constant -2147483648 : i32
    %reduce_max3A_211 = vector.broadcast %reduce_max3A_210 : i32 to vector<16xi32>
    %reduce_max3A_212 = arith.xori %max3A_191, %reduce_max3A_211 : vector<16xi32>
    %reduce_max3A_213 = tpu.scan <max>, %reduce_max3A_212 masked %reduce_max3A_209 : vector<16xi32>, vector<16xi1> -> vector<16xi32>
    %reduce_max3A_214 = arith.xori %reduce_max3A_213, %reduce_max3A_211 : vector<16xi32>
    %reduce_max3A_215 = vector.extract %reduce_max3A_214[15] : i32 from vector<16xi32>
    %get3A_216 = arith.constant 48 : index
    %get3A_217 = tpu.vector_load %arg7[%get3A_216] {strides = array<i32>} : memref<4608xi32, #tpu.memory_space<vmem>>, vector<16xi32>,
    %scan3A_218 = arith.constant 1 : i32
    %scan3A_219 = arith.constant 31 : i32
    %scan3A_220 = arith.addi %scan3A_218, %scan3A_219 : i32
    %scan3A_221 = arith.constant 1 : i32
    %scan3A_222 = scf.for %scan3A_500 = %scan3A_218 to %scan3A_220 step %scan3A_221 iter_args(%scan3A_501 = %get3A_217) -> (vector<16xi32>)  : i32 {
      %mul3A_502 = arith.constant 144 : i32
      %mul3A_503 = arith.muli %scan3A_500, %mul3A_502 : i32
      %add3A_504 = arith.constant 48 : i32
      %add3A_505 = arith.addi %mul3A_503, %add3A_504 : i32
      %get3A_506 = arith.index_cast %add3A_505 : i32 to index
      %get3A_507 = tpu.vector_load %arg7[%get3A_506] {strides = array<i32>} : memref<4608xi32, #tpu.memory_space<vmem>>, vector<16xi32>,
      %max3A_508 = arith.maxsi %scan3A_501, %get3A_507 : vector<16xi32>
      scf.yield %max3A_508 : vector<16xi32>
    }
    %scan3A_223 = arith.constant 31 : i32
    %broadcast_in_dim3A_224 = vector.broadcast %reduce_max3A_215 : i32 to vector<16xi32>
    %broadcast_in_dim3A_225 = arith.constant true
    %broadcast_in_dim3A_226 = vector.broadcast %broadcast_in_dim3A_225 : i1 to vector<16xi1>
    %masked_cummax3A_227 = arith.constant -2147483648 : i32
    %masked_cummax3A_228 = vector.broadcast %masked_cummax3A_227 : i32 to vector<16xi32>
    %masked_cummax3A_229 = arith.xori %scan3A_222, %masked_cummax3A_228 : vector<16xi32>
    %masked_cummax3A_230 = tpu.scan <max>, %masked_cummax3A_229 masked %broadcast_in_dim3A_226 : vector<16xi32>, vector<16xi1> -> vector<16xi32>
    %masked_cummax3A_231 = arith.xori %masked_cummax3A_230, %masked_cummax3A_228 : vector<16xi32>
    %max3A_232 = arith.maxsi %broadcast_in_dim3A_224, %masked_cummax3A_231 : vector<16xi32>
    %swap3A_233 = arith.constant 48 : index
    %swap3A_234 = tpu.vector_load %arg9[%swap3A_233] {strides = array<i32>} : memref<144xi32, #tpu.memory_space<vmem>>, vector<16xi32>,
    tpu.vector_store %arg9[%swap3A_233], %max3A_232 {strides = array<i32>} : memref<144xi32, #tpu.memory_space<vmem>>, vector<16xi32>,
    %eq3A_235 = arith.constant 0 : i32
    %eq3A_236 = vector.broadcast %eq3A_235 : i32 to vector<16xi32>
    %eq3A_237 = arith.cmpi eq, %iota3A, %eq3A_236 : vector<16xi32>
    %jit3A_238 = arith.constant 0 : i32
    %broadcast_in_dim3A_239 = vector.broadcast %jit3A_238 : i32 to vector<16xi32>
    %select_n3A_240 = arith.select %eq3A_237, %max3A_232, %broadcast_in_dim3A_239 : vector<16xi1>, vector<16xi32>
    %reduce_max3A_241 = arith.constant true
    %reduce_max3A_242 = vector.broadcast %reduce_max3A_241 : i1 to vector<16xi1>
    %reduce_max3A_243 = arith.constant -2147483648 : i32
    %reduce_max3A_244 = vector.broadcast %reduce_max3A_243 : i32 to vector<16xi32>
    %reduce_max3A_245 = arith.xori %select_n3A_240, %reduce_max3A_244 : vector<16xi32>
    %reduce_max3A_246 = tpu.scan <max>, %reduce_max3A_245 masked %reduce_max3A_242 : vector<16xi32>, vector<16xi1> -> vector<16xi32>
    %reduce_max3A_247 = arith.xori %reduce_max3A_246, %reduce_max3A_244 : vector<16xi32>
    %reduce_max3A_248 = vector.extract %reduce_max3A_247[15] : i32 from vector<16xi32>
    %reduce_max3A_249 = arith.constant true
    %reduce_max3A_250 = vector.broadcast %reduce_max3A_249 : i1 to vector<16xi1>
    %reduce_max3A_251 = arith.constant -2147483648 : i32
    %reduce_max3A_252 = vector.broadcast %reduce_max3A_251 : i32 to vector<16xi32>
    %reduce_max3A_253 = arith.xori %max3A_232, %reduce_max3A_252 : vector<16xi32>
    %reduce_max3A_254 = tpu.scan <max>, %reduce_max3A_253 masked %reduce_max3A_250 : vector<16xi32>, vector<16xi1> -> vector<16xi32>
    %reduce_max3A_255 = arith.xori %reduce_max3A_254, %reduce_max3A_252 : vector<16xi32>
    %reduce_max3A_256 = vector.extract %reduce_max3A_255[15] : i32 from vector<16xi32>
    %get3A_257 = arith.constant 64 : index
    %get3A_258 = tpu.vector_load %arg7[%get3A_257] {strides = array<i32>} : memref<4608xi32, #tpu.memory_space<vmem>>, vector<16xi32>,
    %scan3A_259 = arith.constant 1 : i32
    %scan3A_260 = arith.constant 31 : i32
    %scan3A_261 = arith.addi %scan3A_259, %scan3A_260 : i32
    %scan3A_262 = arith.constant 1 : i32
    %scan3A_263 = scf.for %scan3A_500 = %scan3A_259 to %scan3A_261 step %scan3A_262 iter_args(%scan3A_501 = %get3A_258) -> (vector<16xi32>)  : i32 {
      %mul3A_502 = arith.constant 144 : i32
      %mul3A_503 = arith.muli %scan3A_500, %mul3A_502 : i32
      %add3A_504 = arith.constant 64 : i32
      %add3A_505 = arith.addi %mul3A_503, %add3A_504 : i32
      %get3A_506 = arith.index_cast %add3A_505 : i32 to index
      %get3A_507 = tpu.vector_load %arg7[%get3A_506] {strides = array<i32>} : memref<4608xi32, #tpu.memory_space<vmem>>, vector<16xi32>,
      %max3A_508 = arith.maxsi %scan3A_501, %get3A_507 : vector<16xi32>
      scf.yield %max3A_508 : vector<16xi32>
    }
    %scan3A_264 = arith.constant 31 : i32
    %broadcast_in_dim3A_265 = vector.broadcast %reduce_max3A_256 : i32 to vector<16xi32>
    %broadcast_in_dim3A_266 = arith.constant true
    %broadcast_in_dim3A_267 = vector.broadcast %broadcast_in_dim3A_266 : i1 to vector<16xi1>
    %masked_cummax3A_268 = arith.constant -2147483648 : i32
    %masked_cummax3A_269 = vector.broadcast %masked_cummax3A_268 : i32 to vector<16xi32>
    %masked_cummax3A_270 = arith.xori %scan3A_263, %masked_cummax3A_269 : vector<16xi32>
    %masked_cummax3A_271 = tpu.scan <max>, %masked_cummax3A_270 masked %broadcast_in_dim3A_267 : vector<16xi32>, vector<16xi1> -> vector<16xi32>
    %masked_cummax3A_272 = arith.xori %masked_cummax3A_271, %masked_cummax3A_269 : vector<16xi32>
    %max3A_273 = arith.maxsi %broadcast_in_dim3A_265, %masked_cummax3A_272 : vector<16xi32>
    %swap3A_274 = arith.constant 64 : index
    %swap3A_275 = tpu.vector_load %arg9[%swap3A_274] {strides = array<i32>} : memref<144xi32, #tpu.memory_space<vmem>>, vector<16xi32>,
    tpu.vector_store %arg9[%swap3A_274], %max3A_273 {strides = array<i32>} : memref<144xi32, #tpu.memory_space<vmem>>, vector<16xi32>,
    %eq3A_276 = arith.constant 0 : i32
    %eq3A_277 = vector.broadcast %eq3A_276 : i32 to vector<16xi32>
    %eq3A_278 = arith.cmpi eq, %iota3A, %eq3A_277 : vector<16xi32>
    %jit3A_279 = arith.constant 0 : i32
    %broadcast_in_dim3A_280 = vector.broadcast %jit3A_279 : i32 to vector<16xi32>
    %select_n3A_281 = arith.select %eq3A_278, %max3A_273, %broadcast_in_dim3A_280 : vector<16xi1>, vector<16xi32>
    %reduce_max3A_282 = arith.constant true
    %reduce_max3A_283 = vector.broadcast %reduce_max3A_282 : i1 to vector<16xi1>
    %reduce_max3A_284 = arith.constant -2147483648 : i32
    %reduce_max3A_285 = vector.broadcast %reduce_max3A_284 : i32 to vector<16xi32>
    %reduce_max3A_286 = arith.xori %select_n3A_281, %reduce_max3A_285 : vector<16xi32>
    %reduce_max3A_287 = tpu.scan <max>, %reduce_max3A_286 masked %reduce_max3A_283 : vector<16xi32>, vector<16xi1> -> vector<16xi32>
    %reduce_max3A_288 = arith.xori %reduce_max3A_287, %reduce_max3A_285 : vector<16xi32>
    %reduce_max3A_289 = vector.extract %reduce_max3A_288[15] : i32 from vector<16xi32>
    %reduce_max3A_290 = arith.constant true
    %reduce_max3A_291 = vector.broadcast %reduce_max3A_290 : i1 to vector<16xi1>
    %reduce_max3A_292 = arith.constant -2147483648 : i32
    %reduce_max3A_293 = vector.broadcast %reduce_max3A_292 : i32 to vector<16xi32>
    %reduce_max3A_294 = arith.xori %max3A_273, %reduce_max3A_293 : vector<16xi32>
    %reduce_max3A_295 = tpu.scan <max>, %reduce_max3A_294 masked %reduce_max3A_291 : vector<16xi32>, vector<16xi1> -> vector<16xi32>
    %reduce_max3A_296 = arith.xori %reduce_max3A_295, %reduce_max3A_293 : vector<16xi32>
    %reduce_max3A_297 = vector.extract %reduce_max3A_296[15] : i32 from vector<16xi32>
    %get3A_298 = arith.constant 80 : index
    %get3A_299 = tpu.vector_load %arg7[%get3A_298] {strides = array<i32>} : memref<4608xi32, #tpu.memory_space<vmem>>, vector<16xi32>,
    %scan3A_300 = arith.constant 1 : i32
    %scan3A_301 = arith.constant 31 : i32
    %scan3A_302 = arith.addi %scan3A_300, %scan3A_301 : i32
    %scan3A_303 = arith.constant 1 : i32
    %scan3A_304 = scf.for %scan3A_500 = %scan3A_300 to %scan3A_302 step %scan3A_303 iter_args(%scan3A_501 = %get3A_299) -> (vector<16xi32>)  : i32 {
      %mul3A_502 = arith.constant 144 : i32
      %mul3A_503 = arith.muli %scan3A_500, %mul3A_502 : i32
      %add3A_504 = arith.constant 80 : i32
      %add3A_505 = arith.addi %mul3A_503, %add3A_504 : i32
      %get3A_506 = arith.index_cast %add3A_505 : i32 to index
      %get3A_507 = tpu.vector_load %arg7[%get3A_506] {strides = array<i32>} : memref<4608xi32, #tpu.memory_space<vmem>>, vector<16xi32>,
      %max3A_508 = arith.maxsi %scan3A_501, %get3A_507 : vector<16xi32>
      scf.yield %max3A_508 : vector<16xi32>
    }
    %scan3A_305 = arith.constant 31 : i32
    %broadcast_in_dim3A_306 = vector.broadcast %reduce_max3A_297 : i32 to vector<16xi32>
    %broadcast_in_dim3A_307 = arith.constant true
    %broadcast_in_dim3A_308 = vector.broadcast %broadcast_in_dim3A_307 : i1 to vector<16xi1>
    %masked_cummax3A_309 = arith.constant -2147483648 : i32
    %masked_cummax3A_310 = vector.broadcast %masked_cummax3A_309 : i32 to vector<16xi32>
    %masked_cummax3A_311 = arith.xori %scan3A_304, %masked_cummax3A_310 : vector<16xi32>
    %masked_cummax3A_312 = tpu.scan <max>, %masked_cummax3A_311 masked %broadcast_in_dim3A_308 : vector<16xi32>, vector<16xi1> -> vector<16xi32>
    %masked_cummax3A_313 = arith.xori %masked_cummax3A_312, %masked_cummax3A_310 : vector<16xi32>
    %max3A_314 = arith.maxsi %broadcast_in_dim3A_306, %masked_cummax3A_313 : vector<16xi32>
    %swap3A_315 = arith.constant 80 : index
    %swap3A_316 = tpu.vector_load %arg9[%swap3A_315] {strides = array<i32>} : memref<144xi32, #tpu.memory_space<vmem>>, vector<16xi32>,
    tpu.vector_store %arg9[%swap3A_315], %max3A_314 {strides = array<i32>} : memref<144xi32, #tpu.memory_space<vmem>>, vector<16xi32>,
    %eq3A_317 = arith.constant 0 : i32
    %eq3A_318 = vector.broadcast %eq3A_317 : i32 to vector<16xi32>
    %eq3A_319 = arith.cmpi eq, %iota3A, %eq3A_318 : vector<16xi32>
    %jit3A_320 = arith.constant 0 : i32
    %broadcast_in_dim3A_321 = vector.broadcast %jit3A_320 : i32 to vector<16xi32>
    %select_n3A_322 = arith.select %eq3A_319, %max3A_314, %broadcast_in_dim3A_321 : vector<16xi1>, vector<16xi32>
    %reduce_max3A_323 = arith.constant true
    %reduce_max3A_324 = vector.broadcast %reduce_max3A_323 : i1 to vector<16xi1>
    %reduce_max3A_325 = arith.constant -2147483648 : i32
    %reduce_max3A_326 = vector.broadcast %reduce_max3A_325 : i32 to vector<16xi32>
    %reduce_max3A_327 = arith.xori %select_n3A_322, %reduce_max3A_326 : vector<16xi32>
    %reduce_max3A_328 = tpu.scan <max>, %reduce_max3A_327 masked %reduce_max3A_324 : vector<16xi32>, vector<16xi1> -> vector<16xi32>
    %reduce_max3A_329 = arith.xori %reduce_max3A_328, %reduce_max3A_326 : vector<16xi32>
    %reduce_max3A_330 = vector.extract %reduce_max3A_329[15] : i32 from vector<16xi32>
    %reduce_max3A_331 = arith.constant true
    %reduce_max3A_332 = vector.broadcast %reduce_max3A_331 : i1 to vector<16xi1>
    %reduce_max3A_333 = arith.constant -2147483648 : i32
    %reduce_max3A_334 = vector.broadcast %reduce_max3A_333 : i32 to vector<16xi32>
    %reduce_max3A_335 = arith.xori %max3A_314, %reduce_max3A_334 : vector<16xi32>
    %reduce_max3A_336 = tpu.scan <max>, %reduce_max3A_335 masked %reduce_max3A_332 : vector<16xi32>, vector<16xi1> -> vector<16xi32>
    %reduce_max3A_337 = arith.xori %reduce_max3A_336, %reduce_max3A_334 : vector<16xi32>
    %reduce_max3A_338 = vector.extract %reduce_max3A_337[15] : i32 from vector<16xi32>
    %get3A_339 = arith.constant 96 : index
    %get3A_340 = tpu.vector_load %arg7[%get3A_339] {strides = array<i32>} : memref<4608xi32, #tpu.memory_space<vmem>>, vector<16xi32>,
    %scan3A_341 = arith.constant 1 : i32
    %scan3A_342 = arith.constant 31 : i32
    %scan3A_343 = arith.addi %scan3A_341, %scan3A_342 : i32
    %scan3A_344 = arith.constant 1 : i32
    %scan3A_345 = scf.for %scan3A_500 = %scan3A_341 to %scan3A_343 step %scan3A_344 iter_args(%scan3A_501 = %get3A_340) -> (vector<16xi32>)  : i32 {
      %mul3A_502 = arith.constant 144 : i32
      %mul3A_503 = arith.muli %scan3A_500, %mul3A_502 : i32
      %add3A_504 = arith.constant 96 : i32
      %add3A_505 = arith.addi %mul3A_503, %add3A_504 : i32
      %get3A_506 = arith.index_cast %add3A_505 : i32 to index
      %get3A_507 = tpu.vector_load %arg7[%get3A_506] {strides = array<i32>} : memref<4608xi32, #tpu.memory_space<vmem>>, vector<16xi32>,
      %max3A_508 = arith.maxsi %scan3A_501, %get3A_507 : vector<16xi32>
      scf.yield %max3A_508 : vector<16xi32>
    }
    %scan3A_346 = arith.constant 31 : i32
    %broadcast_in_dim3A_347 = vector.broadcast %reduce_max3A_338 : i32 to vector<16xi32>
    %broadcast_in_dim3A_348 = arith.constant true
    %broadcast_in_dim3A_349 = vector.broadcast %broadcast_in_dim3A_348 : i1 to vector<16xi1>
    %masked_cummax3A_350 = arith.constant -2147483648 : i32
    %masked_cummax3A_351 = vector.broadcast %masked_cummax3A_350 : i32 to vector<16xi32>
    %masked_cummax3A_352 = arith.xori %scan3A_345, %masked_cummax3A_351 : vector<16xi32>
    %masked_cummax3A_353 = tpu.scan <max>, %masked_cummax3A_352 masked %broadcast_in_dim3A_349 : vector<16xi32>, vector<16xi1> -> vector<16xi32>
    %masked_cummax3A_354 = arith.xori %masked_cummax3A_353, %masked_cummax3A_351 : vector<16xi32>
    %max3A_355 = arith.maxsi %broadcast_in_dim3A_347, %masked_cummax3A_354 : vector<16xi32>
    %swap3A_356 = arith.constant 96 : index
    %swap3A_357 = tpu.vector_load %arg9[%swap3A_356] {strides = array<i32>} : memref<144xi32, #tpu.memory_space<vmem>>, vector<16xi32>,
    tpu.vector_store %arg9[%swap3A_356], %max3A_355 {strides = array<i32>} : memref<144xi32, #tpu.memory_space<vmem>>, vector<16xi32>,
    %eq3A_358 = arith.constant 0 : i32
    %eq3A_359 = vector.broadcast %eq3A_358 : i32 to vector<16xi32>
    %eq3A_360 = arith.cmpi eq, %iota3A, %eq3A_359 : vector<16xi32>
    %jit3A_361 = arith.constant 0 : i32
    %broadcast_in_dim3A_362 = vector.broadcast %jit3A_361 : i32 to vector<16xi32>
    %select_n3A_363 = arith.select %eq3A_360, %max3A_355, %broadcast_in_dim3A_362 : vector<16xi1>, vector<16xi32>
    %reduce_max3A_364 = arith.constant true
    %reduce_max3A_365 = vector.broadcast %reduce_max3A_364 : i1 to vector<16xi1>
    %reduce_max3A_366 = arith.constant -2147483648 : i32
    %reduce_max3A_367 = vector.broadcast %reduce_max3A_366 : i32 to vector<16xi32>
    %reduce_max3A_368 = arith.xori %select_n3A_363, %reduce_max3A_367 : vector<16xi32>
    %reduce_max3A_369 = tpu.scan <max>, %reduce_max3A_368 masked %reduce_max3A_365 : vector<16xi32>, vector<16xi1> -> vector<16xi32>
    %reduce_max3A_370 = arith.xori %reduce_max3A_369, %reduce_max3A_367 : vector<16xi32>
    %reduce_max3A_371 = vector.extract %reduce_max3A_370[15] : i32 from vector<16xi32>
    %reduce_max3A_372 = arith.constant true
    %reduce_max3A_373 = vector.broadcast %reduce_max3A_372 : i1 to vector<16xi1>
    %reduce_max3A_374 = arith.constant -2147483648 : i32
    %reduce_max3A_375 = vector.broadcast %reduce_max3A_374 : i32 to vector<16xi32>
    %reduce_max3A_376 = arith.xori %max3A_355, %reduce_max3A_375 : vector<16xi32>
    %reduce_max3A_377 = tpu.scan <max>, %reduce_max3A_376 masked %reduce_max3A_373 : vector<16xi32>, vector<16xi1> -> vector<16xi32>
    %reduce_max3A_378 = arith.xori %reduce_max3A_377, %reduce_max3A_375 : vector<16xi32>
    %reduce_max3A_379 = vector.extract %reduce_max3A_378[15] : i32 from vector<16xi32>
    %get3A_380 = arith.constant 112 : index
    %get3A_381 = tpu.vector_load %arg7[%get3A_380] {strides = array<i32>} : memref<4608xi32, #tpu.memory_space<vmem>>, vector<16xi32>,
    %scan3A_382 = arith.constant 1 : i32
    %scan3A_383 = arith.constant 31 : i32
    %scan3A_384 = arith.addi %scan3A_382, %scan3A_383 : i32
    %scan3A_385 = arith.constant 1 : i32
    %scan3A_386 = scf.for %scan3A_500 = %scan3A_382 to %scan3A_384 step %scan3A_385 iter_args(%scan3A_501 = %get3A_381) -> (vector<16xi32>)  : i32 {
      %mul3A_502 = arith.constant 144 : i32
      %mul3A_503 = arith.muli %scan3A_500, %mul3A_502 : i32
      %add3A_504 = arith.constant 112 : i32
      %add3A_505 = arith.addi %mul3A_503, %add3A_504 : i32
      %get3A_506 = arith.index_cast %add3A_505 : i32 to index
      %get3A_507 = tpu.vector_load %arg7[%get3A_506] {strides = array<i32>} : memref<4608xi32, #tpu.memory_space<vmem>>, vector<16xi32>,
      %max3A_508 = arith.maxsi %scan3A_501, %get3A_507 : vector<16xi32>
      scf.yield %max3A_508 : vector<16xi32>
    }
    %scan3A_387 = arith.constant 31 : i32
    %broadcast_in_dim3A_388 = vector.broadcast %reduce_max3A_379 : i32 to vector<16xi32>
    %broadcast_in_dim3A_389 = arith.constant true
    %broadcast_in_dim3A_390 = vector.broadcast %broadcast_in_dim3A_389 : i1 to vector<16xi1>
    %masked_cummax3A_391 = arith.constant -2147483648 : i32
    %masked_cummax3A_392 = vector.broadcast %masked_cummax3A_391 : i32 to vector<16xi32>
    %masked_cummax3A_393 = arith.xori %scan3A_386, %masked_cummax3A_392 : vector<16xi32>
    %masked_cummax3A_394 = tpu.scan <max>, %masked_cummax3A_393 masked %broadcast_in_dim3A_390 : vector<16xi32>, vector<16xi1> -> vector<16xi32>
    %masked_cummax3A_395 = arith.xori %masked_cummax3A_394, %masked_cummax3A_392 : vector<16xi32>
    %max3A_396 = arith.maxsi %broadcast_in_dim3A_388, %masked_cummax3A_395 : vector<16xi32>
    %swap3A_397 = arith.constant 112 : index
    %swap3A_398 = tpu.vector_load %arg9[%swap3A_397] {strides = array<i32>} : memref<144xi32, #tpu.memory_space<vmem>>, vector<16xi32>,
    tpu.vector_store %arg9[%swap3A_397], %max3A_396 {strides = array<i32>} : memref<144xi32, #tpu.memory_space<vmem>>, vector<16xi32>,
    %eq3A_399 = arith.constant 0 : i32
    %eq3A_400 = vector.broadcast %eq3A_399 : i32 to vector<16xi32>
    %eq3A_401 = arith.cmpi eq, %iota3A, %eq3A_400 : vector<16xi32>
    %jit3A_402 = arith.constant 0 : i32
    %broadcast_in_dim3A_403 = vector.broadcast %jit3A_402 : i32 to vector<16xi32>
    %select_n3A_404 = arith.select %eq3A_401, %max3A_396, %broadcast_in_dim3A_403 : vector<16xi1>, vector<16xi32>
    %reduce_max3A_405 = arith.constant true
    %reduce_max3A_406 = vector.broadcast %reduce_max3A_405 : i1 to vector<16xi1>
    %reduce_max3A_407 = arith.constant -2147483648 : i32
    %reduce_max3A_408 = vector.broadcast %reduce_max3A_407 : i32 to vector<16xi32>
    %reduce_max3A_409 = arith.xori %select_n3A_404, %reduce_max3A_408 : vector<16xi32>
    %reduce_max3A_410 = tpu.scan <max>, %reduce_max3A_409 masked %reduce_max3A_406 : vector<16xi32>, vector<16xi1> -> vector<16xi32>
    %reduce_max3A_411 = arith.xori %reduce_max3A_410, %reduce_max3A_408 : vector<16xi32>
    %reduce_max3A_412 = vector.extract %reduce_max3A_411[15] : i32 from vector<16xi32>
    %reduce_max3A_413 = arith.constant true
    %reduce_max3A_414 = vector.broadcast %reduce_max3A_413 : i1 to vector<16xi1>
    %reduce_max3A_415 = arith.constant -2147483648 : i32
    %reduce_max3A_416 = vector.broadcast %reduce_max3A_415 : i32 to vector<16xi32>
    %reduce_max3A_417 = arith.xori %max3A_396, %reduce_max3A_416 : vector<16xi32>
    %reduce_max3A_418 = tpu.scan <max>, %reduce_max3A_417 masked %reduce_max3A_414 : vector<16xi32>, vector<16xi1> -> vector<16xi32>
    %reduce_max3A_419 = arith.xori %reduce_max3A_418, %reduce_max3A_416 : vector<16xi32>
    %reduce_max3A_420 = vector.extract %reduce_max3A_419[15] : i32 from vector<16xi32>
    %get3A_421 = arith.constant 128 : index
    %get3A_422 = tpu.vector_load %arg7[%get3A_421] {strides = array<i32>} : memref<4608xi32, #tpu.memory_space<vmem>>, vector<16xi32>,
    %scan3A_423 = arith.constant 1 : i32
    %scan3A_424 = arith.constant 31 : i32
    %scan3A_425 = arith.addi %scan3A_423, %scan3A_424 : i32
    %scan3A_426 = arith.constant 1 : i32
    %scan3A_427 = scf.for %scan3A_500 = %scan3A_423 to %scan3A_425 step %scan3A_426 iter_args(%scan3A_501 = %get3A_422) -> (vector<16xi32>)  : i32 {
      %mul3A_502 = arith.constant 144 : i32
      %mul3A_503 = arith.muli %scan3A_500, %mul3A_502 : i32
      %add3A_504 = arith.constant 128 : i32
      %add3A_505 = arith.addi %mul3A_503, %add3A_504 : i32
      %get3A_506 = arith.index_cast %add3A_505 : i32 to index
      %get3A_507 = tpu.vector_load %arg7[%get3A_506] {strides = array<i32>} : memref<4608xi32, #tpu.memory_space<vmem>>, vector<16xi32>,
      %max3A_508 = arith.maxsi %scan3A_501, %get3A_507 : vector<16xi32>
      scf.yield %max3A_508 : vector<16xi32>
    }
    %scan3A_428 = arith.constant 31 : i32
    %broadcast_in_dim3A_429 = vector.broadcast %reduce_max3A_420 : i32 to vector<16xi32>
    %broadcast_in_dim3A_430 = arith.constant true
    %broadcast_in_dim3A_431 = vector.broadcast %broadcast_in_dim3A_430 : i1 to vector<16xi1>
    %masked_cummax3A_432 = arith.constant -2147483648 : i32
    %masked_cummax3A_433 = vector.broadcast %masked_cummax3A_432 : i32 to vector<16xi32>
    %masked_cummax3A_434 = arith.xori %scan3A_427, %masked_cummax3A_433 : vector<16xi32>
    %masked_cummax3A_435 = tpu.scan <max>, %masked_cummax3A_434 masked %broadcast_in_dim3A_431 : vector<16xi32>, vector<16xi1> -> vector<16xi32>
    %masked_cummax3A_436 = arith.xori %masked_cummax3A_435, %masked_cummax3A_433 : vector<16xi32>
    %max3A_437 = arith.maxsi %broadcast_in_dim3A_429, %masked_cummax3A_436 : vector<16xi32>
    %swap3A_438 = arith.constant 128 : index
    %swap3A_439 = tpu.vector_load %arg9[%swap3A_438] {strides = array<i32>} : memref<144xi32, #tpu.memory_space<vmem>>, vector<16xi32>,
    tpu.vector_store %arg9[%swap3A_438], %max3A_437 {strides = array<i32>} : memref<144xi32, #tpu.memory_space<vmem>>, vector<16xi32>,
    %eq3A_440 = arith.constant 0 : i32
    %eq3A_441 = vector.broadcast %eq3A_440 : i32 to vector<16xi32>
    %eq3A_442 = arith.cmpi eq, %iota3A, %eq3A_441 : vector<16xi32>
    %jit3A_443 = arith.constant 0 : i32
    %broadcast_in_dim3A_444 = vector.broadcast %jit3A_443 : i32 to vector<16xi32>
    %select_n3A_445 = arith.select %eq3A_442, %max3A_437, %broadcast_in_dim3A_444 : vector<16xi1>, vector<16xi32>
    %reduce_max3A_446 = arith.constant true
    %reduce_max3A_447 = vector.broadcast %reduce_max3A_446 : i1 to vector<16xi1>
    %reduce_max3A_448 = arith.constant -2147483648 : i32
    %reduce_max3A_449 = vector.broadcast %reduce_max3A_448 : i32 to vector<16xi32>
    %reduce_max3A_450 = arith.xori %select_n3A_445, %reduce_max3A_449 : vector<16xi32>
    %reduce_max3A_451 = tpu.scan <max>, %reduce_max3A_450 masked %reduce_max3A_447 : vector<16xi32>, vector<16xi1> -> vector<16xi32>
    %reduce_max3A_452 = arith.xori %reduce_max3A_451, %reduce_max3A_449 : vector<16xi32>
    %reduce_max3A_453 = vector.extract %reduce_max3A_452[15] : i32 from vector<16xi32>
    %reduce_max3A_454 = arith.constant true
    %reduce_max3A_455 = vector.broadcast %reduce_max3A_454 : i1 to vector<16xi1>
    %reduce_max3A_456 = arith.constant -2147483648 : i32
    %reduce_max3A_457 = vector.broadcast %reduce_max3A_456 : i32 to vector<16xi32>
    %reduce_max3A_458 = arith.xori %max3A_437, %reduce_max3A_457 : vector<16xi32>
    %reduce_max3A_459 = tpu.scan <max>, %reduce_max3A_458 masked %reduce_max3A_455 : vector<16xi32>, vector<16xi1> -> vector<16xi32>
    %reduce_max3A_460 = arith.xori %reduce_max3A_459, %reduce_max3A_457 : vector<16xi32>
    %reduce_max3A_461 = vector.extract %reduce_max3A_460[15] : i32 from vector<16xi32>
    %and3A = arith.constant -8 : i32
    %and3A_462 = arith.andi %reduce_max3A_125, %and3A : i32
    %sub3A = arith.subi %reduce_max3A_453, %and3A_462 : i32
    %add3A_463 = arith.constant 2048 : i32
    %add3A_464 = arith.addi %sub3A, %add3A_463 : i32
    %sub3A_465 = arith.constant 1 : i32
    %sub3A_466 = arith.subi %add3A_464, %sub3A_465 : i32
    %jit3A_467 = arith.constant 2048 : i32
    %div3A = arith.divsi %sub3A_466, %jit3A_467 : i32
    %sign3A = arith.constant 0 : i32
    %sign3A_468 = arith.cmpi sgt, %sub3A_466, %sign3A : i32
    %sign3A_469 = arith.extui %sign3A_468 : i1 to i32
    %sign3A_470 = arith.constant 0 : i32
    %sign3A_471 = arith.cmpi slt, %sub3A_466, %sign3A_470 : i32
    %sign3A_472 = arith.extui %sign3A_471 : i1 to i32
    %sign3A_473 = arith.subi %sign3A_469, %sign3A_472 : i32
    %sign3A_474 = arith.constant 0 : i32
    %sign3A_475 = arith.cmpi sgt, %jit3A_467, %sign3A_474 : i32
    %sign3A_476 = arith.extui %sign3A_475 : i1 to i32
    %sign3A_477 = arith.constant 0 : i32
    %sign3A_478 = arith.cmpi slt, %jit3A_467, %sign3A_477 : i32
    %sign3A_479 = arith.extui %sign3A_478 : i1 to i32
    %sign3A_480 = arith.subi %sign3A_476, %sign3A_479 : i32
    %ne3A = arith.cmpi ne, %sign3A_473, %sign3A_480 : i32
    %rem3A = arith.remsi %sub3A_466, %jit3A_467 : i32
    %ne3A_481 = arith.constant 0 : i32
    %ne3A_482 = arith.cmpi ne, %rem3A, %ne3A_481 : i32
    %and3A_483 = arith.andi %ne3A, %ne3A_482 : i1
    %sub3A_484 = arith.constant 1 : i32
    %sub3A_485 = arith.subi %div3A, %sub3A_484 : i32
    %select_n3A_486 = arith.select %and3A_483, %sub3A_485, %div3A : i32
    %gt3A = arith.constant 0 : i32
    %gt3A_487 = arith.cmpi sgt, %select_n3A_486, %gt3A : i32
    %convert_element_type3A = arith.extui %gt3A_487 : i1 to i32
    %cond3A = arith.constant 0 : i32
    %cond3A_488 = arith.cmpi ne, %convert_element_type3A, %cond3A : i32
    scf.if %cond3A_488 {
      %add3A_500 = arith.constant 0 : i32
      %add3A_501 = arith.addi %and3A_462, %add3A_500 : i32
      %min3A = arith.constant 1046528 : i32
      %min3A_502 = arith.minsi %add3A_501, %min3A : i32
      %multiple_of3A_503 = tpu.assume_multiple %min3A_502, 8 : i32
      %dma_start3A = tpu.memref_slice %arg3[%multiple_of3A_503] : memref<1048576xi32, #tpu.memory_space<hbm>> -> memref<2048xi32, #tpu.memory_space<hbm>>
      %dma_start3A_504 = tpu.memref_slice %arg3[%multiple_of3A_503] : memref<1048576xi32, #tpu.memory_space<hbm>> -> memref<2048xi32, #tpu.memory_space<hbm>>
      tpu.enqueue_dma source(%dma_start3A_504 : memref<2048xi32, #tpu.memory_space<hbm>>) target(%arg10 : memref<2048xi32, #tpu.memory_space<vmem>>) target_semaphore(%arg16 : memref<!tpu.dma_semaphore, #tpu.memory_space<semaphore_mem>>)
      %dma_start3A_505 = tpu.memref_slice %arg2[%multiple_of3A_503] : memref<1048576xi32, #tpu.memory_space<hbm>> -> memref<2048xi32, #tpu.memory_space<hbm>>
      %dma_start3A_506 = tpu.memref_slice %arg2[%multiple_of3A_503] : memref<1048576xi32, #tpu.memory_space<hbm>> -> memref<2048xi32, #tpu.memory_space<hbm>>
      tpu.enqueue_dma source(%dma_start3A_506 : memref<2048xi32, #tpu.memory_space<hbm>>) target(%arg11 : memref<2048xi32, #tpu.memory_space<vmem>>) target_semaphore(%arg16 : memref<!tpu.dma_semaphore, #tpu.memory_space<semaphore_mem>>)
    } else {
    }
    %while3A = arith.constant 0 : i32
    %while3A_489 = arith.constant 0 : i32
    %while3A_490 = arith.subi %select_n3A_486, %while3A_489 : i32
    %while3A_491 = arith.addi %while3A_489, %while3A_490 : i32
    %while3A_492 = arith.constant 1 : i32
    %while3A_493 = arith.divsi %while3A_490, %while3A_492 : i32
    %while3A_494 = arith.muli %while3A_493, %while3A_492 : i32
    %while3A_495 = arith.addi %while3A_489, %while3A_494 : i32
    %while3A_496 = arith.constant 1 : i32
    scf.for %while3A_500 = %while3A_489 to %while3A_495 step %while3A_496  : i32 {
      %jit3A_501 = arith.constant 2 : i32
      %eq3A_502 = arith.constant 0 : i32
      %eq3A_503 = arith.cmpi eq, %jit3A_501, %eq3A_502 : i32
      %jit3A_504 = arith.constant 1 : i32
      %select_n3A_505 = arith.select %eq3A_503, %jit3A_504, %jit3A_501 : i32
      %rem3A_506 = arith.remsi %while3A_500, %select_n3A_505 : i32
      %ne3A_507 = arith.constant 0 : i32
      %ne3A_508 = arith.cmpi ne, %rem3A_506, %ne3A_507 : i32
      %lt3A = arith.constant 0 : i32
      %lt3A_509 = arith.cmpi slt, %rem3A_506, %lt3A : i32
      %lt3A_510 = arith.constant 0 : i32
      %lt3A_511 = arith.cmpi slt, %select_n3A_505, %lt3A_510 : i32
      %ne3A_512 = arith.xori %lt3A_509, %lt3A_511 : i1
      %and3A_513 = arith.andi %ne3A_512, %ne3A_508 : i1
      %add3A_514 = arith.addi %rem3A_506, %select_n3A_505 : i32
      %select_n3A_515 = arith.select %and3A_513, %add3A_514, %rem3A_506 : i32
      %eq3A_516 = arith.constant 0 : i32
      %eq3A_517 = arith.cmpi eq, %select_n3A_515, %eq3A_516 : i32
      %add3A_518 = arith.constant 1 : i32
      %add3A_519 = arith.addi %while3A_500, %add3A_518 : i32
      %lt3A_520 = arith.cmpi slt, %add3A_519, %select_n3A_486 : i32
      %eq3A_521 = arith.constant 0 : i32
      %eq3A_522 = arith.cmpi eq, %while3A_500, %eq3A_521 : i32
      %sub3A_523 = arith.constant 1 : i32
      %sub3A_524 = arith.subi %select_n3A_486, %sub3A_523 : i32
      %eq3A_525 = arith.cmpi eq, %while3A_500, %sub3A_524 : i32
      %or3A = arith.ori %eq3A_522, %eq3A_525 : i1
      %and3A_526 = arith.andi %lt3A_520, %eq3A_517 : i1
      %convert_element_type3A_527 = arith.extui %and3A_526 : i1 to i32
      %cond3A_528 = arith.constant 0 : i32
      %cond3A_529 = arith.cmpi ne, %convert_element_type3A_527, %cond3A_528 : i32
      scf.if %cond3A_529 {
        %add3A_559 = arith.constant 1 : i32
        %add3A_560 = arith.addi %while3A_500, %add3A_559 : i32
        %mul3A_561 = arith.constant 2048 : i32
        %mul3A_562 = arith.muli %add3A_560, %mul3A_561 : i32
        %add3A_563 = arith.addi %and3A_462, %mul3A_562 : i32
        %min3A = arith.constant 1046528 : i32
        %min3A_564 = arith.minsi %add3A_563, %min3A : i32
        %multiple_of3A_565 = tpu.assume_multiple %min3A_564, 8 : i32
        %dma_start3A = tpu.memref_slice %arg3[%multiple_of3A_565] : memref<1048576xi32, #tpu.memory_space<hbm>> -> memref<2048xi32, #tpu.memory_space<hbm>>
        %dma_start3A_566 = tpu.memref_slice %arg3[%multiple_of3A_565] : memref<1048576xi32, #tpu.memory_space<hbm>> -> memref<2048xi32, #tpu.memory_space<hbm>>
        tpu.enqueue_dma source(%dma_start3A_566 : memref<2048xi32, #tpu.memory_space<hbm>>) target(%arg12 : memref<2048xi32, #tpu.memory_space<vmem>>) target_semaphore(%arg17 : memref<!tpu.dma_semaphore, #tpu.memory_space<semaphore_mem>>)
        %dma_start3A_567 = tpu.memref_slice %arg2[%multiple_of3A_565] : memref<1048576xi32, #tpu.memory_space<hbm>> -> memref<2048xi32, #tpu.memory_space<hbm>>
        %dma_start3A_568 = tpu.memref_slice %arg2[%multiple_of3A_565] : memref<1048576xi32, #tpu.memory_space<hbm>> -> memref<2048xi32, #tpu.memory_space<hbm>>
        tpu.enqueue_dma source(%dma_start3A_568 : memref<2048xi32, #tpu.memory_space<hbm>>) target(%arg13 : memref<2048xi32, #tpu.memory_space<vmem>>) target_semaphore(%arg17 : memref<!tpu.dma_semaphore, #tpu.memory_space<semaphore_mem>>)
      } else {
      }
      %not3A = arith.constant true
      %not3A_530 = arith.xori %eq3A_517, %not3A : i1
      %and3A_531 = arith.andi %lt3A_520, %not3A_530 : i1
      %convert_element_type3A_532 = arith.extui %and3A_531 : i1 to i32
      %cond3A_533 = arith.constant 0 : i32
      %cond3A_534 = arith.cmpi ne, %convert_element_type3A_532, %cond3A_533 : i32
      scf.if %cond3A_534 {
        %add3A_559 = arith.constant 1 : i32
        %add3A_560 = arith.addi %while3A_500, %add3A_559 : i32
        %mul3A_561 = arith.constant 2048 : i32
        %mul3A_562 = arith.muli %add3A_560, %mul3A_561 : i32
        %add3A_563 = arith.addi %and3A_462, %mul3A_562 : i32
        %min3A = arith.constant 1046528 : i32
        %min3A_564 = arith.minsi %add3A_563, %min3A : i32
        %multiple_of3A_565 = tpu.assume_multiple %min3A_564, 8 : i32
        %dma_start3A = tpu.memref_slice %arg3[%multiple_of3A_565] : memref<1048576xi32, #tpu.memory_space<hbm>> -> memref<2048xi32, #tpu.memory_space<hbm>>
        %dma_start3A_566 = tpu.memref_slice %arg3[%multiple_of3A_565] : memref<1048576xi32, #tpu.memory_space<hbm>> -> memref<2048xi32, #tpu.memory_space<hbm>>
        tpu.enqueue_dma source(%dma_start3A_566 : memref<2048xi32, #tpu.memory_space<hbm>>) target(%arg10 : memref<2048xi32, #tpu.memory_space<vmem>>) target_semaphore(%arg16 : memref<!tpu.dma_semaphore, #tpu.memory_space<semaphore_mem>>)
        %dma_start3A_567 = tpu.memref_slice %arg2[%multiple_of3A_565] : memref<1048576xi32, #tpu.memory_space<hbm>> -> memref<2048xi32, #tpu.memory_space<hbm>>
        %dma_start3A_568 = tpu.memref_slice %arg2[%multiple_of3A_565] : memref<1048576xi32, #tpu.memory_space<hbm>> -> memref<2048xi32, #tpu.memory_space<hbm>>
        tpu.enqueue_dma source(%dma_start3A_568 : memref<2048xi32, #tpu.memory_space<hbm>>) target(%arg11 : memref<2048xi32, #tpu.memory_space<vmem>>) target_semaphore(%arg16 : memref<!tpu.dma_semaphore, #tpu.memory_space<semaphore_mem>>)
      } else {
      }
      %and3A_535 = arith.andi %eq3A_517, %or3A : i1
      %convert_element_type3A_536 = arith.extui %and3A_535 : i1 to i32
      %cond3A_537 = arith.constant 0 : i32
      %cond3A_538 = arith.cmpi ne, %convert_element_type3A_536, %cond3A_537 : i32
      scf.if %cond3A_538 {
        %dma_wait3A_559 = arith.constant 0 : i32
        %dma_wait3A_560 = tpu.memref_slice %arg3[%dma_wait3A_559] : memref<1048576xi32, #tpu.memory_space<hbm>> -> memref<2048xi32, #tpu.memory_space<hbm>>
        %dma_wait3A_561 = arith.constant 0 : i32
        %dma_wait3A_562 = tpu.memref_slice %arg3[%dma_wait3A_561] : memref<1048576xi32, #tpu.memory_space<hbm>> -> memref<2048xi32, #tpu.memory_space<hbm>>
        tpu.wait_dma2 semaphore(%arg16 : memref<!tpu.dma_semaphore, #tpu.memory_space<semaphore_mem>>) src(%dma_wait3A_562 : memref<2048xi32, #tpu.memory_space<hbm>>) dst(%arg10 : memref<2048xi32, #tpu.memory_space<vmem>>)
        %dma_wait3A_563 = arith.constant 0 : i32
        %dma_wait3A_564 = tpu.memref_slice %arg2[%dma_wait3A_563] : memref<1048576xi32, #tpu.memory_space<hbm>> -> memref<2048xi32, #tpu.memory_space<hbm>>
        %dma_wait3A_565 = arith.constant 0 : i32
        %dma_wait3A_566 = tpu.memref_slice %arg2[%dma_wait3A_565] : memref<1048576xi32, #tpu.memory_space<hbm>> -> memref<2048xi32, #tpu.memory_space<hbm>>
        tpu.wait_dma2 semaphore(%arg16 : memref<!tpu.dma_semaphore, #tpu.memory_space<semaphore_mem>>) src(%dma_wait3A_566 : memref<2048xi32, #tpu.memory_space<hbm>>) dst(%arg11 : memref<2048xi32, #tpu.memory_space<vmem>>)
        %mul3A_567 = arith.constant 2048 : i32
        %mul3A_568 = arith.muli %while3A_500, %mul3A_567 : i32
        %add3A_569 = arith.addi %and3A_462, %mul3A_568 : i32
        %min3A = arith.constant 1046528 : i32
        %min3A_570 = arith.minsi %add3A_569, %min3A : i32
        %multiple_of3A_571 = tpu.assume_multiple %min3A_570, 8 : i32
        %parallel_loop3A_572 = arith.constant 0 : i32
        %parallel_loop3A_573 = arith.constant 128 : i32
        %parallel_loop3A_574 = arith.constant 1 : i32
        scf.for %parallel_loop3A_575 = %parallel_loop3A_572 to %parallel_loop3A_573 step %parallel_loop3A_574  : i32 {
          %parallel_loop3A_576 = arith.constant 16 : i32
          %parallel_loop3A_577 = arith.muli %parallel_loop3A_575, %parallel_loop3A_576 : i32
          %parallel_loop3A_578 = arith.index_cast %parallel_loop3A_577 : i32 to index
          %parallel_loop3A_579 = tpu.vector_load %arg10[%parallel_loop3A_578] {strides = array<i32>} : memref<2048xi32, #tpu.memory_space<vmem>>, vector<16xi32>,
          %parallel_loop3A_580 = arith.constant 16 : i32
          %parallel_loop3A_581 = arith.muli %parallel_loop3A_575, %parallel_loop3A_580 : i32
          %parallel_loop3A_582 = arith.index_cast %parallel_loop3A_581 : i32 to index
          %parallel_loop3A_583 = tpu.vector_load %arg11[%parallel_loop3A_582] {strides = array<i32>} : memref<2048xi32, #tpu.memory_space<vmem>>, vector<16xi32>,
          %parallel_loop3A_584 = arith.constant 16 : i32
          %parallel_loop3A_585 = arith.muli %parallel_loop3A_575, %parallel_loop3A_584 : i32
          %parallel_loop3A_586 = arith.addi %multiple_of3A_571, %parallel_loop3A_585 : i32
          %parallel_loop3A_587 = vector.broadcast %parallel_loop3A_586 : i32 to vector<16xi32>
          %parallel_loop3A_588 = arith.addi %parallel_loop3A_587, %iota3A : vector<16xi32>
          %parallel_loop3A_589 = vector.broadcast %reduce_max3A_125 : i32 to vector<16xi32>
          %parallel_loop3A_590 = arith.cmpi sge, %parallel_loop3A_588, %parallel_loop3A_589 : vector<16xi32>
          %parallel_loop3A_591 = vector.broadcast %reduce_max3A_453 : i32 to vector<16xi32>
          %parallel_loop3A_592 = arith.cmpi slt, %parallel_loop3A_588, %parallel_loop3A_591 : vector<16xi32>
          %parallel_loop3A_593 = arith.andi %parallel_loop3A_590, %parallel_loop3A_592 : vector<16xi1>
          %parallel_loop3A_594 = vector.broadcast %multiple_of3A : i32 to vector<16xi32>
          %parallel_loop3A_595 = arith.subi %parallel_loop3A_579, %parallel_loop3A_594 : vector<16xi32>
          %parallel_loop3A_596 = tpu.vector_load_idx %arg9[%parallel_loop3A_595] masked %parallel_loop3A_593 : memref<144xi32, #tpu.memory_space<vmem>>[vector<16xi32>], vector<16xi32>, vector<16xi1>
          %parallel_loop3A_597 = arith.subi %parallel_loop3A_588, %parallel_loop3A_596 : vector<16xi32>
          %parallel_loop3A_598 = arith.constant 1 : i32
          %parallel_loop3A_599 = vector.broadcast %parallel_loop3A_598 : i32 to vector<16xi32>
          %parallel_loop3A_600 = arith.addi %parallel_loop3A_597, %parallel_loop3A_599 : vector<16xi32>
          %parallel_loop3A_601 = arith.constant 512 : i32
          %parallel_loop3A_602 = vector.broadcast %parallel_loop3A_601 : i32 to vector<16xi32>
          %parallel_loop3A_603 = arith.cmpi slt, %parallel_loop3A_600, %parallel_loop3A_602 : vector<16xi32>
          %parallel_loop3A_604 = arith.andi %parallel_loop3A_593, %parallel_loop3A_603 : vector<16xi1>
          %parallel_loop3A_605 = vector.broadcast %multiple_of3A : i32 to vector<16xi32>
          %parallel_loop3A_606 = arith.subi %parallel_loop3A_579, %parallel_loop3A_605 : vector<16xi32>
          %parallel_loop3A_607 = arith.constant 512 : i32
          %parallel_loop3A_608 = vector.broadcast %parallel_loop3A_607 : i32 to vector<16xi32>
          %parallel_loop3A_609 = arith.muli %parallel_loop3A_606, %parallel_loop3A_608 : vector<16xi32>
          %parallel_loop3A_610 = arith.addi %parallel_loop3A_609, %parallel_loop3A_600 : vector<16xi32>
          %parallel_loop3A_611 = arith.constant 0 : i32
          %parallel_loop3A_612 = arith.constant 65535 : i32
          %parallel_loop3A_613 = vector.broadcast %parallel_loop3A_611 : i32 to vector<16xi32>
          %parallel_loop3A_614 = arith.maxsi %parallel_loop3A_613, %parallel_loop3A_610 : vector<16xi32>
          %parallel_loop3A_615 = vector.broadcast %parallel_loop3A_612 : i32 to vector<16xi32>
          %parallel_loop3A_616 = arith.minsi %parallel_loop3A_615, %parallel_loop3A_614 : vector<16xi32>
          tpu.vector_store_idx %arg14[%parallel_loop3A_616], %parallel_loop3A_583 masked %parallel_loop3A_604 : memref<65536xi32, #tpu.memory_space<vmem>>[vector<16xi32>], vector<16xi32>, vector<16xi1>
        } {sc.loop_unroll_factor = 4 : i64, sc.parallel_access}
      } else {
      }
      %not3A_539 = arith.constant true
      %not3A_540 = arith.xori %or3A, %not3A_539 : i1
      %and3A_541 = arith.andi %eq3A_517, %not3A_540 : i1
      %convert_element_type3A_542 = arith.extui %and3A_541 : i1 to i32
      %cond3A_543 = arith.constant 0 : i32
      %cond3A_544 = arith.cmpi ne, %convert_element_type3A_542, %cond3A_543 : i32
      scf.if %cond3A_544 {
        %dma_wait3A_559 = arith.constant 0 : i32
        %dma_wait3A_560 = tpu.memref_slice %arg3[%dma_wait3A_559] : memref<1048576xi32, #tpu.memory_space<hbm>> -> memref<2048xi32, #tpu.memory_space<hbm>>
        %dma_wait3A_561 = arith.constant 0 : i32
        %dma_wait3A_562 = tpu.memref_slice %arg3[%dma_wait3A_561] : memref<1048576xi32, #tpu.memory_space<hbm>> -> memref<2048xi32, #tpu.memory_space<hbm>>
        tpu.wait_dma2 semaphore(%arg16 : memref<!tpu.dma_semaphore, #tpu.memory_space<semaphore_mem>>) src(%dma_wait3A_562 : memref<2048xi32, #tpu.memory_space<hbm>>) dst(%arg10 : memref<2048xi32, #tpu.memory_space<vmem>>)
        %dma_wait3A_563 = arith.constant 0 : i32
        %dma_wait3A_564 = tpu.memref_slice %arg2[%dma_wait3A_563] : memref<1048576xi32, #tpu.memory_space<hbm>> -> memref<2048xi32, #tpu.memory_space<hbm>>
        %dma_wait3A_565 = arith.constant 0 : i32
        %dma_wait3A_566 = tpu.memref_slice %arg2[%dma_wait3A_565] : memref<1048576xi32, #tpu.memory_space<hbm>> -> memref<2048xi32, #tpu.memory_space<hbm>>
        tpu.wait_dma2 semaphore(%arg16 : memref<!tpu.dma_semaphore, #tpu.memory_space<semaphore_mem>>) src(%dma_wait3A_566 : memref<2048xi32, #tpu.memory_space<hbm>>) dst(%arg11 : memref<2048xi32, #tpu.memory_space<vmem>>)
        %mul3A_567 = arith.constant 2048 : i32
        %mul3A_568 = arith.muli %while3A_500, %mul3A_567 : i32
        %add3A_569 = arith.addi %and3A_462, %mul3A_568 : i32
        %min3A = arith.constant 1046528 : i32
        %min3A_570 = arith.minsi %add3A_569, %min3A : i32
        %multiple_of3A_571 = tpu.assume_multiple %min3A_570, 8 : i32
        %parallel_loop3A_572 = arith.constant 0 : i32
        %parallel_loop3A_573 = arith.constant 128 : i32
        %parallel_loop3A_574 = arith.constant 1 : i32
        scf.for %parallel_loop3A_575 = %parallel_loop3A_572 to %parallel_loop3A_573 step %parallel_loop3A_574  : i32 {
          %parallel_loop3A_576 = arith.constant 16 : i32
          %parallel_loop3A_577 = arith.muli %parallel_loop3A_575, %parallel_loop3A_576 : i32
          %parallel_loop3A_578 = arith.index_cast %parallel_loop3A_577 : i32 to index
          %parallel_loop3A_579 = tpu.vector_load %arg10[%parallel_loop3A_578] {strides = array<i32>} : memref<2048xi32, #tpu.memory_space<vmem>>, vector<16xi32>,
          %parallel_loop3A_580 = arith.constant 16 : i32
          %parallel_loop3A_581 = arith.muli %parallel_loop3A_575, %parallel_loop3A_580 : i32
          %parallel_loop3A_582 = arith.index_cast %parallel_loop3A_581 : i32 to index
          %parallel_loop3A_583 = tpu.vector_load %arg11[%parallel_loop3A_582] {strides = array<i32>} : memref<2048xi32, #tpu.memory_space<vmem>>, vector<16xi32>,
          %parallel_loop3A_584 = arith.constant 16 : i32
          %parallel_loop3A_585 = arith.muli %parallel_loop3A_575, %parallel_loop3A_584 : i32
          %parallel_loop3A_586 = arith.addi %multiple_of3A_571, %parallel_loop3A_585 : i32
          %parallel_loop3A_587 = vector.broadcast %parallel_loop3A_586 : i32 to vector<16xi32>
          %parallel_loop3A_588 = arith.addi %parallel_loop3A_587, %iota3A : vector<16xi32>
          %parallel_loop3A_589 = vector.broadcast %multiple_of3A : i32 to vector<16xi32>
          %parallel_loop3A_590 = arith.subi %parallel_loop3A_579, %parallel_loop3A_589 : vector<16xi32>
          %parallel_loop3A_591 = tpu.vector_load_idx %arg9[%parallel_loop3A_590] : memref<144xi32, #tpu.memory_space<vmem>>[vector<16xi32>], vector<16xi32>,
          %parallel_loop3A_592 = arith.subi %parallel_loop3A_588, %parallel_loop3A_591 : vector<16xi32>
          %parallel_loop3A_593 = arith.constant 1 : i32
          %parallel_loop3A_594 = vector.broadcast %parallel_loop3A_593 : i32 to vector<16xi32>
          %parallel_loop3A_595 = arith.addi %parallel_loop3A_592, %parallel_loop3A_594 : vector<16xi32>
          %parallel_loop3A_596 = arith.constant 512 : i32
          %parallel_loop3A_597 = vector.broadcast %parallel_loop3A_596 : i32 to vector<16xi32>
          %parallel_loop3A_598 = arith.cmpi slt, %parallel_loop3A_595, %parallel_loop3A_597 : vector<16xi32>
          %parallel_loop3A_599 = vector.broadcast %multiple_of3A : i32 to vector<16xi32>
          %parallel_loop3A_600 = arith.subi %parallel_loop3A_579, %parallel_loop3A_599 : vector<16xi32>
          %parallel_loop3A_601 = arith.constant 512 : i32
          %parallel_loop3A_602 = vector.broadcast %parallel_loop3A_601 : i32 to vector<16xi32>
          %parallel_loop3A_603 = arith.muli %parallel_loop3A_600, %parallel_loop3A_602 : vector<16xi32>
          %parallel_loop3A_604 = arith.addi %parallel_loop3A_603, %parallel_loop3A_595 : vector<16xi32>
          %parallel_loop3A_605 = arith.constant 0 : i32
          %parallel_loop3A_606 = arith.constant 65535 : i32
          %parallel_loop3A_607 = vector.broadcast %parallel_loop3A_605 : i32 to vector<16xi32>
          %parallel_loop3A_608 = arith.maxsi %parallel_loop3A_607, %parallel_loop3A_604 : vector<16xi32>
          %parallel_loop3A_609 = vector.broadcast %parallel_loop3A_606 : i32 to vector<16xi32>
          %parallel_loop3A_610 = arith.minsi %parallel_loop3A_609, %parallel_loop3A_608 : vector<16xi32>
          tpu.vector_store_idx %arg14[%parallel_loop3A_610], %parallel_loop3A_583 masked %parallel_loop3A_598 : memref<65536xi32, #tpu.memory_space<vmem>>[vector<16xi32>], vector<16xi32>, vector<16xi1>
        } {sc.loop_unroll_factor = 4 : i64, sc.parallel_access}
      } else {
      }
      %not3A_545 = arith.constant true
      %not3A_546 = arith.xori %eq3A_517, %not3A_545 : i1
      %and3A_547 = arith.andi %not3A_546, %or3A : i1
      %convert_element_type3A_548 = arith.extui %and3A_547 : i1 to i32
      %cond3A_549 = arith.constant 0 : i32
      %cond3A_550 = arith.cmpi ne, %convert_element_type3A_548, %cond3A_549 : i32
      scf.if %cond3A_550 {
        %dma_wait3A_559 = arith.constant 0 : i32
        %dma_wait3A_560 = tpu.memref_slice %arg3[%dma_wait3A_559] : memref<1048576xi32, #tpu.memory_space<hbm>> -> memref<2048xi32, #tpu.memory_space<hbm>>
        %dma_wait3A_561 = arith.constant 0 : i32
        %dma_wait3A_562 = tpu.memref_slice %arg3[%dma_wait3A_561] : memref<1048576xi32, #tpu.memory_space<hbm>> -> memref<2048xi32, #tpu.memory_space<hbm>>
        tpu.wait_dma2 semaphore(%arg17 : memref<!tpu.dma_semaphore, #tpu.memory_space<semaphore_mem>>) src(%dma_wait3A_562 : memref<2048xi32, #tpu.memory_space<hbm>>) dst(%arg12 : memref<2048xi32, #tpu.memory_space<vmem>>)
        %dma_wait3A_563 = arith.constant 0 : i32
        %dma_wait3A_564 = tpu.memref_slice %arg2[%dma_wait3A_563] : memref<1048576xi32, #tpu.memory_space<hbm>> -> memref<2048xi32, #tpu.memory_space<hbm>>
        %dma_wait3A_565 = arith.constant 0 : i32
        %dma_wait3A_566 = tpu.memref_slice %arg2[%dma_wait3A_565] : memref<1048576xi32, #tpu.memory_space<hbm>> -> memref<2048xi32, #tpu.memory_space<hbm>>
        tpu.wait_dma2 semaphore(%arg17 : memref<!tpu.dma_semaphore, #tpu.memory_space<semaphore_mem>>) src(%dma_wait3A_566 : memref<2048xi32, #tpu.memory_space<hbm>>) dst(%arg13 : memref<2048xi32, #tpu.memory_space<vmem>>)
        %mul3A_567 = arith.constant 2048 : i32
        %mul3A_568 = arith.muli %while3A_500, %mul3A_567 : i32
        %add3A_569 = arith.addi %and3A_462, %mul3A_568 : i32
        %min3A = arith.constant 1046528 : i32
        %min3A_570 = arith.minsi %add3A_569, %min3A : i32
        %multiple_of3A_571 = tpu.assume_multiple %min3A_570, 8 : i32
        %parallel_loop3A_572 = arith.constant 0 : i32
        %parallel_loop3A_573 = arith.constant 128 : i32
        %parallel_loop3A_574 = arith.constant 1 : i32
        scf.for %parallel_loop3A_575 = %parallel_loop3A_572 to %parallel_loop3A_573 step %parallel_loop3A_574  : i32 {
          %parallel_loop3A_576 = arith.constant 16 : i32
          %parallel_loop3A_577 = arith.muli %parallel_loop3A_575, %parallel_loop3A_576 : i32
          %parallel_loop3A_578 = arith.index_cast %parallel_loop3A_577 : i32 to index
          %parallel_loop3A_579 = tpu.vector_load %arg12[%parallel_loop3A_578] {strides = array<i32>} : memref<2048xi32, #tpu.memory_space<vmem>>, vector<16xi32>,
          %parallel_loop3A_580 = arith.constant 16 : i32
          %parallel_loop3A_581 = arith.muli %parallel_loop3A_575, %parallel_loop3A_580 : i32
          %parallel_loop3A_582 = arith.index_cast %parallel_loop3A_581 : i32 to index
          %parallel_loop3A_583 = tpu.vector_load %arg13[%parallel_loop3A_582] {strides = array<i32>} : memref<2048xi32, #tpu.memory_space<vmem>>, vector<16xi32>,
          %parallel_loop3A_584 = arith.constant 16 : i32
          %parallel_loop3A_585 = arith.muli %parallel_loop3A_575, %parallel_loop3A_584 : i32
          %parallel_loop3A_586 = arith.addi %multiple_of3A_571, %parallel_loop3A_585 : i32
          %parallel_loop3A_587 = vector.broadcast %parallel_loop3A_586 : i32 to vector<16xi32>
          %parallel_loop3A_588 = arith.addi %parallel_loop3A_587, %iota3A : vector<16xi32>
          %parallel_loop3A_589 = vector.broadcast %reduce_max3A_125 : i32 to vector<16xi32>
          %parallel_loop3A_590 = arith.cmpi sge, %parallel_loop3A_588, %parallel_loop3A_589 : vector<16xi32>
          %parallel_loop3A_591 = vector.broadcast %reduce_max3A_453 : i32 to vector<16xi32>
          %parallel_loop3A_592 = arith.cmpi slt, %parallel_loop3A_588, %parallel_loop3A_591 : vector<16xi32>
          %parallel_loop3A_593 = arith.andi %parallel_loop3A_590, %parallel_loop3A_592 : vector<16xi1>
          %parallel_loop3A_594 = vector.broadcast %multiple_of3A : i32 to vector<16xi32>
          %parallel_loop3A_595 = arith.subi %parallel_loop3A_579, %parallel_loop3A_594 : vector<16xi32>
          %parallel_loop3A_596 = tpu.vector_load_idx %arg9[%parallel_loop3A_595] masked %parallel_loop3A_593 : memref<144xi32, #tpu.memory_space<vmem>>[vector<16xi32>], vector<16xi32>, vector<16xi1>
          %parallel_loop3A_597 = arith.subi %parallel_loop3A_588, %parallel_loop3A_596 : vector<16xi32>
          %parallel_loop3A_598 = arith.constant 1 : i32
          %parallel_loop3A_599 = vector.broadcast %parallel_loop3A_598 : i32 to vector<16xi32>
          %parallel_loop3A_600 = arith.addi %parallel_loop3A_597, %parallel_loop3A_599 : vector<16xi32>
          %parallel_loop3A_601 = arith.constant 512 : i32
          %parallel_loop3A_602 = vector.broadcast %parallel_loop3A_601 : i32 to vector<16xi32>
          %parallel_loop3A_603 = arith.cmpi slt, %parallel_loop3A_600, %parallel_loop3A_602 : vector<16xi32>
          %parallel_loop3A_604 = arith.andi %parallel_loop3A_593, %parallel_loop3A_603 : vector<16xi1>
          %parallel_loop3A_605 = vector.broadcast %multiple_of3A : i32 to vector<16xi32>
          %parallel_loop3A_606 = arith.subi %parallel_loop3A_579, %parallel_loop3A_605 : vector<16xi32>
          %parallel_loop3A_607 = arith.constant 512 : i32
          %parallel_loop3A_608 = vector.broadcast %parallel_loop3A_607 : i32 to vector<16xi32>
          %parallel_loop3A_609 = arith.muli %parallel_loop3A_606, %parallel_loop3A_608 : vector<16xi32>
          %parallel_loop3A_610 = arith.addi %parallel_loop3A_609, %parallel_loop3A_600 : vector<16xi32>
          %parallel_loop3A_611 = arith.constant 0 : i32
          %parallel_loop3A_612 = arith.constant 65535 : i32
          %parallel_loop3A_613 = vector.broadcast %parallel_loop3A_611 : i32 to vector<16xi32>
          %parallel_loop3A_614 = arith.maxsi %parallel_loop3A_613, %parallel_loop3A_610 : vector<16xi32>
          %parallel_loop3A_615 = vector.broadcast %parallel_loop3A_612 : i32 to vector<16xi32>
          %parallel_loop3A_616 = arith.minsi %parallel_loop3A_615, %parallel_loop3A_614 : vector<16xi32>
          tpu.vector_store_idx %arg14[%parallel_loop3A_616], %parallel_loop3A_583 masked %parallel_loop3A_604 : memref<65536xi32, #tpu.memory_space<vmem>>[vector<16xi32>], vector<16xi32>, vector<16xi1>
        } {sc.loop_unroll_factor = 4 : i64, sc.parallel_access}
      } else {
      }
      %not3A_551 = arith.constant true
      %not3A_552 = arith.xori %eq3A_517, %not3A_551 : i1
      %not3A_553 = arith.constant true
      %not3A_554 = arith.xori %or3A, %not3A_553 : i1
      %and3A_555 = arith.andi %not3A_552, %not3A_554 : i1
      %convert_element_type3A_556 = arith.extui %and3A_555 : i1 to i32
      %cond3A_557 = arith.constant 0 : i32
      %cond3A_558 = arith.cmpi ne, %convert_element_type3A_556, %cond3A_557 : i32
      scf.if %cond3A_558 {
        %dma_wait3A_559 = arith.constant 0 : i32
        %dma_wait3A_560 = tpu.memref_slice %arg3[%dma_wait3A_559] : memref<1048576xi32, #tpu.memory_space<hbm>> -> memref<2048xi32, #tpu.memory_space<hbm>>
        %dma_wait3A_561 = arith.constant 0 : i32
        %dma_wait3A_562 = tpu.memref_slice %arg3[%dma_wait3A_561] : memref<1048576xi32, #tpu.memory_space<hbm>> -> memref<2048xi32, #tpu.memory_space<hbm>>
        tpu.wait_dma2 semaphore(%arg17 : memref<!tpu.dma_semaphore, #tpu.memory_space<semaphore_mem>>) src(%dma_wait3A_562 : memref<2048xi32, #tpu.memory_space<hbm>>) dst(%arg12 : memref<2048xi32, #tpu.memory_space<vmem>>)
        %dma_wait3A_563 = arith.constant 0 : i32
        %dma_wait3A_564 = tpu.memref_slice %arg2[%dma_wait3A_563] : memref<1048576xi32, #tpu.memory_space<hbm>> -> memref<2048xi32, #tpu.memory_space<hbm>>
        %dma_wait3A_565 = arith.constant 0 : i32
        %dma_wait3A_566 = tpu.memref_slice %arg2[%dma_wait3A_565] : memref<1048576xi32, #tpu.memory_space<hbm>> -> memref<2048xi32, #tpu.memory_space<hbm>>
        tpu.wait_dma2 semaphore(%arg17 : memref<!tpu.dma_semaphore, #tpu.memory_space<semaphore_mem>>) src(%dma_wait3A_566 : memref<2048xi32, #tpu.memory_space<hbm>>) dst(%arg13 : memref<2048xi32, #tpu.memory_space<vmem>>)
        %mul3A_567 = arith.constant 2048 : i32
        %mul3A_568 = arith.muli %while3A_500, %mul3A_567 : i32
        %add3A_569 = arith.addi %and3A_462, %mul3A_568 : i32
        %min3A = arith.constant 1046528 : i32
        %min3A_570 = arith.minsi %add3A_569, %min3A : i32
        %multiple_of3A_571 = tpu.assume_multiple %min3A_570, 8 : i32
        %parallel_loop3A_572 = arith.constant 0 : i32
        %parallel_loop3A_573 = arith.constant 128 : i32
        %parallel_loop3A_574 = arith.constant 1 : i32
        scf.for %parallel_loop3A_575 = %parallel_loop3A_572 to %parallel_loop3A_573 step %parallel_loop3A_574  : i32 {
          %parallel_loop3A_576 = arith.constant 16 : i32
          %parallel_loop3A_577 = arith.muli %parallel_loop3A_575, %parallel_loop3A_576 : i32
          %parallel_loop3A_578 = arith.index_cast %parallel_loop3A_577 : i32 to index
          %parallel_loop3A_579 = tpu.vector_load %arg12[%parallel_loop3A_578] {strides = array<i32>} : memref<2048xi32, #tpu.memory_space<vmem>>, vector<16xi32>,
          %parallel_loop3A_580 = arith.constant 16 : i32
          %parallel_loop3A_581 = arith.muli %parallel_loop3A_575, %parallel_loop3A_580 : i32
          %parallel_loop3A_582 = arith.index_cast %parallel_loop3A_581 : i32 to index
          %parallel_loop3A_583 = tpu.vector_load %arg13[%parallel_loop3A_582] {strides = array<i32>} : memref<2048xi32, #tpu.memory_space<vmem>>, vector<16xi32>,
          %parallel_loop3A_584 = arith.constant 16 : i32
          %parallel_loop3A_585 = arith.muli %parallel_loop3A_575, %parallel_loop3A_584 : i32
          %parallel_loop3A_586 = arith.addi %multiple_of3A_571, %parallel_loop3A_585 : i32
          %parallel_loop3A_587 = vector.broadcast %parallel_loop3A_586 : i32 to vector<16xi32>
          %parallel_loop3A_588 = arith.addi %parallel_loop3A_587, %iota3A : vector<16xi32>
          %parallel_loop3A_589 = vector.broadcast %multiple_of3A : i32 to vector<16xi32>
          %parallel_loop3A_590 = arith.subi %parallel_loop3A_579, %parallel_loop3A_589 : vector<16xi32>
          %parallel_loop3A_591 = tpu.vector_load_idx %arg9[%parallel_loop3A_590] : memref<144xi32, #tpu.memory_space<vmem>>[vector<16xi32>], vector<16xi32>,
          %parallel_loop3A_592 = arith.subi %parallel_loop3A_588, %parallel_loop3A_591 : vector<16xi32>
          %parallel_loop3A_593 = arith.constant 1 : i32
          %parallel_loop3A_594 = vector.broadcast %parallel_loop3A_593 : i32 to vector<16xi32>
          %parallel_loop3A_595 = arith.addi %parallel_loop3A_592, %parallel_loop3A_594 : vector<16xi32>
          %parallel_loop3A_596 = arith.constant 512 : i32
          %parallel_loop3A_597 = vector.broadcast %parallel_loop3A_596 : i32 to vector<16xi32>
          %parallel_loop3A_598 = arith.cmpi slt, %parallel_loop3A_595, %parallel_loop3A_597 : vector<16xi32>
          %parallel_loop3A_599 = vector.broadcast %multiple_of3A : i32 to vector<16xi32>
          %parallel_loop3A_600 = arith.subi %parallel_loop3A_579, %parallel_loop3A_599 : vector<16xi32>
          %parallel_loop3A_601 = arith.constant 512 : i32
          %parallel_loop3A_602 = vector.broadcast %parallel_loop3A_601 : i32 to vector<16xi32>
          %parallel_loop3A_603 = arith.muli %parallel_loop3A_600, %parallel_loop3A_602 : vector<16xi32>
          %parallel_loop3A_604 = arith.addi %parallel_loop3A_603, %parallel_loop3A_595 : vector<16xi32>
          %parallel_loop3A_605 = arith.constant 0 : i32
          %parallel_loop3A_606 = arith.constant 65535 : i32
          %parallel_loop3A_607 = vector.broadcast %parallel_loop3A_605 : i32 to vector<16xi32>
          %parallel_loop3A_608 = arith.maxsi %parallel_loop3A_607, %parallel_loop3A_604 : vector<16xi32>
          %parallel_loop3A_609 = vector.broadcast %parallel_loop3A_606 : i32 to vector<16xi32>
          %parallel_loop3A_610 = arith.minsi %parallel_loop3A_609, %parallel_loop3A_608 : vector<16xi32>
          tpu.vector_store_idx %arg14[%parallel_loop3A_610], %parallel_loop3A_583 masked %parallel_loop3A_598 : memref<65536xi32, #tpu.memory_space<vmem>>[vector<16xi32>], vector<16xi32>, vector<16xi1>
        } {sc.loop_unroll_factor = 4 : i64, sc.parallel_access}
      } else {
      }
    }
    %while3A_497 = arith.constant 1 : i32
    scf.for %while3A_500 = %while3A_495 to %while3A_491 step %while3A_497  : i32 {
      %jit3A_501 = arith.constant 2 : i32
      %eq3A_502 = arith.constant 0 : i32
      %eq3A_503 = arith.cmpi eq, %jit3A_501, %eq3A_502 : i32
      %jit3A_504 = arith.constant 1 : i32
      %select_n3A_505 = arith.select %eq3A_503, %jit3A_504, %jit3A_501 : i32
      %rem3A_506 = arith.remsi %while3A_500, %select_n3A_505 : i32
      %ne3A_507 = arith.constant 0 : i32
      %ne3A_508 = arith.cmpi ne, %rem3A_506, %ne3A_507 : i32
      %lt3A = arith.constant 0 : i32
      %lt3A_509 = arith.cmpi slt, %rem3A_506, %lt3A : i32
      %lt3A_510 = arith.constant 0 : i32
      %lt3A_511 = arith.cmpi slt, %select_n3A_505, %lt3A_510 : i32
      %ne3A_512 = arith.xori %lt3A_509, %lt3A_511 : i1
      %and3A_513 = arith.andi %ne3A_512, %ne3A_508 : i1
      %add3A_514 = arith.addi %rem3A_506, %select_n3A_505 : i32
      %select_n3A_515 = arith.select %and3A_513, %add3A_514, %rem3A_506 : i32
      %eq3A_516 = arith.constant 0 : i32
      %eq3A_517 = arith.cmpi eq, %select_n3A_515, %eq3A_516 : i32
      %add3A_518 = arith.constant 1 : i32
      %add3A_519 = arith.addi %while3A_500, %add3A_518 : i32
      %lt3A_520 = arith.cmpi slt, %add3A_519, %select_n3A_486 : i32
      %eq3A_521 = arith.constant 0 : i32
      %eq3A_522 = arith.cmpi eq, %while3A_500, %eq3A_521 : i32
      %sub3A_523 = arith.constant 1 : i32
      %sub3A_524 = arith.subi %select_n3A_486, %sub3A_523 : i32
      %eq3A_525 = arith.cmpi eq, %while3A_500, %sub3A_524 : i32
      %or3A = arith.ori %eq3A_522, %eq3A_525 : i1
      %and3A_526 = arith.andi %lt3A_520, %eq3A_517 : i1
      %convert_element_type3A_527 = arith.extui %and3A_526 : i1 to i32
      %cond3A_528 = arith.constant 0 : i32
      %cond3A_529 = arith.cmpi ne, %convert_element_type3A_527, %cond3A_528 : i32
      scf.if %cond3A_529 {
        %add3A_559 = arith.constant 1 : i32
        %add3A_560 = arith.addi %while3A_500, %add3A_559 : i32
        %mul3A_561 = arith.constant 2048 : i32
        %mul3A_562 = arith.muli %add3A_560, %mul3A_561 : i32
        %add3A_563 = arith.addi %and3A_462, %mul3A_562 : i32
        %min3A = arith.constant 1046528 : i32
        %min3A_564 = arith.minsi %add3A_563, %min3A : i32
        %multiple_of3A_565 = tpu.assume_multiple %min3A_564, 8 : i32
        %dma_start3A = tpu.memref_slice %arg3[%multiple_of3A_565] : memref<1048576xi32, #tpu.memory_space<hbm>> -> memref<2048xi32, #tpu.memory_space<hbm>>
        %dma_start3A_566 = tpu.memref_slice %arg3[%multiple_of3A_565] : memref<1048576xi32, #tpu.memory_space<hbm>> -> memref<2048xi32, #tpu.memory_space<hbm>>
        tpu.enqueue_dma source(%dma_start3A_566 : memref<2048xi32, #tpu.memory_space<hbm>>) target(%arg12 : memref<2048xi32, #tpu.memory_space<vmem>>) target_semaphore(%arg17 : memref<!tpu.dma_semaphore, #tpu.memory_space<semaphore_mem>>)
        %dma_start3A_567 = tpu.memref_slice %arg2[%multiple_of3A_565] : memref<1048576xi32, #tpu.memory_space<hbm>> -> memref<2048xi32, #tpu.memory_space<hbm>>
        %dma_start3A_568 = tpu.memref_slice %arg2[%multiple_of3A_565] : memref<1048576xi32, #tpu.memory_space<hbm>> -> memref<2048xi32, #tpu.memory_space<hbm>>
        tpu.enqueue_dma source(%dma_start3A_568 : memref<2048xi32, #tpu.memory_space<hbm>>) target(%arg13 : memref<2048xi32, #tpu.memory_space<vmem>>) target_semaphore(%arg17 : memref<!tpu.dma_semaphore, #tpu.memory_space<semaphore_mem>>)
      } else {
      }
      %not3A = arith.constant true
      %not3A_530 = arith.xori %eq3A_517, %not3A : i1
      %and3A_531 = arith.andi %lt3A_520, %not3A_530 : i1
      %convert_element_type3A_532 = arith.extui %and3A_531 : i1 to i32
      %cond3A_533 = arith.constant 0 : i32
      %cond3A_534 = arith.cmpi ne, %convert_element_type3A_532, %cond3A_533 : i32
      scf.if %cond3A_534 {
        %add3A_559 = arith.constant 1 : i32
        %add3A_560 = arith.addi %while3A_500, %add3A_559 : i32
        %mul3A_561 = arith.constant 2048 : i32
        %mul3A_562 = arith.muli %add3A_560, %mul3A_561 : i32
        %add3A_563 = arith.addi %and3A_462, %mul3A_562 : i32
        %min3A = arith.constant 1046528 : i32
        %min3A_564 = arith.minsi %add3A_563, %min3A : i32
        %multiple_of3A_565 = tpu.assume_multiple %min3A_564, 8 : i32
        %dma_start3A = tpu.memref_slice %arg3[%multiple_of3A_565] : memref<1048576xi32, #tpu.memory_space<hbm>> -> memref<2048xi32, #tpu.memory_space<hbm>>
        %dma_start3A_566 = tpu.memref_slice %arg3[%multiple_of3A_565] : memref<1048576xi32, #tpu.memory_space<hbm>> -> memref<2048xi32, #tpu.memory_space<hbm>>
        tpu.enqueue_dma source(%dma_start3A_566 : memref<2048xi32, #tpu.memory_space<hbm>>) target(%arg10 : memref<2048xi32, #tpu.memory_space<vmem>>) target_semaphore(%arg16 : memref<!tpu.dma_semaphore, #tpu.memory_space<semaphore_mem>>)
        %dma_start3A_567 = tpu.memref_slice %arg2[%multiple_of3A_565] : memref<1048576xi32, #tpu.memory_space<hbm>> -> memref<2048xi32, #tpu.memory_space<hbm>>
        %dma_start3A_568 = tpu.memref_slice %arg2[%multiple_of3A_565] : memref<1048576xi32, #tpu.memory_space<hbm>> -> memref<2048xi32, #tpu.memory_space<hbm>>
        tpu.enqueue_dma source(%dma_start3A_568 : memref<2048xi32, #tpu.memory_space<hbm>>) target(%arg11 : memref<2048xi32, #tpu.memory_space<vmem>>) target_semaphore(%arg16 : memref<!tpu.dma_semaphore, #tpu.memory_space<semaphore_mem>>)
      } else {
      }
      %and3A_535 = arith.andi %eq3A_517, %or3A : i1
      %convert_element_type3A_536 = arith.extui %and3A_535 : i1 to i32
      %cond3A_537 = arith.constant 0 : i32
      %cond3A_538 = arith.cmpi ne, %convert_element_type3A_536, %cond3A_537 : i32
      scf.if %cond3A_538 {
        %dma_wait3A_559 = arith.constant 0 : i32
        %dma_wait3A_560 = tpu.memref_slice %arg3[%dma_wait3A_559] : memref<1048576xi32, #tpu.memory_space<hbm>> -> memref<2048xi32, #tpu.memory_space<hbm>>
        %dma_wait3A_561 = arith.constant 0 : i32
        %dma_wait3A_562 = tpu.memref_slice %arg3[%dma_wait3A_561] : memref<1048576xi32, #tpu.memory_space<hbm>> -> memref<2048xi32, #tpu.memory_space<hbm>>
        tpu.wait_dma2 semaphore(%arg16 : memref<!tpu.dma_semaphore, #tpu.memory_space<semaphore_mem>>) src(%dma_wait3A_562 : memref<2048xi32, #tpu.memory_space<hbm>>) dst(%arg10 : memref<2048xi32, #tpu.memory_space<vmem>>)
        %dma_wait3A_563 = arith.constant 0 : i32
        %dma_wait3A_564 = tpu.memref_slice %arg2[%dma_wait3A_563] : memref<1048576xi32, #tpu.memory_space<hbm>> -> memref<2048xi32, #tpu.memory_space<hbm>>
        %dma_wait3A_565 = arith.constant 0 : i32
        %dma_wait3A_566 = tpu.memref_slice %arg2[%dma_wait3A_565] : memref<1048576xi32, #tpu.memory_space<hbm>> -> memref<2048xi32, #tpu.memory_space<hbm>>
        tpu.wait_dma2 semaphore(%arg16 : memref<!tpu.dma_semaphore, #tpu.memory_space<semaphore_mem>>) src(%dma_wait3A_566 : memref<2048xi32, #tpu.memory_space<hbm>>) dst(%arg11 : memref<2048xi32, #tpu.memory_space<vmem>>)
        %mul3A_567 = arith.constant 2048 : i32
        %mul3A_568 = arith.muli %while3A_500, %mul3A_567 : i32
        %add3A_569 = arith.addi %and3A_462, %mul3A_568 : i32
        %min3A = arith.constant 1046528 : i32
        %min3A_570 = arith.minsi %add3A_569, %min3A : i32
        %multiple_of3A_571 = tpu.assume_multiple %min3A_570, 8 : i32
        %parallel_loop3A_572 = arith.constant 0 : i32
        %parallel_loop3A_573 = arith.constant 128 : i32
        %parallel_loop3A_574 = arith.constant 1 : i32
        scf.for %parallel_loop3A_575 = %parallel_loop3A_572 to %parallel_loop3A_573 step %parallel_loop3A_574  : i32 {
          %parallel_loop3A_576 = arith.constant 16 : i32
          %parallel_loop3A_577 = arith.muli %parallel_loop3A_575, %parallel_loop3A_576 : i32
          %parallel_loop3A_578 = arith.index_cast %parallel_loop3A_577 : i32 to index
          %parallel_loop3A_579 = tpu.vector_load %arg10[%parallel_loop3A_578] {strides = array<i32>} : memref<2048xi32, #tpu.memory_space<vmem>>, vector<16xi32>,
          %parallel_loop3A_580 = arith.constant 16 : i32
          %parallel_loop3A_581 = arith.muli %parallel_loop3A_575, %parallel_loop3A_580 : i32
          %parallel_loop3A_582 = arith.index_cast %parallel_loop3A_581 : i32 to index
          %parallel_loop3A_583 = tpu.vector_load %arg11[%parallel_loop3A_582] {strides = array<i32>} : memref<2048xi32, #tpu.memory_space<vmem>>, vector<16xi32>,
          %parallel_loop3A_584 = arith.constant 16 : i32
          %parallel_loop3A_585 = arith.muli %parallel_loop3A_575, %parallel_loop3A_584 : i32
          %parallel_loop3A_586 = arith.addi %multiple_of3A_571, %parallel_loop3A_585 : i32
          %parallel_loop3A_587 = vector.broadcast %parallel_loop3A_586 : i32 to vector<16xi32>
          %parallel_loop3A_588 = arith.addi %parallel_loop3A_587, %iota3A : vector<16xi32>
          %parallel_loop3A_589 = vector.broadcast %reduce_max3A_125 : i32 to vector<16xi32>
          %parallel_loop3A_590 = arith.cmpi sge, %parallel_loop3A_588, %parallel_loop3A_589 : vector<16xi32>
          %parallel_loop3A_591 = vector.broadcast %reduce_max3A_453 : i32 to vector<16xi32>
          %parallel_loop3A_592 = arith.cmpi slt, %parallel_loop3A_588, %parallel_loop3A_591 : vector<16xi32>
          %parallel_loop3A_593 = arith.andi %parallel_loop3A_590, %parallel_loop3A_592 : vector<16xi1>
          %parallel_loop3A_594 = vector.broadcast %multiple_of3A : i32 to vector<16xi32>
          %parallel_loop3A_595 = arith.subi %parallel_loop3A_579, %parallel_loop3A_594 : vector<16xi32>
          %parallel_loop3A_596 = tpu.vector_load_idx %arg9[%parallel_loop3A_595] masked %parallel_loop3A_593 : memref<144xi32, #tpu.memory_space<vmem>>[vector<16xi32>], vector<16xi32>, vector<16xi1>
          %parallel_loop3A_597 = arith.subi %parallel_loop3A_588, %parallel_loop3A_596 : vector<16xi32>
          %parallel_loop3A_598 = arith.constant 1 : i32
          %parallel_loop3A_599 = vector.broadcast %parallel_loop3A_598 : i32 to vector<16xi32>
          %parallel_loop3A_600 = arith.addi %parallel_loop3A_597, %parallel_loop3A_599 : vector<16xi32>
          %parallel_loop3A_601 = arith.constant 512 : i32
          %parallel_loop3A_602 = vector.broadcast %parallel_loop3A_601 : i32 to vector<16xi32>
          %parallel_loop3A_603 = arith.cmpi slt, %parallel_loop3A_600, %parallel_loop3A_602 : vector<16xi32>
          %parallel_loop3A_604 = arith.andi %parallel_loop3A_593, %parallel_loop3A_603 : vector<16xi1>
          %parallel_loop3A_605 = vector.broadcast %multiple_of3A : i32 to vector<16xi32>
          %parallel_loop3A_606 = arith.subi %parallel_loop3A_579, %parallel_loop3A_605 : vector<16xi32>
          %parallel_loop3A_607 = arith.constant 512 : i32
          %parallel_loop3A_608 = vector.broadcast %parallel_loop3A_607 : i32 to vector<16xi32>
          %parallel_loop3A_609 = arith.muli %parallel_loop3A_606, %parallel_loop3A_608 : vector<16xi32>
          %parallel_loop3A_610 = arith.addi %parallel_loop3A_609, %parallel_loop3A_600 : vector<16xi32>
          %parallel_loop3A_611 = arith.constant 0 : i32
          %parallel_loop3A_612 = arith.constant 65535 : i32
          %parallel_loop3A_613 = vector.broadcast %parallel_loop3A_611 : i32 to vector<16xi32>
          %parallel_loop3A_614 = arith.maxsi %parallel_loop3A_613, %parallel_loop3A_610 : vector<16xi32>
          %parallel_loop3A_615 = vector.broadcast %parallel_loop3A_612 : i32 to vector<16xi32>
          %parallel_loop3A_616 = arith.minsi %parallel_loop3A_615, %parallel_loop3A_614 : vector<16xi32>
          tpu.vector_store_idx %arg14[%parallel_loop3A_616], %parallel_loop3A_583 masked %parallel_loop3A_604 : memref<65536xi32, #tpu.memory_space<vmem>>[vector<16xi32>], vector<16xi32>, vector<16xi1>
        } {sc.loop_unroll_factor = 4 : i64, sc.parallel_access}
      } else {
      }
      %not3A_539 = arith.constant true
      %not3A_540 = arith.xori %or3A, %not3A_539 : i1
      %and3A_541 = arith.andi %eq3A_517, %not3A_540 : i1
      %convert_element_type3A_542 = arith.extui %and3A_541 : i1 to i32
      %cond3A_543 = arith.constant 0 : i32
      %cond3A_544 = arith.cmpi ne, %convert_element_type3A_542, %cond3A_543 : i32
      scf.if %cond3A_544 {
        %dma_wait3A_559 = arith.constant 0 : i32
        %dma_wait3A_560 = tpu.memref_slice %arg3[%dma_wait3A_559] : memref<1048576xi32, #tpu.memory_space<hbm>> -> memref<2048xi32, #tpu.memory_space<hbm>>
        %dma_wait3A_561 = arith.constant 0 : i32
        %dma_wait3A_562 = tpu.memref_slice %arg3[%dma_wait3A_561] : memref<1048576xi32, #tpu.memory_space<hbm>> -> memref<2048xi32, #tpu.memory_space<hbm>>
        tpu.wait_dma2 semaphore(%arg16 : memref<!tpu.dma_semaphore, #tpu.memory_space<semaphore_mem>>) src(%dma_wait3A_562 : memref<2048xi32, #tpu.memory_space<hbm>>) dst(%arg10 : memref<2048xi32, #tpu.memory_space<vmem>>)
        %dma_wait3A_563 = arith.constant 0 : i32
        %dma_wait3A_564 = tpu.memref_slice %arg2[%dma_wait3A_563] : memref<1048576xi32, #tpu.memory_space<hbm>> -> memref<2048xi32, #tpu.memory_space<hbm>>
        %dma_wait3A_565 = arith.constant 0 : i32
        %dma_wait3A_566 = tpu.memref_slice %arg2[%dma_wait3A_565] : memref<1048576xi32, #tpu.memory_space<hbm>> -> memref<2048xi32, #tpu.memory_space<hbm>>
        tpu.wait_dma2 semaphore(%arg16 : memref<!tpu.dma_semaphore, #tpu.memory_space<semaphore_mem>>) src(%dma_wait3A_566 : memref<2048xi32, #tpu.memory_space<hbm>>) dst(%arg11 : memref<2048xi32, #tpu.memory_space<vmem>>)
        %mul3A_567 = arith.constant 2048 : i32
        %mul3A_568 = arith.muli %while3A_500, %mul3A_567 : i32
        %add3A_569 = arith.addi %and3A_462, %mul3A_568 : i32
        %min3A = arith.constant 1046528 : i32
        %min3A_570 = arith.minsi %add3A_569, %min3A : i32
        %multiple_of3A_571 = tpu.assume_multiple %min3A_570, 8 : i32
        %parallel_loop3A_572 = arith.constant 0 : i32
        %parallel_loop3A_573 = arith.constant 128 : i32
        %parallel_loop3A_574 = arith.constant 1 : i32
        scf.for %parallel_loop3A_575 = %parallel_loop3A_572 to %parallel_loop3A_573 step %parallel_loop3A_574  : i32 {
          %parallel_loop3A_576 = arith.constant 16 : i32
          %parallel_loop3A_577 = arith.muli %parallel_loop3A_575, %parallel_loop3A_576 : i32
          %parallel_loop3A_578 = arith.index_cast %parallel_loop3A_577 : i32 to index
          %parallel_loop3A_579 = tpu.vector_load %arg10[%parallel_loop3A_578] {strides = array<i32>} : memref<2048xi32, #tpu.memory_space<vmem>>, vector<16xi32>,
          %parallel_loop3A_580 = arith.constant 16 : i32
          %parallel_loop3A_581 = arith.muli %parallel_loop3A_575, %parallel_loop3A_580 : i32
          %parallel_loop3A_582 = arith.index_cast %parallel_loop3A_581 : i32 to index
          %parallel_loop3A_583 = tpu.vector_load %arg11[%parallel_loop3A_582] {strides = array<i32>} : memref<2048xi32, #tpu.memory_space<vmem>>, vector<16xi32>,
          %parallel_loop3A_584 = arith.constant 16 : i32
          %parallel_loop3A_585 = arith.muli %parallel_loop3A_575, %parallel_loop3A_584 : i32
          %parallel_loop3A_586 = arith.addi %multiple_of3A_571, %parallel_loop3A_585 : i32
          %parallel_loop3A_587 = vector.broadcast %parallel_loop3A_586 : i32 to vector<16xi32>
          %parallel_loop3A_588 = arith.addi %parallel_loop3A_587, %iota3A : vector<16xi32>
          %parallel_loop3A_589 = vector.broadcast %multiple_of3A : i32 to vector<16xi32>
          %parallel_loop3A_590 = arith.subi %parallel_loop3A_579, %parallel_loop3A_589 : vector<16xi32>
          %parallel_loop3A_591 = tpu.vector_load_idx %arg9[%parallel_loop3A_590] : memref<144xi32, #tpu.memory_space<vmem>>[vector<16xi32>], vector<16xi32>,
          %parallel_loop3A_592 = arith.subi %parallel_loop3A_588, %parallel_loop3A_591 : vector<16xi32>
          %parallel_loop3A_593 = arith.constant 1 : i32
          %parallel_loop3A_594 = vector.broadcast %parallel_loop3A_593 : i32 to vector<16xi32>
          %parallel_loop3A_595 = arith.addi %parallel_loop3A_592, %parallel_loop3A_594 : vector<16xi32>
          %parallel_loop3A_596 = arith.constant 512 : i32
          %parallel_loop3A_597 = vector.broadcast %parallel_loop3A_596 : i32 to vector<16xi32>
          %parallel_loop3A_598 = arith.cmpi slt, %parallel_loop3A_595, %parallel_loop3A_597 : vector<16xi32>
          %parallel_loop3A_599 = vector.broadcast %multiple_of3A : i32 to vector<16xi32>
          %parallel_loop3A_600 = arith.subi %parallel_loop3A_579, %parallel_loop3A_599 : vector<16xi32>
          %parallel_loop3A_601 = arith.constant 512 : i32
          %parallel_loop3A_602 = vector.broadcast %parallel_loop3A_601 : i32 to vector<16xi32>
          %parallel_loop3A_603 = arith.muli %parallel_loop3A_600, %parallel_loop3A_602 : vector<16xi32>
          %parallel_loop3A_604 = arith.addi %parallel_loop3A_603, %parallel_loop3A_595 : vector<16xi32>
          %parallel_loop3A_605 = arith.constant 0 : i32
          %parallel_loop3A_606 = arith.constant 65535 : i32
          %parallel_loop3A_607 = vector.broadcast %parallel_loop3A_605 : i32 to vector<16xi32>
          %parallel_loop3A_608 = arith.maxsi %parallel_loop3A_607, %parallel_loop3A_604 : vector<16xi32>
          %parallel_loop3A_609 = vector.broadcast %parallel_loop3A_606 : i32 to vector<16xi32>
          %parallel_loop3A_610 = arith.minsi %parallel_loop3A_609, %parallel_loop3A_608 : vector<16xi32>
          tpu.vector_store_idx %arg14[%parallel_loop3A_610], %parallel_loop3A_583 masked %parallel_loop3A_598 : memref<65536xi32, #tpu.memory_space<vmem>>[vector<16xi32>], vector<16xi32>, vector<16xi1>
        } {sc.loop_unroll_factor = 4 : i64, sc.parallel_access}
      } else {
      }
      %not3A_545 = arith.constant true
      %not3A_546 = arith.xori %eq3A_517, %not3A_545 : i1
      %and3A_547 = arith.andi %not3A_546, %or3A : i1
      %convert_element_type3A_548 = arith.extui %and3A_547 : i1 to i32
      %cond3A_549 = arith.constant 0 : i32
      %cond3A_550 = arith.cmpi ne, %convert_element_type3A_548, %cond3A_549 : i32
      scf.if %cond3A_550 {
        %dma_wait3A_559 = arith.constant 0 : i32
        %dma_wait3A_560 = tpu.memref_slice %arg3[%dma_wait3A_559] : memref<1048576xi32, #tpu.memory_space<hbm>> -> memref<2048xi32, #tpu.memory_space<hbm>>
        %dma_wait3A_561 = arith.constant 0 : i32
        %dma_wait3A_562 = tpu.memref_slice %arg3[%dma_wait3A_561] : memref<1048576xi32, #tpu.memory_space<hbm>> -> memref<2048xi32, #tpu.memory_space<hbm>>
        tpu.wait_dma2 semaphore(%arg17 : memref<!tpu.dma_semaphore, #tpu.memory_space<semaphore_mem>>) src(%dma_wait3A_562 : memref<2048xi32, #tpu.memory_space<hbm>>) dst(%arg12 : memref<2048xi32, #tpu.memory_space<vmem>>)
        %dma_wait3A_563 = arith.constant 0 : i32
        %dma_wait3A_564 = tpu.memref_slice %arg2[%dma_wait3A_563] : memref<1048576xi32, #tpu.memory_space<hbm>> -> memref<2048xi32, #tpu.memory_space<hbm>>
        %dma_wait3A_565 = arith.constant 0 : i32
        %dma_wait3A_566 = tpu.memref_slice %arg2[%dma_wait3A_565] : memref<1048576xi32, #tpu.memory_space<hbm>> -> memref<2048xi32, #tpu.memory_space<hbm>>
        tpu.wait_dma2 semaphore(%arg17 : memref<!tpu.dma_semaphore, #tpu.memory_space<semaphore_mem>>) src(%dma_wait3A_566 : memref<2048xi32, #tpu.memory_space<hbm>>) dst(%arg13 : memref<2048xi32, #tpu.memory_space<vmem>>)
        %mul3A_567 = arith.constant 2048 : i32
        %mul3A_568 = arith.muli %while3A_500, %mul3A_567 : i32
        %add3A_569 = arith.addi %and3A_462, %mul3A_568 : i32
        %min3A = arith.constant 1046528 : i32
        %min3A_570 = arith.minsi %add3A_569, %min3A : i32
        %multiple_of3A_571 = tpu.assume_multiple %min3A_570, 8 : i32
        %parallel_loop3A_572 = arith.constant 0 : i32
        %parallel_loop3A_573 = arith.constant 128 : i32
        %parallel_loop3A_574 = arith.constant 1 : i32
        scf.for %parallel_loop3A_575 = %parallel_loop3A_572 to %parallel_loop3A_573 step %parallel_loop3A_574  : i32 {
          %parallel_loop3A_576 = arith.constant 16 : i32
          %parallel_loop3A_577 = arith.muli %parallel_loop3A_575, %parallel_loop3A_576 : i32
          %parallel_loop3A_578 = arith.index_cast %parallel_loop3A_577 : i32 to index
          %parallel_loop3A_579 = tpu.vector_load %arg12[%parallel_loop3A_578] {strides = array<i32>} : memref<2048xi32, #tpu.memory_space<vmem>>, vector<16xi32>,
          %parallel_loop3A_580 = arith.constant 16 : i32
          %parallel_loop3A_581 = arith.muli %parallel_loop3A_575, %parallel_loop3A_580 : i32
          %parallel_loop3A_582 = arith.index_cast %parallel_loop3A_581 : i32 to index
          %parallel_loop3A_583 = tpu.vector_load %arg13[%parallel_loop3A_582] {strides = array<i32>} : memref<2048xi32, #tpu.memory_space<vmem>>, vector<16xi32>,
          %parallel_loop3A_584 = arith.constant 16 : i32
          %parallel_loop3A_585 = arith.muli %parallel_loop3A_575, %parallel_loop3A_584 : i32
          %parallel_loop3A_586 = arith.addi %multiple_of3A_571, %parallel_loop3A_585 : i32
          %parallel_loop3A_587 = vector.broadcast %parallel_loop3A_586 : i32 to vector<16xi32>
          %parallel_loop3A_588 = arith.addi %parallel_loop3A_587, %iota3A : vector<16xi32>
          %parallel_loop3A_589 = vector.broadcast %reduce_max3A_125 : i32 to vector<16xi32>
          %parallel_loop3A_590 = arith.cmpi sge, %parallel_loop3A_588, %parallel_loop3A_589 : vector<16xi32>
          %parallel_loop3A_591 = vector.broadcast %reduce_max3A_453 : i32 to vector<16xi32>
          %parallel_loop3A_592 = arith.cmpi slt, %parallel_loop3A_588, %parallel_loop3A_591 : vector<16xi32>
          %parallel_loop3A_593 = arith.andi %parallel_loop3A_590, %parallel_loop3A_592 : vector<16xi1>
          %parallel_loop3A_594 = vector.broadcast %multiple_of3A : i32 to vector<16xi32>
          %parallel_loop3A_595 = arith.subi %parallel_loop3A_579, %parallel_loop3A_594 : vector<16xi32>
          %parallel_loop3A_596 = tpu.vector_load_idx %arg9[%parallel_loop3A_595] masked %parallel_loop3A_593 : memref<144xi32, #tpu.memory_space<vmem>>[vector<16xi32>], vector<16xi32>, vector<16xi1>
          %parallel_loop3A_597 = arith.subi %parallel_loop3A_588, %parallel_loop3A_596 : vector<16xi32>
          %parallel_loop3A_598 = arith.constant 1 : i32
          %parallel_loop3A_599 = vector.broadcast %parallel_loop3A_598 : i32 to vector<16xi32>
          %parallel_loop3A_600 = arith.addi %parallel_loop3A_597, %parallel_loop3A_599 : vector<16xi32>
          %parallel_loop3A_601 = arith.constant 512 : i32
          %parallel_loop3A_602 = vector.broadcast %parallel_loop3A_601 : i32 to vector<16xi32>
          %parallel_loop3A_603 = arith.cmpi slt, %parallel_loop3A_600, %parallel_loop3A_602 : vector<16xi32>
          %parallel_loop3A_604 = arith.andi %parallel_loop3A_593, %parallel_loop3A_603 : vector<16xi1>
          %parallel_loop3A_605 = vector.broadcast %multiple_of3A : i32 to vector<16xi32>
          %parallel_loop3A_606 = arith.subi %parallel_loop3A_579, %parallel_loop3A_605 : vector<16xi32>
          %parallel_loop3A_607 = arith.constant 512 : i32
          %parallel_loop3A_608 = vector.broadcast %parallel_loop3A_607 : i32 to vector<16xi32>
          %parallel_loop3A_609 = arith.muli %parallel_loop3A_606, %parallel_loop3A_608 : vector<16xi32>
          %parallel_loop3A_610 = arith.addi %parallel_loop3A_609, %parallel_loop3A_600 : vector<16xi32>
          %parallel_loop3A_611 = arith.constant 0 : i32
          %parallel_loop3A_612 = arith.constant 65535 : i32
          %parallel_loop3A_613 = vector.broadcast %parallel_loop3A_611 : i32 to vector<16xi32>
          %parallel_loop3A_614 = arith.maxsi %parallel_loop3A_613, %parallel_loop3A_610 : vector<16xi32>
          %parallel_loop3A_615 = vector.broadcast %parallel_loop3A_612 : i32 to vector<16xi32>
          %parallel_loop3A_616 = arith.minsi %parallel_loop3A_615, %parallel_loop3A_614 : vector<16xi32>
          tpu.vector_store_idx %arg14[%parallel_loop3A_616], %parallel_loop3A_583 masked %parallel_loop3A_604 : memref<65536xi32, #tpu.memory_space<vmem>>[vector<16xi32>], vector<16xi32>, vector<16xi1>
        } {sc.loop_unroll_factor = 4 : i64, sc.parallel_access}
      } else {
      }
      %not3A_551 = arith.constant true
      %not3A_552 = arith.xori %eq3A_517, %not3A_551 : i1
      %not3A_553 = arith.constant true
      %not3A_554 = arith.xori %or3A, %not3A_553 : i1
      %and3A_555 = arith.andi %not3A_552, %not3A_554 : i1
      %convert_element_type3A_556 = arith.extui %and3A_555 : i1 to i32
      %cond3A_557 = arith.constant 0 : i32
      %cond3A_558 = arith.cmpi ne, %convert_element_type3A_556, %cond3A_557 : i32
      scf.if %cond3A_558 {
        %dma_wait3A_559 = arith.constant 0 : i32
        %dma_wait3A_560 = tpu.memref_slice %arg3[%dma_wait3A_559] : memref<1048576xi32, #tpu.memory_space<hbm>> -> memref<2048xi32, #tpu.memory_space<hbm>>
        %dma_wait3A_561 = arith.constant 0 : i32
        %dma_wait3A_562 = tpu.memref_slice %arg3[%dma_wait3A_561] : memref<1048576xi32, #tpu.memory_space<hbm>> -> memref<2048xi32, #tpu.memory_space<hbm>>
        tpu.wait_dma2 semaphore(%arg17 : memref<!tpu.dma_semaphore, #tpu.memory_space<semaphore_mem>>) src(%dma_wait3A_562 : memref<2048xi32, #tpu.memory_space<hbm>>) dst(%arg12 : memref<2048xi32, #tpu.memory_space<vmem>>)
        %dma_wait3A_563 = arith.constant 0 : i32
        %dma_wait3A_564 = tpu.memref_slice %arg2[%dma_wait3A_563] : memref<1048576xi32, #tpu.memory_space<hbm>> -> memref<2048xi32, #tpu.memory_space<hbm>>
        %dma_wait3A_565 = arith.constant 0 : i32
        %dma_wait3A_566 = tpu.memref_slice %arg2[%dma_wait3A_565] : memref<1048576xi32, #tpu.memory_space<hbm>> -> memref<2048xi32, #tpu.memory_space<hbm>>
        tpu.wait_dma2 semaphore(%arg17 : memref<!tpu.dma_semaphore, #tpu.memory_space<semaphore_mem>>) src(%dma_wait3A_566 : memref<2048xi32, #tpu.memory_space<hbm>>) dst(%arg13 : memref<2048xi32, #tpu.memory_space<vmem>>)
        %mul3A_567 = arith.constant 2048 : i32
        %mul3A_568 = arith.muli %while3A_500, %mul3A_567 : i32
        %add3A_569 = arith.addi %and3A_462, %mul3A_568 : i32
        %min3A = arith.constant 1046528 : i32
        %min3A_570 = arith.minsi %add3A_569, %min3A : i32
        %multiple_of3A_571 = tpu.assume_multiple %min3A_570, 8 : i32
        %parallel_loop3A_572 = arith.constant 0 : i32
        %parallel_loop3A_573 = arith.constant 128 : i32
        %parallel_loop3A_574 = arith.constant 1 : i32
        scf.for %parallel_loop3A_575 = %parallel_loop3A_572 to %parallel_loop3A_573 step %parallel_loop3A_574  : i32 {
          %parallel_loop3A_576 = arith.constant 16 : i32
          %parallel_loop3A_577 = arith.muli %parallel_loop3A_575, %parallel_loop3A_576 : i32
          %parallel_loop3A_578 = arith.index_cast %parallel_loop3A_577 : i32 to index
          %parallel_loop3A_579 = tpu.vector_load %arg12[%parallel_loop3A_578] {strides = array<i32>} : memref<2048xi32, #tpu.memory_space<vmem>>, vector<16xi32>,
          %parallel_loop3A_580 = arith.constant 16 : i32
          %parallel_loop3A_581 = arith.muli %parallel_loop3A_575, %parallel_loop3A_580 : i32
          %parallel_loop3A_582 = arith.index_cast %parallel_loop3A_581 : i32 to index
          %parallel_loop3A_583 = tpu.vector_load %arg13[%parallel_loop3A_582] {strides = array<i32>} : memref<2048xi32, #tpu.memory_space<vmem>>, vector<16xi32>,
          %parallel_loop3A_584 = arith.constant 16 : i32
          %parallel_loop3A_585 = arith.muli %parallel_loop3A_575, %parallel_loop3A_584 : i32
          %parallel_loop3A_586 = arith.addi %multiple_of3A_571, %parallel_loop3A_585 : i32
          %parallel_loop3A_587 = vector.broadcast %parallel_loop3A_586 : i32 to vector<16xi32>
          %parallel_loop3A_588 = arith.addi %parallel_loop3A_587, %iota3A : vector<16xi32>
          %parallel_loop3A_589 = vector.broadcast %multiple_of3A : i32 to vector<16xi32>
          %parallel_loop3A_590 = arith.subi %parallel_loop3A_579, %parallel_loop3A_589 : vector<16xi32>
          %parallel_loop3A_591 = tpu.vector_load_idx %arg9[%parallel_loop3A_590] : memref<144xi32, #tpu.memory_space<vmem>>[vector<16xi32>], vector<16xi32>,
          %parallel_loop3A_592 = arith.subi %parallel_loop3A_588, %parallel_loop3A_591 : vector<16xi32>
          %parallel_loop3A_593 = arith.constant 1 : i32
          %parallel_loop3A_594 = vector.broadcast %parallel_loop3A_593 : i32 to vector<16xi32>
          %parallel_loop3A_595 = arith.addi %parallel_loop3A_592, %parallel_loop3A_594 : vector<16xi32>
          %parallel_loop3A_596 = arith.constant 512 : i32
          %parallel_loop3A_597 = vector.broadcast %parallel_loop3A_596 : i32 to vector<16xi32>
          %parallel_loop3A_598 = arith.cmpi slt, %parallel_loop3A_595, %parallel_loop3A_597 : vector<16xi32>
          %parallel_loop3A_599 = vector.broadcast %multiple_of3A : i32 to vector<16xi32>
          %parallel_loop3A_600 = arith.subi %parallel_loop3A_579, %parallel_loop3A_599 : vector<16xi32>
          %parallel_loop3A_601 = arith.constant 512 : i32
          %parallel_loop3A_602 = vector.broadcast %parallel_loop3A_601 : i32 to vector<16xi32>
          %parallel_loop3A_603 = arith.muli %parallel_loop3A_600, %parallel_loop3A_602 : vector<16xi32>
          %parallel_loop3A_604 = arith.addi %parallel_loop3A_603, %parallel_loop3A_595 : vector<16xi32>
          %parallel_loop3A_605 = arith.constant 0 : i32
          %parallel_loop3A_606 = arith.constant 65535 : i32
          %parallel_loop3A_607 = vector.broadcast %parallel_loop3A_605 : i32 to vector<16xi32>
          %parallel_loop3A_608 = arith.maxsi %parallel_loop3A_607, %parallel_loop3A_604 : vector<16xi32>
          %parallel_loop3A_609 = vector.broadcast %parallel_loop3A_606 : i32 to vector<16xi32>
          %parallel_loop3A_610 = arith.minsi %parallel_loop3A_609, %parallel_loop3A_608 : vector<16xi32>
          tpu.vector_store_idx %arg14[%parallel_loop3A_610], %parallel_loop3A_583 masked %parallel_loop3A_598 : memref<65536xi32, #tpu.memory_space<vmem>>[vector<16xi32>], vector<16xi32>, vector<16xi1>
        } {sc.loop_unroll_factor = 4 : i64, sc.parallel_access}
      } else {
      }
    }
    %mul3A_498 = arith.constant 512 : i32
    %mul3A_499 = arith.muli %multiple_of3A, %mul3A_498 : i32
    "tpu.region"() ({
      %run_scoped3A = tpu.sem_alloc : memref<!tpu.dma_semaphore, #tpu.memory_space<semaphore_mem>>
      %dma_start3A = tpu.memref_slice %arg6[%mul3A_499] : memref<2097152xi32, #tpu.memory_space<hbm>> -> memref<65536xi32, #tpu.memory_space<hbm>>
      %dma_start3A_500 = tpu.memref_slice %arg6[%mul3A_499] : memref<2097152xi32, #tpu.memory_space<hbm>> -> memref<65536xi32, #tpu.memory_space<hbm>>
      tpu.enqueue_dma source(%arg14 : memref<65536xi32, #tpu.memory_space<vmem>>) target(%dma_start3A_500 : memref<65536xi32, #tpu.memory_space<hbm>>) target_semaphore(%run_scoped3A : memref<!tpu.dma_semaphore, #tpu.memory_space<semaphore_mem>>)
      %dma_wait3A_501 = tpu.memref_slice %arg6[%mul3A_499] : memref<2097152xi32, #tpu.memory_space<hbm>> -> memref<65536xi32, #tpu.memory_space<hbm>>
      %dma_wait3A_502 = tpu.memref_slice %arg6[%mul3A_499] : memref<2097152xi32, #tpu.memory_space<hbm>> -> memref<65536xi32, #tpu.memory_space<hbm>>
      tpu.wait_dma2 semaphore(%run_scoped3A : memref<!tpu.dma_semaphore, #tpu.memory_space<semaphore_mem>>) src(%arg14 : memref<65536xi32, #tpu.memory_space<vmem>>) dst(%dma_wait3A_502 : memref<65536xi32, #tpu.memory_space<hbm>>)
      tpu.yield
    }) : () -> ()
    return
  }
}

</mosaic_0001>

<sc_bundles>
// kernel: kernel.4.cloned.1.call-start
scs
__scs_entry_jumppad:
0x0: {  	(pc) =	sbr.rel $0x88, $3  }
0x1: {  	(tag) =	ssettag $0x0;
	lr =	simm.s32 $0x1  }
0x2: {  	[smem:$0x3F9F] =	sst lr;
	_ =	strace $0xD0000000  }
0x3: {  	_ = 	snop  }
0x4: {  	_ = 	snop  }
0x5: {  	_ = 	snop  }
0x6: {  	_ = 	snop  }
0x7: {  	_ = 	snop  }
__scs_overlays_trampoline_lowered:
0x8: {  	[smem:$0x3FAE] =	sst s0  }
0x9: {  	[smem:$0x3FAF] =	sst s1  }
0xa: {  	[smem:$0x3FB0] =	sst s2  }
0xb: {  	[smem:$0x3FB1] =	sst s3  }
0xc: {  	[smem:$0x3FB2] =	sst s4  }
0xd: {  	[smem:$0x3FB3] =	sst s5  }
0xe: {  	[smem:$0x3FB4] =	sst s6  }
0xf: {  	[smem:$0x3FB5] =	sst s7  }
0x10: {  	[smem:$0x3FB6] =	sst s8  }
0x11: {  	[smem:$0x3FB7] =	sst s9;
	s0 =	simm.s32 @!p0 $0x0  }
0x12: {  	s1 =	sld [smem:$0x3F9D];
	s0 =	simm.s32 @p0 $0x1  }
0x13: {  	[smem:$0x3FB8] =	sst s0;
	s0 =	simm.s32 @!p1 $0x0  }
0x14: {  	s2 =	sld [smem:$0x3F9C];
	s0 =	simm.s32 @p1 $0x1  }
0x15: {  	[smem:$0x3FB9] =	sst s0;
	s0 =	simm.s32 @!p2 $0x0  }
0x16: {  	s3 =	sld [smem:$0x3FDB];
	s0 =	simm.s32 @p2 $0x1  }
0x17: {  	s4 =	simm.s32 $0x1BF5;
	[smem:$0x3FBB] =	sst s0  }
0x18: {  	s0 =	sld [smem:$0x3F9E];
	_ =	swait.ge [sflag:s4], $0x0  }
0x19: {  	s7 =	sld [smem:$0x3F9F]  }
0x1a: {  	s8 =	sadd.s32 $0xFFFFE003, lr  }
0x1b: {  	s9 =	sadd.s32 $0xFFFFFEF7, lr;
	s5 =	simm.s32 $0xFFFFFFFF;
	p2 =	slt.u32 s8, $0xFFFFF086  }
0x1c: {  	p1 =	slt.u32 s9, $0xF7A;
	s5 =	simm.s32 @!p2 $0x0  }
0x1d: {  	s5 =	simm.s32 @p1 $0x1;
	p0 =	seq.s32 s7, s2  }
0x1e: {  	s7 =	smul.u32 @!p0 $0xF7A, s2;
	p2 =	seq.s32 @!p0 s5, $0x0  }
0x1f: {  	s9 =	smul.u32 $0xF7A, s1;
	s8 =	simm.s32 @!p0 $0x1BF5;
	p2 =	por !p2, p0  }
0x20: {  	[sflag:s8] =	ssyncset.s32 @!p0 $0xFFFFF086;
	s6 =	sadd.s32 @!p0 s3, s7;
	s7 =	simm.s32 @!p0 $0x108  }
0x21: {  	s3 =	sadd.s32 s3, s9;
	s6 =	sadd.s32 @!p0 $0x88, s6;
	s7 =	simm.s32 @p2 $0x1082  }
0x22: {  	[simem:s7], [sflag:s8] =	dma.local @!p0 [hbm:s6], $0xF7A  }
0x23: {  	s9 =	sor.u32 $0xD0000000, s2;
	s6 =	simm.s32 $0x108;
	_ =	swait.ge @!p0 [sflag:s8], $0x0  }
0x24: {  	s3 =	sadd.s32 $0x88, s3;
	s6 =	simm.s32 @!p1 $0x1082;
	[sflag:s4] =	ssyncset.s32 $0xFFFFF086  }
0x25: {  	[simem:s6], [sflag:s4] =	dma.local [hbm:s3], $0xF7A  }
0x26: {  	[smem:$0x3F9F] =	sst s1;
	(tag) =	ssettag s2;
	_ =	strace s9  }
0x27: {  	s1 =	sld [smem:$0x3FAF]  }
0x28: {  	s2 =	sld [smem:$0x3FB0]  }
0x29: {  	s4 =	sld [smem:$0x3FB2]  }
0x2a: {  	p0 =	seq.s32 s5, $0x0;
	s5 =	sld [smem:$0x3FB3]  }
0x2b: {  	s6 =	sld [smem:$0x3FB4]  }
0x2c: {  	s7 =	sld [smem:$0x3FB5]  }
0x2d: {  	s3 =	simm.s32 $0x108;
	s8 =	sld [smem:$0x3FB6]  }
0x2e: {  	s3 =	simm.s32 @!p0 $0x1082;
	s9 =	sld [smem:$0x3FB7]  }
0x2f: {  	lr =	sadd.s32 s0, s3;
	s0 =	sld [smem:$0x3FAE]  }
0x30: {  	s3 =	sld [smem:$0x3FB1]  }
0x31: {  	[smem:$0x3FBA] =	sst s10  }
0x32: {  	s10 =	sld [smem:$0x3FB8];
	_ =	sdelay $0x3  }
0x33: {  	p0 =	seq.s32 s10, $0x1;
	s10 =	sld [smem:$0x3FBA];
	_ =	sdelay $0x3  }
0x34: {  	[smem:$0x3FBA] =	sst s10  }
0x35: {  	s10 =	sld [smem:$0x3FB9];
	_ =	sdelay $0x3  }
0x36: {  	p1 =	seq.s32 s10, $0x1;
	s10 =	sld [smem:$0x3FBA];
	_ =	sdelay $0x3  }
0x37: {  	[smem:$0x3FBA] =	sst s10  }
0x38: {  	s10 =	sld [smem:$0x3FBB]  }
0x39: {  	_ = 	snop;
	(pc) =	sbr.ind lr, $3  }
0x3a: {  	_ = 	snop  }
0x3b: {  	_ = 	snop  }
0x3c: {  	p2 =	seq.s32 s10, $0x1;
	s10 =	sld [smem:$0x3FBA]  }
0x3d: {  	_ =	shalt  }
0x3e: {  	_ =	shalt  }
0x3f: {  	_ =	shalt  }
0x40: {  	_ =	shalt  }
0x41: {  	_ =	shalt  }
0x42: {  	_ =	shalt  }
0x43: {  	_ =	shalt  }
0x44: {  	_ =	shalt  }
0x45: {  	_ =	shalt  }
0x46: {  	_ =	shalt  }
0x47: {  	_ =	shalt  }
0x48: {  	_ =	shalt  }
0x49: {  	_ =	shalt  }
0x4a: {  	_ =	shalt  }
0x4b: {  	_ =	shalt  }
0x4c: {  	_ =	shalt  }
0x4d: {  	_ =	shalt  }
0x4e: {  	_ =	shalt  }
0x4f: {  	_ =	shalt  }
0x50: {  	_ =	shalt  }
0x51: {  	_ =	shalt  }
0x52: {  	_ =	shalt  }
0x53: {  	_ =	shalt  }
0x54: {  	_ =	shalt  }
0x55: {  	_ =	shalt  }
0x56: {  	_ =	shalt  }
0x57: {  	_ =	shalt  }
0x58: {  	_ =	shalt  }
0x59: {  	_ =	shalt  }
0x5a: {  	_ =	shalt  }
0x5b: {  	_ =	shalt  }
0x5c: {  	_ =	shalt  }
0x5d: {  	_ =	shalt  }
0x5e: {  	_ =	shalt  }
0x5f: {  	_ =	shalt  }
0x60: {  	_ =	shalt  }
0x61: {  	_ =	shalt  }
0x62: {  	_ =	shalt  }
0x63: {  	_ =	shalt  }
0x64: {  	_ =	shalt  }
0x65: {  	_ =	shalt  }
0x66: {  	_ =	shalt  }
0x67: {  	_ =	shalt  }
0x68: {  	_ =	shalt  }
0x69: {  	_ =	shalt  }
0x6a: {  	_ =	shalt  }
0x6b: {  	_ =	shalt  }
0x6c: {  	_ =	shalt  }
0x6d: {  	_ =	shalt  }
0x6e: {  	_ =	shalt  }
0x6f: {  	_ =	shalt  }
0x70: {  	_ =	shalt  }
0x71: {  	_ =	shalt  }
0x72: {  	_ =	shalt  }
0x73: {  	_ =	shalt  }
0x74: {  	_ =	shalt  }
0x75: {  	_ =	shalt  }
0x76: {  	_ =	shalt  }
0x77: {  	_ =	shalt  }
0x78: {  	_ =	shalt  }
0x79: {  	_ =	shalt  }
0x7a: {  	_ =	shalt  }
0x7b: {  	_ =	shalt  }
0x7c: {  	_ =	shalt  }
0x7d: {  	_ =	shalt  }
0x7e: {  	_ =	shalt  }
0x7f: {  	_ =	shalt  }
0x80: {  	_ =	shalt  }
0x81: {  	_ =	shalt  }
0x82: {  	_ =	shalt  }
0x83: {  	_ =	shalt  }
0x84: {  	_ =	shalt  }
0x85: {  	_ =	shalt  }
0x86: {  	_ =	shalt  }
0x87: {  	_ =	shalt  }
.Lfunc_end0:
.L_simem_size_0:
called_computation_lowered:
.L_overlay_start_0:
0x88: {  	s2 =	sld [smem:$0x3FD9]  }
0x89: {  	s3 =	sld [smem:$0x3FFE];
	_ =	sdelay $0x1  }
0x8a: {  	s1 =	srdreg.scid  }
0x8b: {  	s0 =	sand.u32 $0x1, s1  }
0x8c: {  	s17 =	sshll.u32 s0, $0xA;
	s2 =	sadd.s32 s3, s2  }
0x8d: {  	s2 =	sadd.s32 s2, s17  }
0x8e: {  	[smem:$0x3FC6] =	sst s2  }
0x8f: {  	_ = 	snop  }
0x90: {  	s2 =	sld [smem:$0x3FC8]  }
0x91: {  	s18 =	sld [smem:$0x3FD0];
	(tm) =	ssettm $0x1  }
0x92: {  	s4 =	sld [smem:$0x3FFB];
	_ =	sdelay $0x3  }
0x93: {  	_ =	strace s4  }
0x94: {  	s4 =	sld [smem:$0x3FFC];
	_ =	sdelay $0x3  }
0x95: {  	_ =	strace s4  }
0x96: {  	s4 =	sld [smem:$0x3FFD];
	_ =	sdelay $0x3  }
0x97: {  	_ =	strace s4  }
0x98: {  	_ =	strace $0x8FFFFFFF  }
0x99: {  	s19 =	sld [smem:$0x3FDB];
	_ =	sdelay $0x1  }
0x9a: {  	s5 =	simm.s32 $_scs_section_size  }
0x9b: {  	s6 =	simm.s32 $_size__tile_overlayer_lowered;
	s7 =	simm.s32 $_tile_overlayer_lowered  }
0x9c: {  	s22 =	simm.s32 $0x1BFF;
	s21 =	sshll.u32 s7, $0x1;
	s4 =	sadd.s32 s5, s19  }
0x9d: {  	s8 =	simm.s32 $0x0;
	s20 =	sshll.u32 s6, $0x1;
	s6 =	sadd.s32 s21, s4  }
0x9e: {  	[timem:s8], [sflag:s22] =	dma.local [hbm:s6], s20  }
0x9f: {  	_ =	swait.ge [sflag:s22], s20  }
0xa0: {  	s5 =	ssub.s32 $0x0, s20;
	[sflag:s22] =	ssyncset.done $0x0  }
0xa1: {  	[sflag:s22] =	ssyncadd.s32 s5;
	_ =	sdelay $0x1  }
0xa2: {  	s23 =	simm.s32 $0x1B8B  }
0xa3: {  	_ =	swait.ge [sflag:s23], $0x1  }
0xa4: {  	[sflag:s23] =	ssyncset.done $0x0  }
0xa5: {  	s25 =	simm.s32 $0x1B8E;
	s24 =	sld [smem:$0x3FFE];
	[sflag:s23] =	ssyncadd.s32 $0xFFFFFFFF  }
0xa6: {  	s26 =	simm.s32 $execute0_lowered;
	[smem:$0x3FD2] =	sst s25  }
0xa7: {  	s6 =	sshll.u32 s26, $0x1;
	_ =	strace $0x80000046;
	[dreg:$0x1] =	wrdreg $0xFFFFFFFF  }
0xa8: {  	s28 =	simm.s32 $_size_execute0_lowered;
	s4 =	sadd.s32 s4, s6;
	[dreg:$0x0] =	wrdreg $0x0  }
0xa9: {  	s6 =	sshll.u32 s28, $0x1;
	[dreg:$0x2] =	wrdreg s4  }
0xaa: {  	[dreg:$0x3] =	wrdreg s6  }
0xab: {  	[dreg:$0x4] =	wrdreg $0xC0  }
0xac: {  	_ =	task [dreg:s8], $0x5FFFF  }
0xad: {  	[dreg:$0x1] =	wrdreg $0xFFFFFFFF  }
0xae: {  	[dreg:$0x0] =	wrdreg $0x60  }
0xaf: {  	[dreg:$0x2] =	wrdreg s2  }
0xb0: {  	[dreg:$0x3] =	wrdreg s18  }
0xb1: {  	[dreg:$0x4] =	wrdreg s24  }
0xb2: {  	[dreg:$0x5] =	wrdreg $0x9  }
0xb3: {  	_ =	task.clear_ibuf [dreg:s8], $0x6FFFF;
	_ =	strace $0x90000046  }
0xb4: {  	s29 =	simm.s32 $0x9;
	_ =	strace $0x80000048  }
0xb5: {  	_ =	swait.ge [sflag:s29], $0x1  }
0xb6: {  	[sflag:s29] =	ssyncadd.s32 $0xFFFFFFFF  }
0xb7: {  	_ =	strace $0x90000048  }
0xb8: {  	_ =	sfence  }
0xb9: {  	s30 =	sld [smem:$0x0];
	_ =	sdelay $0x2  }
0xba: {  	s31 =	sshll.u32 s1, $0xD;
	s1 =	sshrl.u32 s1, $0x2  }
0xbb: {  	s3 =	sand.u32 $0x4000, s31;
	s1 =	sadd.s32 s1, s30  }
0xbc: {  	s0 =	sor.u32 s3, s0;
	s1 =	sshll.u32 s1, $0x11  }
0xbd: {  	s0 =	sor.u32 s1, s0  }
0xbe: {  	s0 =	sadd.s32 $0x8F2B, s0  }
0xbf: {  	[sflag:s0] =	ssyncadd.remote.s32 $0x1  }
0xc0: {  	_ =	sfence.sel $0xFFFF  }
0xc1: {  	[dreg:$0x0] =	wrdreg $0xFFFFFFFF;
	(pc) =	sbr.abs _section_cstart, $3  }
0xc2: {  	[dreg:$0x1] =	wrdreg $0xFFFFFFFF  }
0xc3: {  	_ =	task.clear_ibuf [dreg:s8], $0x2FFFF;
	_ =	strace $0x9FFFFFFF  }
0xc4: {  	(tm) =	ssettm $0x7FFFFFFF  }
0xc5: {  	_ =	shalt  }
tec
execute0_lowered:
.L_overlay_start_1:
0x0: {  	(tag) =	ssettag $0x1  }
0x1: {  	s3 =	rddreg [dreg:$0x0]  }
0x2: {  	s5 =	rddreg [dreg:$0x1];
	v1 =	vlaneseq.u32  }
0x3: {  	s1 =	srdreg.scid;
	s0 =	stileid.u32;
	v0 =	vimm.s32 $0x0;
	v2 =	vimm.s32 $0x1;
	v3 =	vimm.s32 $0x2  }
0x4: {  	s4 =	rddreg [dreg:$0x2];
	v4 =	vimm.s32 $0x3;
	v5 =	vimm.s32 $0x4;
	s2 =	simm.s32 $0x0;
	v6 =	vimm.s32 $0x5;
	s12 =	simm.s32 $0x9280  }
0x5: {  	v7 =	vimm.s32 $0x6;
	v8 =	vimm.s32 $0x7;
	v9 =	vimm.s32 $0x8;
	s13 =	simm.s32 $0x0;
	s6 =	sand.u32 $0x1, s1;
	s1 =	rddreg [dreg:$0x3]  }
0x6: {  	v10 =	vimm.s32 $0x9;
	v11 =	vimm.s32 $0xA;
	v12 =	vimm.s32 $0xB;
	s7 =	sshll.u32 s0, $0x1;
	[smem:$0x7FF] =	sst s2;
	s11 =	sshll.u32 s0, $0x10  }
0x7: {  	v13 =	vimm.s32 $0xC;
	v14 =	vimm.s32 $0xD;
	v15 =	vimm.s32 $0xE;
	s9 =	sor.u32 s6, s7;
	s8 =	ssub.s32 $0x2, s6;
	_ =	strace $0x80000047  }
0x8: {  	v16 =	vimm.s32 $0xF;
	v17 =	vimm.s32 $0x10;
	v18 =	vimm.s32 $0x11;
	s6 =	sshll.u32 s6, $0xF;
	s7 =	sshll.u32 s9, $0x2;
	s29 =	sshrl.u32 s8, $0x1  }
0x9: {  	v19 =	vimm.s32 $0x12;
	v20 =	vimm.s32 $0x13;
	v21 =	vimm.s32 $0x14;
	s30 =	sshll.u32 s9, $0xC;
	s10 =	smul.u32 $0x240, s9;
	s31 =	sor.u32 s6, s11  }
0xa: {  	v22 =	vimm.s32 $0x15;
	v23 =	vimm.s32 $0x16;
	v24 =	vimm.s32 $0x17;
	p0 =	seq.s32 s9, $0x1F;
	s9 =	simm.s32 $0x1;
	s11 =	simm.s32 $0x2  }
0xb: {  	v25 =	vimm.s32 $0x18;
	v26 =	vimm.s32 $0x19;
	v27 =	vimm.s32 $0x1A;
	s7 =	sadd.s32 s7, s4;
	s8 =	ssub.s32 s8, s29;
	s3 =	sadd.s32 s3, s30  }
0xc: {  	v28 =	vimm.s32 $0x1B;
	v29 =	vimm.s32 $0x1C;
	v30 =	vimm.s32 $0x1D;
	s4 =	sadd.s32 $0x1000, s3;
	s5 =	sadd.s32 s5, s10;
	s6 =	sadd.s32 $0xC00, s7  }
0xd: {  	v31 =	vimm.s32 $0x1E;
	v32 =	vimm.s32 $0x1F;
	v1 =	vadd.s32 $0x1, v1;
	s7 =	smax.u32 s8, $0x1;
	s8 =	sor.u32 $0x30, s31;
	s10 =	simm.s32 $0x8080  }
.LBB2_1:
0xe: {  	[tilespmem:s2], [sflag:$0x1] =	stream.linear.gather [hbm4b:s3+s2], $0x8000, $0x38;
	[tilespmem:$0x9300] =	vst v63  }
0xf: {  	s14 =	simm.s32 $0x40;
	s15 =	simm.s32 $0x0  }
.LBB2_2:
0x10: {  	p1 =	sne.s32 s14, $0x47C0;
	[tilespmem:s15+$0x8080] =	vst v0;
	s15 =	smov.u32 s14;
	s14 =	sadd.s32 $0x40, s14  }
.Ltmp0:
0x11: {  	(pc) =	sbr.rel @p1 .LBB2_2-.Ltmp0, $2  }
0x12: {  	_ =	sdelay $0x2  }
0x13: {  	s15 =	sshra.s32 s15, $0x2  }
0x14: {  	[tilespmem:s15+$0x8080] =	vst v0  }
0x15: {  	_ =	swait.ge [sflag:s9], $0x8000  }
0x16: {  	[sflag:s9] =	ssyncset.done $0x0  }
0x17: {  	v33 =	vimm.s32 @p0 $0x1000;
	[sflag:s9] =	ssyncadd.s32 $0xFFFF8000  }
0x18: {  	s14 =	simm.s32 @!p0 $0x0;
	s15 =	simm.s32 @!p0 $0x8000;
	[tilespmem:$0x8000] =	vst @p0 v33  }
0x19: {  	[tilespmem:s15], [sflag:$0x2] =	stream.linear.gather @!p0 [hbm4b:s4+s14], $0x10, $0x38;
	[tilespmem:$0x9300] =	vst v63  }
0x1a: {  	s14 =	simm.s32 @!p0 $0x2  }
0x1b: {  	_ =	swait.ge @!p0 [sflag:s14], $0x10  }
0x1c: {  	[sflag:s14] =	ssyncset.done @!p0 $0x0  }
0x1d: {  	s29 =	simm.s32 $0x20;
	[sflag:s14] =	ssyncadd.s32 @!p0 $0xFFFFFFF0  }
0x1e: {  	v62 =	vld [tilespmem:s29+$0x10]  }
0x1f: {  	v34 =	vld [tilespmem:s29+$0x11]  }
0x20: {  	v38 =	vld [tilespmem:s29+$0xFFFFFFE1]  }
0x21: {  	v35 =	vld [tilespmem:s29+$0xFFFFFFF0]  }
0x22: {  	v36 =	vld [tilespmem:s29+$0xFFFFFFF1]  }
0x23: {  	v37 =	vld [tilespmem:s29+$0x0]  }
0x24: {  	v39 =	vld [tilespmem:s29+$0x1]  }
0x25: {  	s30 =	simm.s32 $0x60;
	v41 =	vld [tilespmem:s29+$0xFFFFFFE0]  }
0x26: {  	v44 =	vld [tilespmem:s30+$0x10];
	vm1 =	vne.s32 v62, v34  }
0x27: {  	v45 =	vld [tilespmem:s30+$0x11];
	v42 =	vadd.s32 $0x1, v62;
	vm3 =	vne.s32 v35, v36  }
0x28: {  	v40 =	vld [tilespmem:s30+$0xFFFFFFF1];
	v46 =	vadd.s32 $0x1, v35  }
0x29: {  	v34 =	vld [tilespmem:s30+$0xFFFFFFF0];
	vm0 =	vne.s32 v37, v39  }
0x2a: {  	v35 =	vld [tilespmem:s30+$0xFFFFFFE1];
	v33 =	vadd.s32 $0x1, v37;
	vm2 =	vne.s32 v41, v38  }
0x2b: {  	s16 =	sadd.s32 $0xFFFFFFE0, s8;
	v63 =	vadd.s32 s8, v1;
	v36 =	vadd.s32 $0x1, v41;
	v37 =	vld [tilespmem:s30+$0x0]  }
0x2c: {  	s31 =	sadd.s32 $0xFFFFFFD0, s8;
	s17 =	sadd.s32 $0xFFFFFFF0, s8;
	v47 =	vadd.s32 s16, v1;
	[tilespmem:v42+s10+$0x0] =	vst.idx.msk vm1, v63;
	v42 =	vld [tilespmem:s30+$0x1];
	vm1 =	vne.s32 v44, v45  }
0x2d: {  	v43 =	vor.u32 s17, v1;
	s16 =	simm.s32 $0xA0;
	s15 =	simm.s32 $0x4;
	s14 =	smov.u32 s8;
	v38 =	vor.u32 s31, v1;
	v41 =	vld [tilespmem:s30+$0xFFFFFFE0];
	v39 =	vadd.s32 $0x1, v44;
	[tilespmem:v46+s10+$0x0] =	vst.idx.msk vm3, v47  }
.LBB2_4:
0x2e: {  	v44 =	vld [tilespmem:s16+$0x10];
	v45 =	vadd.s32 $0x1, v34  }
0x2f: {  	s15 =	sadd.s32 $0x4, s15;
	s14 =	sadd.s32 $0x40, s14;
	v46 =	vld [tilespmem:s16+$0x11];
	vm3 =	vne.s32 v34, v40;
	[tilespmem:v33+s10+$0x0] =	vst.idx.msk vm0, v43  }
0x30: {  	p1 =	slt.u32 s15, $0x7FC;
	s17 =	sadd.s32 $0xFFFFFFD0, s14;
	v47 =	vld [tilespmem:s16+$0xFFFFFFE1];
	v33 =	vadd.s32 $0x1, v37;
	[tilespmem:v36+s10+$0x0] =	vst.idx.msk vm2, v38  }
.Ltmp1:
0x31: {  	s18 =	sadd.s32 $0xFFFFFFE0, s14;
	s19 =	sadd.s32 $0xFFFFFFF0, s14;
	v34 =	vld [tilespmem:s16+$0xFFFFFFF0];
	vm0 =	vne.s32 v37, v42;
	v37 =	vadd.s32 s14, v1;
	(pc) =	sbr.rel @p1 .LBB2_4-.Ltmp1, $4  }
0x32: {  	v38 =	vor.u32 s17, v1;
	v40 =	vld [tilespmem:s16+$0xFFFFFFF1];
	v36 =	vadd.s32 $0x1, v41;
	vm2 =	vne.s32 v41, v35;
	[tilespmem:v39+s10+$0x0] =	vst.idx.msk vm1, v37  }
0x33: {  	v48 =	vadd.s32 s18, v1;
	v43 =	vor.u32 s19, v1;
	v37 =	vld [tilespmem:s16+$0x0]  }
0x34: {  	v42 =	vld [tilespmem:s16+$0x1];
	vm1 =	vne.s32 v44, v46  }
0x35: {  	v39 =	vadd.s32 $0x1, v44;
	v41 =	vld [tilespmem:s16+$0xFFFFFFE0];
	s16 =	sadd.s32 $0x40, s16;
	[tilespmem:v45+s10+$0x0] =	vst.idx.msk vm3, v48;
	v35 =	vmov v47  }
0x36: {  	_ =	sdelay $0x1  }
0x37: {  	vm3 =	vne.s32 v34, v40  }
0x38: {  	v40 =	vadd.s32 $0x1, v34;
	vm4 =	vne.s32 v37, v42  }
0x39: {  	v42 =	vadd.s32 $0x1, v37;
	vm5 =	vne.s32 v41, v35  }
0x3a: {  	[tilespmem:v33+s10+$0x0] =	vst.idx.msk vm0, v43;
	s14 =	sadd.s32 $0x40, s14;
	v44 =	vadd.s32 $0x1, v41  }
0x3b: {  	[tilespmem:v36+s10+$0x0] =	vst.idx.msk vm2, v38;
	s15 =	sadd.s32 $0xFFFFFFE0, s14;
	v45 =	vadd.s32 s14, v1  }
0x3c: {  	s16 =	sadd.s32 $0xFFFFFFF0, s14;
	[tilespmem:v39+s10+$0x0] =	vst.idx.msk vm1, v45;
	v46 =	vadd.s32 s15, v1  }
0x3d: {  	s14 =	sadd.s32 $0xFFFFFFD0, s14;
	v47 =	vor.u32 s16, v1;
	[tilespmem:v40+s10+$0x0] =	vst.idx.msk vm3, v46  }
0x3e: {  	v48 =	vor.u32 s14, v1;
	[tilespmem:v42+s10+$0x0] =	vst.idx.msk vm4, v47  }
0x3f: {  	[tilespmem:v44+s10+$0x0] =	vst.idx.msk vm5, v48  }
0x40: {  	[hbm4b:s5+s2] =	stream.linear.scatter [tilespmem:s10], [sflag:$0x2], $0x1200, $0x38;
	[tilespmem:$0x9300] =	vst v63  }
0x41: {  	_ =	swait.ge [sflag:s11], $0x1200  }
0x42: {  	[sflag:s11] =	ssyncset.done $0x0  }
0x43: {  	[sflag:s11] =	ssyncadd.s32 $0xFFFFEE00  }
0x44: {  	v49 =	vld [tilespmem:$0x8080]  }
0x45: {  	v50 =	vld [tilespmem:$0x8090];
	_ =	sdelay $0x1  }
0x46: {  	v51 =	vld [tilespmem:$0x80A0];
	_ =	sdelay $0x1  }
0x47: {  	v52 =	vld [tilespmem:$0x80B0]  }
0x48: {  	vm15 =	vgt.s32 v49, v50  }
0x49: {  	v53 =	vld [tilespmem:$0x80C0];
	v33 =	vsel vm15, v49, v50  }
0x4a: {  	vm0 =	vgt.s32 v33, v51  }
0x4b: {  	v54 =	vld [tilespmem:$0x80D0];
	v33 =	vsel vm0, v33, v51  }
0x4c: {  	vm0 =	vgt.s32 v33, v52  }
0x4d: {  	v55 =	vld [tilespmem:$0x80E0];
	v33 =	vsel vm0, v33, v52  }
0x4e: {  	vm0 =	vgt.s32 v33, v53  }
0x4f: {  	v56 =	vld [tilespmem:$0x80F0];
	v33 =	vsel vm0, v33, v53  }
0x50: {  	vm0 =	vgt.s32 v33, v54  }
0x51: {  	v33 =	vsel vm0, v33, v54  }
0x52: {  	vm0 =	vgt.s32 v33, v55  }
0x53: {  	v33 =	vsel vm0, v33, v55  }
0x54: {  	vm0 =	vgt.s32 v33, v56  }
0x55: {  	v33 =	vsel vm0, v33, v56  }
0x56: {  	vm0 =	vgt.s32 v33, $0x0  }
0x57: {  	v33 =	vnsel vm0, $0x0, v33  }
0x58: {  	v57 =	vor.u32 $0x80000000, v33  }
0x59: {  	(xrf0) =	vmax.scan.msk.u32 $0xffff, v57;
	_ =	sdelay $0x5  }
0x5a: {  	v34, _, _ =	vpop (xrf0)  }
0x5b: {  	(v2sf) =	vpush v34, $0xF;
	_ =	sdelay $0xe  }
0x5c: {  	s16 =	spop (v2sf)  }
0x5d: {  	[tilespmem:$0x9280] =	vst v0;
	s14 =	sxor.u32 $0x80000000, s16  }
0x5e: {  	[tilespmem:$0x9290] =	vst v0;
	v58 =	vmov s14  }
0x5f: {  	[tilespmem:v2+s12+$0x0] =	vst.idx.msk $0x1, v58  }
0x60: {  	v34 =	vld [tilespmem:$0x8100];
	_ =	sdelay $0x1  }
0x61: {  	v59 =	vld [tilespmem:$0x8110];
	_ =	sdelay $0x1  }
0x62: {  	v60 =	vld [tilespmem:$0x8120]  }
0x63: {  	vm0 =	vgt.s32 v33, v34  }
0x64: {  	v61 =	vld [tilespmem:$0x8130];
	v33 =	vsel vm0, v33, v34  }
0x65: {  	vm0 =	vgt.s32 v33, v59  }
0x66: {  	v62 =	vld [tilespmem:$0x8140];
	v33 =	vsel vm0, v33, v59  }
0x67: {  	vm0 =	vgt.s32 v33, v60  }
0x68: {  	v63 =	vld [tilespmem:$0x8150];
	v33 =	vsel vm0, v33, v60  }
0x69: {  	vm0 =	vgt.s32 v33, v61  }
0x6a: {  	v37 =	vld [tilespmem:$0x8160];
	v33 =	vsel vm0, v33, v61  }
0x6b: {  	vm0 =	vgt.s32 v33, v62  }
0x6c: {  	v38 =	vld [tilespmem:$0x8170];
	v33 =	vsel vm0, v33, v62  }
0x6d: {  	vm0 =	vgt.s32 v33, v63  }
0x6e: {  	v33 =	vsel vm0, v33, v63  }
0x6f: {  	vm0 =	vgt.s32 v33, v37  }
0x70: {  	v33 =	vsel vm0, v33, v37  }
0x71: {  	vm0 =	vgt.s32 v33, v38  }
0x72: {  	v33 =	vsel vm0, v33, v38  }
0x73: {  	v39 =	vxor.u32 $0x80000000, v33  }
0x74: {  	(xrf0) =	vmax.scan.msk.u32 $0xffff, v39;
	_ =	sdelay $0x5  }
0x75: {  	v34, _, _ =	vpop (xrf0)  }
0x76: {  	(v2sf) =	vpush v34, $0xF;
	_ =	sdelay $0xe  }
0x77: {  	s17 =	spop (v2sf)  }
0x78: {  	s14 =	sxor.u32 $0x80000000, s17  }
0x79: {  	v40 =	vmov s14  }
0x7a: {  	[tilespmem:v3+s12+$0x0] =	vst.idx.msk $0x1, v40  }
0x7b: {  	v34 =	vld [tilespmem:$0x8180];
	_ =	sdelay $0x1  }
0x7c: {  	v41 =	vld [tilespmem:$0x8190];
	_ =	sdelay $0x1  }
0x7d: {  	v42 =	vld [tilespmem:$0x81A0]  }
0x7e: {  	vm0 =	vgt.s32 v33, v34  }
0x7f: {  	v43 =	vld [tilespmem:$0x81B0];
	v33 =	vsel vm0, v33, v34  }
0x80: {  	vm0 =	vgt.s32 v33, v41  }
0x81: {  	v44 =	vld [tilespmem:$0x81C0];
	v33 =	vsel vm0, v33, v41  }
0x82: {  	vm0 =	vgt.s32 v33, v42  }
0x83: {  	v45 =	vld [tilespmem:$0x81D0];
	v33 =	vsel vm0, v33, v42  }
0x84: {  	vm0 =	vgt.s32 v33, v43  }
0x85: {  	v46 =	vld [tilespmem:$0x81E0];
	v33 =	vsel vm0, v33, v43  }
0x86: {  	vm0 =	vgt.s32 v33, v44  }
0x87: {  	v47 =	vld [tilespmem:$0x81F0];
	v33 =	vsel vm0, v33, v44  }
0x88: {  	vm0 =	vgt.s32 v33, v45  }
0x89: {  	v33 =	vsel vm0, v33, v45  }
0x8a: {  	vm0 =	vgt.s32 v33, v46  }
0x8b: {  	v33 =	vsel vm0, v33, v46  }
0x8c: {  	vm0 =	vgt.s32 v33, v47  }
0x8d: {  	v33 =	vsel vm0, v33, v47  }
0x8e: {  	v48 =	vxor.u32 $0x80000000, v33  }
0x8f: {  	(xrf0) =	vmax.scan.msk.u32 $0xffff, v48;
	_ =	sdelay $0x5  }
0x90: {  	v34, _, _ =	vpop (xrf0)  }
0x91: {  	(v2sf) =	vpush v34, $0xF;
	_ =	sdelay $0xe  }
0x92: {  	s18 =	spop (v2sf)  }
0x93: {  	s14 =	sxor.u32 $0x80000000, s18  }
0x94: {  	v49 =	vmov s14  }
0x95: {  	[tilespmem:v4+s12+$0x0] =	vst.idx.msk $0x1, v49  }
0x96: {  	v34 =	vld [tilespmem:$0x8200];
	_ =	sdelay $0x1  }
0x97: {  	v50 =	vld [tilespmem:$0x8210];
	_ =	sdelay $0x1  }
0x98: {  	v51 =	vld [tilespmem:$0x8220]  }
0x99: {  	vm0 =	vgt.s32 v33, v34  }
0x9a: {  	v52 =	vld [tilespmem:$0x8230];
	v33 =	vsel vm0, v33, v34  }
0x9b: {  	vm0 =	vgt.s32 v33, v50  }
0x9c: {  	v53 =	vld [tilespmem:$0x8240];
	v33 =	vsel vm0, v33, v50  }
0x9d: {  	vm0 =	vgt.s32 v33, v51  }
0x9e: {  	v54 =	vld [tilespmem:$0x8250];
	v33 =	vsel vm0, v33, v51  }
0x9f: {  	vm0 =	vgt.s32 v33, v52  }
0xa0: {  	v55 =	vld [tilespmem:$0x8260];
	v33 =	vsel vm0, v33, v52  }
0xa1: {  	vm0 =	vgt.s32 v33, v53  }
0xa2: {  	v56 =	vld [tilespmem:$0x8270];
	v33 =	vsel vm0, v33, v53  }
0xa3: {  	vm0 =	vgt.s32 v33, v54  }
0xa4: {  	v33 =	vsel vm0, v33, v54  }
0xa5: {  	vm0 =	vgt.s32 v33, v55  }
0xa6: {  	v33 =	vsel vm0, v33, v55  }
0xa7: {  	vm0 =	vgt.s32 v33, v56  }
0xa8: {  	v33 =	vsel vm0, v33, v56  }
0xa9: {  	v57 =	vxor.u32 $0x80000000, v33  }
0xaa: {  	(xrf0) =	vmax.scan.msk.u32 $0xffff, v57;
	_ =	sdelay $0x5  }
0xab: {  	v34, _, _ =	vpop (xrf0)  }
0xac: {  	(v2sf) =	vpush v34, $0xF;
	_ =	sdelay $0xe  }
0xad: {  	s19 =	spop (v2sf)  }
0xae: {  	s14 =	sxor.u32 $0x80000000, s19  }
0xaf: {  	v58 =	vmov s14  }
0xb0: {  	[tilespmem:v5+s12+$0x0] =	vst.idx.msk $0x1, v58  }
0xb1: {  	v34 =	vld [tilespmem:$0x8280];
	_ =	sdelay $0x1  }
0xb2: {  	v59 =	vld [tilespmem:$0x8290];
	_ =	sdelay $0x1  }
0xb3: {  	v60 =	vld [tilespmem:$0x82A0]  }
0xb4: {  	vm0 =	vgt.s32 v33, v34  }
0xb5: {  	v61 =	vld [tilespmem:$0x82B0];
	v33 =	vsel vm0, v33, v34  }
0xb6: {  	vm0 =	vgt.s32 v33, v59  }
0xb7: {  	v62 =	vld [tilespmem:$0x82C0];
	v33 =	vsel vm0, v33, v59  }
0xb8: {  	vm0 =	vgt.s32 v33, v60  }
0xb9: {  	v63 =	vld [tilespmem:$0x82D0];
	v33 =	vsel vm0, v33, v60  }
0xba: {  	vm0 =	vgt.s32 v33, v61  }
0xbb: {  	v37 =	vld [tilespmem:$0x82E0];
	v33 =	vsel vm0, v33, v61  }
0xbc: {  	vm0 =	vgt.s32 v33, v62  }
0xbd: {  	v38 =	vld [tilespmem:$0x82F0];
	v33 =	vsel vm0, v33, v62  }
0xbe: {  	vm0 =	vgt.s32 v33, v63  }
0xbf: {  	v33 =	vsel vm0, v33, v63  }
0xc0: {  	vm0 =	vgt.s32 v33, v37  }
0xc1: {  	v33 =	vsel vm0, v33, v37  }
0xc2: {  	vm0 =	vgt.s32 v33, v38  }
0xc3: {  	v33 =	vsel vm0, v33, v38  }
0xc4: {  	v39 =	vxor.u32 $0x80000000, v33  }
0xc5: {  	(xrf0) =	vmax.scan.msk.u32 $0xffff, v39;
	_ =	sdelay $0x5  }
0xc6: {  	v34, _, _ =	vpop (xrf0)  }
0xc7: {  	(v2sf) =	vpush v34, $0xF;
	_ =	sdelay $0xe  }
0xc8: {  	s20 =	spop (v2sf)  }
0xc9: {  	s14 =	sxor.u32 $0x80000000, s20  }
0xca: {  	v40 =	vmov s14  }
0xcb: {  	[tilespmem:v6+s12+$0x0] =	vst.idx.msk $0x1, v40  }
0xcc: {  	v34 =	vld [tilespmem:$0x8300];
	_ =	sdelay $0x1  }
0xcd: {  	v41 =	vld [tilespmem:$0x8310];
	_ =	sdelay $0x1  }
0xce: {  	v42 =	vld [tilespmem:$0x8320]  }
0xcf: {  	vm0 =	vgt.s32 v33, v34  }
0xd0: {  	v43 =	vld [tilespmem:$0x8330];
	v33 =	vsel vm0, v33, v34  }
0xd1: {  	vm0 =	vgt.s32 v33, v41  }
0xd2: {  	v44 =	vld [tilespmem:$0x8340];
	v33 =	vsel vm0, v33, v41  }
0xd3: {  	vm0 =	vgt.s32 v33, v42  }
0xd4: {  	v45 =	vld [tilespmem:$0x8350];
	v33 =	vsel vm0, v33, v42  }
0xd5: {  	vm0 =	vgt.s32 v33, v43  }
0xd6: {  	v46 =	vld [tilespmem:$0x8360];
	v33 =	vsel vm0, v33, v43  }
0xd7: {  	vm0 =	vgt.s32 v33, v44  }
0xd8: {  	v47 =	vld [tilespmem:$0x8370];
	v33 =	vsel vm0, v33, v44  }
0xd9: {  	vm0 =	vgt.s32 v33, v45  }
0xda: {  	v33 =	vsel vm0, v33, v45  }
0xdb: {  	vm0 =	vgt.s32 v33, v46  }
0xdc: {  	v33 =	vsel vm0, v33, v46  }
0xdd: {  	vm0 =	vgt.s32 v33, v47  }
0xde: {  	v33 =	vsel vm0, v33, v47  }
0xdf: {  	v48 =	vxor.u32 $0x80000000, v33  }
0xe0: {  	(xrf0) =	vmax.scan.msk.u32 $0xffff, v48;
	_ =	sdelay $0x5  }
0xe1: {  	v34, _, _ =	vpop (xrf0)  }
0xe2: {  	(v2sf) =	vpush v34, $0xF;
	_ =	sdelay $0xe  }
0xe3: {  	s21 =	spop (v2sf)  }
0xe4: {  	s14 =	sxor.u32 $0x80000000, s21  }
0xe5: {  	v49 =	vmov s14  }
0xe6: {  	[tilespmem:v7+s12+$0x0] =	vst.idx.msk $0x1, v49  }
0xe7: {  	v34 =	vld [tilespmem:$0x8380];
	_ =	sdelay $0x1  }
0xe8: {  	v50 =	vld [tilespmem:$0x8390];
	_ =	sdelay $0x1  }
0xe9: {  	v51 =	vld [tilespmem:$0x83A0]  }
0xea: {  	vm0 =	vgt.s32 v33, v34  }
0xeb: {  	v52 =	vld [tilespmem:$0x83B0];
	v33 =	vsel vm0, v33, v34  }
0xec: {  	vm0 =	vgt.s32 v33, v50  }
0xed: {  	v53 =	vld [tilespmem:$0x83C0];
	v33 =	vsel vm0, v33, v50  }
0xee: {  	vm0 =	vgt.s32 v33, v51  }
0xef: {  	v54 =	vld [tilespmem:$0x83D0];
	v33 =	vsel vm0, v33, v51  }
0xf0: {  	vm0 =	vgt.s32 v33, v52  }
0xf1: {  	v55 =	vld [tilespmem:$0x83E0];
	v33 =	vsel vm0, v33, v52  }
0xf2: {  	vm0 =	vgt.s32 v33, v53  }
0xf3: {  	v56 =	vld [tilespmem:$0x83F0];
	v33 =	vsel vm0, v33, v53  }
0xf4: {  	vm0 =	vgt.s32 v33, v54  }
0xf5: {  	v33 =	vsel vm0, v33, v54  }
0xf6: {  	vm0 =	vgt.s32 v33, v55  }
0xf7: {  	v33 =	vsel vm0, v33, v55  }
0xf8: {  	vm0 =	vgt.s32 v33, v56  }
0xf9: {  	v33 =	vsel vm0, v33, v56  }
0xfa: {  	v57 =	vxor.u32 $0x80000000, v33  }
0xfb: {  	(xrf0) =	vmax.scan.msk.u32 $0xffff, v57;
	_ =	sdelay $0x5  }
0xfc: {  	v34, _, _ =	vpop (xrf0)  }
0xfd: {  	(v2sf) =	vpush v34, $0xF;
	_ =	sdelay $0xe  }
0xfe: {  	s22 =	spop (v2sf)  }
0xff: {  	s14 =	sxor.u32 $0x80000000, s22  }
0x100: {  	v58 =	vmov s14  }
0x101: {  	[tilespmem:v8+s12+$0x0] =	vst.idx.msk $0x1, v58  }
0x102: {  	v34 =	vld [tilespmem:$0x8400];
	_ =	sdelay $0x1  }
0x103: {  	v59 =	vld [tilespmem:$0x8410];
	_ =	sdelay $0x1  }
0x104: {  	v60 =	vld [tilespmem:$0x8420]  }
0x105: {  	vm0 =	vgt.s32 v33, v34  }
0x106: {  	v61 =	vld [tilespmem:$0x8430];
	v33 =	vsel vm0, v33, v34  }
0x107: {  	vm0 =	vgt.s32 v33, v59  }
0x108: {  	v62 =	vld [tilespmem:$0x8440];
	v33 =	vsel vm0, v33, v59  }
0x109: {  	vm0 =	vgt.s32 v33, v60  }
0x10a: {  	v63 =	vld [tilespmem:$0x8450];
	v33 =	vsel vm0, v33, v60  }
0x10b: {  	vm0 =	vgt.s32 v33, v61  }
0x10c: {  	v37 =	vld [tilespmem:$0x8460];
	v33 =	vsel vm0, v33, v61  }
0x10d: {  	vm0 =	vgt.s32 v33, v62  }
0x10e: {  	v38 =	vld [tilespmem:$0x8470];
	v33 =	vsel vm0, v33, v62  }
0x10f: {  	vm0 =	vgt.s32 v33, v63  }
0x110: {  	v33 =	vsel vm0, v33, v63  }
0x111: {  	vm0 =	vgt.s32 v33, v37  }
0x112: {  	v33 =	vsel vm0, v33, v37  }
0x113: {  	vm0 =	vgt.s32 v33, v38  }
0x114: {  	v33 =	vsel vm0, v33, v38  }
0x115: {  	v39 =	vxor.u32 $0x80000000, v33  }
0x116: {  	(xrf0) =	vmax.scan.msk.u32 $0xffff, v39;
	_ =	sdelay $0x5  }
0x117: {  	v34, _, _ =	vpop (xrf0)  }
0x118: {  	(v2sf) =	vpush v34, $0xF;
	_ =	sdelay $0xe  }
0x119: {  	s23 =	spop (v2sf)  }
0x11a: {  	s14 =	sxor.u32 $0x80000000, s23  }
0x11b: {  	v40 =	vmov s14  }
0x11c: {  	[tilespmem:v9+s12+$0x0] =	vst.idx.msk $0x1, v40  }
0x11d: {  	v34 =	vld [tilespmem:$0x8480];
	_ =	sdelay $0x1  }
0x11e: {  	v41 =	vld [tilespmem:$0x8490];
	_ =	sdelay $0x1  }
0x11f: {  	v42 =	vld [tilespmem:$0x84A0]  }
0x120: {  	vm0 =	vgt.s32 v33, v34  }
0x121: {  	v43 =	vld [tilespmem:$0x84B0];
	v33 =	vsel vm0, v33, v34  }
0x122: {  	vm0 =	vgt.s32 v33, v41  }
0x123: {  	v44 =	vld [tilespmem:$0x84C0];
	v33 =	vsel vm0, v33, v41  }
0x124: {  	vm0 =	vgt.s32 v33, v42  }
0x125: {  	v45 =	vld [tilespmem:$0x84D0];
	v33 =	vsel vm0, v33, v42  }
0x126: {  	vm0 =	vgt.s32 v33, v43  }
0x127: {  	v46 =	vld [tilespmem:$0x84E0];
	v33 =	vsel vm0, v33, v43  }
0x128: {  	vm0 =	vgt.s32 v33, v44  }
0x129: {  	v47 =	vld [tilespmem:$0x84F0];
	v33 =	vsel vm0, v33, v44  }
0x12a: {  	vm0 =	vgt.s32 v33, v45  }
0x12b: {  	v33 =	vsel vm0, v33, v45  }
0x12c: {  	vm0 =	vgt.s32 v33, v46  }
0x12d: {  	v33 =	vsel vm0, v33, v46  }
0x12e: {  	vm0 =	vgt.s32 v33, v47  }
0x12f: {  	v33 =	vsel vm0, v33, v47  }
0x130: {  	v48 =	vxor.u32 $0x80000000, v33  }
0x131: {  	(xrf0) =	vmax.scan.msk.u32 $0xffff, v48;
	_ =	sdelay $0x5  }
0x132: {  	v34, _, _ =	vpop (xrf0)  }
0x133: {  	(v2sf) =	vpush v34, $0xF;
	_ =	sdelay $0xe  }
0x134: {  	s24 =	spop (v2sf)  }
0x135: {  	s14 =	sxor.u32 $0x80000000, s24  }
0x136: {  	v49 =	vmov s14  }
0x137: {  	[tilespmem:v10+s12+$0x0] =	vst.idx.msk $0x1, v49  }
0x138: {  	v34 =	vld [tilespmem:$0x8500];
	_ =	sdelay $0x1  }
0x139: {  	v50 =	vld [tilespmem:$0x8510];
	_ =	sdelay $0x1  }
0x13a: {  	v51 =	vld [tilespmem:$0x8520]  }
0x13b: {  	vm0 =	vgt.s32 v33, v34  }
0x13c: {  	v52 =	vld [tilespmem:$0x8530];
	v33 =	vsel vm0, v33, v34  }
0x13d: {  	vm0 =	vgt.s32 v33, v50  }
0x13e: {  	v53 =	vld [tilespmem:$0x8540];
	v33 =	vsel vm0, v33, v50  }
0x13f: {  	vm0 =	vgt.s32 v33, v51  }
0x140: {  	v54 =	vld [tilespmem:$0x8550];
	v33 =	vsel vm0, v33, v51  }
0x141: {  	vm0 =	vgt.s32 v33, v52  }
0x142: {  	v55 =	vld [tilespmem:$0x8560];
	v33 =	vsel vm0, v33, v52  }
0x143: {  	vm0 =	vgt.s32 v33, v53  }
0x144: {  	v56 =	vld [tilespmem:$0x8570];
	v33 =	vsel vm0, v33, v53  }
0x145: {  	vm0 =	vgt.s32 v33, v54  }
0x146: {  	v33 =	vsel vm0, v33, v54  }
0x147: {  	vm0 =	vgt.s32 v33, v55  }
0x148: {  	v33 =	vsel vm0, v33, v55  }
0x149: {  	vm0 =	vgt.s32 v33, v56  }
0x14a: {  	v33 =	vsel vm0, v33, v56  }
0x14b: {  	v57 =	vxor.u32 $0x80000000, v33  }
0x14c: {  	(xrf0) =	vmax.scan.msk.u32 $0xffff, v57;
	_ =	sdelay $0x5  }
0x14d: {  	v34, _, _ =	vpop (xrf0)  }
0x14e: {  	(v2sf) =	vpush v34, $0xF;
	_ =	sdelay $0xe  }
0x14f: {  	s25 =	spop (v2sf)  }
0x150: {  	s14 =	sxor.u32 $0x80000000, s25  }
0x151: {  	v58 =	vmov s14  }
0x152: {  	[tilespmem:v11+s12+$0x0] =	vst.idx.msk $0x1, v58  }
0x153: {  	v34 =	vld [tilespmem:$0x8580];
	_ =	sdelay $0x1  }
0x154: {  	v59 =	vld [tilespmem:$0x8590];
	_ =	sdelay $0x1  }
0x155: {  	v60 =	vld [tilespmem:$0x85A0]  }
0x156: {  	vm0 =	vgt.s32 v33, v34  }
0x157: {  	v61 =	vld [tilespmem:$0x85B0];
	v33 =	vsel vm0, v33, v34  }
0x158: {  	vm0 =	vgt.s32 v33, v59  }
0x159: {  	v62 =	vld [tilespmem:$0x85C0];
	v33 =	vsel vm0, v33, v59  }
0x15a: {  	vm0 =	vgt.s32 v33, v60  }
0x15b: {  	v63 =	vld [tilespmem:$0x85D0];
	v33 =	vsel vm0, v33, v60  }
0x15c: {  	vm0 =	vgt.s32 v33, v61  }
0x15d: {  	v37 =	vld [tilespmem:$0x85E0];
	v33 =	vsel vm0, v33, v61  }
0x15e: {  	vm0 =	vgt.s32 v33, v62  }
0x15f: {  	v38 =	vld [tilespmem:$0x85F0];
	v33 =	vsel vm0, v33, v62  }
0x160: {  	vm0 =	vgt.s32 v33, v63  }
0x161: {  	v33 =	vsel vm0, v33, v63  }
0x162: {  	vm0 =	vgt.s32 v33, v37  }
0x163: {  	v33 =	vsel vm0, v33, v37  }
0x164: {  	vm0 =	vgt.s32 v33, v38  }
0x165: {  	v33 =	vsel vm0, v33, v38  }
0x166: {  	v39 =	vxor.u32 $0x80000000, v33  }
0x167: {  	(xrf0) =	vmax.scan.msk.u32 $0xffff, v39;
	_ =	sdelay $0x5  }
0x168: {  	v34, _, _ =	vpop (xrf0)  }
0x169: {  	(v2sf) =	vpush v34, $0xF;
	_ =	sdelay $0xe  }
0x16a: {  	s26 =	spop (v2sf)  }
0x16b: {  	s14 =	sxor.u32 $0x80000000, s26  }
0x16c: {  	v40 =	vmov s14  }
0x16d: {  	[tilespmem:v12+s12+$0x0] =	vst.idx.msk $0x1, v40  }
0x16e: {  	v34 =	vld [tilespmem:$0x8600];
	_ =	sdelay $0x1  }
0x16f: {  	v41 =	vld [tilespmem:$0x8610];
	_ =	sdelay $0x1  }
0x170: {  	v42 =	vld [tilespmem:$0x8620]  }
0x171: {  	vm0 =	vgt.s32 v33, v34  }
0x172: {  	v43 =	vld [tilespmem:$0x8630];
	v33 =	vsel vm0, v33, v34  }
0x173: {  	vm0 =	vgt.s32 v33, v41  }
0x174: {  	v44 =	vld [tilespmem:$0x8640];
	v33 =	vsel vm0, v33, v41  }
0x175: {  	vm0 =	vgt.s32 v33, v42  }
0x176: {  	v45 =	vld [tilespmem:$0x8650];
	v33 =	vsel vm0, v33, v42  }
0x177: {  	vm0 =	vgt.s32 v33, v43  }
0x178: {  	v46 =	vld [tilespmem:$0x8660];
	v33 =	vsel vm0, v33, v43  }
0x179: {  	vm0 =	vgt.s32 v33, v44  }
0x17a: {  	v47 =	vld [tilespmem:$0x8670];
	v33 =	vsel vm0, v33, v44  }
0x17b: {  	vm0 =	vgt.s32 v33, v45  }
0x17c: {  	v33 =	vsel vm0, v33, v45  }
0x17d: {  	vm0 =	vgt.s32 v33, v46  }
0x17e: {  	v33 =	vsel vm0, v33, v46  }
0x17f: {  	vm0 =	vgt.s32 v33, v47  }
0x180: {  	v33 =	vsel vm0, v33, v47  }
0x181: {  	v48 =	vxor.u32 $0x80000000, v33  }
0x182: {  	(xrf0) =	vmax.scan.msk.u32 $0xffff, v48;
	_ =	sdelay $0x5  }
0x183: {  	v34, _, _ =	vpop (xrf0)  }
0x184: {  	(v2sf) =	vpush v34, $0xF;
	_ =	sdelay $0xe  }
0x185: {  	s28 =	spop (v2sf)  }
0x186: {  	s14 =	sxor.u32 $0x80000000, s28  }
0x187: {  	v49 =	vmov s14  }
0x188: {  	[tilespmem:v13+s12+$0x0] =	vst.idx.msk $0x1, v49  }
0x189: {  	v34 =	vld [tilespmem:$0x8680];
	_ =	sdelay $0x1  }
0x18a: {  	v50 =	vld [tilespmem:$0x8690];
	_ =	sdelay $0x1  }
0x18b: {  	v51 =	vld [tilespmem:$0x86A0]  }
0x18c: {  	vm0 =	vgt.s32 v33, v34  }
0x18d: {  	v52 =	vld [tilespmem:$0x86B0];
	v33 =	vsel vm0, v33, v34  }
0x18e: {  	vm0 =	vgt.s32 v33, v50  }
0x18f: {  	v53 =	vld [tilespmem:$0x86C0];
	v33 =	vsel vm0, v33, v50  }
0x190: {  	vm0 =	vgt.s32 v33, v51  }
0x191: {  	v54 =	vld [tilespmem:$0x86D0];
	v33 =	vsel vm0, v33, v51  }
0x192: {  	vm0 =	vgt.s32 v33, v52  }
0x193: {  	v55 =	vld [tilespmem:$0x86E0];
	v33 =	vsel vm0, v33, v52  }
0x194: {  	vm0 =	vgt.s32 v33, v53  }
0x195: {  	v56 =	vld [tilespmem:$0x86F0];
	v33 =	vsel vm0, v33, v53  }
0x196: {  	vm0 =	vgt.s32 v33, v54  }
0x197: {  	v33 =	vsel vm0, v33, v54  }
0x198: {  	vm0 =	vgt.s32 v33, v55  }
0x199: {  	v33 =	vsel vm0, v33, v55  }
0x19a: {  	vm0 =	vgt.s32 v33, v56  }
0x19b: {  	v33 =	vsel vm0, v33, v56  }
0x19c: {  	v57 =	vxor.u32 $0x80000000, v33  }
0x19d: {  	(xrf0) =	vmax.scan.msk.u32 $0xffff, v57;
	_ =	sdelay $0x5  }
0x19e: {  	v34, _, _ =	vpop (xrf0)  }
0x19f: {  	(v2sf) =	vpush v34, $0xF;
	_ =	sdelay $0xe  }
0x1a0: {  	s29 =	spop (v2sf)  }
0x1a1: {  	s14 =	sxor.u32 $0x80000000, s29  }
0x1a2: {  	v58 =	vmov s14  }
0x1a3: {  	[tilespmem:v14+s12+$0x0] =	vst.idx.msk $0x1, v58  }
0x1a4: {  	v34 =	vld [tilespmem:$0x8700];
	_ =	sdelay $0x1  }
0x1a5: {  	v59 =	vld [tilespmem:$0x8710];
	_ =	sdelay $0x1  }
0x1a6: {  	v60 =	vld [tilespmem:$0x8720]  }
0x1a7: {  	vm0 =	vgt.s32 v33, v34  }
0x1a8: {  	v61 =	vld [tilespmem:$0x8730];
	v33 =	vsel vm0, v33, v34  }
0x1a9: {  	vm0 =	vgt.s32 v33, v59  }
0x1aa: {  	v62 =	vld [tilespmem:$0x8740];
	v33 =	vsel vm0, v33, v59  }
0x1ab: {  	vm0 =	vgt.s32 v33, v60  }
0x1ac: {  	v63 =	vld [tilespmem:$0x8750];
	v33 =	vsel vm0, v33, v60  }
0x1ad: {  	vm0 =	vgt.s32 v33, v61  }
0x1ae: {  	v37 =	vld [tilespmem:$0x8760];
	v33 =	vsel vm0, v33, v61  }
0x1af: {  	vm0 =	vgt.s32 v33, v62  }
0x1b0: {  	v38 =	vld [tilespmem:$0x8770];
	v33 =	vsel vm0, v33, v62  }
0x1b1: {  	vm0 =	vgt.s32 v33, v63  }
0x1b2: {  	v33 =	vsel vm0, v33, v63  }
0x1b3: {  	vm0 =	vgt.s32 v33, v37  }
0x1b4: {  	v33 =	vsel vm0, v33, v37  }
0x1b5: {  	vm0 =	vgt.s32 v33, v38  }
0x1b6: {  	v33 =	vsel vm0, v33, v38  }
0x1b7: {  	v39 =	vxor.u32 $0x80000000, v33  }
0x1b8: {  	(xrf0) =	vmax.scan.msk.u32 $0xffff, v39;
	_ =	sdelay $0x5  }
0x1b9: {  	v34, _, _ =	vpop (xrf0)  }
0x1ba: {  	(v2sf) =	vpush v34, $0xF;
	_ =	sdelay $0xe  }
0x1bb: {  	s30 =	spop (v2sf)  }
0x1bc: {  	s14 =	sxor.u32 $0x80000000, s30  }
0x1bd: {  	v40 =	vmov s14  }
0x1be: {  	[tilespmem:v15+s12+$0x0] =	vst.idx.msk $0x1, v40  }
0x1bf: {  	v34 =	vld [tilespmem:$0x8780];
	_ =	sdelay $0x1  }
0x1c0: {  	v41 =	vld [tilespmem:$0x8790];
	_ =	sdelay $0x1  }
0x1c1: {  	v42 =	vld [tilespmem:$0x87A0]  }
0x1c2: {  	vm0 =	vgt.s32 v33, v34  }
0x1c3: {  	v43 =	vld [tilespmem:$0x87B0];
	v33 =	vsel vm0, v33, v34  }
0x1c4: {  	vm0 =	vgt.s32 v33, v41  }
0x1c5: {  	v44 =	vld [tilespmem:$0x87C0];
	v33 =	vsel vm0, v33, v41  }
0x1c6: {  	vm0 =	vgt.s32 v33, v42  }
0x1c7: {  	v45 =	vld [tilespmem:$0x87D0];
	v33 =	vsel vm0, v33, v42  }
0x1c8: {  	vm0 =	vgt.s32 v33, v43  }
0x1c9: {  	v46 =	vld [tilespmem:$0x87E0];
	v33 =	vsel vm0, v33, v43  }
0x1ca: {  	vm0 =	vgt.s32 v33, v44  }
0x1cb: {  	v47 =	vld [tilespmem:$0x87F0];
	v33 =	vsel vm0, v33, v44  }
0x1cc: {  	vm0 =	vgt.s32 v33, v45  }
0x1cd: {  	v33 =	vsel vm0, v33, v45  }
0x1ce: {  	vm0 =	vgt.s32 v33, v46  }
0x1cf: {  	v33 =	vsel vm0, v33, v46  }
0x1d0: {  	vm0 =	vgt.s32 v33, v47  }
0x1d1: {  	v33 =	vsel vm0, v33, v47  }
0x1d2: {  	v48 =	vxor.u32 $0x80000000, v33  }
0x1d3: {  	(xrf0) =	vmax.scan.msk.u32 $0xffff, v48;
	_ =	sdelay $0x5  }
0x1d4: {  	v34, _, _ =	vpop (xrf0)  }
0x1d5: {  	(v2sf) =	vpush v34, $0xF;
	_ =	sdelay $0xe  }
0x1d6: {  	s31 =	spop (v2sf)  }
0x1d7: {  	s14 =	sxor.u32 $0x80000000, s31  }
0x1d8: {  	v49 =	vmov s14  }
0x1d9: {  	[tilespmem:v16+s12+$0x0] =	vst.idx.msk $0x1, v49  }
0x1da: {  	v34 =	vld [tilespmem:$0x8800];
	_ =	sdelay $0x1  }
0x1db: {  	v50 =	vld [tilespmem:$0x8810];
	_ =	sdelay $0x1  }
0x1dc: {  	v51 =	vld [tilespmem:$0x8820]  }
0x1dd: {  	vm0 =	vgt.s32 v33, v34  }
0x1de: {  	v52 =	vld [tilespmem:$0x8830];
	v33 =	vsel vm0, v33, v34  }
0x1df: {  	vm0 =	vgt.s32 v33, v50  }
0x1e0: {  	v53 =	vld [tilespmem:$0x8840];
	v33 =	vsel vm0, v33, v50  }
0x1e1: {  	vm0 =	vgt.s32 v33, v51  }
0x1e2: {  	v54 =	vld [tilespmem:$0x8850];
	v33 =	vsel vm0, v33, v51  }
0x1e3: {  	vm0 =	vgt.s32 v33, v52  }
0x1e4: {  	v55 =	vld [tilespmem:$0x8860];
	v33 =	vsel vm0, v33, v52  }
0x1e5: {  	vm0 =	vgt.s32 v33, v53  }
0x1e6: {  	v56 =	vld [tilespmem:$0x8870];
	v33 =	vsel vm0, v33, v53  }
0x1e7: {  	vm0 =	vgt.s32 v33, v54  }
0x1e8: {  	v33 =	vsel vm0, v33, v54  }
0x1e9: {  	vm0 =	vgt.s32 v33, v55  }
0x1ea: {  	v33 =	vsel vm0, v33, v55  }
0x1eb: {  	vm0 =	vgt.s32 v33, v56  }
0x1ec: {  	v33 =	vsel vm0, v33, v56  }
0x1ed: {  	v57 =	vxor.u32 $0x80000000, v33  }
0x1ee: {  	(xrf0) =	vmax.scan.msk.u32 $0xffff, v57;
	_ =	sdelay $0x5  }
0x1ef: {  	v34, _, _ =	vpop (xrf0)  }
0x1f0: {  	(v2sf) =	vpush v34, $0xF;
	_ =	sdelay $0xe  }
0x1f1: {  	s15 =	spop (v2sf)  }
0x1f2: {  	s14 =	sxor.u32 $0x80000000, s15  }
0x1f3: {  	v58 =	vmov s14  }
0x1f4: {  	[tilespmem:v17+s12+$0x0] =	vst.idx.msk $0x1, v58  }
0x1f5: {  	v34 =	vld [tilespmem:$0x8880];
	_ =	sdelay $0x1  }
0x1f6: {  	v59 =	vld [tilespmem:$0x8890];
	_ =	sdelay $0x1  }
0x1f7: {  	v60 =	vld [tilespmem:$0x88A0]  }
0x1f8: {  	vm0 =	vgt.s32 v33, v34  }
0x1f9: {  	v61 =	vld [tilespmem:$0x88B0];
	v33 =	vsel vm0, v33, v34  }
0x1fa: {  	vm0 =	vgt.s32 v33, v59  }
0x1fb: {  	v62 =	vld [tilespmem:$0x88C0];
	v33 =	vsel vm0, v33, v59  }
0x1fc: {  	vm0 =	vgt.s32 v33, v60  }
0x1fd: {  	v63 =	vld [tilespmem:$0x88D0];
	v33 =	vsel vm0, v33, v60  }
0x1fe: {  	vm0 =	vgt.s32 v33, v61  }
0x1ff: {  	v37 =	vld [tilespmem:$0x88E0];
	v33 =	vsel vm0, v33, v61  }
0x200: {  	vm0 =	vgt.s32 v33, v62  }
0x201: {  	v38 =	vld [tilespmem:$0x88F0];
	v33 =	vsel vm0, v33, v62  }
0x202: {  	vm0 =	vgt.s32 v33, v63  }
0x203: {  	v33 =	vsel vm0, v33, v63  }
0x204: {  	vm0 =	vgt.s32 v33, v37  }
0x205: {  	v33 =	vsel vm0, v33, v37  }
0x206: {  	vm0 =	vgt.s32 v33, v38  }
0x207: {  	v33 =	vsel vm0, v33, v38  }
0x208: {  	v39 =	vxor.u32 $0x80000000, v33  }
0x209: {  	(xrf0) =	vmax.scan.msk.u32 $0xffff, v39;
	_ =	sdelay $0x5  }
0x20a: {  	v34, _, _ =	vpop (xrf0)  }
0x20b: {  	(v2sf) =	vpush v34, $0xF;
	_ =	sdelay $0xe  }
0x20c: {  	s16 =	spop (v2sf)  }
0x20d: {  	s14 =	sxor.u32 $0x80000000, s16  }
0x20e: {  	v40 =	vmov s14  }
0x20f: {  	[tilespmem:v18+s12+$0x0] =	vst.idx.msk $0x1, v40  }
0x210: {  	v34 =	vld [tilespmem:$0x8900];
	_ =	sdelay $0x1  }
0x211: {  	v41 =	vld [tilespmem:$0x8910];
	_ =	sdelay $0x1  }
0x212: {  	v42 =	vld [tilespmem:$0x8920]  }
0x213: {  	vm0 =	vgt.s32 v33, v34  }
0x214: {  	v43 =	vld [tilespmem:$0x8930];
	v33 =	vsel vm0, v33, v34  }
0x215: {  	vm0 =	vgt.s32 v33, v41  }
0x216: {  	v44 =	vld [tilespmem:$0x8940];
	v33 =	vsel vm0, v33, v41  }
0x217: {  	vm0 =	vgt.s32 v33, v42  }
0x218: {  	v45 =	vld [tilespmem:$0x8950];
	v33 =	vsel vm0, v33, v42  }
0x219: {  	vm0 =	vgt.s32 v33, v43  }
0x21a: {  	v46 =	vld [tilespmem:$0x8960];
	v33 =	vsel vm0, v33, v43  }
0x21b: {  	vm0 =	vgt.s32 v33, v44  }
0x21c: {  	v47 =	vld [tilespmem:$0x8970];
	v33 =	vsel vm0, v33, v44  }
0x21d: {  	vm0 =	vgt.s32 v33, v45  }
0x21e: {  	v33 =	vsel vm0, v33, v45  }
0x21f: {  	vm0 =	vgt.s32 v33, v46  }
0x220: {  	v33 =	vsel vm0, v33, v46  }
0x221: {  	vm0 =	vgt.s32 v33, v47  }
0x222: {  	v33 =	vsel vm0, v33, v47  }
0x223: {  	v48 =	vxor.u32 $0x80000000, v33  }
0x224: {  	(xrf0) =	vmax.scan.msk.u32 $0xffff, v48;
	_ =	sdelay $0x5  }
0x225: {  	v34, _, _ =	vpop (xrf0)  }
0x226: {  	(v2sf) =	vpush v34, $0xF;
	_ =	sdelay $0xe  }
0x227: {  	s17 =	spop (v2sf)  }
0x228: {  	s14 =	sxor.u32 $0x80000000, s17  }
0x229: {  	v49 =	vmov s14  }
0x22a: {  	[tilespmem:v19+s12+$0x0] =	vst.idx.msk $0x1, v49  }
0x22b: {  	v34 =	vld [tilespmem:$0x8980];
	_ =	sdelay $0x1  }
0x22c: {  	v50 =	vld [tilespmem:$0x8990];
	_ =	sdelay $0x1  }
0x22d: {  	v51 =	vld [tilespmem:$0x89A0]  }
0x22e: {  	vm0 =	vgt.s32 v33, v34  }
0x22f: {  	v52 =	vld [tilespmem:$0x89B0];
	v33 =	vsel vm0, v33, v34  }
0x230: {  	vm0 =	vgt.s32 v33, v50  }
0x231: {  	v53 =	vld [tilespmem:$0x89C0];
	v33 =	vsel vm0, v33, v50  }
0x232: {  	vm0 =	vgt.s32 v33, v51  }
0x233: {  	v54 =	vld [tilespmem:$0x89D0];
	v33 =	vsel vm0, v33, v51  }
0x234: {  	vm0 =	vgt.s32 v33, v52  }
0x235: {  	v55 =	vld [tilespmem:$0x89E0];
	v33 =	vsel vm0, v33, v52  }
0x236: {  	vm0 =	vgt.s32 v33, v53  }
0x237: {  	v56 =	vld [tilespmem:$0x89F0];
	v33 =	vsel vm0, v33, v53  }
0x238: {  	vm0 =	vgt.s32 v33, v54  }
0x239: {  	v33 =	vsel vm0, v33, v54  }
0x23a: {  	vm0 =	vgt.s32 v33, v55  }
0x23b: {  	v33 =	vsel vm0, v33, v55  }
0x23c: {  	vm0 =	vgt.s32 v33, v56  }
0x23d: {  	v33 =	vsel vm0, v33, v56  }
0x23e: {  	v57 =	vxor.u32 $0x80000000, v33  }
0x23f: {  	(xrf0) =	vmax.scan.msk.u32 $0xffff, v57;
	_ =	sdelay $0x5  }
0x240: {  	v34, _, _ =	vpop (xrf0)  }
0x241: {  	(v2sf) =	vpush v34, $0xF;
	_ =	sdelay $0xe  }
0x242: {  	s18 =	spop (v2sf)  }
0x243: {  	s14 =	sxor.u32 $0x80000000, s18  }
0x244: {  	v58 =	vmov s14  }
0x245: {  	[tilespmem:v20+s12+$0x0] =	vst.idx.msk $0x1, v58  }
0x246: {  	v34 =	vld [tilespmem:$0x8A00];
	_ =	sdelay $0x1  }
0x247: {  	v59 =	vld [tilespmem:$0x8A10];
	_ =	sdelay $0x1  }
0x248: {  	v60 =	vld [tilespmem:$0x8A20]  }
0x249: {  	vm0 =	vgt.s32 v33, v34  }
0x24a: {  	v61 =	vld [tilespmem:$0x8A30];
	v33 =	vsel vm0, v33, v34  }
0x24b: {  	vm0 =	vgt.s32 v33, v59  }
0x24c: {  	v62 =	vld [tilespmem:$0x8A40];
	v33 =	vsel vm0, v33, v59  }
0x24d: {  	vm0 =	vgt.s32 v33, v60  }
0x24e: {  	v63 =	vld [tilespmem:$0x8A50];
	v33 =	vsel vm0, v33, v60  }
0x24f: {  	vm0 =	vgt.s32 v33, v61  }
0x250: {  	v37 =	vld [tilespmem:$0x8A60];
	v33 =	vsel vm0, v33, v61  }
0x251: {  	vm0 =	vgt.s32 v33, v62  }
0x252: {  	v38 =	vld [tilespmem:$0x8A70];
	v33 =	vsel vm0, v33, v62  }
0x253: {  	vm0 =	vgt.s32 v33, v63  }
0x254: {  	v33 =	vsel vm0, v33, v63  }
0x255: {  	vm0 =	vgt.s32 v33, v37  }
0x256: {  	v33 =	vsel vm0, v33, v37  }
0x257: {  	vm0 =	vgt.s32 v33, v38  }
0x258: {  	v33 =	vsel vm0, v33, v38  }
0x259: {  	v39 =	vxor.u32 $0x80000000, v33  }
0x25a: {  	(xrf0) =	vmax.scan.msk.u32 $0xffff, v39;
	_ =	sdelay $0x5  }
0x25b: {  	v34, _, _ =	vpop (xrf0)  }
0x25c: {  	(v2sf) =	vpush v34, $0xF;
	_ =	sdelay $0xe  }
0x25d: {  	s19 =	spop (v2sf)  }
0x25e: {  	s14 =	sxor.u32 $0x80000000, s19  }
0x25f: {  	v40 =	vmov s14  }
0x260: {  	[tilespmem:v21+s12+$0x0] =	vst.idx.msk $0x1, v40  }
0x261: {  	v34 =	vld [tilespmem:$0x8A80];
	_ =	sdelay $0x1  }
0x262: {  	v41 =	vld [tilespmem:$0x8A90];
	_ =	sdelay $0x1  }
0x263: {  	v42 =	vld [tilespmem:$0x8AA0]  }
0x264: {  	vm0 =	vgt.s32 v33, v34  }
0x265: {  	v43 =	vld [tilespmem:$0x8AB0];
	v33 =	vsel vm0, v33, v34  }
0x266: {  	vm0 =	vgt.s32 v33, v41  }
0x267: {  	v44 =	vld [tilespmem:$0x8AC0];
	v33 =	vsel vm0, v33, v41  }
0x268: {  	vm0 =	vgt.s32 v33, v42  }
0x269: {  	v45 =	vld [tilespmem:$0x8AD0];
	v33 =	vsel vm0, v33, v42  }
0x26a: {  	vm0 =	vgt.s32 v33, v43  }
0x26b: {  	v46 =	vld [tilespmem:$0x8AE0];
	v33 =	vsel vm0, v33, v43  }
0x26c: {  	vm0 =	vgt.s32 v33, v44  }
0x26d: {  	v47 =	vld [tilespmem:$0x8AF0];
	v33 =	vsel vm0, v33, v44  }
0x26e: {  	vm0 =	vgt.s32 v33, v45  }
0x26f: {  	v33 =	vsel vm0, v33, v45  }
0x270: {  	vm0 =	vgt.s32 v33, v46  }
0x271: {  	v33 =	vsel vm0, v33, v46  }
0x272: {  	vm0 =	vgt.s32 v33, v47  }
0x273: {  	v33 =	vsel vm0, v33, v47  }
0x274: {  	v48 =	vxor.u32 $0x80000000, v33  }
0x275: {  	(xrf0) =	vmax.scan.msk.u32 $0xffff, v48;
	_ =	sdelay $0x5  }
0x276: {  	v34, _, _ =	vpop (xrf0)  }
0x277: {  	(v2sf) =	vpush v34, $0xF;
	_ =	sdelay $0xe  }
0x278: {  	s20 =	spop (v2sf)  }
0x279: {  	s14 =	sxor.u32 $0x80000000, s20  }
0x27a: {  	v49 =	vmov s14  }
0x27b: {  	[tilespmem:v22+s12+$0x0] =	vst.idx.msk $0x1, v49  }
0x27c: {  	v34 =	vld [tilespmem:$0x8B00];
	_ =	sdelay $0x1  }
0x27d: {  	v50 =	vld [tilespmem:$0x8B10];
	_ =	sdelay $0x1  }
0x27e: {  	v51 =	vld [tilespmem:$0x8B20]  }
0x27f: {  	vm0 =	vgt.s32 v33, v34  }
0x280: {  	v52 =	vld [tilespmem:$0x8B30];
	v33 =	vsel vm0, v33, v34  }
0x281: {  	vm0 =	vgt.s32 v33, v50  }
0x282: {  	v53 =	vld [tilespmem:$0x8B40];
	v33 =	vsel vm0, v33, v50  }
0x283: {  	vm0 =	vgt.s32 v33, v51  }
0x284: {  	v54 =	vld [tilespmem:$0x8B50];
	v33 =	vsel vm0, v33, v51  }
0x285: {  	vm0 =	vgt.s32 v33, v52  }
0x286: {  	v55 =	vld [tilespmem:$0x8B60];
	v33 =	vsel vm0, v33, v52  }
0x287: {  	vm0 =	vgt.s32 v33, v53  }
0x288: {  	v56 =	vld [tilespmem:$0x8B70];
	v33 =	vsel vm0, v33, v53  }
0x289: {  	vm0 =	vgt.s32 v33, v54  }
0x28a: {  	v33 =	vsel vm0, v33, v54  }
0x28b: {  	vm0 =	vgt.s32 v33, v55  }
0x28c: {  	v33 =	vsel vm0, v33, v55  }
0x28d: {  	vm0 =	vgt.s32 v33, v56  }
0x28e: {  	v33 =	vsel vm0, v33, v56  }
0x28f: {  	v57 =	vxor.u32 $0x80000000, v33  }
0x290: {  	(xrf0) =	vmax.scan.msk.u32 $0xffff, v57;
	_ =	sdelay $0x5  }
0x291: {  	v34, _, _ =	vpop (xrf0)  }
0x292: {  	(v2sf) =	vpush v34, $0xF;
	_ =	sdelay $0xe  }
0x293: {  	s21 =	spop (v2sf)  }
0x294: {  	s14 =	sxor.u32 $0x80000000, s21  }
0x295: {  	v58 =	vmov s14  }
0x296: {  	[tilespmem:v23+s12+$0x0] =	vst.idx.msk $0x1, v58  }
0x297: {  	v34 =	vld [tilespmem:$0x8B80];
	_ =	sdelay $0x1  }
0x298: {  	v59 =	vld [tilespmem:$0x8B90];
	_ =	sdelay $0x1  }
0x299: {  	v60 =	vld [tilespmem:$0x8BA0]  }
0x29a: {  	vm0 =	vgt.s32 v33, v34  }
0x29b: {  	v61 =	vld [tilespmem:$0x8BB0];
	v33 =	vsel vm0, v33, v34  }
0x29c: {  	vm0 =	vgt.s32 v33, v59  }
0x29d: {  	v62 =	vld [tilespmem:$0x8BC0];
	v33 =	vsel vm0, v33, v59  }
0x29e: {  	vm0 =	vgt.s32 v33, v60  }
0x29f: {  	v63 =	vld [tilespmem:$0x8BD0];
	v33 =	vsel vm0, v33, v60  }
0x2a0: {  	vm0 =	vgt.s32 v33, v61  }
0x2a1: {  	v37 =	vld [tilespmem:$0x8BE0];
	v33 =	vsel vm0, v33, v61  }
0x2a2: {  	vm0 =	vgt.s32 v33, v62  }
0x2a3: {  	v38 =	vld [tilespmem:$0x8BF0];
	v33 =	vsel vm0, v33, v62  }
0x2a4: {  	vm0 =	vgt.s32 v33, v63  }
0x2a5: {  	v33 =	vsel vm0, v33, v63  }
0x2a6: {  	vm0 =	vgt.s32 v33, v37  }
0x2a7: {  	v33 =	vsel vm0, v33, v37  }
0x2a8: {  	vm0 =	vgt.s32 v33, v38  }
0x2a9: {  	v33 =	vsel vm0, v33, v38  }
0x2aa: {  	v39 =	vxor.u32 $0x80000000, v33  }
0x2ab: {  	(xrf0) =	vmax.scan.msk.u32 $0xffff, v39;
	_ =	sdelay $0x5  }
0x2ac: {  	v34, _, _ =	vpop (xrf0)  }
0x2ad: {  	(v2sf) =	vpush v34, $0xF;
	_ =	sdelay $0xe  }
0x2ae: {  	s22 =	spop (v2sf)  }
0x2af: {  	s14 =	sxor.u32 $0x80000000, s22  }
0x2b0: {  	v40 =	vmov s14  }
0x2b1: {  	[tilespmem:v24+s12+$0x0] =	vst.idx.msk $0x1, v40  }
0x2b2: {  	v34 =	vld [tilespmem:$0x8C00];
	_ =	sdelay $0x1  }
0x2b3: {  	v41 =	vld [tilespmem:$0x8C10];
	_ =	sdelay $0x1  }
0x2b4: {  	v42 =	vld [tilespmem:$0x8C20]  }
0x2b5: {  	vm0 =	vgt.s32 v33, v34  }
0x2b6: {  	v43 =	vld [tilespmem:$0x8C30];
	v33 =	vsel vm0, v33, v34  }
0x2b7: {  	vm0 =	vgt.s32 v33, v41  }
0x2b8: {  	v44 =	vld [tilespmem:$0x8C40];
	v33 =	vsel vm0, v33, v41  }
0x2b9: {  	vm0 =	vgt.s32 v33, v42  }
0x2ba: {  	v45 =	vld [tilespmem:$0x8C50];
	v33 =	vsel vm0, v33, v42  }
0x2bb: {  	vm0 =	vgt.s32 v33, v43  }
0x2bc: {  	v46 =	vld [tilespmem:$0x8C60];
	v33 =	vsel vm0, v33, v43  }
0x2bd: {  	vm0 =	vgt.s32 v33, v44  }
0x2be: {  	v47 =	vld [tilespmem:$0x8C70];
	v33 =	vsel vm0, v33, v44  }
0x2bf: {  	vm0 =	vgt.s32 v33, v45  }
0x2c0: {  	v33 =	vsel vm0, v33, v45  }
0x2c1: {  	vm0 =	vgt.s32 v33, v46  }
0x2c2: {  	v33 =	vsel vm0, v33, v46  }
0x2c3: {  	vm0 =	vgt.s32 v33, v47  }
0x2c4: {  	v33 =	vsel vm0, v33, v47  }
0x2c5: {  	v48 =	vxor.u32 $0x80000000, v33  }
0x2c6: {  	(xrf0) =	vmax.scan.msk.u32 $0xffff, v48;
	_ =	sdelay $0x5  }
0x2c7: {  	v34, _, _ =	vpop (xrf0)  }
0x2c8: {  	(v2sf) =	vpush v34, $0xF;
	_ =	sdelay $0xe  }
0x2c9: {  	s23 =	spop (v2sf)  }
0x2ca: {  	s14 =	sxor.u32 $0x80000000, s23  }
0x2cb: {  	v49 =	vmov s14  }
0x2cc: {  	[tilespmem:v25+s12+$0x0] =	vst.idx.msk $0x1, v49  }
0x2cd: {  	v34 =	vld [tilespmem:$0x8C80];
	_ =	sdelay $0x1  }
0x2ce: {  	v50 =	vld [tilespmem:$0x8C90];
	_ =	sdelay $0x1  }
0x2cf: {  	v51 =	vld [tilespmem:$0x8CA0]  }
0x2d0: {  	vm0 =	vgt.s32 v33, v34  }
0x2d1: {  	v52 =	vld [tilespmem:$0x8CB0];
	v33 =	vsel vm0, v33, v34  }
0x2d2: {  	vm0 =	vgt.s32 v33, v50  }
0x2d3: {  	v53 =	vld [tilespmem:$0x8CC0];
	v33 =	vsel vm0, v33, v50  }
0x2d4: {  	vm0 =	vgt.s32 v33, v51  }
0x2d5: {  	v54 =	vld [tilespmem:$0x8CD0];
	v33 =	vsel vm0, v33, v51  }
0x2d6: {  	vm0 =	vgt.s32 v33, v52  }
0x2d7: {  	v55 =	vld [tilespmem:$0x8CE0];
	v33 =	vsel vm0, v33, v52  }
0x2d8: {  	vm0 =	vgt.s32 v33, v53  }
0x2d9: {  	v56 =	vld [tilespmem:$0x8CF0];
	v33 =	vsel vm0, v33, v53  }
0x2da: {  	vm0 =	vgt.s32 v33, v54  }
0x2db: {  	v33 =	vsel vm0, v33, v54  }
0x2dc: {  	vm0 =	vgt.s32 v33, v55  }
0x2dd: {  	v33 =	vsel vm0, v33, v55  }
0x2de: {  	vm0 =	vgt.s32 v33, v56  }
0x2df: {  	v33 =	vsel vm0, v33, v56  }
0x2e0: {  	v57 =	vxor.u32 $0x80000000, v33  }
0x2e1: {  	(xrf0) =	vmax.scan.msk.u32 $0xffff, v57;
	_ =	sdelay $0x5  }
0x2e2: {  	v34, _, _ =	vpop (xrf0)  }
0x2e3: {  	(v2sf) =	vpush v34, $0xF;
	_ =	sdelay $0xe  }
0x2e4: {  	s24 =	spop (v2sf)  }
0x2e5: {  	s14 =	sxor.u32 $0x80000000, s24  }
0x2e6: {  	v58 =	vmov s14  }
0x2e7: {  	[tilespmem:v26+s12+$0x0] =	vst.idx.msk $0x1, v58  }
0x2e8: {  	v34 =	vld [tilespmem:$0x8D00];
	_ =	sdelay $0x1  }
0x2e9: {  	v59 =	vld [tilespmem:$0x8D10];
	_ =	sdelay $0x1  }
0x2ea: {  	v60 =	vld [tilespmem:$0x8D20]  }
0x2eb: {  	vm0 =	vgt.s32 v33, v34  }
0x2ec: {  	v61 =	vld [tilespmem:$0x8D30];
	v33 =	vsel vm0, v33, v34  }
0x2ed: {  	vm0 =	vgt.s32 v33, v59  }
0x2ee: {  	v62 =	vld [tilespmem:$0x8D40];
	v33 =	vsel vm0, v33, v59  }
0x2ef: {  	vm0 =	vgt.s32 v33, v60  }
0x2f0: {  	v63 =	vld [tilespmem:$0x8D50];
	v33 =	vsel vm0, v33, v60  }
0x2f1: {  	vm0 =	vgt.s32 v33, v61  }
0x2f2: {  	v40 =	vld [tilespmem:$0x8D60];
	v33 =	vsel vm0, v33, v61  }
0x2f3: {  	vm0 =	vgt.s32 v33, v62  }
0x2f4: {  	v41 =	vld [tilespmem:$0x8D70];
	v33 =	vsel vm0, v33, v62  }
0x2f5: {  	vm0 =	vgt.s32 v33, v63  }
0x2f6: {  	v33 =	vsel vm0, v33, v63  }
0x2f7: {  	vm0 =	vgt.s32 v33, v40  }
0x2f8: {  	v33 =	vsel vm0, v33, v40  }
0x2f9: {  	vm0 =	vgt.s32 v33, v41  }
0x2fa: {  	v33 =	vsel vm0, v33, v41  }
0x2fb: {  	v42 =	vxor.u32 $0x80000000, v33  }
0x2fc: {  	(xrf0) =	vmax.scan.msk.u32 $0xffff, v42;
	_ =	sdelay $0x5  }
0x2fd: {  	v34, _, _ =	vpop (xrf0)  }
0x2fe: {  	(v2sf) =	vpush v34, $0xF;
	_ =	sdelay $0xe  }
0x2ff: {  	s25 =	spop (v2sf)  }
0x300: {  	s14 =	sxor.u32 $0x80000000, s25  }
0x301: {  	v43 =	vmov s14  }
0x302: {  	[tilespmem:v27+s12+$0x0] =	vst.idx.msk $0x1, v43  }
0x303: {  	v34 =	vld [tilespmem:$0x8D80];
	_ =	sdelay $0x1  }
0x304: {  	v44 =	vld [tilespmem:$0x8D90];
	_ =	sdelay $0x1  }
0x305: {  	v45 =	vld [tilespmem:$0x8DA0]  }
0x306: {  	vm0 =	vgt.s32 v33, v34  }
0x307: {  	v46 =	vld [tilespmem:$0x8DB0];
	v33 =	vsel vm0, v33, v34  }
0x308: {  	vm0 =	vgt.s32 v33, v44  }
0x309: {  	v47 =	vld [tilespmem:$0x8DC0];
	v33 =	vsel vm0, v33, v44  }
0x30a: {  	vm0 =	vgt.s32 v33, v45  }
0x30b: {  	v48 =	vld [tilespmem:$0x8DD0];
	v33 =	vsel vm0, v33, v45  }
0x30c: {  	vm0 =	vgt.s32 v33, v46  }
0x30d: {  	v49 =	vld [tilespmem:$0x8DE0];
	v33 =	vsel vm0, v33, v46  }
0x30e: {  	vm0 =	vgt.s32 v33, v47  }
0x30f: {  	v50 =	vld [tilespmem:$0x8DF0];
	v33 =	vsel vm0, v33, v47  }
0x310: {  	vm0 =	vgt.s32 v33, v48  }
0x311: {  	v33 =	vsel vm0, v33, v48  }
0x312: {  	vm0 =	vgt.s32 v33, v49  }
0x313: {  	v33 =	vsel vm0, v33, v49  }
0x314: {  	vm0 =	vgt.s32 v33, v50  }
0x315: {  	v33 =	vsel vm0, v33, v50  }
0x316: {  	v51 =	vxor.u32 $0x80000000, v33  }
0x317: {  	(xrf0) =	vmax.scan.msk.u32 $0xffff, v51;
	_ =	sdelay $0x5  }
0x318: {  	v34, _, _ =	vpop (xrf0)  }
0x319: {  	(v2sf) =	vpush v34, $0xF;
	_ =	sdelay $0xe  }
0x31a: {  	s26 =	spop (v2sf)  }
0x31b: {  	s14 =	sxor.u32 $0x80000000, s26  }
0x31c: {  	v52 =	vmov s14  }
0x31d: {  	[tilespmem:v28+s12+$0x0] =	vst.idx.msk $0x1, v52  }
0x31e: {  	v34 =	vld [tilespmem:$0x8E00];
	_ =	sdelay $0x1  }
0x31f: {  	v53 =	vld [tilespmem:$0x8E10];
	_ =	sdelay $0x1  }
0x320: {  	v54 =	vld [tilespmem:$0x8E20]  }
0x321: {  	vm0 =	vgt.s32 v33, v34  }
0x322: {  	v55 =	vld [tilespmem:$0x8E30];
	v33 =	vsel vm0, v33, v34  }
0x323: {  	vm0 =	vgt.s32 v33, v53  }
0x324: {  	v56 =	vld [tilespmem:$0x8E40];
	v33 =	vsel vm0, v33, v53  }
0x325: {  	vm0 =	vgt.s32 v33, v54  }
0x326: {  	v57 =	vld [tilespmem:$0x8E50];
	v33 =	vsel vm0, v33, v54  }
0x327: {  	vm0 =	vgt.s32 v33, v55  }
0x328: {  	v58 =	vld [tilespmem:$0x8E60];
	v33 =	vsel vm0, v33, v55  }
0x329: {  	vm0 =	vgt.s32 v33, v56  }
0x32a: {  	v59 =	vld [tilespmem:$0x8E70];
	v33 =	vsel vm0, v33, v56  }
0x32b: {  	vm0 =	vgt.s32 v33, v57  }
0x32c: {  	v33 =	vsel vm0, v33, v57  }
0x32d: {  	vm0 =	vgt.s32 v33, v58  }
0x32e: {  	v33 =	vsel vm0, v33, v58  }
0x32f: {  	vm0 =	vgt.s32 v33, v59  }
0x330: {  	v33 =	vsel vm0, v33, v59  }
0x331: {  	v60 =	vxor.u32 $0x80000000, v33  }
0x332: {  	(xrf0) =	vmax.scan.msk.u32 $0xffff, v60;
	_ =	sdelay $0x5  }
0x333: {  	v34, _, _ =	vpop (xrf0)  }
0x334: {  	(v2sf) =	vpush v34, $0xF;
	_ =	sdelay $0xe  }
0x335: {  	s28 =	spop (v2sf)  }
0x336: {  	s14 =	sxor.u32 $0x80000000, s28  }
0x337: {  	v61 =	vmov s14  }
0x338: {  	[tilespmem:v29+s12+$0x0] =	vst.idx.msk $0x1, v61  }
0x339: {  	v34 =	vld [tilespmem:$0x8E80];
	_ =	sdelay $0x1  }
0x33a: {  	v62 =	vld [tilespmem:$0x8E90];
	_ =	sdelay $0x1  }
0x33b: {  	v63 =	vld [tilespmem:$0x8EA0]  }
0x33c: {  	vm0 =	vgt.s32 v33, v34  }
0x33d: {  	v40 =	vld [tilespmem:$0x8EB0];
	v33 =	vsel vm0, v33, v34  }
0x33e: {  	vm0 =	vgt.s32 v33, v62  }
0x33f: {  	v41 =	vld [tilespmem:$0x8EC0];
	v33 =	vsel vm0, v33, v62  }
0x340: {  	vm0 =	vgt.s32 v33, v63  }
0x341: {  	v42 =	vld [tilespmem:$0x8ED0];
	v33 =	vsel vm0, v33, v63  }
0x342: {  	vm0 =	vgt.s32 v33, v40  }
0x343: {  	v43 =	vld [tilespmem:$0x8EE0];
	v33 =	vsel vm0, v33, v40  }
0x344: {  	vm0 =	vgt.s32 v33, v41  }
0x345: {  	v44 =	vld [tilespmem:$0x8EF0];
	v33 =	vsel vm0, v33, v41  }
0x346: {  	vm0 =	vgt.s32 v33, v42  }
0x347: {  	v33 =	vsel vm0, v33, v42  }
0x348: {  	vm0 =	vgt.s32 v33, v43  }
0x349: {  	v33 =	vsel vm0, v33, v43  }
0x34a: {  	vm0 =	vgt.s32 v33, v44  }
0x34b: {  	v33 =	vsel vm0, v33, v44  }
0x34c: {  	v45 =	vxor.u32 $0x80000000, v33  }
0x34d: {  	(xrf0) =	vmax.scan.msk.u32 $0xffff, v45;
	_ =	sdelay $0x5  }
0x34e: {  	v34, _, _ =	vpop (xrf0)  }
0x34f: {  	(v2sf) =	vpush v34, $0xF;
	_ =	sdelay $0xe  }
0x350: {  	s29 =	spop (v2sf)  }
0x351: {  	s14 =	sxor.u32 $0x80000000, s29  }
0x352: {  	v46 =	vmov s14  }
0x353: {  	[tilespmem:v30+s12+$0x0] =	vst.idx.msk $0x1, v46  }
0x354: {  	v34 =	vld [tilespmem:$0x8F00];
	_ =	sdelay $0x1  }
0x355: {  	v47 =	vld [tilespmem:$0x8F10];
	_ =	sdelay $0x1  }
0x356: {  	v48 =	vld [tilespmem:$0x8F20]  }
0x357: {  	vm0 =	vgt.s32 v33, v34  }
0x358: {  	v49 =	vld [tilespmem:$0x8F30];
	v33 =	vsel vm0, v33, v34  }
0x359: {  	vm0 =	vgt.s32 v33, v47  }
0x35a: {  	v50 =	vld [tilespmem:$0x8F40];
	v33 =	vsel vm0, v33, v47  }
0x35b: {  	vm0 =	vgt.s32 v33, v48  }
0x35c: {  	v51 =	vld [tilespmem:$0x8F50];
	v33 =	vsel vm0, v33, v48  }
0x35d: {  	vm0 =	vgt.s32 v33, v49  }
0x35e: {  	v52 =	vld [tilespmem:$0x8F60];
	v33 =	vsel vm0, v33, v49  }
0x35f: {  	vm0 =	vgt.s32 v33, v50  }
0x360: {  	v53 =	vld [tilespmem:$0x8F70];
	v33 =	vsel vm0, v33, v50  }
0x361: {  	vm0 =	vgt.s32 v33, v51  }
0x362: {  	v33 =	vsel vm0, v33, v51  }
0x363: {  	vm0 =	vgt.s32 v33, v52  }
0x364: {  	v33 =	vsel vm0, v33, v52  }
0x365: {  	vm0 =	vgt.s32 v33, v53  }
0x366: {  	v33 =	vsel vm0, v33, v53  }
0x367: {  	v54 =	vxor.u32 $0x80000000, v33  }
0x368: {  	(xrf0) =	vmax.scan.msk.u32 $0xffff, v54;
	_ =	sdelay $0x5  }
0x369: {  	v34, _, _ =	vpop (xrf0)  }
0x36a: {  	(v2sf) =	vpush v34, $0xF;
	_ =	sdelay $0xe  }
0x36b: {  	s30 =	spop (v2sf)  }
0x36c: {  	s14 =	sxor.u32 $0x80000000, s30  }
0x36d: {  	v55 =	vmov s14  }
0x36e: {  	[tilespmem:v31+s12+$0x0] =	vst.idx.msk $0x1, v55  }
0x36f: {  	v34 =	vld [tilespmem:$0x8F80];
	_ =	sdelay $0x1  }
0x370: {  	v56 =	vld [tilespmem:$0x8F90];
	_ =	sdelay $0x1  }
0x371: {  	v57 =	vld [tilespmem:$0x8FA0]  }
0x372: {  	vm0 =	vgt.s32 v33, v34  }
0x373: {  	v58 =	vld [tilespmem:$0x8FB0];
	v33 =	vsel vm0, v33, v34  }
0x374: {  	vm0 =	vgt.s32 v33, v56  }
0x375: {  	v59 =	vld [tilespmem:$0x8FC0];
	v33 =	vsel vm0, v33, v56  }
0x376: {  	vm0 =	vgt.s32 v33, v57  }
0x377: {  	v60 =	vld [tilespmem:$0x8FD0];
	v33 =	vsel vm0, v33, v57  }
0x378: {  	vm0 =	vgt.s32 v33, v58  }
0x379: {  	v61 =	vld [tilespmem:$0x8FE0];
	v33 =	vsel vm0, v33, v58  }
0x37a: {  	vm0 =	vgt.s32 v33, v59  }
0x37b: {  	v62 =	vld [tilespmem:$0x8FF0];
	v33 =	vsel vm0, v33, v59  }
0x37c: {  	vm0 =	vgt.s32 v33, v60  }
0x37d: {  	v33 =	vsel vm0, v33, v60  }
0x37e: {  	vm0 =	vgt.s32 v33, v61  }
0x37f: {  	v33 =	vsel vm0, v33, v61  }
0x380: {  	vm0 =	vgt.s32 v33, v62  }
0x381: {  	v33 =	vsel vm0, v33, v62  }
0x382: {  	v33 =	vxor.u32 $0x80000000, v33  }
0x383: {  	(xrf0) =	vmax.scan.msk.u32 $0xffff, v33;
	_ =	sdelay $0x5  }
0x384: {  	v33, _, _ =	vpop (xrf0)  }
0x385: {  	(v2sf) =	vpush v33, $0xF;
	_ =	sdelay $0xe  }
0x386: {  	s31 =	spop (v2sf)  }
0x387: {  	s13 =	sadd.s32 $0x1, s13;
	s14 =	sxor.u32 $0x80000000, s31  }
0x388: {  	p1 =	sne.s32 s13, s7;
	v63 =	vmov s14  }
.Ltmp2:
0x389: {  	[tilespmem:v32+s12+$0x0] =	vst.idx.msk $0x1, v63;
	(pc) =	sbr.rel @p1 .LBB2_1-.Ltmp2, $4  }
0x38a: {  	[hbm4b:s6+s2] =	stream.linear.scatter [tilespmem:s12], [sflag:$0x2], $0x20, $0x38;
	[tilespmem:$0x9300] =	vst v63  }
0x38b: {  	_ =	swait.ge [sflag:s11], $0x20  }
0x38c: {  	[sflag:s11] =	ssyncset.done $0x0  }
0x38d: {  	[sflag:s11] =	ssyncadd.s32 $0xFFFFFFE0  }
0x38e: {  	_ =	sfence.sel $0x180000  }
0x38f: {  	[bflag:$0x0] =	sbarrier.arrive $0xFFFF  }
0x390: {  	p0 =	sne.s32 s0, $0x0;
	_ =	strace $0x90000047  }
0x391: {  	s0 =	sadd.s32 @!p0 $0x100000, s1;
	[bflag:$0x2] =	sbarrier.arrive $0xFFFF  }
0x392: {  	[sflag:s0] =	ssyncadd.tile.s32 @!p0 $0x1;
	_ =	shalt  }
.Lfunc_end2:
_tile_overlayer_lowered:
.L_overlay_start_2:
0x393: {  	(tag) =	ssettag $0x2  }
0x394: {  	s0 =	rddreg [dreg:$0x0];
	s2 =	stileid.u32  }
0x395: {  	s1 =	rddreg [dreg:$0x1];
	p0 =	sne.s32 s2, $0x0  }
0x396: {  	s3 =	rddreg [dreg:$0x2];
	[bflag:$0x3] =	sbarrier.arrive $0xFFFF;
	s2 =	simm.s32 @!p0 $0x1C02  }
0x397: {  	[timem:s3], [sflag:s2] =	dma.local @!p0 [hbm:s0], s1  }
0x398: {  	s0 =	simm.s32 @!p0 $0x2  }
0x399: {  	_ =	swait.ge @!p0 [sflag:s0], s1  }
0x39a: {  	s1 =	ssub.s32 @!p0 $0x0, s1;
	[sflag:s0] =	ssyncset.done @!p0 $0x0  }
0x39b: {  	[sflag:s0] =	ssyncadd.s32 @!p0 s1  }
0x39c: {  	[bflag:$0x3] =	sbarrier.arrive $0xFFFF  }
0x39d: {  	_ =	shalt  }

// kernel: kernel.7.cloned.1.call-start
scs
__scs_entry_jumppad:
0x0: {  	(pc) =	sbr.rel $0x88, $3  }
0x1: {  	(tag) =	ssettag $0x0;
	lr =	simm.s32 $0x1  }
0x2: {  	[smem:$0x3F9F] =	sst lr;
	_ =	strace $0xD0000000  }
0x3: {  	_ = 	snop  }
0x4: {  	_ = 	snop  }
0x5: {  	_ = 	snop  }
0x6: {  	_ = 	snop  }
0x7: {  	_ = 	snop  }
__scs_overlays_trampoline_lowered:
0x8: {  	[smem:$0x3FAE] =	sst s0  }
0x9: {  	[smem:$0x3FAF] =	sst s1  }
0xa: {  	[smem:$0x3FB0] =	sst s2  }
0xb: {  	[smem:$0x3FB1] =	sst s3  }
0xc: {  	[smem:$0x3FB2] =	sst s4  }
0xd: {  	[smem:$0x3FB3] =	sst s5  }
0xe: {  	[smem:$0x3FB4] =	sst s6  }
0xf: {  	[smem:$0x3FB5] =	sst s7  }
0x10: {  	[smem:$0x3FB6] =	sst s8  }
0x11: {  	[smem:$0x3FB7] =	sst s9;
	s0 =	simm.s32 @!p0 $0x0  }
0x12: {  	s1 =	sld [smem:$0x3F9D];
	s0 =	simm.s32 @p0 $0x1  }
0x13: {  	[smem:$0x3FB8] =	sst s0;
	s0 =	simm.s32 @!p1 $0x0  }
0x14: {  	s2 =	sld [smem:$0x3F9C];
	s0 =	simm.s32 @p1 $0x1  }
0x15: {  	[smem:$0x3FB9] =	sst s0;
	s0 =	simm.s32 @!p2 $0x0  }
0x16: {  	s3 =	sld [smem:$0x3FDB];
	s0 =	simm.s32 @p2 $0x1  }
0x17: {  	s4 =	simm.s32 $0x1BF5;
	[smem:$0x3FBB] =	sst s0  }
0x18: {  	s0 =	sld [smem:$0x3F9E];
	_ =	swait.ge [sflag:s4], $0x0  }
0x19: {  	s7 =	sld [smem:$0x3F9F]  }
0x1a: {  	s8 =	sadd.s32 $0xFFFFE003, lr  }
0x1b: {  	s9 =	sadd.s32 $0xFFFFFEF7, lr;
	s5 =	simm.s32 $0xFFFFFFFF;
	p2 =	slt.u32 s8, $0xFFFFF086  }
0x1c: {  	p1 =	slt.u32 s9, $0xF7A;
	s5 =	simm.s32 @!p2 $0x0  }
0x1d: {  	s5 =	simm.s32 @p1 $0x1;
	p0 =	seq.s32 s7, s2  }
0x1e: {  	s7 =	smul.u32 @!p0 $0xF7A, s2;
	p2 =	seq.s32 @!p0 s5, $0x0  }
0x1f: {  	s9 =	smul.u32 $0xF7A, s1;
	s8 =	simm.s32 @!p0 $0x1BF5;
	p2 =	por !p2, p0  }
0x20: {  	[sflag:s8] =	ssyncset.s32 @!p0 $0xFFFFF086;
	s6 =	sadd.s32 @!p0 s3, s7;
	s7 =	simm.s32 @!p0 $0x108  }
0x21: {  	s3 =	sadd.s32 s3, s9;
	s6 =	sadd.s32 @!p0 $0x88, s6;
	s7 =	simm.s32 @p2 $0x1082  }
0x22: {  	[simem:s7], [sflag:s8] =	dma.local @!p0 [hbm:s6], $0xF7A  }
0x23: {  	s9 =	sor.u32 $0xD0000000, s2;
	s6 =	simm.s32 $0x108;
	_ =	swait.ge @!p0 [sflag:s8], $0x0  }
0x24: {  	s3 =	sadd.s32 $0x88, s3;
	s6 =	simm.s32 @!p1 $0x1082;
	[sflag:s4] =	ssyncset.s32 $0xFFFFF086  }
0x25: {  	[simem:s6], [sflag:s4] =	dma.local [hbm:s3], $0xF7A  }
0x26: {  	[smem:$0x3F9F] =	sst s1;
	(tag) =	ssettag s2;
	_ =	strace s9  }
0x27: {  	s1 =	sld [smem:$0x3FAF]  }
0x28: {  	s2 =	sld [smem:$0x3FB0]  }
0x29: {  	s4 =	sld [smem:$0x3FB2]  }
0x2a: {  	p0 =	seq.s32 s5, $0x0;
	s5 =	sld [smem:$0x3FB3]  }
0x2b: {  	s6 =	sld [smem:$0x3FB4]  }
0x2c: {  	s7 =	sld [smem:$0x3FB5]  }
0x2d: {  	s3 =	simm.s32 $0x108;
	s8 =	sld [smem:$0x3FB6]  }
0x2e: {  	s3 =	simm.s32 @!p0 $0x1082;
	s9 =	sld [smem:$0x3FB7]  }
0x2f: {  	lr =	sadd.s32 s0, s3;
	s0 =	sld [smem:$0x3FAE]  }
0x30: {  	s3 =	sld [smem:$0x3FB1]  }
0x31: {  	[smem:$0x3FBA] =	sst s10  }
0x32: {  	s10 =	sld [smem:$0x3FB8];
	_ =	sdelay $0x3  }
0x33: {  	p0 =	seq.s32 s10, $0x1;
	s10 =	sld [smem:$0x3FBA];
	_ =	sdelay $0x3  }
0x34: {  	[smem:$0x3FBA] =	sst s10  }
0x35: {  	s10 =	sld [smem:$0x3FB9];
	_ =	sdelay $0x3  }
0x36: {  	p1 =	seq.s32 s10, $0x1;
	s10 =	sld [smem:$0x3FBA];
	_ =	sdelay $0x3  }
0x37: {  	[smem:$0x3FBA] =	sst s10  }
0x38: {  	s10 =	sld [smem:$0x3FBB]  }
0x39: {  	_ = 	snop;
	(pc) =	sbr.ind lr, $3  }
0x3a: {  	_ = 	snop  }
0x3b: {  	_ = 	snop  }
0x3c: {  	p2 =	seq.s32 s10, $0x1;
	s10 =	sld [smem:$0x3FBA]  }
0x3d: {  	_ =	shalt  }
0x3e: {  	_ =	shalt  }
0x3f: {  	_ =	shalt  }
0x40: {  	_ =	shalt  }
0x41: {  	_ =	shalt  }
0x42: {  	_ =	shalt  }
0x43: {  	_ =	shalt  }
0x44: {  	_ =	shalt  }
0x45: {  	_ =	shalt  }
0x46: {  	_ =	shalt  }
0x47: {  	_ =	shalt  }
0x48: {  	_ =	shalt  }
0x49: {  	_ =	shalt  }
0x4a: {  	_ =	shalt  }
0x4b: {  	_ =	shalt  }
0x4c: {  	_ =	shalt  }
0x4d: {  	_ =	shalt  }
0x4e: {  	_ =	shalt  }
0x4f: {  	_ =	shalt  }
0x50: {  	_ =	shalt  }
0x51: {  	_ =	shalt  }
0x52: {  	_ =	shalt  }
0x53: {  	_ =	shalt  }
0x54: {  	_ =	shalt  }
0x55: {  	_ =	shalt  }
0x56: {  	_ =	shalt  }
0x57: {  	_ =	shalt  }
0x58: {  	_ =	shalt  }
0x59: {  	_ =	shalt  }
0x5a: {  	_ =	shalt  }
0x5b: {  	_ =	shalt  }
0x5c: {  	_ =	shalt  }
0x5d: {  	_ =	shalt  }
0x5e: {  	_ =	shalt  }
0x5f: {  	_ =	shalt  }
0x60: {  	_ =	shalt  }
0x61: {  	_ =	shalt  }
0x62: {  	_ =	shalt  }
0x63: {  	_ =	shalt  }
0x64: {  	_ =	shalt  }
0x65: {  	_ =	shalt  }
0x66: {  	_ =	shalt  }
0x67: {  	_ =	shalt  }
0x68: {  	_ =	shalt  }
0x69: {  	_ =	shalt  }
0x6a: {  	_ =	shalt  }
0x6b: {  	_ =	shalt  }
0x6c: {  	_ =	shalt  }
0x6d: {  	_ =	shalt  }
0x6e: {  	_ =	shalt  }
0x6f: {  	_ =	shalt  }
0x70: {  	_ =	shalt  }
0x71: {  	_ =	shalt  }
0x72: {  	_ =	shalt  }
0x73: {  	_ =	shalt  }
0x74: {  	_ =	shalt  }
0x75: {  	_ =	shalt  }
0x76: {  	_ =	shalt  }
0x77: {  	_ =	shalt  }
0x78: {  	_ =	shalt  }
0x79: {  	_ =	shalt  }
0x7a: {  	_ =	shalt  }
0x7b: {  	_ =	shalt  }
0x7c: {  	_ =	shalt  }
0x7d: {  	_ =	shalt  }
0x7e: {  	_ =	shalt  }
0x7f: {  	_ =	shalt  }
0x80: {  	_ =	shalt  }
0x81: {  	_ =	shalt  }
0x82: {  	_ =	shalt  }
0x83: {  	_ =	shalt  }
0x84: {  	_ =	shalt  }
0x85: {  	_ =	shalt  }
0x86: {  	_ =	shalt  }
0x87: {  	_ =	shalt  }
.Lfunc_end0:
.L_simem_size_0:
called_computation.1_lowered:
.L_overlay_start_0:
0x88: {  	s2 =	sld [smem:$0x3FD9]  }
0x89: {  	s3 =	sld [smem:$0x3FFE];
	_ =	sdelay $0x1  }
0x8a: {  	s1 =	srdreg.scid  }
0x8b: {  	s0 =	sand.u32 $0x1, s1  }
0x8c: {  	s17 =	sshll.u32 s0, $0xA;
	s2 =	sadd.s32 s3, s2  }
0x8d: {  	s2 =	sadd.s32 s2, s17  }
0x8e: {  	[smem:$0x3FC6] =	sst s2  }
0x8f: {  	_ = 	snop  }
0x90: {  	s2 =	sld [smem:$0x3FC9]  }
0x91: {  	s18 =	sld [smem:$0x3FC8]  }
0x92: {  	s4 =	sld [smem:$0x3FD0];
	(tm) =	ssettm $0x1  }
0x93: {  	s5 =	sld [smem:$0x3FFB];
	_ =	sdelay $0x3  }
0x94: {  	_ =	strace s5  }
0x95: {  	s5 =	sld [smem:$0x3FFC];
	_ =	sdelay $0x3  }
0x96: {  	_ =	strace s5  }
0x97: {  	s5 =	sld [smem:$0x3FFD];
	_ =	sdelay $0x3  }
0x98: {  	_ =	strace s5  }
0x99: {  	_ =	strace $0x8FFFFFFF  }
0x9a: {  	s19 =	sld [smem:$0x3FDB];
	_ =	sdelay $0x1  }
0x9b: {  	s6 =	simm.s32 $_scs_section_size  }
0x9c: {  	s7 =	simm.s32 $_size__tile_overlayer_lowered;
	s8 =	simm.s32 $_tile_overlayer_lowered  }
0x9d: {  	s22 =	simm.s32 $0x1BFF;
	s21 =	sshll.u32 s8, $0x1;
	s5 =	sadd.s32 s6, s19  }
0x9e: {  	s9 =	simm.s32 $0x0;
	s20 =	sshll.u32 s7, $0x1;
	s7 =	sadd.s32 s21, s5  }
0x9f: {  	[timem:s9], [sflag:s22] =	dma.local [hbm:s7], s20  }
0xa0: {  	_ =	swait.ge [sflag:s22], s20  }
0xa1: {  	s6 =	ssub.s32 $0x0, s20;
	[sflag:s22] =	ssyncset.done $0x0  }
0xa2: {  	[sflag:s22] =	ssyncadd.s32 s6;
	_ =	sdelay $0x1  }
0xa3: {  	s23 =	simm.s32 $0x1B8B  }
0xa4: {  	_ =	swait.ge [sflag:s23], $0x1  }
0xa5: {  	[sflag:s23] =	ssyncset.done $0x0  }
0xa6: {  	s25 =	simm.s32 $0x1B8E;
	s24 =	sld [smem:$0x3FFE];
	[sflag:s23] =	ssyncadd.s32 $0xFFFFFFFF  }
0xa7: {  	s26 =	simm.s32 $execute0_lowered;
	[smem:$0x3FD2] =	sst s25  }
0xa8: {  	s7 =	sshll.u32 s26, $0x1;
	_ =	strace $0x80000049;
	[dreg:$0x1] =	wrdreg $0xFFFFFFFF  }
0xa9: {  	s28 =	simm.s32 $_size_execute0_lowered;
	s5 =	sadd.s32 s5, s7;
	[dreg:$0x0] =	wrdreg $0x0  }
0xaa: {  	s7 =	sshll.u32 s28, $0x1;
	[dreg:$0x2] =	wrdreg s5  }
0xab: {  	[dreg:$0x3] =	wrdreg s7  }
0xac: {  	[dreg:$0x4] =	wrdreg $0xC0  }
0xad: {  	_ =	task [dreg:s9], $0x5FFFF  }
0xae: {  	[dreg:$0x1] =	wrdreg $0xFFFFFFFF  }
0xaf: {  	[dreg:$0x0] =	wrdreg $0x60  }
0xb0: {  	[dreg:$0x2] =	wrdreg s2  }
0xb1: {  	[dreg:$0x3] =	wrdreg s18  }
0xb2: {  	[dreg:$0x4] =	wrdreg s4  }
0xb3: {  	[dreg:$0x5] =	wrdreg s24  }
0xb4: {  	[dreg:$0x6] =	wrdreg $0x9  }
0xb5: {  	_ =	task.clear_ibuf [dreg:s9], $0x7FFFF;
	_ =	strace $0x90000049  }
0xb6: {  	s29 =	simm.s32 $0x9;
	_ =	strace $0x8000004B  }
0xb7: {  	_ =	swait.ge [sflag:s29], $0x1  }
0xb8: {  	[sflag:s29] =	ssyncadd.s32 $0xFFFFFFFF  }
0xb9: {  	_ =	strace $0x9000004B  }
0xba: {  	_ =	sfence  }
0xbb: {  	s30 =	sld [smem:$0x0];
	_ =	sdelay $0x2  }
0xbc: {  	s31 =	sshll.u32 s1, $0xD;
	s1 =	sshrl.u32 s1, $0x2  }
0xbd: {  	s3 =	sand.u32 $0x4000, s31;
	s1 =	sadd.s32 s1, s30  }
0xbe: {  	s0 =	sor.u32 s3, s0;
	s1 =	sshll.u32 s1, $0x11  }
0xbf: {  	s0 =	sor.u32 s1, s0  }
0xc0: {  	s0 =	sadd.s32 $0x8F2B, s0  }
0xc1: {  	[sflag:s0] =	ssyncadd.remote.s32 $0x1  }
0xc2: {  	_ =	sfence.sel $0xFFFF  }
0xc3: {  	[dreg:$0x0] =	wrdreg $0xFFFFFFFF;
	(pc) =	sbr.abs _section_cstart, $3  }
0xc4: {  	[dreg:$0x1] =	wrdreg $0xFFFFFFFF  }
0xc5: {  	_ =	task.clear_ibuf [dreg:s9], $0x2FFFF;
	_ =	strace $0x9FFFFFFF  }
0xc6: {  	(tm) =	ssettm $0x7FFFFFFF  }
0xc7: {  	_ =	shalt  }
tec
execute0_lowered:
.L_overlay_start_1:
0x0: {  	(tag) =	ssettag $0x1  }
0x1: {  	s1 =	rddreg [dreg:$0x0]  }
0x2: {  	s2 =	rddreg [dreg:$0x1]  }
0x3: {  	s8 =	rddreg [dreg:$0x2]  }
0x4: {  	s6 =	rddreg [dreg:$0x3];
	s4 =	simm.s32 $0x0;
	s5 =	srdreg.scid  }
0x5: {  	s0 =	stileid.u32;
	s14 =	simm.s32 $0x2;
	s15 =	simm.s32 $0x1600  }
0x6: {  	s16 =	simm.s32 $0x3;
	s17 =	simm.s32 $0x4;
	s18 =	simm.s32 $0x0  }
0x7: {  	v0 =	vlaneseq.u32;
	[smem:$0x7FF] =	sst s4;
	s7 =	sand.u32 $0x1, s5;
	s28 =	sshll.u32 s0, $0x1  }
0x8: {  	s5 =	sadd.s32 $0xC00, s6;
	v2 =	vmul.u32 $0x20, v0;
	s13 =	sshll.u32 s0, $0x8;
	_ =	strace $0x8000004A  }
0x9: {  	s9 =	sor.u32 s7, s28;
	s11 =	ssub.s32 $0x2, s7;
	s7 =	sshll.u32 s7, $0x7  }
.Ltmp0:
0xa: {  	s10 =	sshll.u32 s9, $0xD;
	s12 =	sshrl.u32 s11, $0x1;
	v1 =	vor.u32 s9, v2;
	v3 =	vor.u32 $0x200, v2;
	v2 =	vmul.u32 $0x200, v0;
	(pc) =	sbr.rel .LBB2_1-.Ltmp0, $4  }
0xb: {  	v5 =	vimm.s32 $0x0;
	v6 =	vimm.s32 $0x65;
	vm0 =	vmmov $0x1;
	s7 =	sor.u32 s7, s13;
	s30 =	sshll.u32 s9, $0x7;
	s13 =	simm.s32 $0x1F00  }
0xc: {  	s6 =	sadd.s32 s10, s6;
	s29 =	ssub.s32 s11, s12;
	s31 =	sshrl.u32 s7, $0x3;
	v3 =	vor.u32 s9, v3;
	v4 =	vmov s30;
	v7 =	vor.u32 $0x2000, v2  }
0xd: {  	s9 =	simm.s32 $0x1200;
	s10 =	simm.s32 $0x3700;
	s11 =	simm.s32 $0x1;
	v8 =	vor.u32 $0x4000, v2;
	v9 =	vor.u32 $0x6000, v2;
	v10 =	vor.u32 $0x8000, v2  }
0xe: {  	s6 =	sadd.s32 $0xE00, s6;
	s7 =	smax.u32 s29, $0x1;
	s8 =	sadd.s32 s31, s8;
	v11 =	vor.u32 $0xA000, v2;
	v12 =	vor.u32 $0xC000, v2;
	v13 =	vor.u32 $0xE000, v2  }
.LBB2_42:
0xf: {  	s18 =	sadd.s32 $0x1, s18  }
0x10: {  	p0 =	sne.s32 s18, s7  }
.Ltmp1:
0x11: {  	_ = 	snop;
	(pc) =	sbr.rel @!p0 .LBB2_43-.Ltmp1, $4  }
0x12: {  	[hbm4b:s6+s4] =	stream.linear.scatter [tilespmem:s10], [sflag:$0x4], $0x10000, $0x38;
	[tilespmem:$0x13700] =	vst v63  }
0x13: {  	_ =	swait.ge [sflag:s17], $0x10000  }
0x14: {  	[sflag:s17] =	ssyncset.done $0x0  }
0x15: {  	[sflag:s17] =	ssyncadd.s32 $0xFFFF0000  }
.LBB2_1:
0x16: {  	[tilespmem:s9], [sflag:$0x1] =	stream.linear.gather [hbm4b:s5+s4], $0x400, $0x38;
	[tilespmem:$0x13700] =	vst v63  }
0x17: {  	s19 =	simm.s32 $0x0  }
.LBB2_2:
0x18: {  	p0 =	sne.s32 s19, $0x45C0  }
.Ltmp2:
0x19: {  	_ = 	snop;
	(pc) =	sbr.rel @p0 .LBB2_2-.Ltmp2, $3  }
0x1a: {  	_ =	sdelay $0x1  }
0x1b: {  	s20 =	sshra.s32 s19, $0x2;
	s21 =	sadd.s32 s19, s8;
	s19 =	sadd.s32 $0x240, s19  }
0x1c: {  	[tilespmem:s20], [sflag:$0x1] =	stream.linear.gather [hbm4b:s21+s4], $0x90, $0x38;
	[tilespmem:$0x13700] =	vst v63  }
0x1d: {  	s19 =	simm.s32 $0x3740  }
0x1e: {  	[tilespmem:s19+$0xFFFFFFC0] =	vst v5  }
0x1f: {  	[tilespmem:s19+$0x30] =	vst v5  }
0x20: {  	[tilespmem:s19+$0x20] =	vst v5  }
0x21: {  	[tilespmem:s19+$0x10] =	vst v5  }
0x22: {  	[tilespmem:s19+$0x0] =	vst v5  }
0x23: {  	[tilespmem:s19+$0xFFFFFFF0] =	vst v5  }
0x24: {  	s20 =	simm.s32 $0x0;
	[tilespmem:s19+$0xFFFFFFE0] =	vst v5  }
.LBB2_4:
0x25: {  	s20 =	sadd.s32 $0x8, s20;
	[tilespmem:s19+$0xFFFFFFD0] =	vst v5;
	s19 =	sadd.s32 $0x80, s19  }
0x26: {  	[tilespmem:s19+$0xFFFFFFC0] =	vst v5;
	p0 =	slt.u32 s20, $0xFF8  }
0x27: {  	[tilespmem:s19+$0x30] =	vst v5  }
.Ltmp3:
0x28: {  	[tilespmem:s19+$0x20] =	vst v5;
	(pc) =	sbr.rel @p0 .LBB2_4-.Ltmp3, $4  }
0x29: {  	[tilespmem:s19+$0x10] =	vst v5  }
0x2a: {  	[tilespmem:s19+$0x0] =	vst v5  }
0x2b: {  	[tilespmem:s19+$0xFFFFFFF0] =	vst v5  }
0x2c: {  	[tilespmem:s19+$0xFFFFFFE0] =	vst v5  }
0x2d: {  	_ =	sdelay $0x2  }
0x2e: {  	[tilespmem:s19+$0xFFFFFFD0] =	vst v5  }
0x2f: {  	[tilespmem:v2+s10+$0x0] =	vst.idx.msk $0xffff, v6  }
0x30: {  	[tilespmem:v7+s10+$0x0] =	vst.idx.msk $0xffff, v6  }
0x31: {  	[tilespmem:v8+s10+$0x0] =	vst.idx.msk $0xffff, v6  }
0x32: {  	[tilespmem:v9+s10+$0x0] =	vst.idx.msk $0xffff, v6  }
0x33: {  	[tilespmem:v10+s10+$0x0] =	vst.idx.msk $0xffff, v6  }
0x34: {  	[tilespmem:v11+s10+$0x0] =	vst.idx.msk $0xffff, v6  }
0x35: {  	[tilespmem:v12+s10+$0x0] =	vst.idx.msk $0xffff, v6  }
0x36: {  	[tilespmem:v13+s10+$0x0] =	vst.idx.msk $0xffff, v6  }
0x37: {  	_ =	swait.ge [sflag:s11], $0x400  }
0x38: {  	[sflag:s11] =	ssyncset.done $0x0  }
0x39: {  	[sflag:s11] =	ssyncadd.s32 $0xFFFFFC00  }
0x3a: {  	_ =	swait.ge [sflag:s11], $0x1200  }
0x3b: {  	[sflag:s11] =	ssyncset.done $0x0  }
0x3c: {  	[sflag:s11] =	ssyncadd.s32 $0xFFFFEE00  }
0x3d: {  	v15 =	vld.idx.msk [tilespmem:v1+s9+$0x0], $0xffff  }
0x3e: {  	v17 =	vld.idx.msk [tilespmem:v3+s9+$0x0], $0xffff  }
0x3f: {  	s20 =	simm.s32 $0x90;
	v14 =	vld [tilespmem:$0x0]  }
0x40: {  	s19 =	simm.s32 $0x480;
	v16 =	vld [tilespmem:s20+$0x0]  }
.LBB2_6:
0x41: {  	p0 =	sne.s32 s19, $0x45C0  }
.Ltmp4:
0x42: {  	_ = 	snop;
	(pc) =	sbr.rel @p0 .LBB2_6-.Ltmp4, $3  }
0x43: {  	_ =	sdelay $0x1  }
0x44: {  	s20 =	sshra.s32 s19, $0x2;
	s19 =	sadd.s32 $0x240, s19;
	vm1 =	vgt.s32 v14, v16  }
0x45: {  	v14 =	vsel vm1, v14, v16;
	v16 =	vld [tilespmem:s20+$0x0]  }
0x46: {  	vm1 =	vgt.s32 v15, v17  }
0x47: {  	v15 =	vsel vm1, v15, v17  }
0x48: {  	v15 =	vxor.u32 $0x80000000, v15  }
0x49: {  	(xrf0) =	vmax.scan.msk.u32 $0xffff, v15;
	_ =	sdelay $0x5  }
0x4a: {  	v15, _, _ =	vpop (xrf0)  }
0x4b: {  	(v2sf) =	vpush v15, $0xF;
	_ =	sdelay $0x6  }
0x4c: {  	vm1 =	vgt.s32 v14, v16  }
0x4d: {  	v14 =	vsel vm1, v14, v16  }
0x4e: {  	v14 =	vxor.u32 $0x80000000, v14  }
0x4f: {  	(xrf0) =	vmax.scan.msk.u32 $0xffff, v14;
	_ =	sdelay $0x4  }
0x50: {  	s19 =	spop (v2sf)  }
0x51: {  	v14, _, _ =	vpop (xrf0);
	s19 =	sxor.u32 $0x80000000, s19  }
0x52: {  	v14 =	vxor.u32 $0x80000000, v14;
	v15 =	vmov s19  }
0x53: {  	vm1 =	vgt.s32 v15, v14  }
0x54: {  	v14 =	vsel vm1, s19, v14  }
0x55: {  	s20 =	simm.s32 $0xA0;
	v15 =	vld [tilespmem:$0x10];
	[tilespmem:$0x1600] =	vst v14  }
0x56: {  	s19 =	simm.s32 $0x4C0;
	v16 =	vld [tilespmem:s20+$0x0]  }
.LBB2_8:
0x57: {  	p0 =	sne.s32 s19, $0x4600  }
.Ltmp5:
0x58: {  	_ = 	snop;
	(pc) =	sbr.rel @p0 .LBB2_8-.Ltmp5, $3  }
0x59: {  	_ =	sdelay $0x1  }
0x5a: {  	s20 =	sshra.s32 s19, $0x2;
	s19 =	sadd.s32 $0x240, s19;
	vm1 =	vgt.s32 v15, v16  }
0x5b: {  	v15 =	vsel vm1, v15, v16;
	v16 =	vld [tilespmem:s20+$0x0]  }
0x5c: {  	v17 =	vxor.u32 $0x80000000, v14  }
0x5d: {  	(xrf0) =	vmax.scan.msk.u32 $0xffff, v17;
	_ =	sdelay $0x5  }
0x5e: {  	v17, _, _ =	vpop (xrf0)  }
0x5f: {  	(v2sf) =	vpush v17, $0xF;
	_ =	sdelay $0x6  }
0x60: {  	vm1 =	vgt.s32 v15, v16  }
0x61: {  	v15 =	vsel vm1, v15, v16  }
0x62: {  	v15 =	vxor.u32 $0x80000000, v15  }
0x63: {  	(xrf0) =	vmax.scan.msk.u32 $0xffff, v15;
	_ =	sdelay $0x4  }
0x64: {  	s19 =	spop (v2sf)  }
0x65: {  	v15, _, _ =	vpop (xrf0);
	s19 =	sxor.u32 $0x80000000, s19  }
0x66: {  	v15 =	vxor.u32 $0x80000000, v15;
	v16 =	vmov s19  }
0x67: {  	vm1 =	vgt.s32 v16, v15  }
0x68: {  	v16 =	vsel vm1, s19, v15  }
0x69: {  	s20 =	simm.s32 $0xB0;
	v15 =	vld [tilespmem:$0x20];
	[tilespmem:$0x1610] =	vst v16  }
0x6a: {  	s19 =	simm.s32 $0x500;
	v17 =	vld [tilespmem:s20+$0x0]  }
.LBB2_10:
0x6b: {  	p0 =	sne.s32 s19, $0x4640  }
.Ltmp6:
0x6c: {  	_ = 	snop;
	(pc) =	sbr.rel @p0 .LBB2_10-.Ltmp6, $3  }
0x6d: {  	_ =	sdelay $0x1  }
0x6e: {  	s20 =	sshra.s32 s19, $0x2;
	s19 =	sadd.s32 $0x240, s19;
	vm1 =	vgt.s32 v15, v17  }
0x6f: {  	v15 =	vsel vm1, v15, v17;
	v17 =	vld [tilespmem:s20+$0x0]  }
0x70: {  	v16 =	vxor.u32 $0x80000000, v16  }
0x71: {  	(xrf0) =	vmax.scan.msk.u32 $0xffff, v16;
	_ =	sdelay $0x5  }
0x72: {  	v16, _, _ =	vpop (xrf0)  }
0x73: {  	(v2sf) =	vpush v16, $0xF;
	_ =	sdelay $0x6  }
0x74: {  	vm1 =	vgt.s32 v15, v17  }
0x75: {  	v15 =	vsel vm1, v15, v17  }
0x76: {  	v15 =	vxor.u32 $0x80000000, v15  }
0x77: {  	(xrf0) =	vmax.scan.msk.u32 $0xffff, v15;
	_ =	sdelay $0x4  }
0x78: {  	s19 =	spop (v2sf)  }
0x79: {  	v15, _, _ =	vpop (xrf0);
	s19 =	sxor.u32 $0x80000000, s19  }
0x7a: {  	v15 =	vxor.u32 $0x80000000, v15;
	v16 =	vmov s19  }
0x7b: {  	vm1 =	vgt.s32 v16, v15  }
0x7c: {  	v16 =	vsel vm1, s19, v15  }
0x7d: {  	s20 =	simm.s32 $0xC0;
	v15 =	vld [tilespmem:$0x30];
	[tilespmem:$0x1620] =	vst v16  }
0x7e: {  	s19 =	simm.s32 $0x540;
	v17 =	vld [tilespmem:s20+$0x0]  }
.LBB2_12:
0x7f: {  	p0 =	sne.s32 s19, $0x4680  }
.Ltmp7:
0x80: {  	_ = 	snop;
	(pc) =	sbr.rel @p0 .LBB2_12-.Ltmp7, $3  }
0x81: {  	_ =	sdelay $0x1  }
0x82: {  	s20 =	sshra.s32 s19, $0x2;
	s19 =	sadd.s32 $0x240, s19;
	vm1 =	vgt.s32 v15, v17  }
0x83: {  	v15 =	vsel vm1, v15, v17;
	v17 =	vld [tilespmem:s20+$0x0]  }
0x84: {  	v16 =	vxor.u32 $0x80000000, v16  }
0x85: {  	(xrf0) =	vmax.scan.msk.u32 $0xffff, v16;
	_ =	sdelay $0x5  }
0x86: {  	v16, _, _ =	vpop (xrf0)  }
0x87: {  	(v2sf) =	vpush v16, $0xF;
	_ =	sdelay $0x6  }
0x88: {  	vm1 =	vgt.s32 v15, v17  }
0x89: {  	v15 =	vsel vm1, v15, v17  }
0x8a: {  	v15 =	vxor.u32 $0x80000000, v15  }
0x8b: {  	(xrf0) =	vmax.scan.msk.u32 $0xffff, v15;
	_ =	sdelay $0x4  }
0x8c: {  	s19 =	spop (v2sf)  }
0x8d: {  	v15, _, _ =	vpop (xrf0);
	s19 =	sxor.u32 $0x80000000, s19  }
0x8e: {  	v15 =	vxor.u32 $0x80000000, v15;
	v16 =	vmov s19  }
0x8f: {  	vm1 =	vgt.s32 v16, v15  }
0x90: {  	v16 =	vsel vm1, s19, v15  }
0x91: {  	s20 =	simm.s32 $0xD0;
	v15 =	vld [tilespmem:$0x40];
	[tilespmem:$0x1630] =	vst v16  }
0x92: {  	s19 =	simm.s32 $0x580;
	v17 =	vld [tilespmem:s20+$0x0]  }
.LBB2_14:
0x93: {  	p0 =	sne.s32 s19, $0x46C0  }
.Ltmp8:
0x94: {  	_ = 	snop;
	(pc) =	sbr.rel @p0 .LBB2_14-.Ltmp8, $3  }
0x95: {  	_ =	sdelay $0x1  }
0x96: {  	s20 =	sshra.s32 s19, $0x2;
	s19 =	sadd.s32 $0x240, s19;
	vm1 =	vgt.s32 v15, v17  }
0x97: {  	v15 =	vsel vm1, v15, v17;
	v17 =	vld [tilespmem:s20+$0x0]  }
0x98: {  	v16 =	vxor.u32 $0x80000000, v16  }
0x99: {  	(xrf0) =	vmax.scan.msk.u32 $0xffff, v16;
	_ =	sdelay $0x5  }
0x9a: {  	v16, _, _ =	vpop (xrf0)  }
0x9b: {  	(v2sf) =	vpush v16, $0xF;
	_ =	sdelay $0x6  }
0x9c: {  	vm1 =	vgt.s32 v15, v17  }
0x9d: {  	v15 =	vsel vm1, v15, v17  }
0x9e: {  	v15 =	vxor.u32 $0x80000000, v15  }
0x9f: {  	(xrf0) =	vmax.scan.msk.u32 $0xffff, v15;
	_ =	sdelay $0x4  }
0xa0: {  	s19 =	spop (v2sf)  }
0xa1: {  	v15, _, _ =	vpop (xrf0);
	s19 =	sxor.u32 $0x80000000, s19  }
0xa2: {  	v15 =	vxor.u32 $0x80000000, v15;
	v16 =	vmov s19  }
0xa3: {  	vm1 =	vgt.s32 v16, v15  }
0xa4: {  	v16 =	vsel vm1, s19, v15  }
0xa5: {  	s20 =	simm.s32 $0xE0;
	v15 =	vld [tilespmem:$0x50];
	[tilespmem:$0x1640] =	vst v16  }
0xa6: {  	s19 =	simm.s32 $0x5C0;
	v17 =	vld [tilespmem:s20+$0x0]  }
.LBB2_16:
0xa7: {  	p0 =	sne.s32 s19, $0x4700  }
.Ltmp9:
0xa8: {  	_ = 	snop;
	(pc) =	sbr.rel @p0 .LBB2_16-.Ltmp9, $3  }
0xa9: {  	_ =	sdelay $0x1  }
0xaa: {  	s20 =	sshra.s32 s19, $0x2;
	s19 =	sadd.s32 $0x240, s19;
	vm1 =	vgt.s32 v15, v17  }
0xab: {  	v15 =	vsel vm1, v15, v17;
	v17 =	vld [tilespmem:s20+$0x0]  }
0xac: {  	v16 =	vxor.u32 $0x80000000, v16  }
0xad: {  	(xrf0) =	vmax.scan.msk.u32 $0xffff, v16;
	_ =	sdelay $0x5  }
0xae: {  	v16, _, _ =	vpop (xrf0)  }
0xaf: {  	(v2sf) =	vpush v16, $0xF;
	_ =	sdelay $0x6  }
0xb0: {  	vm1 =	vgt.s32 v15, v17  }
0xb1: {  	v15 =	vsel vm1, v15, v17  }
0xb2: {  	v15 =	vxor.u32 $0x80000000, v15  }
0xb3: {  	(xrf0) =	vmax.scan.msk.u32 $0xffff, v15;
	_ =	sdelay $0x4  }
0xb4: {  	s19 =	spop (v2sf)  }
0xb5: {  	v15, _, _ =	vpop (xrf0);
	s19 =	sxor.u32 $0x80000000, s19  }
0xb6: {  	v15 =	vxor.u32 $0x80000000, v15;
	v16 =	vmov s19  }
0xb7: {  	vm1 =	vgt.s32 v16, v15  }
0xb8: {  	v16 =	vsel vm1, s19, v15  }
0xb9: {  	s20 =	simm.s32 $0xF0;
	v15 =	vld [tilespmem:$0x60];
	[tilespmem:$0x1650] =	vst v16  }
0xba: {  	s19 =	simm.s32 $0x600;
	v17 =	vld [tilespmem:s20+$0x0]  }
.LBB2_18:
0xbb: {  	p0 =	sne.s32 s19, $0x4740  }
.Ltmp10:
0xbc: {  	_ = 	snop;
	(pc) =	sbr.rel @p0 .LBB2_18-.Ltmp10, $3  }
0xbd: {  	_ =	sdelay $0x1  }
0xbe: {  	s20 =	sshra.s32 s19, $0x2;
	s19 =	sadd.s32 $0x240, s19;
	vm1 =	vgt.s32 v15, v17  }
0xbf: {  	v15 =	vsel vm1, v15, v17;
	v17 =	vld [tilespmem:s20+$0x0]  }
0xc0: {  	v16 =	vxor.u32 $0x80000000, v16  }
0xc1: {  	(xrf0) =	vmax.scan.msk.u32 $0xffff, v16;
	_ =	sdelay $0x5  }
0xc2: {  	v16, _, _ =	vpop (xrf0)  }
0xc3: {  	(v2sf) =	vpush v16, $0xF;
	_ =	sdelay $0x6  }
0xc4: {  	vm1 =	vgt.s32 v15, v17  }
0xc5: {  	v15 =	vsel vm1, v15, v17  }
0xc6: {  	v15 =	vxor.u32 $0x80000000, v15  }
0xc7: {  	(xrf0) =	vmax.scan.msk.u32 $0xffff, v15;
	_ =	sdelay $0x4  }
0xc8: {  	s19 =	spop (v2sf)  }
0xc9: {  	v15, _, _ =	vpop (xrf0);
	s19 =	sxor.u32 $0x80000000, s19  }
0xca: {  	v15 =	vxor.u32 $0x80000000, v15;
	v16 =	vmov s19  }
0xcb: {  	vm1 =	vgt.s32 v16, v15  }
0xcc: {  	v16 =	vsel vm1, s19, v15  }
0xcd: {  	s20 =	simm.s32 $0x100;
	v15 =	vld [tilespmem:$0x70];
	[tilespmem:$0x1660] =	vst v16  }
0xce: {  	s19 =	simm.s32 $0x640;
	v17 =	vld [tilespmem:s20+$0x0]  }
.LBB2_20:
0xcf: {  	p0 =	sne.s32 s19, $0x4780  }
.Ltmp11:
0xd0: {  	_ = 	snop;
	(pc) =	sbr.rel @p0 .LBB2_20-.Ltmp11, $3  }
0xd1: {  	_ =	sdelay $0x1  }
0xd2: {  	s20 =	sshra.s32 s19, $0x2;
	s19 =	sadd.s32 $0x240, s19;
	vm1 =	vgt.s32 v15, v17  }
0xd3: {  	v15 =	vsel vm1, v15, v17;
	v17 =	vld [tilespmem:s20+$0x0]  }
0xd4: {  	v16 =	vxor.u32 $0x80000000, v16  }
0xd5: {  	(xrf0) =	vmax.scan.msk.u32 $0xffff, v16;
	_ =	sdelay $0x5  }
0xd6: {  	v16, _, _ =	vpop (xrf0)  }
0xd7: {  	(v2sf) =	vpush v16, $0xF;
	_ =	sdelay $0x6  }
0xd8: {  	vm1 =	vgt.s32 v15, v17  }
0xd9: {  	v15 =	vsel vm1, v15, v17  }
0xda: {  	v15 =	vxor.u32 $0x80000000, v15  }
0xdb: {  	(xrf0) =	vmax.scan.msk.u32 $0xffff, v15;
	_ =	sdelay $0x4  }
0xdc: {  	s19 =	spop (v2sf)  }
0xdd: {  	v15, _, _ =	vpop (xrf0);
	s19 =	sxor.u32 $0x80000000, s19  }
0xde: {  	v15 =	vxor.u32 $0x80000000, v15;
	v16 =	vmov s19  }
0xdf: {  	vm1 =	vgt.s32 v16, v15  }
0xe0: {  	s31 =	simm.s32 $0x90;
	v16 =	vsel vm1, s19, v15  }
0xe1: {  	s20 =	sand.u32 $0x1FF0, s31;
	v15 =	vld [tilespmem:$0x80];
	[tilespmem:$0x1670] =	vst v16  }
0xe2: {  	s19 =	simm.s32 $0x120;
	v17 =	vld [tilespmem:s20+$0x80]  }
.LBB2_22:
0xe3: {  	p0 =	sne.s32 s19, $0x1170  }
.Ltmp12:
0xe4: {  	_ = 	snop;
	(pc) =	sbr.rel @p0 .LBB2_22-.Ltmp12, $3  }
0xe5: {  	_ =	sdelay $0x1  }
0xe6: {  	s20 =	sand.u32 $0x1FF0, s19;
	s19 =	sadd.s32 $0x90, s19;
	vm1 =	vgt.s32 v15, v17  }
0xe7: {  	v15 =	vsel vm1, v15, v17;
	v17 =	vld [tilespmem:s20+$0x80]  }
0xe8: {  	v14 =	vnsel vm0, $0x0, v14  }
0xe9: {  	v14 =	vxor.u32 $0x80000000, v14  }
0xea: {  	(xrf0) =	vmax.scan.msk.u32 $0xffff, v14;
	v14 =	vxor.u32 $0x80000000, v16  }
0xeb: {  	(xrf0) =	vmax.scan.msk.u32 $0xffff, v14;
	_ =	sdelay $0x4  }
0xec: {  	v14, _, _ =	vpop (xrf0)  }
0xed: {  	(v2sf) =	vpush v14, $0xF;
	v14, _, _ =	vpop (xrf0)  }
0xee: {  	(v2sf) =	vpush v14, $0xF;
	_ =	sdelay $0x6  }
0xef: {  	vm1 =	vgt.s32 v15, v17  }
0xf0: {  	v14 =	vsel vm1, v15, v17  }
0xf1: {  	v14 =	vxor.u32 $0x80000000, v14  }
0xf2: {  	(xrf0) =	vmax.scan.msk.u32 $0xffff, v14;
	_ =	sdelay $0x3  }
0xf3: {  	s19 =	spop (v2sf)  }
0xf4: {  	s20 =	spop (v2sf)  }
0xf5: {  	v14, _, _ =	vpop (xrf0);
	s20 =	sxor.u32 $0x80000000, s20  }
0xf6: {  	v14 =	vxor.u32 $0x80000000, v14;
	v15 =	vmov s20  }
0xf7: {  	vm1 =	vgt.s32 v15, v14  }
0xf8: {  	v14 =	vsel vm1, s20, v14  }
0xf9: {  	v15 =	vnsel vm0, $0x0, v14  }
0xfa: {  	v15 =	vxor.u32 $0x80000000, v15  }
0xfb: {  	(xrf0) =	vmax.scan.msk.u32 $0xffff, v15;
	_ =	sdelay $0x5  }
0xfc: {  	v15, _, _ =	vpop (xrf0)  }
0xfd: {  	(v2sf) =	vpush v15, $0xF;
	_ =	sdelay $0xe  }
0xfe: {  	s22 =	sxor.u32 $0x80000000, s19;
	s29 =	spop (v2sf)  }
0xff: {  	s19 =	sand.u32 $0xFFFFFFF8, s22;
	s23 =	sxor.u32 $0x80000000, s29  }
0x100: {  	s30 =	ssub.s32 s23, s19  }
0x101: {  	s20 =	sadd.s32 $0x7FF, s30  }
0x102: {  	s21 =	sand.u32 $0x7FF, s20  }
0x103: {  	s31 =	sshra.s32 s20, $0x1F;
	p1 =	slt.s32 s20, $0x1;
	p0 =	sne.s32 s21, $0x0  }
0x104: {  	s21 =	sshrl.u32 s31, $0x15;
	p0 =	por !p1, !p0  }
0x105: {  	s20 =	sadd.s32 s21, s20;
	s21 =	simm.s32 $0x1;
	p0 =	por !p0, !p0  }
0x106: {  	s20 =	sshra.s32 s20, $0xB;
	s21 =	simm.s32 @!p0 $0x0  }
0x107: {  	s20 =	ssub.s32 s20, s21  }
0x108: {  	p0 =	slt.s32 s20, $0x1  }
.Ltmp13:
0x109: {  	_ = 	snop;
	(pc) =	sbr.rel @p0 .LBB2_42-.Ltmp13, $2  }
0x10a: {  	_ =	sdelay $0x2  }
0x10b: {  	[tilespmem:$0x1680] =	vst v14  }
0x10c: {  	p0 =	slt.s32 s19, $0xFF800;
	s21 =	smov.u32 s19  }
0x10d: {  	s21 =	simm.s32 @!p0 $0xFF800  }
0x10e: {  	s21 =	sshrl.u32 s21, $0x3  }
0x10f: {  	s26 =	simm.s32 $0x0;
	s0 =	simm.s32 $0x1700;
	s24 =	sadd.s32 s2, s21  }
0x110: {  	[tilespmem:s0], [sflag:$0x2] =	stream.linear.gather [hbm4b:s24+s26], $0x800, $0x38;
	[tilespmem:$0x13700] =	vst v63  }
0x111: {  	s21 =	sadd.s32 s1, s21  }
0x112: {  	[tilespmem:s13], [sflag:$0x2] =	stream.linear.gather [hbm4b:s21+s26], $0x800, $0x38;
	[tilespmem:$0x13700] =	vst v63  }
0x113: {  	s21 =	sadd.s32 $0xFFFFFFFF, s20  }
.Ltmp14:
0x114: {  	s31 =	sshll.u32 s21, $0xB;
	(pc) =	sbr.rel .LBB2_25-.Ltmp14, $4  }
0x115: {  	s24 =	sadd.s32 s19, s31  }
0x116: {  	p0 =	slt.s32 s24, $0xFF800  }
0x117: {  	s24 =	simm.s32 @!p0 $0xFF800  }
0x118: {  	v14 =	vmov s22;
	v15 =	vmov s23;
	s23 =	smov.u32 s19;
	s22 =	sadd.s32 $0x30, s24  }
.LBB2_41:
0x119: {  	p0 =	sne.s32 s24, s20  }
.Ltmp15:
0x11a: {  	_ = 	snop;
	(pc) =	sbr.rel @!p0 .LBB2_42-.Ltmp15, $2  }
0x11b: {  	_ =	sdelay $0x2  }
0x11c: {  	s23 =	sadd.s32 $0x800, s23;
	s26 =	smov.u32 s24  }
.LBB2_25:
0x11d: {  	s24 =	sadd.s32 $0x1, s26  }
0x11e: {  	s25 =	sand.u32 $0x1, s26;
	p1 =	sge.s32 s24, s20  }
0x11f: {  	p0 =	sne.s32 @!p1 s25, $0x0  }
0x120: {  	p2 =	por p0, p1  }
0x121: {  	s28 =	sshll.u32 @!p2 s24, $0xB  }
0x122: {  	s28 =	sadd.s32 @!p2 s19, s28  }
0x123: {  	p3 =	slt.s32 @!p2 s28, $0xFF800  }
0x124: {  	p0 =	por @!p1 !p3, p0  }
0x125: {  	p0 =	por !p0, p1  }
0x126: {  	s28 =	simm.s32 @!p0 $0xFF800  }
0x127: {  	s28 =	sshrl.u32 @!p2 s28, $0x3  }
0x128: {  	s30 =	simm.s32 @!p2 $0x0;
	s31 =	simm.s32 @!p2 $0x2700;
	s29 =	sadd.s32 @!p2 s2, s28  }
0x129: {  	[tilespmem:s31], [sflag:$0x3] =	stream.linear.gather @!p2 [hbm4b:s29+s30], $0x800, $0x38;
	[tilespmem:$0x13700] =	vst v63  }
0x12a: {  	p0 =	seq.s32 s25, $0x1;
	s28 =	sadd.s32 @!p2 s1, s28;
	s29 =	simm.s32 @!p2 $0x2F00  }
0x12b: {  	[tilespmem:s29], [sflag:$0x3] =	stream.linear.gather @!p2 [hbm4b:s28+s30], $0x800, $0x38;
	[tilespmem:$0x13700] =	vst v63  }
0x12c: {  	p2 =	por !p0, p1  }
0x12d: {  	s28 =	sshll.u32 @!p2 s24, $0xB  }
0x12e: {  	s28 =	sadd.s32 @!p2 s19, s28  }
0x12f: {  	p3 =	slt.s32 @!p2 s28, $0xFF800  }
0x130: {  	p3 =	por @!p1 !p3, !p0  }
0x131: {  	p1 =	por !p3, p1  }
0x132: {  	s28 =	simm.s32 @!p1 $0xFF800  }
0x133: {  	p5 =	seq.s32 s26, $0x0;
	p6 =	seq.s32 s26, s21;
	s28 =	sshrl.u32 @!p2 s28, $0x3  }
0x134: {  	s30 =	simm.s32 @!p2 $0x0;
	s31 =	simm.s32 @!p2 $0x1700;
	s29 =	sadd.s32 @!p2 s2, s28  }
0x135: {  	[tilespmem:s31], [sflag:$0x2] =	stream.linear.gather @!p2 [hbm4b:s29+s30], $0x800, $0x38;
	[tilespmem:$0x13700] =	vst v63  }
0x136: {  	p1 =	por p5, p6;
	s28 =	sadd.s32 @!p2 s1, s28;
	s29 =	simm.s32 @!p2 $0x1F00  }
0x137: {  	[tilespmem:s29], [sflag:$0x2] =	stream.linear.gather @!p2 [hbm4b:s28+s30], $0x800, $0x38;
	[tilespmem:$0x13700] =	vst v63  }
0x138: {  	p1 =	por !p1, !p1;
	p2 =	sne.s32 s25, $0x0  }
0x139: {  	p4 =	por p2, p1  }
.Ltmp16:
0x13a: {  	_ = 	snop;
	(pc) =	sbr.rel @p4 .LBB2_29-.Ltmp16, $3  }
0x13b: {  	_ =	sdelay $0x1  }
0x13c: {  	p3 =	slt.s32 s23, $0xFF800;
	s25 =	smov.u32 s23  }
0x13d: {  	s25 =	simm.s32 @!p3 $0xFF800  }
0x13e: {  	_ =	swait.ge [sflag:s14], $0x800  }
0x13f: {  	[sflag:s14] =	ssyncset.done $0x0  }
0x140: {  	[sflag:s14] =	ssyncadd.s32 $0xFFFFF800  }
0x141: {  	_ =	swait.ge [sflag:s14], $0x800  }
0x142: {  	[sflag:s14] =	ssyncset.done $0x0  }
0x143: {  	s28 =	simm.s32 $0x1720;
	[sflag:s14] =	ssyncadd.s32 $0xFFFFF800  }
0x144: {  	v18 =	vadd.s32 s25, v0;
	s29 =	sadd.s32 $0x10, s25;
	s30 =	sadd.s32 $0x20, s25;
	s31 =	sadd.s32 $0x30, s25;
	v16 =	vld [tilespmem:s28+$0x10]  }
0x145: {  	v21 =	vadd.s32 s29, v0;
	v22 =	vadd.s32 s30, v0;
	v23 =	vadd.s32 s31, v0;
	v19 =	vld [tilespmem:s28+$0x0]  }
0x146: {  	vm5 =	vge.s32 v18, v14;
	vm6 =	vlt.s32 v18, v15;
	vm1 =	vge.s32 v23, v14;
	v20 =	vld [tilespmem:s28+$0xFFFFFFE0]  }
0x147: {  	vm2 =	vlt.s32 v23, v15;
	vm3 =	vlt.s32 v21, v15;
	vm4 =	vlt.s32 v22, v15;
	v17 =	vld [tilespmem:s28+$0xFFFFFFF0]  }
0x148: {  	vm6 =	vmand vm5, vm6;
	vm2 =	vmand vm1, vm2;
	vm1 =	vge.s32 v21, v14  }
0x149: {  	vm1 =	vmand vm1, vm3;
	vm3 =	vge.s32 v22, v14;
	v24 =	vsub.s32 v16, v4  }
0x14a: {  	vm4 =	vmand vm3, vm4;
	v16 =	vand.u32 $0x7F, v16;
	v25 =	vand.u32 $0xFFFFFF80, v24  }
0x14b: {  	v26 =	vsub.s32 v19, v4;
	v27 =	vsub.s32 v20, v4;
	v16 =	vor.u32 v16, v25  }
0x14c: {  	v20 =	vand.u32 $0x7F, v20;
	v30 =	vand.u32 $0xFFFFFF80, v27;
	v25 =	vsub.s32 v17, v4  }
0x14d: {  	v17 =	vand.u32 $0x7F, v17;
	v20 =	vor.u32 v20, v30;
	v28 =	vand.u32 $0xFFFFFF80, v25  }
0x14e: {  	v19 =	vand.u32 $0x7F, v19;
	v29 =	vand.u32 $0xFFFFFF80, v26;
	v17 =	vor.u32 v17, v28  }
0x14f: {  	v19 =	vor.u32 v19, v29  }
0x150: {  	v16 =	vld.idx.msk [tilespmem:v16+s15+$0x0], vm2;
	_ =	sdelay $0x1  }
0x151: {  	s28 =	sadd.s32 $0x40, s25;
	v20 =	vld.idx.msk [tilespmem:v20+s15+$0x0], vm6  }
0x152: {  	s0 =	sadd.s32 $0x30, s28;
	v17 =	vld.idx.msk [tilespmem:v17+s15+$0x0], vm1  }
0x153: {  	vm7 =	vmmov vm6;
	v26 =	vshll.u32 v26, $0x9;
	v30 =	vadd.s32 s0, v0;
	v19 =	vld.idx.msk [tilespmem:v19+s15+$0x0], vm4  }
0x154: {  	v25 =	vshll.u32 v25, $0x9;
	vm6 =	vge.s32 v30, v14;
	v16 =	vsub.s32 v23, v16  }
0x155: {  	v23 =	vshll.u32 v24, $0x9;
	v24 =	vshll.u32 v27, $0x9;
	v16 =	vadd.s32 $0x1, v16  }
0x156: {  	v20 =	vsub.s32 v18, v20;
	v23 =	vadd.s32 v23, v16;
	vm3 =	vlt.s32 v16, $0x200  }
0x157: {  	s29 =	simm.s32 $0x1760;
	s30 =	sadd.s32 $0x10, s28;
	v17 =	vsub.s32 v21, v17;
	vm5 =	vgt.s32 v23, $0x0;
	vm3 =	vmand vm2, vm3  }
0x158: {  	v21 =	vld [tilespmem:s29+$0x10];
	v27 =	vadd.s32 $0x1, v17;
	v17 =	vsub.s32 v22, v19;
	v19 =	vadd.s32 s30, v0  }
0x159: {  	s31 =	sadd.s32 $0x20, s28;
	v16 =	vnsel vm5, $0x0, v23;
	vm5 =	vmmov vm1;
	vm1 =	vmmov vm4  }
0x15a: {  	v18 =	vld [tilespmem:s29+$0xFFFFFFE0];
	v29 =	vadd.s32 $0x1, v17;
	v17 =	vadd.s32 s31, v0;
	vm2 =	vge.s32 v19, v14  }
0x15b: {  	v22 =	vld [tilespmem:s29+$0x0];
	vm4 =	vlt.s32 v19, v15;
	vm12 =	vlt.s32 v27, $0x200;
	v28 =	vmin.u32 v16, $0xFFFF  }
0x15c: {  	v23 =	vld [tilespmem:s29+$0xFFFFFFF0];
	v16 =	vadd.s32 s28, v0;
	vm2 =	vmand vm2, vm4;
	vm4 =	vlt.s32 v30, v15  }
0x15d: {  	vm8 =	vmand vm6, vm4;
	vm4 =	vge.s32 v17, v14;
	v32 =	vsub.s32 v21, v4  }
0x15e: {  	vm6 =	vlt.s32 v17, v15;
	v21 =	vand.u32 $0x7F, v21;
	v31 =	vand.u32 $0xFFFFFF80, v32  }
0x15f: {  	vm9 =	vge.s32 v16, v14;
	vm10 =	vlt.s32 v16, v15;
	v21 =	vor.u32 v21, v31  }
0x160: {  	vm4 =	vmand vm4, vm6;
	vm6 =	vmand vm9, vm10;
	v34 =	vsub.s32 v22, v4  }
0x161: {  	v22 =	vand.u32 $0x7F, v22;
	v33 =	vsub.s32 v23, v4;
	v31 =	vsub.s32 v18, v4  }
0x162: {  	s12 =	simm.s32 $0x1F20;
	v36 =	vand.u32 $0xFFFFFF80, v34;
	v18 =	vand.u32 $0x7F, v18;
	v37 =	vand.u32 $0xFFFFFF80, v31  }
0x163: {  	v61 =	vld [tilespmem:s12+$0x10];
	v23 =	vand.u32 $0x7F, v23;
	v35 =	vand.u32 $0xFFFFFF80, v33;
	v37 =	vor.u32 v18, v37  }
0x164: {  	v35 =	vor.u32 v23, v35;
	v18 =	vshll.u32 v31, $0x9;
	v31 =	vadd.s32 $0x1, v20;
	v38 =	vld.idx.msk [tilespmem:v21+s15+$0x0], vm8  }
0x165: {  	v36 =	vor.u32 v22, v36;
	v23 =	vshll.u32 v33, $0x9;
	v20 =	vadd.s32 v24, v31  }
0x166: {  	v24 =	vadd.s32 v25, v27;
	v25 =	vadd.s32 v26, v29;
	vm11 =	vlt.s32 v31, $0x200  }
0x167: {  	s29 =	simm.s32 $0x1F60;
	v22 =	vld [tilespmem:s12+$0xFFFFFFE0];
	vm9 =	vgt.s32 v20, $0x0;
	vm10 =	vgt.s32 v25, $0x0;
	vm7 =	vmand vm7, vm11  }
0x168: {  	[tilespmem:v28+s10+$0x0] =	vst.idx.msk vm3, v61;
	v28 =	vld [tilespmem:s29+$0x10];
	v21 =	vshll.u32 v34, $0x9;
	v26 =	vnsel vm9, $0x0, v20;
	vm9 =	vgt.s32 v24, $0x0  }
0x169: {  	v25 =	vnsel vm10, $0x0, v25;
	vm10 =	vlt.s32 v29, $0x200;
	v31 =	vld.idx.msk [tilespmem:v35+s15+$0x0], vm2;
	v30 =	vsub.s32 v30, v38  }
0x16a: {  	v20 =	vld [tilespmem:s12+$0xFFFFFFF0];
	v62 =	vnsel vm9, $0x0, v24;
	v63 =	vadd.s32 $0x1, v30;
	v30 =	vshll.u32 v32, $0x9  }
0x16b: {  	v27 =	vmin.u32 v26, $0xFFFF;
	v29 =	vld.idx.msk [tilespmem:v36+s15+$0x0], vm4;
	v25 =	vmin.u32 v25, $0xFFFF;
	v32 =	vadd.s32 v30, v63  }
0x16c: {  	v26 =	vmin.u32 v62, $0xFFFF;
	v30 =	vld.idx.msk [tilespmem:v37+s15+$0x0], vm6;
	vm9 =	vlt.s32 v63, $0x200;
	vm11 =	vgt.s32 v32, $0x0  }
0x16d: {  	s30 =	simm.s32 $0x4;
	s31 =	simm.s32 $0x17A0;
	v24 =	vld [tilespmem:s12+$0x0];
	vm9 =	vmand vm8, vm9;
	vm8 =	vmand vm5, vm12;
	v32 =	vnsel vm11, $0x0, v32  }
.LBB2_27:
0x16e: {  	v19 =	vsub.s32 v19, v31;
	v31 =	vmin.u32 v32, $0xFFFF;
	vm10 =	vmand vm1, vm10  }
0x16f: {  	v33 =	vld [tilespmem:s31+$0x10];
	s30 =	sadd.s32 $0x4, s30;
	vm3 =	vmmov vm2;
	vm1 =	vmmov vm4;
	vm5 =	vmmov vm6  }
0x170: {  	v17 =	vsub.s32 v17, v29;
	s28 =	sadd.s32 $0x40, s28;
	v32 =	vld [tilespmem:s31+$0xFFFFFFF0];
	p3 =	slt.u32 s30, $0x7C;
	v34 =	vadd.s32 $0x1, v19  }
0x171: {  	s0 =	sadd.s32 $0x10, s28;
	s3 =	sadd.s32 $0x20, s28;
	s12 =	sadd.s32 $0x30, s28;
	v30 =	vsub.s32 v16, v30;
	v16 =	vadd.s32 s28, v0;
	v35 =	vadd.s32 $0x1, v17;
	v29 =	vld [tilespmem:s31+$0x0]  }
0x172: {  	v19 =	vadd.s32 s0, v0;
	v17 =	vadd.s32 s3, v0;
	v37 =	vadd.s32 s12, v0;
	v36 =	vld [tilespmem:s31+$0xFFFFFFE0]  }
0x173: {  	vm2 =	vge.s32 v19, v14;
	vm4 =	vlt.s32 v19, v15;
	vm6 =	vge.s32 v37, v14;
	v38 =	vld [tilespmem:s29+$0xFFFFFFE0]  }
0x174: {  	vm2 =	vmand vm2, vm4;
	vm4 =	vlt.s32 v37, v15;
	v39 =	vsub.s32 v33, v4;
	v40 =	vld [tilespmem:s29+$0xFFFFFFF0];
	[tilespmem:v31+s10+$0x0] =	vst.idx.msk vm9, v28  }
0x175: {  	vm9 =	vmand vm6, vm4;
	v31 =	vand.u32 $0x7F, v33;
	v28 =	vand.u32 $0xFFFFFF80, v39;
	v33 =	vld [tilespmem:s29+$0x0];
	[tilespmem:v27+s10+$0x0] =	vst.idx.msk vm7, v22  }
0x176: {  	v27 =	vsub.s32 v32, v4;
	v41 =	vsub.s32 v29, v4;
	v28 =	vor.u32 v31, v28  }
0x177: {  	v42 =	vand.u32 $0xFFFFFF80, v27;
	v31 =	vsub.s32 v36, v4;
	v43 =	vand.u32 $0xFFFFFF80, v41;
	[tilespmem:v26+s10+$0x0] =	vst.idx.msk vm8, v20  }
0x178: {  	v32 =	vand.u32 $0x7F, v32;
	v36 =	vand.u32 $0x7F, v36;
	v26 =	vand.u32 $0xFFFFFF80, v31;
	[tilespmem:v25+s10+$0x0] =	vst.idx.msk vm10, v24;
	v22 =	vmovc v38  }
0x179: {  	vm4 =	vge.s32 v17, v14;
	vm6 =	vlt.s32 v17, v15;
	v25 =	vand.u32 $0x7F, v29;
	v20 =	vmovc v40  }
0x17a: {  	vm7 =	vge.s32 v16, v14;
	vm8 =	vlt.s32 v16, v15;
	v26 =	vor.u32 v36, v26;
	v24 =	vmovc v33  }
0x17b: {  	vm4 =	vmand vm4, vm6;
	v29 =	vor.u32 v32, v42;
	v25 =	vor.u32 v25, v43;
	v28 =	vld.idx.msk [tilespmem:v28+s15+$0x0], vm9  }
0x17c: {  	v30 =	vadd.s32 $0x1, v30;
	vm6 =	vmand vm7, vm8;
	v31 =	vshll.u32 v31, $0x9  }
0x17d: {  	v27 =	vshll.u32 v27, $0x9;
	v32 =	vshll.u32 v41, $0x9;
	v33 =	vadd.s32 v18, v30;
	v18 =	vmovc v31  }
0x17e: {  	v38 =	vadd.s32 v21, v35;
	v36 =	vadd.s32 v23, v34;
	v23 =	vmovc v27;
	v21 =	vmovc v32;
	vm7 =	vgt.s32 v33, $0x0  }
0x17f: {  	vm8 =	vgt.s32 v38, $0x0;
	v27 =	vnsel vm7, $0x0, v33;
	vm7 =	vgt.s32 v36, $0x0  }
0x180: {  	vm11 =	vlt.s32 v30, $0x200;
	v33 =	vnsel vm8, $0x0, v38;
	v32 =	vnsel vm7, $0x0, v36;
	v31 =	vld.idx.msk [tilespmem:v29+s15+$0x0], vm2  }
.Ltmp17:
0x181: {  	vm10 =	vlt.s32 v35, $0x200;
	vm8 =	vlt.s32 v34, $0x200;
	v29 =	vld.idx.msk [tilespmem:v25+s15+$0x0], vm4;
	v25 =	vsub.s32 v37, v28;
	(pc) =	sbr.rel @p3 .LBB2_27-.Ltmp17, $4  }
0x182: {  	v27 =	vmin.u32 v27, $0xFFFF;
	v30 =	vld.idx.msk [tilespmem:v26+s15+$0x0], vm6;
	v28 =	vadd.s32 $0x1, v25;
	v25 =	vshll.u32 v39, $0x9  }
0x183: {  	v26 =	vmin.u32 v32, $0xFFFF;
	v34 =	vadd.s32 v25, v28;
	v25 =	vmin.u32 v33, $0xFFFF  }
0x184: {  	s29 =	sadd.s32 $0x40, s29;
	vm7 =	vmand vm5, vm11;
	vm12 =	vlt.s32 v28, $0x200;
	vm13 =	vgt.s32 v34, $0x0  }
0x185: {  	s31 =	sadd.s32 $0x40, s31;
	vm8 =	vmand vm3, vm8;
	vm9 =	vmand vm9, vm12;
	v28 =	vld [tilespmem:s29+$0x10];
	v32 =	vnsel vm13, $0x0, v34  }
0x186: {  	v19 =	vsub.s32 v19, v31  }
0x187: {  	v60 =	vmin.u32 v32, $0xFFFF;
	vm1 =	vmand vm1, vm10;
	vm2 =	vmmov vm2  }
0x188: {  	vm3 =	vmmov vm4;
	vm10 =	vmmov vm6;
	v17 =	vsub.s32 v17, v29  }
0x189: {  	v16 =	vsub.s32 v16, v30;
	v19 =	vadd.s32 $0x1, v19;
	v17 =	vadd.s32 $0x1, v17  }
0x18a: {  	v16 =	vadd.s32 $0x1, v16;
	v23 =	vadd.s32 v23, v19;
	v21 =	vadd.s32 v21, v17  }
0x18b: {  	vm14 =	vlt.s32 v19, $0x200;
	vm15 =	vlt.s32 v17, $0x200;
	v18 =	vadd.s32 v18, v16  }
0x18c: {  	vm11 =	vgt.s32 v23, $0x0;
	vm12 =	vlt.s32 v16, $0x200;
	vm13 =	vgt.s32 v21, $0x0  }
0x18d: {  	vm2 =	vmand vm2, vm14;
	vm3 =	vmand vm3, vm15;
	v16 =	vnsel vm11, $0x0, v23  }
0x18e: {  	v62 =	vld [tilespmem:s29+$0xFFFFFFF0];
	vm5 =	vgt.s32 v18, $0x0;
	v21 =	vnsel vm13, $0x0, v21;
	v16 =	vmin.u32 v16, $0xFFFF  }
0x18f: {  	v63 =	vld [tilespmem:s29+$0x0];
	[tilespmem:v27+s10+$0x0] =	vst.idx.msk vm7, v22;
	vm4 =	vmand vm10, vm12;
	v18 =	vnsel vm5, $0x0, v18;
	v21 =	vmin.u32 v21, $0xFFFF  }
0x190: {  	v61 =	vld [tilespmem:s29+$0xFFFFFFE0];
	[tilespmem:v26+s10+$0x0] =	vst.idx.msk vm8, v20;
	v17 =	vmin.u32 v18, $0xFFFF  }
0x191: {  	[tilespmem:v60+s10+$0x0] =	vst.idx.msk vm9, v28  }
0x192: {  	[tilespmem:v25+s10+$0x0] =	vst.idx.msk vm1, v24  }
0x193: {  	[tilespmem:v16+s10+$0x0] =	vst.idx.msk vm2, v62  }
0x194: {  	[tilespmem:v21+s10+$0x0] =	vst.idx.msk vm3, v63  }
0x195: {  	[tilespmem:v17+s10+$0x0] =	vst.idx.msk vm4, v61  }
.LBB2_29:
0x196: {  	p2 =	por p2, !p1  }
.Ltmp18:
0x197: {  	_ = 	snop;
	(pc) =	sbr.rel @p2 .LBB2_33-.Ltmp18, $1  }
0x198: {  	_ =	sdelay $0x3  }
0x199: {  	_ =	swait.ge [sflag:s14], $0x800  }
0x19a: {  	[sflag:s14] =	ssyncset.done $0x0  }
0x19b: {  	[sflag:s14] =	ssyncadd.s32 $0xFFFFF800  }
0x19c: {  	_ =	swait.ge [sflag:s14], $0x800  }
0x19d: {  	[sflag:s14] =	ssyncset.done $0x0  }
0x19e: {  	s0 =	simm.s32 $0x1720;
	[sflag:s14] =	ssyncadd.s32 $0xFFFFF800  }
0x19f: {  	v16 =	vld [tilespmem:s0+$0x10];
	_ =	sdelay $0x2  }
0x1a0: {  	v17 =	vld [tilespmem:s0+$0xFFFFFFE0];
	_ =	sdelay $0x1  }
0x1a1: {  	v18 =	vsub.s32 v16, v4  }
0x1a2: {  	v16 =	vand.u32 $0x7F, v16;
	v19 =	vand.u32 $0xFFFFFF80, v18  }
0x1a3: {  	v20 =	vld [tilespmem:s0+$0xFFFFFFF0];
	v16 =	vor.u32 v16, v19  }
0x1a4: {  	s12 =	simm.s32 $0x1760;
	v22 =	vld [tilespmem:s0+$0x0];
	v19 =	vsub.s32 v17, v4  }
0x1a5: {  	v26 =	vld [tilespmem:s12+$0xFFFFFFF0];
	v17 =	vand.u32 $0x7F, v17;
	v21 =	vand.u32 $0xFFFFFF80, v19  }
0x1a6: {  	v27 =	vld [tilespmem:s12+$0x0];
	v17 =	vor.u32 v17, v21;
	_ =	sdelay $0x1  }
0x1a7: {  	v23 =	vsub.s32 v20, v4;
	v21 =	vld.idx.msk [tilespmem:v16+s15+$0x0], $0xffff  }
0x1a8: {  	v20 =	vand.u32 $0x7F, v20;
	v16 =	vand.u32 $0xFFFFFF80, v23  }
0x1a9: {  	v24 =	vsub.s32 v22, v4;
	v20 =	vor.u32 v20, v16;
	v16 =	vand.u32 $0x7F, v22;
	v22 =	vld [tilespmem:s12+$0x10]  }
0x1aa: {  	v30 =	vsub.s32 v26, v4;
	v33 =	vsub.s32 v27, v4;
	v25 =	vand.u32 $0xFFFFFF80, v24;
	v17 =	vld.idx.msk [tilespmem:v17+s15+$0x0], $0xffff  }
0x1ab: {  	s3 =	sadd.s32 $0x30, s25;
	v26 =	vand.u32 $0x7F, v26;
	v18 =	vshll.u32 v18, $0x9;
	v25 =	vor.u32 v16, v25  }
0x1ac: {  	v31 =	vshll.u32 v23, $0x9;
	v23 =	vld [tilespmem:s12+$0xFFFFFFE0];
	v16 =	vadd.s32 $0x1, v0;
	v21 =	vsub.s32 s3, v21  }
0x1ad: {  	v24 =	vshll.u32 v24, $0x9;
	v29 =	vshll.u32 v19, $0x9;
	v21 =	vadd.s32 v16, v21  }
0x1ae: {  	v19 =	vsub.s32 v22, v4;
	v22 =	vand.u32 $0x7F, v22;
	v18 =	vadd.s32 v18, v21  }
0x1af: {  	v28 =	vsub.s32 s25, v17;
	v17 =	vld.idx.msk [tilespmem:v20+s15+$0x0], $0xffff;
	vm1 =	vlt.s32 v21, $0x200;
	v20 =	vand.u32 $0xFFFFFF80, v19  }
0x1b0: {  	v21 =	vld.idx.msk [tilespmem:v25+s15+$0x0], $0xffff;
	v25 =	vand.u32 $0xFFFFFF80, v33;
	vm2 =	vgt.s32 v18, $0x0;
	v34 =	vor.u32 v22, v20  }
0x1b1: {  	v22 =	vsub.s32 v23, v4;
	v23 =	vand.u32 $0x7F, v23;
	v18 =	vnsel vm2, $0x0, v18  }
0x1b2: {  	s28 =	simm.s32 $0x1F20;
	v20 =	vand.u32 $0xFFFFFF80, v22;
	v32 =	vmin.u32 v18, $0xFFFF;
	v18 =	vand.u32 $0xFFFFFF80, v30  }
0x1b3: {  	v35 =	vld [tilespmem:s28+$0x10];
	s3 =	sadd.s32 $0x10, s25;
	v36 =	vor.u32 v23, v20;
	v37 =	vor.u32 v26, v18;
	v18 =	vand.u32 $0x7F, v27  }
0x1b4: {  	s12 =	sadd.s32 $0x20, s25;
	v28 =	vadd.s32 v16, v28;
	v20 =	vld [tilespmem:s28+$0xFFFFFFE0];
	v25 =	vor.u32 v18, v25;
	v18 =	vsub.s32 s3, v17  }
0x1b5: {  	v62 =	vadd.s32 v29, v28;
	v21 =	vsub.s32 s12, v21;
	v17 =	vld [tilespmem:s28+$0xFFFFFFF0];
	v27 =	vadd.s32 v16, v18  }
0x1b6: {  	v26 =	vadd.s32 v16, v21;
	v21 =	vshll.u32 v22, $0x9;
	v22 =	vshll.u32 v30, $0x9;
	v30 =	vld.idx.msk [tilespmem:v34+s15+$0x0], $0xffff  }
0x1b7: {  	v23 =	vshll.u32 v33, $0x9;
	v18 =	vld [tilespmem:s28+$0x0];
	v31 =	vadd.s32 v31, v27;
	v63 =	vadd.s32 v24, v26  }
0x1b8: {  	vm2 =	vgt.s32 v62, $0x0;
	v29 =	vld.idx.msk [tilespmem:v36+s15+$0x0], $0xffff;
	vm3 =	vgt.s32 v31, $0x0;
	vm4 =	vgt.s32 v63, $0x0  }
0x1b9: {  	s30 =	simm.s32 $0x4;
	s31 =	simm.s32 $0x17A0;
	s29 =	sadd.s32 $0x40, s25;
	v33 =	vnsel vm2, $0x0, v62;
	[tilespmem:v32+s10+$0x0] =	vst.idx.msk vm1, v35;
	v24 =	vld.idx.msk [tilespmem:v37+s15+$0x0], $0xffff;
	v31 =	vnsel vm3, $0x0, v31;
	v32 =	vnsel vm4, $0x0, v63  }
.LBB2_31:
0x1ba: {  	v34 =	vld [tilespmem:s31+$0x10];
	s30 =	sadd.s32 $0x4, s30;
	s0 =	sadd.s32 $0x10, s29;
	s3 =	sadd.s32 $0x30, s29;
	v33 =	vmin.u32 v33, $0xFFFF;
	v31 =	vmin.u32 v31, $0xFFFF;
	v32 =	vmin.u32 v32, $0xFFFF  }
0x1bb: {  	s12 =	sadd.s32 $0x20, s29;
	vm3 =	vlt.s32 v28, $0x200;
	v35 =	vld [tilespmem:s31+$0xFFFFFFF0];
	p2 =	slt.u32 s30, $0x7C;
	v30 =	vsub.s32 s3, v30  }
0x1bc: {  	v19 =	vshll.u32 v19, $0x9;
	vm2 =	vlt.s32 v27, $0x200;
	v28 =	vld [tilespmem:s31+$0x0];
	v30 =	vadd.s32 v16, v30  }
0x1bd: {  	vm1 =	vlt.s32 v26, $0x200;
	v27 =	vld [tilespmem:s31+$0xFFFFFFE0];
	v36 =	vadd.s32 v19, v30  }
0x1be: {  	v26 =	vsub.s32 s29, v29;
	v29 =	vld.idx.msk [tilespmem:v25+s15+$0x0], $0xffff;
	vm5 =	vgt.s32 v36, $0x0  }
0x1bf: {  	s28 =	sadd.s32 $0x40, s28;
	vm4 =	vlt.s32 v30, $0x200;
	v19 =	vsub.s32 v34, v4;
	v25 =	vnsel vm5, $0x0, v36  }
0x1c0: {  	v34 =	vand.u32 $0x7F, v34;
	v30 =	vand.u32 $0xFFFFFF80, v19;
	v36 =	vld [tilespmem:s28+$0x10];
	v37 =	vmin.u32 v25, $0xFFFF  }
0x1c1: {  	v38 =	vsub.s32 v35, v4;
	v39 =	vsub.s32 v28, v4;
	v30 =	vor.u32 v34, v30;
	v34 =	vld [tilespmem:s28+$0xFFFFFFE0]  }
0x1c2: {  	v25 =	vand.u32 $0xFFFFFF80, v38;
	v40 =	vsub.s32 v27, v4;
	v41 =	vand.u32 $0xFFFFFF80, v39;
	v42 =	vld [tilespmem:s28+$0xFFFFFFF0];
	[tilespmem:v33+s10+$0x0] =	vst.idx.msk vm3, v20  }
0x1c3: {  	v27 =	vand.u32 $0x7F, v27;
	v33 =	vand.u32 $0x7F, v35;
	v20 =	vand.u32 $0xFFFFFF80, v40;
	v35 =	vld [tilespmem:s28+$0x0];
	[tilespmem:v31+s10+$0x0] =	vst.idx.msk vm2, v17  }
0x1c4: {  	v33 =	vor.u32 v33, v25;
	v17 =	vand.u32 $0x7F, v28;
	v31 =	vor.u32 v27, v20;
	[tilespmem:v32+s10+$0x0] =	vst.idx.msk vm1, v18  }
0x1c5: {  	v25 =	vor.u32 v17, v41;
	v41 =	vsub.s32 s0, v24;
	v18 =	vsub.s32 s12, v29;
	[tilespmem:v37+s10+$0x0] =	vst.idx.msk vm4, v36  }
.Ltmp19:
0x1c6: {  	v28 =	vadd.s32 v16, v26;
	v27 =	vadd.s32 v16, v41;
	v26 =	vadd.s32 v16, v18;
	v30 =	vld.idx.msk [tilespmem:v30+s15+$0x0], $0xffff;
	(pc) =	sbr.rel @p2 .LBB2_31-.Ltmp19, $4  }
0x1c7: {  	v24 =	vshll.u32 v40, $0x9;
	v32 =	vshll.u32 v38, $0x9;
	v36 =	vshll.u32 v39, $0x9;
	v20 =	vmovc v34;
	v17 =	vmovc v42  }
0x1c8: {  	v34 =	vadd.s32 v21, v28;
	v37 =	vadd.s32 v22, v27;
	v38 =	vadd.s32 v23, v26;
	v18 =	vmovc v35  }
0x1c9: {  	v21 =	vmovc v24;
	v22 =	vmovc v32;
	vm1 =	vgt.s32 v34, $0x0;
	vm2 =	vgt.s32 v37, $0x0;
	vm3 =	vgt.s32 v38, $0x0;
	v29 =	vld.idx.msk [tilespmem:v31+s15+$0x0], $0xffff  }
0x1ca: {  	s31 =	sadd.s32 $0x40, s31;
	s29 =	sadd.s32 $0x40, s29;
	v23 =	vmovc v36;
	v32 =	vnsel vm3, $0x0, v38;
	v31 =	vnsel vm2, $0x0, v37;
	v24 =	vld.idx.msk [tilespmem:v33+s15+$0x0], $0xffff;
	v33 =	vnsel vm1, $0x0, v34  }
0x1cb: {  	_ =	sdelay $0x2  }
0x1cc: {  	s0 =	sadd.s32 $0x30, s29;
	v33 =	vmin.u32 v33, $0xFFFF  }
0x1cd: {  	v19 =	vshll.u32 v19, $0x9;
	v25 =	vld.idx.msk [tilespmem:v25+s15+$0x0], $0xffff;
	v31 =	vmin.u32 v31, $0xFFFF;
	v30 =	vsub.s32 s0, v30  }
0x1ce: {  	v32 =	vmin.u32 v32, $0xFFFF;
	vm3 =	vlt.s32 v28, $0x200;
	v30 =	vadd.s32 v16, v30  }
0x1cf: {  	vm1 =	vlt.s32 v27, $0x200;
	vm2 =	vlt.s32 v26, $0x200;
	v19 =	vadd.s32 v19, v30  }
0x1d0: {  	s30 =	sadd.s32 $0x10, s29;
	v60 =	vsub.s32 s29, v29;
	vm13 =	vlt.s32 v30, $0x200;
	vm4 =	vgt.s32 v19, $0x0  }
0x1d1: {  	s3 =	sadd.s32 $0x20, s29;
	v24 =	vsub.s32 s30, v24;
	v26 =	vadd.s32 v16, v60;
	v19 =	vnsel vm4, $0x0, v19  }
0x1d2: {  	v25 =	vsub.s32 s3, v25;
	v24 =	vadd.s32 v16, v24;
	v21 =	vadd.s32 v21, v26  }
0x1d3: {  	vm14 =	vlt.s32 v26, $0x200;
	v19 =	vmin.u32 v19, $0xFFFF;
	v16 =	vadd.s32 v16, v25  }
0x1d4: {  	s31 =	sadd.s32 $0x40, s28;
	v22 =	vadd.s32 v22, v24;
	vm5 =	vgt.s32 v21, $0x0;
	vm15 =	vlt.s32 v24, $0x200  }
0x1d5: {  	v61 =	vld [tilespmem:s31+$0x10];
	v23 =	vadd.s32 v23, v16;
	vm6 =	vgt.s32 v22, $0x0;
	v21 =	vnsel vm5, $0x0, v21  }
0x1d6: {  	v62 =	vld [tilespmem:s31+$0xFFFFFFE0];
	vm7 =	vgt.s32 v23, $0x0;
	v22 =	vnsel vm6, $0x0, v22;
	v21 =	vmin.u32 v21, $0xFFFF  }
0x1d7: {  	v63 =	vld [tilespmem:s31+$0xFFFFFFF0];
	[tilespmem:v33+s10+$0x0] =	vst.idx.msk vm3, v20;
	vm3 =	vlt.s32 v16, $0x200;
	v23 =	vnsel vm7, $0x0, v23;
	v22 =	vmin.u32 v22, $0xFFFF  }
0x1d8: {  	[tilespmem:v31+s10+$0x0] =	vst.idx.msk vm1, v17;
	v16 =	vld [tilespmem:s31+$0x0];
	v17 =	vmin.u32 v23, $0xFFFF  }
0x1d9: {  	[tilespmem:v32+s10+$0x0] =	vst.idx.msk vm2, v18  }
0x1da: {  	[tilespmem:v19+s10+$0x0] =	vst.idx.msk vm13, v61  }
0x1db: {  	[tilespmem:v21+s10+$0x0] =	vst.idx.msk vm14, v62  }
0x1dc: {  	[tilespmem:v22+s10+$0x0] =	vst.idx.msk vm15, v63  }
0x1dd: {  	[tilespmem:v17+s10+$0x0] =	vst.idx.msk vm3, v16  }
.LBB2_33:
0x1de: {  	p2 =	sne.s32 s26, s21;
	p3 =	por !p0, !p0  }
0x1df: {  	p2 =	por p2, p3  }
.Ltmp20:
0x1e0: {  	_ = 	snop;
	(pc) =	sbr.rel @p2 .LBB2_37-.Ltmp20, $1  }
0x1e1: {  	_ =	sdelay $0x3  }
0x1e2: {  	_ =	swait.ge [sflag:s16], $0x800  }
0x1e3: {  	[sflag:s16] =	ssyncset.done $0x0  }
0x1e4: {  	[sflag:s16] =	ssyncadd.s32 $0xFFFFF800  }
0x1e5: {  	_ =	swait.ge [sflag:s16], $0x800  }
0x1e6: {  	[sflag:s16] =	ssyncset.done $0x0  }
0x1e7: {  	s0 =	simm.s32 $0x2720;
	[sflag:s16] =	ssyncadd.s32 $0xFFFFF800  }
0x1e8: {  	v16 =	vld [tilespmem:s0+$0xFFFFFFE0]  }
0x1e9: {  	v17 =	vld [tilespmem:s0+$0x10]  }
0x1ea: {  	v23 =	vld [tilespmem:s0+$0xFFFFFFF0]  }
0x1eb: {  	v18 =	vadd.s32 s22, v0;
	s3 =	sadd.s32 $0xFFFFFFD0, s22  }
0x1ec: {  	vm1 =	vge.s32 v18, v14;
	vm2 =	vlt.s32 v18, v15;
	v19 =	vadd.s32 s3, v0  }
0x1ed: {  	vm2 =	vmand vm1, vm2;
	vm1 =	vlt.s32 v19, v15;
	vm3 =	vge.s32 v19, v14;
	v21 =	vld [tilespmem:s0+$0x0]  }
0x1ee: {  	vm1 =	vmand vm3, vm1;
	v20 =	vsub.s32 v16, v4;
	v16 =	vand.u32 $0x7F, v16  }
0x1ef: {  	v24 =	vsub.s32 v17, v4;
	v17 =	vand.u32 $0x7F, v17;
	v26 =	vsub.s32 v23, v4  }
0x1f0: {  	s3 =	simm.s32 $0x2760;
	v23 =	vand.u32 $0x7F, v23;
	v22 =	vand.u32 $0xFFFFFF80, v20;
	v25 =	vand.u32 $0xFFFFFF80, v24  }
0x1f1: {  	s26 =	sadd.s32 $0xFFFFFFE0, s22;
	v30 =	vld [tilespmem:s3+$0x0];
	v27 =	vand.u32 $0xFFFFFF80, v26;
	v16 =	vor.u32 v16, v22;
	v17 =	vor.u32 v17, v25  }
0x1f2: {  	s31 =	sadd.s32 $0xFFFFFFF0, s22;
	v22 =	vadd.s32 s26, v0;
	v25 =	vsub.s32 v21, v4;
	v21 =	vand.u32 $0x7F, v21  }
0x1f3: {  	v23 =	vor.u32 v23, v27;
	v27 =	vadd.s32 s31, v0;
	vm3 =	vge.s32 v22, v14  }
0x1f4: {  	vm4 =	vlt.s32 v22, v15;
	v28 =	vand.u32 $0xFFFFFF80, v25;
	vm5 =	vge.s32 v27, v14  }
0x1f5: {  	vm6 =	vlt.s32 v27, v15;
	v21 =	vor.u32 v21, v28;
	vm3 =	vmand vm3, vm4;
	v28 =	vld [tilespmem:s3+$0xFFFFFFE0]  }
0x1f6: {  	v35 =	vsub.s32 v30, v4;
	vm4 =	vmmov vm3;
	vm3 =	vmand vm5, vm6;
	v29 =	vld.idx.msk [tilespmem:v16+s15+$0x0], vm1  }
0x1f7: {  	s29 =	sadd.s32 $0x40, s22;
	v30 =	vand.u32 $0x7F, v30;
	v24 =	vshll.u32 v24, $0x9;
	v20 =	vshll.u32 v20, $0x9;
	v17 =	vld.idx.msk [tilespmem:v17+s15+$0x0], vm2  }
0x1f8: {  	v26 =	vshll.u32 v26, $0x9;
	v25 =	vshll.u32 v25, $0x9;
	v16 =	vadd.s32 s29, v0  }
0x1f9: {  	vm2 =	vmmov vm2;
	vm7 =	vge.s32 v16, v14;
	vm8 =	vlt.s32 v16, v15  }
0x1fa: {  	vm8 =	vmand vm7, vm8;
	v33 =	vsub.s32 v28, v4;
	v28 =	vand.u32 $0x7F, v28  }
0x1fb: {  	v34 =	vand.u32 $0xFFFFFF80, v33;
	v33 =	vshll.u32 v33, $0x9;
	v19 =	vsub.s32 v19, v29  }
0x1fc: {  	s26 =	sadd.s32 $0xFFFFFFE0, s29;
	v38 =	vld.idx.msk [tilespmem:v21+s15+$0x0], vm3;
	v28 =	vor.u32 v28, v34;
	v17 =	vsub.s32 v18, v17;
	v19 =	vadd.s32 $0x1, v19  }
0x1fd: {  	s12 =	sadd.s32 $0xFFFFFFD0, s29;
	v23 =	vld.idx.msk [tilespmem:v23+s15+$0x0], vm4;
	v32 =	vadd.s32 $0x1, v17;
	v17 =	vadd.s32 s26, v0;
	vm5 =	vlt.s32 v19, $0x200  }
0x1fe: {  	v29 =	vld [tilespmem:s3+$0x10];
	v31 =	vadd.s32 v20, v19;
	v19 =	vadd.s32 s12, v0;
	vm7 =	vlt.s32 v32, $0x200  }
0x1ff: {  	v20 =	vld [tilespmem:s3+$0xFFFFFFF0];
	vm9 =	vge.s32 v17, v14;
	vm10 =	vlt.s32 v17, v15;
	v24 =	vadd.s32 v24, v32  }
0x200: {  	vm6 =	vmand vm1, vm5;
	vm5 =	vgt.s32 v31, $0x0;
	vm1 =	vlt.s32 v19, v15  }
0x201: {  	vm11 =	vge.s32 v19, v14;
	vm2 =	vmand vm2, vm7;
	vm7 =	vmand vm9, vm10  }
0x202: {  	vm1 =	vmand vm11, vm1;
	v27 =	vsub.s32 v27, v38;
	v22 =	vsub.s32 v22, v23  }
0x203: {  	v36 =	vsub.s32 v29, v4;
	v29 =	vand.u32 $0x7F, v29;
	v23 =	vadd.s32 $0x1, v27  }
0x204: {  	v22 =	vadd.s32 $0x1, v22;
	v37 =	vand.u32 $0xFFFFFF80, v36;
	v18 =	vsub.s32 v20, v4  }
0x205: {  	v25 =	vadd.s32 v25, v23;
	v20 =	vand.u32 $0x7F, v20;
	v21 =	vand.u32 $0xFFFFFF80, v18  }
0x206: {  	v27 =	vadd.s32 v26, v22;
	v20 =	vor.u32 v20, v21;
	v21 =	vand.u32 $0xFFFFFF80, v35  }
0x207: {  	s26 =	simm.s32 $0x2F20;
	v62 =	vor.u32 v29, v37;
	v21 =	vor.u32 v30, v21;
	v30 =	vnsel vm5, $0x0, v31  }
0x208: {  	v63 =	vld [tilespmem:s26+$0xFFFFFFE0];
	vm13 =	vlt.s32 v23, $0x200;
	vm5 =	vgt.s32 v24, $0x0;
	v30 =	vmin.u32 v30, $0xFFFF  }
0x209: {  	v26 =	vld [tilespmem:s26+$0x10];
	vm14 =	vlt.s32 v22, $0x200;
	vm3 =	vmand vm3, vm13;
	v23 =	vnsel vm5, $0x0, v24  }
0x20a: {  	vm15 =	vgt.s32 v25, $0x0;
	v31 =	vld.idx.msk [tilespmem:v28+s15+$0x0], vm1;
	vm5 =	vgt.s32 v27, $0x0;
	v29 =	vmin.u32 v23, $0xFFFF  }
0x20b: {  	s31 =	sadd.s32 $0xFFFFFFF0, s29;
	v24 =	vld [tilespmem:s26+$0x0];
	v22 =	vnsel vm5, $0x0, v27;
	vm5 =	vmand vm4, vm14;
	v23 =	vnsel vm15, $0x0, v25  }
0x20c: {  	v32 =	vld.idx.msk [tilespmem:v62+s15+$0x0], vm8;
	vm4 =	vmmov vm8;
	v25 =	vadd.s32 s31, v0;
	v27 =	vmin.u32 v22, $0xFFFF  }
0x20d: {  	s28 =	simm.s32 $0x4;
	s30 =	simm.s32 $0x27A0;
	s29 =	sadd.s32 $0x40, s29;
	v22 =	vshll.u32 v36, $0x9;
	v28 =	vmin.u32 v23, $0xFFFF;
	v23 =	vshll.u32 v35, $0x9;
	[tilespmem:v30+s10+$0x0] =	vst.idx.msk vm6, v63;
	v30 =	vld [tilespmem:s26+$0xFFFFFFF0]  }
.LBB2_35:
0x20e: {  	v35 =	vadd.s32 s29, v0  }
0x20f: {  	v34 =	vld [tilespmem:s30+$0xFFFFFFE0];
	s28 =	sadd.s32 $0x4, s28;
	vm8 =	vge.s32 v25, v14;
	vm9 =	vlt.s32 v25, v15;
	[tilespmem:v29+s10+$0x0] =	vst.idx.msk vm2, v26;
	s26 =	sadd.s32 $0x40, s26;
	vm6 =	vmmov vm7  }
0x210: {  	v19 =	vsub.s32 v19, v31;
	v26 =	vld [tilespmem:s30+$0x0];
	vm2 =	vge.s32 v35, v14;
	vm7 =	vlt.s32 v35, v15;
	p2 =	slt.u32 s28, $0x7C  }
0x211: {  	v19 =	vadd.s32 $0x1, v19;
	vm9 =	vmand vm8, vm9;
	v31 =	vsub.s32 v16, v32;
	v16 =	vmovc v35;
	v29 =	vld [tilespmem:s30+$0x10]  }
0x212: {  	vm10 =	vlt.s32 v19, $0x200;
	v33 =	vadd.s32 v33, v19;
	v31 =	vadd.s32 $0x1, v31;
	v32 =	vld [tilespmem:s30+$0xFFFFFFF0];
	[tilespmem:v27+s10+$0x0] =	vst.idx.msk vm5, v30  }
0x213: {  	s0 =	sadd.s32 $0xFFFFFFD0, s29;
	s3 =	sadd.s32 $0xFFFFFFE0, s29;
	vm8 =	vmand vm2, vm7;
	vm5 =	vmand vm1, vm10;
	vm2 =	vgt.s32 v33, $0x0;
	[tilespmem:v28+s10+$0x0] =	vst.idx.msk vm3, v24  }
0x214: {  	v19 =	vadd.s32 s0, v0;
	v24 =	vadd.s32 s3, v0;
	v35 =	vsub.s32 v34, v4  }
0x215: {  	vm7 =	vlt.s32 v31, $0x200;
	v28 =	vand.u32 $0x7F, v34;
	v27 =	vand.u32 $0xFFFFFF80, v35  }
0x216: {  	vm3 =	vge.s32 v24, v14;
	v34 =	vsub.s32 v26, v4;
	v30 =	vsub.s32 v29, v4  }
0x217: {  	vm1 =	vlt.s32 v19, v15;
	v26 =	vand.u32 $0x7F, v26;
	v36 =	vand.u32 $0xFFFFFF80, v30;
	v37 =	vld.idx.msk [tilespmem:v21+s15+$0x0], vm9  }
0x218: {  	vm10 =	vlt.s32 v24, v15;
	v29 =	vand.u32 $0x7F, v29;
	v38 =	vsub.s32 v32, v4;
	v39 =	vld.idx.msk [tilespmem:v20+s15+$0x0], vm6  }
0x219: {  	vm11 =	vge.s32 v19, v14;
	v21 =	vand.u32 $0x7F, v32;
	v20 =	vand.u32 $0xFFFFFF80, v38  }
0x21a: {  	v27 =	vor.u32 v28, v27;
	v20 =	vor.u32 v21, v20;
	v21 =	vand.u32 $0xFFFFFF80, v34  }
0x21b: {  	vm1 =	vmand vm11, vm1;
	v21 =	vor.u32 v26, v21;
	v26 =	vnsel vm2, $0x0, v33  }
0x21c: {  	v28 =	vor.u32 v29, v36;
	v32 =	vmin.u32 v26, $0xFFFF;
	v26 =	vshll.u32 v18, $0x9;
	v18 =	vmovc v38;
	v29 =	vld [tilespmem:s26+$0xFFFFFFE0]  }
0x21d: {  	v22 =	vadd.s32 v22, v31;
	vm2 =	vmand vm4, vm7;
	v25 =	vsub.s32 v25, v37  }
0x21e: {  	vm7 =	vmand vm3, vm10;
	v31 =	vsub.s32 v17, v39;
	v25 =	vadd.s32 $0x1, v25;
	v17 =	vmovc v24  }
0x21f: {  	vm3 =	vgt.s32 v22, $0x0;
	v24 =	vadd.s32 $0x1, v31;
	v23 =	vadd.s32 v23, v25  }
0x220: {  	v22 =	vnsel vm3, $0x0, v22;
	vm4 =	vlt.s32 v25, $0x200;
	v33 =	vadd.s32 v26, v24;
	v26 =	vld [tilespmem:s26+$0x10]  }
.Ltmp21:
0x221: {  	vm3 =	vmand vm9, vm4;
	v31 =	vld.idx.msk [tilespmem:v27+s15+$0x0], vm1;
	[tilespmem:v32+s10+$0x0] =	vst.idx.msk vm5, v29;
	vm5 =	vgt.s32 v33, $0x0;
	v29 =	vmin.u32 v22, $0xFFFF;
	(pc) =	sbr.rel @p2 .LBB2_35-.Ltmp21, $4  }
0x222: {  	vm4 =	vlt.s32 v24, $0x200;
	vm9 =	vgt.s32 v23, $0x0;
	v32 =	vld.idx.msk [tilespmem:v28+s15+$0x0], vm8;
	v22 =	vnsel vm5, $0x0, v33  }
0x223: {  	v23 =	vnsel vm9, $0x0, v23;
	vm5 =	vmand vm6, vm4;
	v27 =	vmin.u32 v22, $0xFFFF;
	v24 =	vld [tilespmem:s26+$0x0]  }
0x224: {  	s0 =	sadd.s32 $0xFFFFFFF0, s29;
	v28 =	vmin.u32 v23, $0xFFFF;
	vm4 =	vmmov vm8;
	v22 =	vshll.u32 v30, $0x9;
	v30 =	vld [tilespmem:s26+$0xFFFFFFF0]  }
0x225: {  	s29 =	sadd.s32 $0x40, s29;
	s30 =	sadd.s32 $0x40, s30;
	v25 =	vadd.s32 s0, v0;
	v33 =	vshll.u32 v35, $0x9;
	v23 =	vshll.u32 v34, $0x9  }
0x226: {  	vm6 =	vge.s32 v25, v14;
	vm8 =	vlt.s32 v25, v15;
	vm7 =	vmmov vm7  }
0x227: {  	vm6 =	vmand vm6, vm8;
	_ =	sdelay $0x3  }
0x228: {  	v19 =	vsub.s32 v19, v31  }
0x229: {  	v19 =	vadd.s32 $0x1, v19;
	v20 =	vld.idx.msk [tilespmem:v20+s15+$0x0], vm7  }
0x22a: {  	v18 =	vshll.u32 v18, $0x9;
	v16 =	vsub.s32 v16, v32;
	v57 =	vadd.s32 v33, v19;
	v21 =	vld.idx.msk [tilespmem:v21+s15+$0x0], vm6  }
0x22b: {  	vm9 =	vlt.s32 v19, $0x200;
	v16 =	vadd.s32 $0x1, v16;
	vm13 =	vgt.s32 v57, $0x0  }
0x22c: {  	vm1 =	vmand vm1, vm9;
	vm14 =	vlt.s32 v16, $0x200;
	v16 =	vadd.s32 v22, v16  }
0x22d: {  	v58 =	vnsel vm13, $0x0, v57;
	vm4 =	vmand vm4, vm14;
	vm15 =	vgt.s32 v16, $0x0  }
0x22e: {  	v19 =	vmin.u32 v58, $0xFFFF;
	v16 =	vnsel vm15, $0x0, v16;
	v17 =	vsub.s32 v17, v20  }
0x22f: {  	v16 =	vmin.u32 v16, $0xFFFF;
	v21 =	vsub.s32 v25, v21;
	v17 =	vadd.s32 $0x1, v17  }
0x230: {  	s0 =	sadd.s32 $0x40, s26;
	v59 =	vadd.s32 $0x1, v21;
	v18 =	vadd.s32 v18, v17;
	vm14 =	vlt.s32 v17, $0x200  }
0x231: {  	v60 =	vld [tilespmem:s0+$0xFFFFFFE0];
	v21 =	vadd.s32 v23, v59;
	vm12 =	vgt.s32 v18, $0x0;
	vm13 =	vlt.s32 v59, $0x200  }
0x232: {  	v17 =	vld [tilespmem:s0+$0x10];
	vm7 =	vmand vm7, vm14;
	v18 =	vnsel vm12, $0x0, v18;
	vm15 =	vgt.s32 v21, $0x0  }
0x233: {  	[tilespmem:v29+s10+$0x0] =	vst.idx.msk vm2, v26;
	v62 =	vld [tilespmem:s0+$0xFFFFFFF0];
	vm2 =	vmand vm6, vm13;
	v18 =	vmin.u32 v18, $0xFFFF;
	v61 =	vnsel vm15, $0x0, v21  }
0x234: {  	v63 =	vld [tilespmem:s0+$0x0];
	[tilespmem:v28+s10+$0x0] =	vst.idx.msk vm3, v24;
	v20 =	vmin.u32 v61, $0xFFFF  }
0x235: {  	[tilespmem:v27+s10+$0x0] =	vst.idx.msk vm5, v30  }
0x236: {  	[tilespmem:v19+s10+$0x0] =	vst.idx.msk vm1, v60  }
0x237: {  	[tilespmem:v16+s10+$0x0] =	vst.idx.msk vm4, v17  }
0x238: {  	[tilespmem:v18+s10+$0x0] =	vst.idx.msk vm7, v62  }
0x239: {  	[tilespmem:v20+s10+$0x0] =	vst.idx.msk vm2, v63  }
.LBB2_37:
0x23a: {  	p0 =	por !p0, !p1  }
0x23b: {  	p0 =	por !p0, !p0  }
.Ltmp22:
0x23c: {  	_ = 	snop;
	(pc) =	sbr.rel @!p0 .LBB2_41-.Ltmp22, $1  }
0x23d: {  	_ =	sdelay $0x3  }
0x23e: {  	_ =	swait.ge [sflag:s16], $0x800  }
0x23f: {  	[sflag:s16] =	ssyncset.done $0x0  }
0x240: {  	[sflag:s16] =	ssyncadd.s32 $0xFFFFF800  }
0x241: {  	_ =	swait.ge [sflag:s16], $0x800  }
0x242: {  	[sflag:s16] =	ssyncset.done $0x0  }
0x243: {  	s0 =	simm.s32 $0x2720;
	[sflag:s16] =	ssyncadd.s32 $0xFFFFF800  }
0x244: {  	v16 =	vld [tilespmem:s0+$0x10];
	_ =	sdelay $0x2  }
0x245: {  	v17 =	vld [tilespmem:s0+$0xFFFFFFE0];
	_ =	sdelay $0x1  }
0x246: {  	v18 =	vsub.s32 v16, v4  }
0x247: {  	v16 =	vand.u32 $0x7F, v16;
	v19 =	vand.u32 $0xFFFFFF80, v18  }
0x248: {  	v20 =	vld [tilespmem:s0+$0xFFFFFFF0];
	v16 =	vor.u32 v16, v19  }
0x249: {  	s26 =	simm.s32 $0x2760;
	v22 =	vld [tilespmem:s0+$0x0];
	v19 =	vsub.s32 v17, v4  }
0x24a: {  	v26 =	vld [tilespmem:s26+$0xFFFFFFF0];
	v17 =	vand.u32 $0x7F, v17;
	v21 =	vand.u32 $0xFFFFFF80, v19  }
0x24b: {  	v27 =	vld [tilespmem:s26+$0x0];
	v17 =	vor.u32 v17, v21;
	_ =	sdelay $0x1  }
0x24c: {  	v23 =	vsub.s32 v20, v4;
	v21 =	vld.idx.msk [tilespmem:v16+s15+$0x0], $0xffff  }
0x24d: {  	v20 =	vand.u32 $0x7F, v20;
	v16 =	vand.u32 $0xFFFFFF80, v23  }
0x24e: {  	v24 =	vsub.s32 v22, v4;
	v20 =	vor.u32 v20, v16;
	v16 =	vand.u32 $0x7F, v22;
	v22 =	vld [tilespmem:s26+$0x10]  }
0x24f: {  	v30 =	vsub.s32 v26, v4;
	v33 =	vsub.s32 v27, v4;
	v25 =	vand.u32 $0xFFFFFF80, v24;
	v17 =	vld.idx.msk [tilespmem:v17+s15+$0x0], $0xffff  }
0x250: {  	s3 =	sadd.s32 $0x30, s25;
	v26 =	vand.u32 $0x7F, v26;
	v18 =	vshll.u32 v18, $0x9;
	v25 =	vor.u32 v16, v25  }
0x251: {  	v31 =	vshll.u32 v23, $0x9;
	v23 =	vld [tilespmem:s26+$0xFFFFFFE0];
	v16 =	vadd.s32 $0x1, v0;
	v21 =	vsub.s32 s3, v21  }
0x252: {  	v24 =	vshll.u32 v24, $0x9;
	v29 =	vshll.u32 v19, $0x9;
	v21 =	vadd.s32 v16, v21  }
0x253: {  	v19 =	vsub.s32 v22, v4;
	v22 =	vand.u32 $0x7F, v22;
	v18 =	vadd.s32 v18, v21  }
0x254: {  	v28 =	vsub.s32 s25, v17;
	v17 =	vld.idx.msk [tilespmem:v20+s15+$0x0], $0xffff;
	vm1 =	vlt.s32 v21, $0x200;
	v20 =	vand.u32 $0xFFFFFF80, v19  }
0x255: {  	v21 =	vld.idx.msk [tilespmem:v25+s15+$0x0], $0xffff;
	v25 =	vand.u32 $0xFFFFFF80, v33;
	vm2 =	vgt.s32 v18, $0x0;
	v34 =	vor.u32 v22, v20  }
0x256: {  	v22 =	vsub.s32 v23, v4;
	v23 =	vand.u32 $0x7F, v23;
	v18 =	vnsel vm2, $0x0, v18  }
0x257: {  	s26 =	simm.s32 $0x2F20;
	v20 =	vand.u32 $0xFFFFFF80, v22;
	v32 =	vmin.u32 v18, $0xFFFF;
	v18 =	vand.u32 $0xFFFFFF80, v30  }
0x258: {  	s30 =	sadd.s32 $0x10, s25;
	v35 =	vld [tilespmem:s26+$0x10];
	v36 =	vor.u32 v23, v20;
	v37 =	vor.u32 v26, v18;
	v18 =	vand.u32 $0x7F, v27  }
0x259: {  	s31 =	sadd.s32 $0x20, s25;
	v28 =	vadd.s32 v16, v28;
	v20 =	vld [tilespmem:s26+$0xFFFFFFE0];
	v25 =	vor.u32 v18, v25;
	v18 =	vsub.s32 s30, v17  }
0x25a: {  	v62 =	vadd.s32 v29, v28;
	v21 =	vsub.s32 s31, v21;
	v17 =	vld [tilespmem:s26+$0xFFFFFFF0];
	v27 =	vadd.s32 v16, v18  }
0x25b: {  	v26 =	vadd.s32 v16, v21;
	v21 =	vshll.u32 v22, $0x9;
	v22 =	vshll.u32 v30, $0x9;
	v30 =	vld.idx.msk [tilespmem:v34+s15+$0x0], $0xffff  }
0x25c: {  	v23 =	vshll.u32 v33, $0x9;
	v18 =	vld [tilespmem:s26+$0x0];
	v31 =	vadd.s32 v31, v27;
	v63 =	vadd.s32 v24, v26  }
0x25d: {  	vm2 =	vgt.s32 v62, $0x0;
	v29 =	vld.idx.msk [tilespmem:v36+s15+$0x0], $0xffff;
	vm3 =	vgt.s32 v31, $0x0;
	vm4 =	vgt.s32 v63, $0x0  }
0x25e: {  	s28 =	simm.s32 $0x4;
	s29 =	simm.s32 $0x27A0;
	s25 =	sadd.s32 $0x40, s25;
	v33 =	vnsel vm2, $0x0, v62;
	[tilespmem:v32+s10+$0x0] =	vst.idx.msk vm1, v35;
	v24 =	vld.idx.msk [tilespmem:v37+s15+$0x0], $0xffff;
	v31 =	vnsel vm3, $0x0, v31;
	v32 =	vnsel vm4, $0x0, v63  }
.LBB2_39:
0x25f: {  	v34 =	vld [tilespmem:s29+$0x10];
	s28 =	sadd.s32 $0x4, s28;
	s0 =	sadd.s32 $0x10, s25;
	s3 =	sadd.s32 $0x30, s25;
	v33 =	vmin.u32 v33, $0xFFFF;
	v31 =	vmin.u32 v31, $0xFFFF;
	v32 =	vmin.u32 v32, $0xFFFF  }
0x260: {  	s12 =	sadd.s32 $0x20, s25;
	vm3 =	vlt.s32 v28, $0x200;
	v35 =	vld [tilespmem:s29+$0xFFFFFFF0];
	p0 =	slt.u32 s28, $0x7C;
	v30 =	vsub.s32 s3, v30  }
0x261: {  	v19 =	vshll.u32 v19, $0x9;
	vm2 =	vlt.s32 v27, $0x200;
	v28 =	vld [tilespmem:s29+$0x0];
	v30 =	vadd.s32 v16, v30  }
0x262: {  	vm1 =	vlt.s32 v26, $0x200;
	v27 =	vld [tilespmem:s29+$0xFFFFFFE0];
	v36 =	vadd.s32 v19, v30  }
0x263: {  	v26 =	vsub.s32 s25, v29;
	v29 =	vld.idx.msk [tilespmem:v25+s15+$0x0], $0xffff;
	vm5 =	vgt.s32 v36, $0x0  }
0x264: {  	s26 =	sadd.s32 $0x40, s26;
	vm4 =	vlt.s32 v30, $0x200;
	v19 =	vsub.s32 v34, v4;
	v25 =	vnsel vm5, $0x0, v36  }
0x265: {  	v34 =	vand.u32 $0x7F, v34;
	v30 =	vand.u32 $0xFFFFFF80, v19;
	v36 =	vld [tilespmem:s26+$0x10];
	v37 =	vmin.u32 v25, $0xFFFF  }
0x266: {  	v38 =	vsub.s32 v35, v4;
	v39 =	vsub.s32 v28, v4;
	v30 =	vor.u32 v34, v30;
	v34 =	vld [tilespmem:s26+$0xFFFFFFE0]  }
0x267: {  	v25 =	vand.u32 $0xFFFFFF80, v38;
	v40 =	vsub.s32 v27, v4;
	v41 =	vand.u32 $0xFFFFFF80, v39;
	v42 =	vld [tilespmem:s26+$0xFFFFFFF0];
	[tilespmem:v33+s10+$0x0] =	vst.idx.msk vm3, v20  }
0x268: {  	v27 =	vand.u32 $0x7F, v27;
	v33 =	vand.u32 $0x7F, v35;
	v20 =	vand.u32 $0xFFFFFF80, v40;
	v35 =	vld [tilespmem:s26+$0x0];
	[tilespmem:v31+s10+$0x0] =	vst.idx.msk vm2, v17  }
0x269: {  	v33 =	vor.u32 v33, v25;
	v17 =	vand.u32 $0x7F, v28;
	v31 =	vor.u32 v27, v20;
	[tilespmem:v32+s10+$0x0] =	vst.idx.msk vm1, v18  }
0x26a: {  	v25 =	vor.u32 v17, v41;
	v41 =	vsub.s32 s0, v24;
	v18 =	vsub.s32 s12, v29;
	[tilespmem:v37+s10+$0x0] =	vst.idx.msk vm4, v36  }
.Ltmp23:
0x26b: {  	v28 =	vadd.s32 v16, v26;
	v27 =	vadd.s32 v16, v41;
	v26 =	vadd.s32 v16, v18;
	v30 =	vld.idx.msk [tilespmem:v30+s15+$0x0], $0xffff;
	(pc) =	sbr.rel @p0 .LBB2_39-.Ltmp23, $4  }
0x26c: {  	v24 =	vshll.u32 v40, $0x9;
	v32 =	vshll.u32 v38, $0x9;
	v36 =	vshll.u32 v39, $0x9;
	v20 =	vmovc v34;
	v17 =	vmovc v42  }
0x26d: {  	v34 =	vadd.s32 v21, v28;
	v37 =	vadd.s32 v22, v27;
	v38 =	vadd.s32 v23, v26;
	v18 =	vmovc v35  }
0x26e: {  	v21 =	vmovc v24;
	v22 =	vmovc v32;
	vm1 =	vgt.s32 v34, $0x0;
	vm2 =	vgt.s32 v37, $0x0;
	vm3 =	vgt.s32 v38, $0x0;
	v29 =	vld.idx.msk [tilespmem:v31+s15+$0x0], $0xffff  }
0x26f: {  	s29 =	sadd.s32 $0x40, s29;
	s25 =	sadd.s32 $0x40, s25;
	v23 =	vmovc v36;
	v32 =	vnsel vm3, $0x0, v38;
	v31 =	vnsel vm2, $0x0, v37;
	v24 =	vld.idx.msk [tilespmem:v33+s15+$0x0], $0xffff;
	v33 =	vnsel vm1, $0x0, v34  }
0x270: {  	_ =	sdelay $0x2  }
0x271: {  	s0 =	sadd.s32 $0x30, s25;
	v33 =	vmin.u32 v33, $0xFFFF  }
0x272: {  	v19 =	vshll.u32 v19, $0x9;
	v25 =	vld.idx.msk [tilespmem:v25+s15+$0x0], $0xffff;
	v31 =	vmin.u32 v31, $0xFFFF;
	v30 =	vsub.s32 s0, v30  }
0x273: {  	v32 =	vmin.u32 v32, $0xFFFF;
	vm3 =	vlt.s32 v28, $0x200;
	v30 =	vadd.s32 v16, v30  }
0x274: {  	vm1 =	vlt.s32 v27, $0x200;
	vm2 =	vlt.s32 v26, $0x200;
	v19 =	vadd.s32 v19, v30  }
0x275: {  	s30 =	sadd.s32 $0x10, s25;
	v60 =	vsub.s32 s25, v29;
	vm13 =	vlt.s32 v30, $0x200;
	vm4 =	vgt.s32 v19, $0x0  }
0x276: {  	s3 =	sadd.s32 $0x20, s25;
	v24 =	vsub.s32 s30, v24;
	v26 =	vadd.s32 v16, v60;
	v19 =	vnsel vm4, $0x0, v19  }
0x277: {  	v25 =	vsub.s32 s3, v25;
	v24 =	vadd.s32 v16, v24;
	v21 =	vadd.s32 v21, v26  }
0x278: {  	vm14 =	vlt.s32 v26, $0x200;
	v19 =	vmin.u32 v19, $0xFFFF;
	v16 =	vadd.s32 v16, v25  }
0x279: {  	s31 =	sadd.s32 $0x40, s26;
	v22 =	vadd.s32 v22, v24;
	vm5 =	vgt.s32 v21, $0x0;
	vm15 =	vlt.s32 v24, $0x200  }
0x27a: {  	v61 =	vld [tilespmem:s31+$0x10];
	v23 =	vadd.s32 v23, v16;
	vm6 =	vgt.s32 v22, $0x0;
	v21 =	vnsel vm5, $0x0, v21  }
0x27b: {  	v62 =	vld [tilespmem:s31+$0xFFFFFFE0];
	vm7 =	vgt.s32 v23, $0x0;
	v22 =	vnsel vm6, $0x0, v22;
	v21 =	vmin.u32 v21, $0xFFFF  }
0x27c: {  	v63 =	vld [tilespmem:s31+$0xFFFFFFF0];
	[tilespmem:v33+s10+$0x0] =	vst.idx.msk vm3, v20;
	vm3 =	vlt.s32 v16, $0x200;
	v23 =	vnsel vm7, $0x0, v23;
	v22 =	vmin.u32 v22, $0xFFFF  }
0x27d: {  	[tilespmem:v31+s10+$0x0] =	vst.idx.msk vm1, v17;
	v16 =	vld [tilespmem:s31+$0x0];
	v17 =	vmin.u32 v23, $0xFFFF  }
.Ltmp24:
0x27e: {  	[tilespmem:v32+s10+$0x0] =	vst.idx.msk vm2, v18;
	(pc) =	sbr.rel .LBB2_41-.Ltmp24, $4  }
0x27f: {  	[tilespmem:v19+s10+$0x0] =	vst.idx.msk vm13, v61  }
0x280: {  	[tilespmem:v21+s10+$0x0] =	vst.idx.msk vm14, v62  }
0x281: {  	[tilespmem:v22+s10+$0x0] =	vst.idx.msk vm15, v63  }
0x282: {  	[tilespmem:v17+s10+$0x0] =	vst.idx.msk vm3, v16  }
.LBB2_43:
0x283: {  	_ =	sfence.sel $0x180000  }
0x284: {  	[bflag:$0x0] =	sbarrier.arrive $0xFFFF  }
0x285: {  	_ =	strace $0x9000004A  }
0x286: {  	s0 =	stileid.u32;
	[bflag:$0x2] =	sbarrier.arrive $0xFFFF  }
0x287: {  	p0 =	sne.s32 s0, $0x0;
	s0 =	rddreg [dreg:$0x4]  }
0x288: {  	s0 =	sadd.s32 @!p0 $0x100000, s0  }
0x289: {  	[sflag:s0] =	ssyncadd.tile.s32 @!p0 $0x1;
	_ =	shalt  }
.Lfunc_end2:
_tile_overlayer_lowered:
.L_overlay_start_2:
0x28a: {  	(tag) =	ssettag $0x2  }
0x28b: {  	s0 =	rddreg [dreg:$0x0];
	s2 =	stileid.u32  }
0x28c: {  	s1 =	rddreg [dreg:$0x1];
	p0 =	sne.s32 s2, $0x0  }
0x28d: {  	s3 =	rddreg [dreg:$0x2];
	[bflag:$0x3] =	sbarrier.arrive $0xFFFF;
	s2 =	simm.s32 @!p0 $0x1C04  }
0x28e: {  	[timem:s3], [sflag:s2] =	dma.local @!p0 [hbm:s0], s1  }
0x28f: {  	s0 =	simm.s32 @!p0 $0x4  }
0x290: {  	_ =	swait.ge @!p0 [sflag:s0], s1  }
0x291: {  	s1 =	ssub.s32 @!p0 $0x0, s1;
	[sflag:s0] =	ssyncset.done @!p0 $0x0  }
0x292: {  	[sflag:s0] =	ssyncadd.s32 @!p0 s1  }
0x293: {  	[bflag:$0x3] =	sbarrier.arrive $0xFFFF  }
0x294: {  	_ =	shalt  }

</sc_bundles>
